<compile_context>
chip_gen: v7x
topology: tpu7x:2x2x1
jax: 0.10.2.dev20260603
libtpu: 0.0.44.dev20260713+nightly
codegen_flags: <defaults>
</compile_context>

<pallas_src>
import functools

import jax
import jax.numpy as jnp
from jax import lax
from jax.experimental import pallas as pl
from jax.experimental.pallas import tpu as pltpu
from jax.experimental.pallas import tpu_sc as plsc

DIM = 64
NC = 2
NS = 16
NW = NC * NS
LANES = 16
CHUNK = 128
NBUF = 2


def _rsqrt_newton(x):
    xi = lax.bitcast_convert_type(x, jnp.int32)
    yi = jnp.int32(0x5F3759DF) - (xi >> 1)
    y = lax.bitcast_convert_type(yi, jnp.float32)
    for _ in range(3):
        y = y * (1.5 - 0.5 * x * y * y)
    return y


@functools.partial(jax.jit, static_argnames=("total",))
def _transh_sc(h_idx, r_idx, t_idx, entity_emb, relation_emb, total):
    S = total // NW
    n_chunks = S // CHUNK

    mesh = plsc.VectorSubcoreMesh(core_axis_name="c", subcore_axis_name="s")

    @functools.partial(
        pl.kernel,
        mesh=mesh,
        out_type=jax.ShapeDtypeStruct((total,), jnp.float32),
        compiler_params=pltpu.CompilerParams(
            needs_layout_passes=False,
            use_tc_tiling_on_sc=False,
            disable_bounds_checks=True,
        ),
        scratch_types=[
            pltpu.VMEM((S,), jnp.int32),
            pltpu.VMEM((S,), jnp.int32),
            pltpu.VMEM((S,), jnp.int32),
            pltpu.VMEM((NBUF, CHUNK, DIM), jnp.float32),
            pltpu.VMEM((NBUF, CHUNK, DIM), jnp.float32),
            pltpu.VMEM((NBUF, CHUNK, 2 * DIM), jnp.float32),
            pltpu.VMEM((CHUNK * LANES // 8,), jnp.float32),
            pltpu.VMEM((S,), jnp.float32),
            pltpu.SemaphoreType.DMA,
            pltpu.SemaphoreType.DMA,
            pltpu.SemaphoreType.DMA,
            pltpu.SemaphoreType.DMA,
            pltpu.SemaphoreType.DMA,
            pltpu.SemaphoreType.DMA,
        ],
    )
    def k(h_hbm, r_hbm, t_hbm, ent_hbm, rel_hbm, out_hbm,
          hidx, ridx, tidx, hbuf, tbuf, rbuf, trbuf, outv, *sems):
        wid = lax.axis_index("s") * NC + lax.axis_index("c")
        base = pl.multiple_of(wid * S, CHUNK)
        pltpu.sync_copy(h_hbm.at[pl.ds(base, S)], hidx)
        pltpu.sync_copy(r_hbm.at[pl.ds(base, S)], ridx)
        pltpu.sync_copy(t_hbm.at[pl.ds(base, S)], tidx)

        def start(ck):
            bf = ck % NBUF
            cbase = ck * CHUNK
            return (
                pltpu.async_copy(ent_hbm.at[hidx.at[pl.ds(cbase, CHUNK)]],
                                 hbuf.at[bf], sems[3 * bf]),
                pltpu.async_copy(ent_hbm.at[tidx.at[pl.ds(cbase, CHUNK)]],
                                 tbuf.at[bf], sems[3 * bf + 1]),
                pltpu.async_copy(rel_hbm.at[ridx.at[pl.ds(cbase, CHUNK)]],
                                 rbuf.at[bf], sems[3 * bf + 2]),
            )

        lane16 = lax.iota(jnp.int32, LANES) * LANES
        inflight = start(0)

        for ck in range(n_chunks):
            bf = ck % NBUF
            for cp in inflight:
                cp.wait()
            if ck + 1 < n_chunks:
                inflight = start(ck + 1)
            hb, tb, rb = hbuf.at[bf], tbuf.at[bf], rbuf.at[bf]

            def group_body(g, _, hb=hb, tb=tb, rb=rb, cbase=ck * CHUNK):
                gbase = g * LANES

                def sample_body(i, _):
                    s = gbase + i
                    acc = None
                    for c in range(DIM // LANES):
                        lo = c * LANES
                        hv = hb[s, pl.ds(lo, LANES)]
                        tv = tb[s, pl.ds(lo, LANES)]
                        r0 = rb[s, pl.ds(lo, LANES)]
                        r1 = rb[s, pl.ds(DIM + lo, LANES)]
                        d = hv - tv + r0 + r1
                        sq = d * d
                        acc = sq if acc is None else acc + sq
                    trbuf[pl.ds(i * LANES, LANES)] = acc
                    return 0

                lax.fori_loop(0, LANES, sample_body, 0)

                acc = None
                for l in range(LANES):
                    v = plsc.load_gather(trbuf, [lane16 + l])
                    acc = v if acc is None else acc + v
                dist = acc * _rsqrt_newton(acc)
                dist = jnp.where(acc > 0.0, dist, 0.0)
                outv[pl.ds(cbase + gbase, LANES)] = dist
                return 0

            lax.fori_loop(0, CHUNK // LANES, group_body, 0)

        pltpu.sync_copy(outv, out_hbm.at[pl.ds(base, S)])

    return k(h_idx, r_idx, t_idx, entity_emb, relation_emb)


def kernel(positive_sample, negative_sample, entity_emb, relation_emb):
    b = positive_sample.shape[1]
    h_idx = jnp.concatenate([positive_sample[0], negative_sample[0]])
    r_idx = jnp.concatenate([positive_sample[1], negative_sample[1]])
    t_idx = jnp.concatenate([positive_sample[2], negative_sample[2]])
    dist = _transh_sc(h_idx, r_idx, t_idx, entity_emb, relation_emb, 2 * b)
    return (dist[:b], dist[b:])

# --- scband reference (transcript-rebuilt; emitter-appended) ---
"""Pipeline reference for scband-trans-h-1254130451192 (READ-ONLY COPY).

The authoritative reference and input builder live on the scoring server;
editing this copy changes nothing except your own understanding.
"""

import jax, jax.numpy as jnp
import numpy as np

NUM_ENTITIES = 1000000
NUM_RELATIONS = 1000000
DIM = 64
B = 16384


def setup_inputs(seed: int = 0) -> dict:
    key = jax.random.key(seed)
    k1, k2, k3, k4 = jax.random.split(key, 4)
    positive_sample = jax.random.randint(k1, (3, B), 0, NUM_ENTITIES, dtype=jnp.int32)
    negative_sample = jax.random.randint(k2, (3, B), 0, NUM_ENTITIES, dtype=jnp.int32)
    # xavier_uniform-style init for the learned tables
    ent_bound = float(np.sqrt(6.0 / (NUM_ENTITIES + DIM)))
    rel_bound = float(np.sqrt(6.0 / (NUM_RELATIONS + 2 * DIM)))
    entity_emb = jax.random.uniform(k3, (NUM_ENTITIES, DIM), dtype=jnp.float32, minval=-ent_bound, maxval=ent_bound)
    relation_emb = jax.random.uniform(k4, (NUM_RELATIONS, 2 * DIM), dtype=jnp.float32, minval=-rel_bound, maxval=rel_bound)
    return {
        "positive_sample": positive_sample,
        "negative_sample": negative_sample,
        "entity_emb": entity_emb,
        "relation_emb": relation_emb,
    }


def reference(positive_sample, negative_sample, entity_emb, relation_emb):
    pos_h, pos_r, pos_t = positive_sample[0], positive_sample[1], positive_sample[2]
    neg_h, neg_r, neg_t = negative_sample[0], negative_sample[1], negative_sample[2]

    pos_h_emb = jnp.take(entity_emb, pos_h, axis=0)
    pos_r_emb = jnp.take(relation_emb, pos_r, axis=0).reshape(-1, 2, DIM)
    pos_t_emb = jnp.take(entity_emb, pos_t, axis=0)

    neg_h_emb = jnp.take(entity_emb, neg_h, axis=0)
    neg_r_emb = jnp.take(relation_emb, neg_r, axis=0).reshape(-1, 2, DIM)
    neg_t_emb = jnp.take(entity_emb, neg_t, axis=0)

    pos_h_proj = pos_h_emb + pos_r_emb[:, 0, :]
    pos_t_proj = pos_t_emb - pos_r_emb[:, 1, :]
    neg_h_proj = neg_h_emb + neg_r_emb[:, 0, :]
    neg_t_proj = neg_t_emb - neg_r_emb[:, 1, :]

    pos_dist = jnp.sqrt(jnp.sum((pos_h_proj - pos_t_proj) ** 2, axis=1))
    neg_dist = jnp.sqrt(jnp.sum((neg_h_proj - neg_t_proj) ** 2, axis=1))
    return (pos_dist, neg_dist)

if __name__ == "__main__":
    import jax
    _d = setup_inputs()
    print(jax.jit(kernel)(*tuple(_d.values())))

</pallas_src>

<mosaic_0001>
#map = affine_map<(d0, d1) -> (0)>
#map1 = affine_map<(d0, d1) -> (0, 0)>
module attributes {stable_mosaic.version = 14 : i64} {
  func.func @k(%arg0: i32, %arg1: i32, %arg2: memref<32768xi32, #tpu.memory_space<hbm>>, %arg3: memref<32768xi32, #tpu.memory_space<hbm>>, %arg4: memref<32768xi32, #tpu.memory_space<hbm>>, %arg5: memref<1000000x64xf32, #tpu.memory_space<hbm>>, %arg6: memref<1000000x128xf32, #tpu.memory_space<hbm>>, %arg7: memref<32768xf32, #tpu.memory_space<hbm>>, %arg8: memref<1024xi32, #tpu.memory_space<vmem>>, %arg9: memref<1024xi32, #tpu.memory_space<vmem>>, %arg10: memref<1024xi32, #tpu.memory_space<vmem>>, %arg11: memref<2x128x64xf32, #tpu.memory_space<vmem>>, %arg12: memref<2x128x64xf32, #tpu.memory_space<vmem>>, %arg13: memref<2x128x128xf32, #tpu.memory_space<vmem>>, %arg14: memref<256xf32, #tpu.memory_space<vmem>>, %arg15: memref<1024xf32, #tpu.memory_space<vmem>>, %arg16: memref<!tpu.dma_semaphore, #tpu.memory_space<semaphore_mem>>, %arg17: memref<!tpu.dma_semaphore, #tpu.memory_space<semaphore_mem>>, %arg18: memref<!tpu.dma_semaphore, #tpu.memory_space<semaphore_mem>>, %arg19: memref<!tpu.dma_semaphore, #tpu.memory_space<semaphore_mem>>, %arg20: memref<!tpu.dma_semaphore, #tpu.memory_space<semaphore_mem>>, %arg21: memref<!tpu.dma_semaphore, #tpu.memory_space<semaphore_mem>>) attributes {dimension_semantics = [#tpu.dimension_semantics<core_parallel>, #tpu.dimension_semantics<subcore_parallel>], iteration_bounds = array<i64: 2, 16>, scalar_prefetch = 0 : i64, scratch_operands = 14 : i64, tpu.core_type = #tpu.core_type<sc_vector_subcore>, window_params = [{transform_indices = #map}, {transform_indices = #map}, {transform_indices = #map}, {transform_indices = #map1}, {transform_indices = #map1}, {transform_indices = #map}]} {
    %mul3A = arith.constant 2 : i32
    %mul3A_0 = arith.muli %arg1, %mul3A : i32
    %add3A = arith.addi %mul3A_0, %arg0 : i32
    %mul3A_1 = arith.constant 1024 : i32
    %mul3A_2 = arith.muli %add3A, %mul3A_1 : i32
    %multiple_of3A = tpu.assume_multiple %mul3A_2, 128 : i32
    "tpu.region"() ({
      %run_scoped3A = tpu.sem_alloc : memref<!tpu.dma_semaphore, #tpu.memory_space<semaphore_mem>>
      %dma_start3A_563 = tpu.memref_slice %arg2[%multiple_of3A] : memref<32768xi32, #tpu.memory_space<hbm>> -> memref<1024xi32, #tpu.memory_space<hbm>>
      %dma_start3A_564 = tpu.memref_slice %arg2[%multiple_of3A] : memref<32768xi32, #tpu.memory_space<hbm>> -> memref<1024xi32, #tpu.memory_space<hbm>>
      tpu.enqueue_dma source(%dma_start3A_564 : memref<1024xi32, #tpu.memory_space<hbm>>) target(%arg8 : memref<1024xi32, #tpu.memory_space<vmem>>) target_semaphore(%run_scoped3A : memref<!tpu.dma_semaphore, #tpu.memory_space<semaphore_mem>>)
      %dma_wait3A_565 = tpu.memref_slice %arg2[%multiple_of3A] : memref<32768xi32, #tpu.memory_space<hbm>> -> memref<1024xi32, #tpu.memory_space<hbm>>
      %dma_wait3A_566 = tpu.memref_slice %arg2[%multiple_of3A] : memref<32768xi32, #tpu.memory_space<hbm>> -> memref<1024xi32, #tpu.memory_space<hbm>>
      tpu.wait_dma2 semaphore(%run_scoped3A : memref<!tpu.dma_semaphore, #tpu.memory_space<semaphore_mem>>) src(%dma_wait3A_566 : memref<1024xi32, #tpu.memory_space<hbm>>) dst(%arg8 : memref<1024xi32, #tpu.memory_space<vmem>>)
      tpu.yield
    }) : () -> ()
    "tpu.region"() ({
      %run_scoped3A = tpu.sem_alloc : memref<!tpu.dma_semaphore, #tpu.memory_space<semaphore_mem>>
      %dma_start3A_563 = tpu.memref_slice %arg3[%multiple_of3A] : memref<32768xi32, #tpu.memory_space<hbm>> -> memref<1024xi32, #tpu.memory_space<hbm>>
      %dma_start3A_564 = tpu.memref_slice %arg3[%multiple_of3A] : memref<32768xi32, #tpu.memory_space<hbm>> -> memref<1024xi32, #tpu.memory_space<hbm>>
      tpu.enqueue_dma source(%dma_start3A_564 : memref<1024xi32, #tpu.memory_space<hbm>>) target(%arg9 : memref<1024xi32, #tpu.memory_space<vmem>>) target_semaphore(%run_scoped3A : memref<!tpu.dma_semaphore, #tpu.memory_space<semaphore_mem>>)
      %dma_wait3A_565 = tpu.memref_slice %arg3[%multiple_of3A] : memref<32768xi32, #tpu.memory_space<hbm>> -> memref<1024xi32, #tpu.memory_space<hbm>>
      %dma_wait3A_566 = tpu.memref_slice %arg3[%multiple_of3A] : memref<32768xi32, #tpu.memory_space<hbm>> -> memref<1024xi32, #tpu.memory_space<hbm>>
      tpu.wait_dma2 semaphore(%run_scoped3A : memref<!tpu.dma_semaphore, #tpu.memory_space<semaphore_mem>>) src(%dma_wait3A_566 : memref<1024xi32, #tpu.memory_space<hbm>>) dst(%arg9 : memref<1024xi32, #tpu.memory_space<vmem>>)
      tpu.yield
    }) : () -> ()
    "tpu.region"() ({
      %run_scoped3A = tpu.sem_alloc : memref<!tpu.dma_semaphore, #tpu.memory_space<semaphore_mem>>
      %dma_start3A_563 = tpu.memref_slice %arg4[%multiple_of3A] : memref<32768xi32, #tpu.memory_space<hbm>> -> memref<1024xi32, #tpu.memory_space<hbm>>
      %dma_start3A_564 = tpu.memref_slice %arg4[%multiple_of3A] : memref<32768xi32, #tpu.memory_space<hbm>> -> memref<1024xi32, #tpu.memory_space<hbm>>
      tpu.enqueue_dma source(%dma_start3A_564 : memref<1024xi32, #tpu.memory_space<hbm>>) target(%arg10 : memref<1024xi32, #tpu.memory_space<vmem>>) target_semaphore(%run_scoped3A : memref<!tpu.dma_semaphore, #tpu.memory_space<semaphore_mem>>)
      %dma_wait3A_565 = tpu.memref_slice %arg4[%multiple_of3A] : memref<32768xi32, #tpu.memory_space<hbm>> -> memref<1024xi32, #tpu.memory_space<hbm>>
      %dma_wait3A_566 = tpu.memref_slice %arg4[%multiple_of3A] : memref<32768xi32, #tpu.memory_space<hbm>> -> memref<1024xi32, #tpu.memory_space<hbm>>
      tpu.wait_dma2 semaphore(%run_scoped3A : memref<!tpu.dma_semaphore, #tpu.memory_space<semaphore_mem>>) src(%dma_wait3A_566 : memref<1024xi32, #tpu.memory_space<hbm>>) dst(%arg10 : memref<1024xi32, #tpu.memory_space<vmem>>)
      tpu.yield
    }) : () -> ()
    %iota3A = tpu.iota {dimensions = array<i32: 0>} : vector<16xi32>
    %mul3A_3 = arith.constant 16 : i32
    %mul3A_4 = vector.broadcast %mul3A_3 : i32 to vector<16xi32>
    %mul3A_5 = arith.muli %iota3A, %mul3A_4 : vector<16xi32>
    %dma_start3A = arith.constant 0 : i32
    %dma_start3A_6 = arith.constant 0 : i32
    %dma_start3A_7 = arith.constant 0 : i32
    %dma_start3A_8 = tpu.memref_slice %arg11[%dma_start3A, %dma_start3A_6, %dma_start3A_7] : memref<2x128x64xf32, #tpu.memory_space<vmem>> -> memref<1x128x64xf32, #tpu.memory_space<vmem>>
    %dma_start3A_9 = tpu.memref_squeeze %dma_start3A_8 : memref<1x128x64xf32, #tpu.memory_space<vmem>> -> memref<128x64xf32, #tpu.memory_space<vmem>>
    %dma_start3A_10 = arith.constant 0 : i32
    %dma_start3A_11 = tpu.memref_slice %arg8[%dma_start3A_10] : memref<1024xi32, #tpu.memory_space<vmem>> -> memref<128xi32, #tpu.memory_space<vmem>>
    %dma_start3A_12 = arith.constant 0 : i32
    %dma_start3A_13 = arith.constant 0 : i32
    %dma_start3A_14 = tpu.memref_slice %arg5[%dma_start3A_12, %dma_start3A_13] : memref<1000000x64xf32, #tpu.memory_space<hbm>> -> memref<1000000x64xf32, #tpu.memory_space<hbm>>
    tpu.enqueue_indirect_dma source(%dma_start3A_14 : memref<1000000x64xf32, #tpu.memory_space<hbm>>) target(%dma_start3A_9 : memref<128x64xf32, #tpu.memory_space<vmem>>) offsets(%dma_start3A_11 : memref<128xi32, #tpu.memory_space<vmem>>) semaphore(%arg16 : memref<!tpu.dma_semaphore, #tpu.memory_space<semaphore_mem>>)
    %dma_start3A_15 = arith.constant 0 : i32
    %dma_start3A_16 = arith.constant 0 : i32
    %dma_start3A_17 = arith.constant 0 : i32
    %dma_start3A_18 = tpu.memref_slice %arg12[%dma_start3A_15, %dma_start3A_16, %dma_start3A_17] : memref<2x128x64xf32, #tpu.memory_space<vmem>> -> memref<1x128x64xf32, #tpu.memory_space<vmem>>
    %dma_start3A_19 = tpu.memref_squeeze %dma_start3A_18 : memref<1x128x64xf32, #tpu.memory_space<vmem>> -> memref<128x64xf32, #tpu.memory_space<vmem>>
    %dma_start3A_20 = arith.constant 0 : i32
    %dma_start3A_21 = tpu.memref_slice %arg10[%dma_start3A_20] : memref<1024xi32, #tpu.memory_space<vmem>> -> memref<128xi32, #tpu.memory_space<vmem>>
    %dma_start3A_22 = arith.constant 0 : i32
    %dma_start3A_23 = arith.constant 0 : i32
    %dma_start3A_24 = tpu.memref_slice %arg5[%dma_start3A_22, %dma_start3A_23] : memref<1000000x64xf32, #tpu.memory_space<hbm>> -> memref<1000000x64xf32, #tpu.memory_space<hbm>>
    tpu.enqueue_indirect_dma source(%dma_start3A_24 : memref<1000000x64xf32, #tpu.memory_space<hbm>>) target(%dma_start3A_19 : memref<128x64xf32, #tpu.memory_space<vmem>>) offsets(%dma_start3A_21 : memref<128xi32, #tpu.memory_space<vmem>>) semaphore(%arg17 : memref<!tpu.dma_semaphore, #tpu.memory_space<semaphore_mem>>)
    %dma_start3A_25 = arith.constant 0 : i32
    %dma_start3A_26 = arith.constant 0 : i32
    %dma_start3A_27 = arith.constant 0 : i32
    %dma_start3A_28 = tpu.memref_slice %arg13[%dma_start3A_25, %dma_start3A_26, %dma_start3A_27] : memref<2x128x128xf32, #tpu.memory_space<vmem>> -> memref<1x128x128xf32, #tpu.memory_space<vmem>>
    %dma_start3A_29 = tpu.memref_squeeze %dma_start3A_28 : memref<1x128x128xf32, #tpu.memory_space<vmem>> -> memref<128x128xf32, #tpu.memory_space<vmem>>
    %dma_start3A_30 = arith.constant 0 : i32
    %dma_start3A_31 = tpu.memref_slice %arg9[%dma_start3A_30] : memref<1024xi32, #tpu.memory_space<vmem>> -> memref<128xi32, #tpu.memory_space<vmem>>
    %dma_start3A_32 = arith.constant 0 : i32
    %dma_start3A_33 = arith.constant 0 : i32
    %dma_start3A_34 = tpu.memref_slice %arg6[%dma_start3A_32, %dma_start3A_33] : memref<1000000x128xf32, #tpu.memory_space<hbm>> -> memref<1000000x128xf32, #tpu.memory_space<hbm>>
    tpu.enqueue_indirect_dma source(%dma_start3A_34 : memref<1000000x128xf32, #tpu.memory_space<hbm>>) target(%dma_start3A_29 : memref<128x128xf32, #tpu.memory_space<vmem>>) offsets(%dma_start3A_31 : memref<128xi32, #tpu.memory_space<vmem>>) semaphore(%arg18 : memref<!tpu.dma_semaphore, #tpu.memory_space<semaphore_mem>>)
    %dma_wait3A = arith.constant 0 : i32
    %dma_wait3A_35 = arith.constant 0 : i32
    %dma_wait3A_36 = arith.constant 0 : i32
    %dma_wait3A_37 = tpu.memref_slice %arg11[%dma_wait3A, %dma_wait3A_35, %dma_wait3A_36] : memref<2x128x64xf32, #tpu.memory_space<vmem>> -> memref<1x128x64xf32, #tpu.memory_space<vmem>>
    %dma_wait3A_38 = tpu.memref_squeeze %dma_wait3A_37 : memref<1x128x64xf32, #tpu.memory_space<vmem>> -> memref<128x64xf32, #tpu.memory_space<vmem>>
    %dma_wait3A_39 = arith.constant 0 : i32
    %dma_wait3A_40 = tpu.memref_slice %arg8[%dma_wait3A_39] : memref<1024xi32, #tpu.memory_space<vmem>> -> memref<128xi32, #tpu.memory_space<vmem>>
    %dma_wait3A_41 = arith.constant 0 : i32
    %dma_wait3A_42 = arith.constant 0 : i32
    %dma_wait3A_43 = tpu.memref_slice %arg5[%dma_wait3A_41, %dma_wait3A_42] : memref<1000000x64xf32, #tpu.memory_space<hbm>> -> memref<1000000x64xf32, #tpu.memory_space<hbm>>
    tpu.wait_indirect_dma semaphore(%arg16 : memref<!tpu.dma_semaphore, #tpu.memory_space<semaphore_mem>>) src(%dma_wait3A_43 : memref<1000000x64xf32, #tpu.memory_space<hbm>>) dst(%dma_wait3A_38 : memref<128x64xf32, #tpu.memory_space<vmem>>)
    %dma_wait3A_44 = arith.constant 0 : i32
    %dma_wait3A_45 = arith.constant 0 : i32
    %dma_wait3A_46 = arith.constant 0 : i32
    %dma_wait3A_47 = tpu.memref_slice %arg12[%dma_wait3A_44, %dma_wait3A_45, %dma_wait3A_46] : memref<2x128x64xf32, #tpu.memory_space<vmem>> -> memref<1x128x64xf32, #tpu.memory_space<vmem>>
    %dma_wait3A_48 = tpu.memref_squeeze %dma_wait3A_47 : memref<1x128x64xf32, #tpu.memory_space<vmem>> -> memref<128x64xf32, #tpu.memory_space<vmem>>
    %dma_wait3A_49 = arith.constant 0 : i32
    %dma_wait3A_50 = tpu.memref_slice %arg10[%dma_wait3A_49] : memref<1024xi32, #tpu.memory_space<vmem>> -> memref<128xi32, #tpu.memory_space<vmem>>
    %dma_wait3A_51 = arith.constant 0 : i32
    %dma_wait3A_52 = arith.constant 0 : i32
    %dma_wait3A_53 = tpu.memref_slice %arg5[%dma_wait3A_51, %dma_wait3A_52] : memref<1000000x64xf32, #tpu.memory_space<hbm>> -> memref<1000000x64xf32, #tpu.memory_space<hbm>>
    tpu.wait_indirect_dma semaphore(%arg17 : memref<!tpu.dma_semaphore, #tpu.memory_space<semaphore_mem>>) src(%dma_wait3A_53 : memref<1000000x64xf32, #tpu.memory_space<hbm>>) dst(%dma_wait3A_48 : memref<128x64xf32, #tpu.memory_space<vmem>>)
    %dma_wait3A_54 = arith.constant 0 : i32
    %dma_wait3A_55 = arith.constant 0 : i32
    %dma_wait3A_56 = arith.constant 0 : i32
    %dma_wait3A_57 = tpu.memref_slice %arg13[%dma_wait3A_54, %dma_wait3A_55, %dma_wait3A_56] : memref<2x128x128xf32, #tpu.memory_space<vmem>> -> memref<1x128x128xf32, #tpu.memory_space<vmem>>
    %dma_wait3A_58 = tpu.memref_squeeze %dma_wait3A_57 : memref<1x128x128xf32, #tpu.memory_space<vmem>> -> memref<128x128xf32, #tpu.memory_space<vmem>>
    %dma_wait3A_59 = arith.constant 0 : i32
    %dma_wait3A_60 = tpu.memref_slice %arg9[%dma_wait3A_59] : memref<1024xi32, #tpu.memory_space<vmem>> -> memref<128xi32, #tpu.memory_space<vmem>>
    %dma_wait3A_61 = arith.constant 0 : i32
    %dma_wait3A_62 = arith.constant 0 : i32
    %dma_wait3A_63 = tpu.memref_slice %arg6[%dma_wait3A_61, %dma_wait3A_62] : memref<1000000x128xf32, #tpu.memory_space<hbm>> -> memref<1000000x128xf32, #tpu.memory_space<hbm>>
    tpu.wait_indirect_dma semaphore(%arg18 : memref<!tpu.dma_semaphore, #tpu.memory_space<semaphore_mem>>) src(%dma_wait3A_63 : memref<1000000x128xf32, #tpu.memory_space<hbm>>) dst(%dma_wait3A_58 : memref<128x128xf32, #tpu.memory_space<vmem>>)
    %dma_start3A_64 = arith.constant 1 : i32
    %dma_start3A_65 = arith.constant 0 : i32
    %dma_start3A_66 = arith.constant 0 : i32
    %dma_start3A_67 = tpu.memref_slice %arg11[%dma_start3A_64, %dma_start3A_65, %dma_start3A_66] : memref<2x128x64xf32, #tpu.memory_space<vmem>> -> memref<1x128x64xf32, #tpu.memory_space<vmem>>
    %dma_start3A_68 = tpu.memref_squeeze %dma_start3A_67 : memref<1x128x64xf32, #tpu.memory_space<vmem>> -> memref<128x64xf32, #tpu.memory_space<vmem>>
    %dma_start3A_69 = arith.constant 128 : i32
    %dma_start3A_70 = tpu.memref_slice %arg8[%dma_start3A_69] : memref<1024xi32, #tpu.memory_space<vmem>> -> memref<128xi32, #tpu.memory_space<vmem>>
    %dma_start3A_71 = arith.constant 0 : i32
    %dma_start3A_72 = arith.constant 0 : i32
    %dma_start3A_73 = tpu.memref_slice %arg5[%dma_start3A_71, %dma_start3A_72] : memref<1000000x64xf32, #tpu.memory_space<hbm>> -> memref<1000000x64xf32, #tpu.memory_space<hbm>>
    tpu.enqueue_indirect_dma source(%dma_start3A_73 : memref<1000000x64xf32, #tpu.memory_space<hbm>>) target(%dma_start3A_68 : memref<128x64xf32, #tpu.memory_space<vmem>>) offsets(%dma_start3A_70 : memref<128xi32, #tpu.memory_space<vmem>>) semaphore(%arg19 : memref<!tpu.dma_semaphore, #tpu.memory_space<semaphore_mem>>)
    %dma_start3A_74 = arith.constant 1 : i32
    %dma_start3A_75 = arith.constant 0 : i32
    %dma_start3A_76 = arith.constant 0 : i32
    %dma_start3A_77 = tpu.memref_slice %arg12[%dma_start3A_74, %dma_start3A_75, %dma_start3A_76] : memref<2x128x64xf32, #tpu.memory_space<vmem>> -> memref<1x128x64xf32, #tpu.memory_space<vmem>>
    %dma_start3A_78 = tpu.memref_squeeze %dma_start3A_77 : memref<1x128x64xf32, #tpu.memory_space<vmem>> -> memref<128x64xf32, #tpu.memory_space<vmem>>
    %dma_start3A_79 = arith.constant 128 : i32
    %dma_start3A_80 = tpu.memref_slice %arg10[%dma_start3A_79] : memref<1024xi32, #tpu.memory_space<vmem>> -> memref<128xi32, #tpu.memory_space<vmem>>
    %dma_start3A_81 = arith.constant 0 : i32
    %dma_start3A_82 = arith.constant 0 : i32
    %dma_start3A_83 = tpu.memref_slice %arg5[%dma_start3A_81, %dma_start3A_82] : memref<1000000x64xf32, #tpu.memory_space<hbm>> -> memref<1000000x64xf32, #tpu.memory_space<hbm>>
    tpu.enqueue_indirect_dma source(%dma_start3A_83 : memref<1000000x64xf32, #tpu.memory_space<hbm>>) target(%dma_start3A_78 : memref<128x64xf32, #tpu.memory_space<vmem>>) offsets(%dma_start3A_80 : memref<128xi32, #tpu.memory_space<vmem>>) semaphore(%arg20 : memref<!tpu.dma_semaphore, #tpu.memory_space<semaphore_mem>>)
    %dma_start3A_84 = arith.constant 1 : i32
    %dma_start3A_85 = arith.constant 0 : i32
    %dma_start3A_86 = arith.constant 0 : i32
    %dma_start3A_87 = tpu.memref_slice %arg13[%dma_start3A_84, %dma_start3A_85, %dma_start3A_86] : memref<2x128x128xf32, #tpu.memory_space<vmem>> -> memref<1x128x128xf32, #tpu.memory_space<vmem>>
    %dma_start3A_88 = tpu.memref_squeeze %dma_start3A_87 : memref<1x128x128xf32, #tpu.memory_space<vmem>> -> memref<128x128xf32, #tpu.memory_space<vmem>>
    %dma_start3A_89 = arith.constant 128 : i32
    %dma_start3A_90 = tpu.memref_slice %arg9[%dma_start3A_89] : memref<1024xi32, #tpu.memory_space<vmem>> -> memref<128xi32, #tpu.memory_space<vmem>>
    %dma_start3A_91 = arith.constant 0 : i32
    %dma_start3A_92 = arith.constant 0 : i32
    %dma_start3A_93 = tpu.memref_slice %arg6[%dma_start3A_91, %dma_start3A_92] : memref<1000000x128xf32, #tpu.memory_space<hbm>> -> memref<1000000x128xf32, #tpu.memory_space<hbm>>
    tpu.enqueue_indirect_dma source(%dma_start3A_93 : memref<1000000x128xf32, #tpu.memory_space<hbm>>) target(%dma_start3A_88 : memref<128x128xf32, #tpu.memory_space<vmem>>) offsets(%dma_start3A_90 : memref<128xi32, #tpu.memory_space<vmem>>) semaphore(%arg21 : memref<!tpu.dma_semaphore, #tpu.memory_space<semaphore_mem>>)
    %scan3A = arith.constant 0 : i32
    %scan3A_94 = arith.constant 0 : i32
    %scan3A_95 = arith.constant 0 : i32
    %scan3A_96 = arith.constant 0 : i32
    %scan3A_97 = arith.constant 0 : i32
    %scan3A_98 = arith.constant 8 : i32
    %scan3A_99 = arith.addi %scan3A_97, %scan3A_98 : i32
    %scan3A_100 = arith.constant 1 : i32
    %scan3A_101 = scf.for %scan3A_563 = %scan3A_97 to %scan3A_99 step %scan3A_100 iter_args(%scan3A_564 = %scan3A_96) -> (i32)  : i32 {
      %mul3A_565 = arith.constant 16 : i32
      %mul3A_566 = arith.muli %scan3A_563, %mul3A_565 : i32
      %scan3A_567 = arith.constant 0 : i32
      %scan3A_568 = arith.constant 0 : i32
      %scan3A_569 = arith.constant 16 : i32
      %scan3A_570 = arith.addi %scan3A_568, %scan3A_569 : i32
      %scan3A_571 = arith.constant 1 : i32
      %scan3A_572 = scf.for %scan3A_691 = %scan3A_568 to %scan3A_570 step %scan3A_571 iter_args(%scan3A_692 = %scan3A_567) -> (i32)  : i32 {
        %add3A_693 = arith.addi %mul3A_566, %scan3A_691 : i32
        %get3A = arith.constant 0 : i32
        %get3A_694 = arith.constant 0 : i32
        %get3A_695 = tpu.memref_slice %arg11[%scan3A, %get3A, %get3A_694] : memref<2x128x64xf32, #tpu.memory_space<vmem>> -> memref<1x128x64xf32, #tpu.memory_space<vmem>>
        %get3A_696 = tpu.memref_squeeze %get3A_695 : memref<1x128x64xf32, #tpu.memory_space<vmem>> -> memref<128x64xf32, #tpu.memory_space<vmem>>
        %get3A_697 = arith.index_cast %add3A_693 : i32 to index
        %get3A_698 = arith.constant 0 : index
        %get3A_699 = tpu.vector_load %get3A_696[%get3A_697, %get3A_698] {strides = array<i32>} : memref<128x64xf32, #tpu.memory_space<vmem>>, vector<16xf32>,
        %get3A_700 = arith.constant 0 : i32
        %get3A_701 = arith.constant 0 : i32
        %get3A_702 = tpu.memref_slice %arg12[%scan3A_94, %get3A_700, %get3A_701] : memref<2x128x64xf32, #tpu.memory_space<vmem>> -> memref<1x128x64xf32, #tpu.memory_space<vmem>>
        %get3A_703 = tpu.memref_squeeze %get3A_702 : memref<1x128x64xf32, #tpu.memory_space<vmem>> -> memref<128x64xf32, #tpu.memory_space<vmem>>
        %get3A_704 = arith.index_cast %add3A_693 : i32 to index
        %get3A_705 = arith.constant 0 : index
        %get3A_706 = tpu.vector_load %get3A_703[%get3A_704, %get3A_705] {strides = array<i32>} : memref<128x64xf32, #tpu.memory_space<vmem>>, vector<16xf32>,
        %get3A_707 = arith.constant 0 : i32
        %get3A_708 = arith.constant 0 : i32
        %get3A_709 = tpu.memref_slice %arg13[%scan3A_95, %get3A_707, %get3A_708] : memref<2x128x128xf32, #tpu.memory_space<vmem>> -> memref<1x128x128xf32, #tpu.memory_space<vmem>>
        %get3A_710 = tpu.memref_squeeze %get3A_709 : memref<1x128x128xf32, #tpu.memory_space<vmem>> -> memref<128x128xf32, #tpu.memory_space<vmem>>
        %get3A_711 = arith.index_cast %add3A_693 : i32 to index
        %get3A_712 = arith.constant 0 : index
        %get3A_713 = tpu.vector_load %get3A_710[%get3A_711, %get3A_712] {strides = array<i32>} : memref<128x128xf32, #tpu.memory_space<vmem>>, vector<16xf32>,
        %get3A_714 = arith.constant 0 : i32
        %get3A_715 = arith.constant 0 : i32
        %get3A_716 = tpu.memref_slice %arg13[%scan3A_95, %get3A_714, %get3A_715] : memref<2x128x128xf32, #tpu.memory_space<vmem>> -> memref<1x128x128xf32, #tpu.memory_space<vmem>>
        %get3A_717 = tpu.memref_squeeze %get3A_716 : memref<1x128x128xf32, #tpu.memory_space<vmem>> -> memref<128x128xf32, #tpu.memory_space<vmem>>
        %get3A_718 = arith.index_cast %add3A_693 : i32 to index
        %get3A_719 = arith.constant 64 : index
        %get3A_720 = tpu.vector_load %get3A_717[%get3A_718, %get3A_719] {strides = array<i32>} : memref<128x128xf32, #tpu.memory_space<vmem>>, vector<16xf32>,
        %sub3A_721 = arith.subf %get3A_699, %get3A_706 : vector<16xf32>
        %add3A_722 = arith.addf %sub3A_721, %get3A_713 : vector<16xf32>
        %add3A_723 = arith.addf %add3A_722, %get3A_720 : vector<16xf32>
        %mul3A_724 = arith.mulf %add3A_723, %add3A_723 : vector<16xf32>
        %get3A_725 = arith.constant 0 : i32
        %get3A_726 = arith.constant 0 : i32
        %get3A_727 = tpu.memref_slice %arg11[%scan3A, %get3A_725, %get3A_726] : memref<2x128x64xf32, #tpu.memory_space<vmem>> -> memref<1x128x64xf32, #tpu.memory_space<vmem>>
        %get3A_728 = tpu.memref_squeeze %get3A_727 : memref<1x128x64xf32, #tpu.memory_space<vmem>> -> memref<128x64xf32, #tpu.memory_space<vmem>>
        %get3A_729 = arith.index_cast %add3A_693 : i32 to index
        %get3A_730 = arith.constant 16 : index
        %get3A_731 = tpu.vector_load %get3A_728[%get3A_729, %get3A_730] {strides = array<i32>} : memref<128x64xf32, #tpu.memory_space<vmem>>, vector<16xf32>,
        %get3A_732 = arith.constant 0 : i32
        %get3A_733 = arith.constant 0 : i32
        %get3A_734 = tpu.memref_slice %arg12[%scan3A_94, %get3A_732, %get3A_733] : memref<2x128x64xf32, #tpu.memory_space<vmem>> -> memref<1x128x64xf32, #tpu.memory_space<vmem>>
        %get3A_735 = tpu.memref_squeeze %get3A_734 : memref<1x128x64xf32, #tpu.memory_space<vmem>> -> memref<128x64xf32, #tpu.memory_space<vmem>>
        %get3A_736 = arith.index_cast %add3A_693 : i32 to index
        %get3A_737 = arith.constant 16 : index
        %get3A_738 = tpu.vector_load %get3A_735[%get3A_736, %get3A_737] {strides = array<i32>} : memref<128x64xf32, #tpu.memory_space<vmem>>, vector<16xf32>,
        %get3A_739 = arith.constant 0 : i32
        %get3A_740 = arith.constant 0 : i32
        %get3A_741 = tpu.memref_slice %arg13[%scan3A_95, %get3A_739, %get3A_740] : memref<2x128x128xf32, #tpu.memory_space<vmem>> -> memref<1x128x128xf32, #tpu.memory_space<vmem>>
        %get3A_742 = tpu.memref_squeeze %get3A_741 : memref<1x128x128xf32, #tpu.memory_space<vmem>> -> memref<128x128xf32, #tpu.memory_space<vmem>>
        %get3A_743 = arith.index_cast %add3A_693 : i32 to index
        %get3A_744 = arith.constant 16 : index
        %get3A_745 = tpu.vector_load %get3A_742[%get3A_743, %get3A_744] {strides = array<i32>} : memref<128x128xf32, #tpu.memory_space<vmem>>, vector<16xf32>,
        %get3A_746 = arith.constant 0 : i32
        %get3A_747 = arith.constant 0 : i32
        %get3A_748 = tpu.memref_slice %arg13[%scan3A_95, %get3A_746, %get3A_747] : memref<2x128x128xf32, #tpu.memory_space<vmem>> -> memref<1x128x128xf32, #tpu.memory_space<vmem>>
        %get3A_749 = tpu.memref_squeeze %get3A_748 : memref<1x128x128xf32, #tpu.memory_space<vmem>> -> memref<128x128xf32, #tpu.memory_space<vmem>>
        %get3A_750 = arith.index_cast %add3A_693 : i32 to index
        %get3A_751 = arith.constant 80 : index
        %get3A_752 = tpu.vector_load %get3A_749[%get3A_750, %get3A_751] {strides = array<i32>} : memref<128x128xf32, #tpu.memory_space<vmem>>, vector<16xf32>,
        %sub3A_753 = arith.subf %get3A_731, %get3A_738 : vector<16xf32>
        %add3A_754 = arith.addf %sub3A_753, %get3A_745 : vector<16xf32>
        %add3A_755 = arith.addf %add3A_754, %get3A_752 : vector<16xf32>
        %mul3A_756 = arith.mulf %add3A_755, %add3A_755 : vector<16xf32>
        %add3A_757 = arith.addf %mul3A_724, %mul3A_756 : vector<16xf32>
        %get3A_758 = arith.constant 0 : i32
        %get3A_759 = arith.constant 0 : i32
        %get3A_760 = tpu.memref_slice %arg11[%scan3A, %get3A_758, %get3A_759] : memref<2x128x64xf32, #tpu.memory_space<vmem>> -> memref<1x128x64xf32, #tpu.memory_space<vmem>>
        %get3A_761 = tpu.memref_squeeze %get3A_760 : memref<1x128x64xf32, #tpu.memory_space<vmem>> -> memref<128x64xf32, #tpu.memory_space<vmem>>
        %get3A_762 = arith.index_cast %add3A_693 : i32 to index
        %get3A_763 = arith.constant 32 : index
        %get3A_764 = tpu.vector_load %get3A_761[%get3A_762, %get3A_763] {strides = array<i32>} : memref<128x64xf32, #tpu.memory_space<vmem>>, vector<16xf32>,
        %get3A_765 = arith.constant 0 : i32
        %get3A_766 = arith.constant 0 : i32
        %get3A_767 = tpu.memref_slice %arg12[%scan3A_94, %get3A_765, %get3A_766] : memref<2x128x64xf32, #tpu.memory_space<vmem>> -> memref<1x128x64xf32, #tpu.memory_space<vmem>>
        %get3A_768 = tpu.memref_squeeze %get3A_767 : memref<1x128x64xf32, #tpu.memory_space<vmem>> -> memref<128x64xf32, #tpu.memory_space<vmem>>
        %get3A_769 = arith.index_cast %add3A_693 : i32 to index
        %get3A_770 = arith.constant 32 : index
        %get3A_771 = tpu.vector_load %get3A_768[%get3A_769, %get3A_770] {strides = array<i32>} : memref<128x64xf32, #tpu.memory_space<vmem>>, vector<16xf32>,
        %get3A_772 = arith.constant 0 : i32
        %get3A_773 = arith.constant 0 : i32
        %get3A_774 = tpu.memref_slice %arg13[%scan3A_95, %get3A_772, %get3A_773] : memref<2x128x128xf32, #tpu.memory_space<vmem>> -> memref<1x128x128xf32, #tpu.memory_space<vmem>>
        %get3A_775 = tpu.memref_squeeze %get3A_774 : memref<1x128x128xf32, #tpu.memory_space<vmem>> -> memref<128x128xf32, #tpu.memory_space<vmem>>
        %get3A_776 = arith.index_cast %add3A_693 : i32 to index
        %get3A_777 = arith.constant 32 : index
        %get3A_778 = tpu.vector_load %get3A_775[%get3A_776, %get3A_777] {strides = array<i32>} : memref<128x128xf32, #tpu.memory_space<vmem>>, vector<16xf32>,
        %get3A_779 = arith.constant 0 : i32
        %get3A_780 = arith.constant 0 : i32
        %get3A_781 = tpu.memref_slice %arg13[%scan3A_95, %get3A_779, %get3A_780] : memref<2x128x128xf32, #tpu.memory_space<vmem>> -> memref<1x128x128xf32, #tpu.memory_space<vmem>>
        %get3A_782 = tpu.memref_squeeze %get3A_781 : memref<1x128x128xf32, #tpu.memory_space<vmem>> -> memref<128x128xf32, #tpu.memory_space<vmem>>
        %get3A_783 = arith.index_cast %add3A_693 : i32 to index
        %get3A_784 = arith.constant 96 : index
        %get3A_785 = tpu.vector_load %get3A_782[%get3A_783, %get3A_784] {strides = array<i32>} : memref<128x128xf32, #tpu.memory_space<vmem>>, vector<16xf32>,
        %sub3A_786 = arith.subf %get3A_764, %get3A_771 : vector<16xf32>
        %add3A_787 = arith.addf %sub3A_786, %get3A_778 : vector<16xf32>
        %add3A_788 = arith.addf %add3A_787, %get3A_785 : vector<16xf32>
        %mul3A_789 = arith.mulf %add3A_788, %add3A_788 : vector<16xf32>
        %add3A_790 = arith.addf %add3A_757, %mul3A_789 : vector<16xf32>
        %get3A_791 = arith.constant 0 : i32
        %get3A_792 = arith.constant 0 : i32
        %get3A_793 = tpu.memref_slice %arg11[%scan3A, %get3A_791, %get3A_792] : memref<2x128x64xf32, #tpu.memory_space<vmem>> -> memref<1x128x64xf32, #tpu.memory_space<vmem>>
        %get3A_794 = tpu.memref_squeeze %get3A_793 : memref<1x128x64xf32, #tpu.memory_space<vmem>> -> memref<128x64xf32, #tpu.memory_space<vmem>>
        %get3A_795 = arith.index_cast %add3A_693 : i32 to index
        %get3A_796 = arith.constant 48 : index
        %get3A_797 = tpu.vector_load %get3A_794[%get3A_795, %get3A_796] {strides = array<i32>} : memref<128x64xf32, #tpu.memory_space<vmem>>, vector<16xf32>,
        %get3A_798 = arith.constant 0 : i32
        %get3A_799 = arith.constant 0 : i32
        %get3A_800 = tpu.memref_slice %arg12[%scan3A_94, %get3A_798, %get3A_799] : memref<2x128x64xf32, #tpu.memory_space<vmem>> -> memref<1x128x64xf32, #tpu.memory_space<vmem>>
        %get3A_801 = tpu.memref_squeeze %get3A_800 : memref<1x128x64xf32, #tpu.memory_space<vmem>> -> memref<128x64xf32, #tpu.memory_space<vmem>>
        %get3A_802 = arith.index_cast %add3A_693 : i32 to index
        %get3A_803 = arith.constant 48 : index
        %get3A_804 = tpu.vector_load %get3A_801[%get3A_802, %get3A_803] {strides = array<i32>} : memref<128x64xf32, #tpu.memory_space<vmem>>, vector<16xf32>,
        %get3A_805 = arith.constant 0 : i32
        %get3A_806 = arith.constant 0 : i32
        %get3A_807 = tpu.memref_slice %arg13[%scan3A_95, %get3A_805, %get3A_806] : memref<2x128x128xf32, #tpu.memory_space<vmem>> -> memref<1x128x128xf32, #tpu.memory_space<vmem>>
        %get3A_808 = tpu.memref_squeeze %get3A_807 : memref<1x128x128xf32, #tpu.memory_space<vmem>> -> memref<128x128xf32, #tpu.memory_space<vmem>>
        %get3A_809 = arith.index_cast %add3A_693 : i32 to index
        %get3A_810 = arith.constant 48 : index
        %get3A_811 = tpu.vector_load %get3A_808[%get3A_809, %get3A_810] {strides = array<i32>} : memref<128x128xf32, #tpu.memory_space<vmem>>, vector<16xf32>,
        %get3A_812 = arith.constant 0 : i32
        %get3A_813 = arith.constant 0 : i32
        %get3A_814 = tpu.memref_slice %arg13[%scan3A_95, %get3A_812, %get3A_813] : memref<2x128x128xf32, #tpu.memory_space<vmem>> -> memref<1x128x128xf32, #tpu.memory_space<vmem>>
        %get3A_815 = tpu.memref_squeeze %get3A_814 : memref<1x128x128xf32, #tpu.memory_space<vmem>> -> memref<128x128xf32, #tpu.memory_space<vmem>>
        %get3A_816 = arith.index_cast %add3A_693 : i32 to index
        %get3A_817 = arith.constant 112 : index
        %get3A_818 = tpu.vector_load %get3A_815[%get3A_816, %get3A_817] {strides = array<i32>} : memref<128x128xf32, #tpu.memory_space<vmem>>, vector<16xf32>,
        %sub3A_819 = arith.subf %get3A_797, %get3A_804 : vector<16xf32>
        %add3A_820 = arith.addf %sub3A_819, %get3A_811 : vector<16xf32>
        %add3A_821 = arith.addf %add3A_820, %get3A_818 : vector<16xf32>
        %mul3A_822 = arith.mulf %add3A_821, %add3A_821 : vector<16xf32>
        %add3A_823 = arith.addf %add3A_790, %mul3A_822 : vector<16xf32>
        %mul3A_824 = arith.constant 16 : i32
        %mul3A_825 = arith.muli %scan3A_691, %mul3A_824 : i32
        %swap3A_826 = arith.index_cast %mul3A_825 : i32 to index
        %swap3A_827 = tpu.vector_load %arg14[%swap3A_826] {strides = array<i32>} : memref<256xf32, #tpu.memory_space<vmem>>, vector<16xf32>,
        tpu.vector_store %arg14[%swap3A_826], %add3A_823 {strides = array<i32>} : memref<256xf32, #tpu.memory_space<vmem>>, vector<16xf32>,
        %scan3A_828 = arith.constant 0 : i32
        scf.yield %scan3A_828 : i32
      }
      %scan3A_573 = arith.constant 16 : i32
      %add3A_574 = arith.constant 0 : i32
      %add3A_575 = vector.broadcast %add3A_574 : i32 to vector<16xi32>
      %add3A_576 = arith.addi %mul3A_5, %add3A_575 : vector<16xi32>
      %gather3A = tpu.vector_load_idx %arg14[%add3A_576] : memref<256xf32, #tpu.memory_space<vmem>>[vector<16xi32>], vector<16xf32>,
      %add3A_577 = arith.constant 1 : i32
      %add3A_578 = vector.broadcast %add3A_577 : i32 to vector<16xi32>
      %add3A_579 = arith.addi %mul3A_5, %add3A_578 : vector<16xi32>
      %gather3A_580 = tpu.vector_load_idx %arg14[%add3A_579] : memref<256xf32, #tpu.memory_space<vmem>>[vector<16xi32>], vector<16xf32>,
      %add3A_581 = arith.addf %gather3A, %gather3A_580 : vector<16xf32>
      %add3A_582 = arith.constant 2 : i32
      %add3A_583 = vector.broadcast %add3A_582 : i32 to vector<16xi32>
      %add3A_584 = arith.addi %mul3A_5, %add3A_583 : vector<16xi32>
      %gather3A_585 = tpu.vector_load_idx %arg14[%add3A_584] : memref<256xf32, #tpu.memory_space<vmem>>[vector<16xi32>], vector<16xf32>,
      %add3A_586 = arith.addf %add3A_581, %gather3A_585 : vector<16xf32>
      %add3A_587 = arith.constant 3 : i32
      %add3A_588 = vector.broadcast %add3A_587 : i32 to vector<16xi32>
      %add3A_589 = arith.addi %mul3A_5, %add3A_588 : vector<16xi32>
      %gather3A_590 = tpu.vector_load_idx %arg14[%add3A_589] : memref<256xf32, #tpu.memory_space<vmem>>[vector<16xi32>], vector<16xf32>,
      %add3A_591 = arith.addf %add3A_586, %gather3A_590 : vector<16xf32>
      %add3A_592 = arith.constant 4 : i32
      %add3A_593 = vector.broadcast %add3A_592 : i32 to vector<16xi32>
      %add3A_594 = arith.addi %mul3A_5, %add3A_593 : vector<16xi32>
      %gather3A_595 = tpu.vector_load_idx %arg14[%add3A_594] : memref<256xf32, #tpu.memory_space<vmem>>[vector<16xi32>], vector<16xf32>,
      %add3A_596 = arith.addf %add3A_591, %gather3A_595 : vector<16xf32>
      %add3A_597 = arith.constant 5 : i32
      %add3A_598 = vector.broadcast %add3A_597 : i32 to vector<16xi32>
      %add3A_599 = arith.addi %mul3A_5, %add3A_598 : vector<16xi32>
      %gather3A_600 = tpu.vector_load_idx %arg14[%add3A_599] : memref<256xf32, #tpu.memory_space<vmem>>[vector<16xi32>], vector<16xf32>,
      %add3A_601 = arith.addf %add3A_596, %gather3A_600 : vector<16xf32>
      %add3A_602 = arith.constant 6 : i32
      %add3A_603 = vector.broadcast %add3A_602 : i32 to vector<16xi32>
      %add3A_604 = arith.addi %mul3A_5, %add3A_603 : vector<16xi32>
      %gather3A_605 = tpu.vector_load_idx %arg14[%add3A_604] : memref<256xf32, #tpu.memory_space<vmem>>[vector<16xi32>], vector<16xf32>,
      %add3A_606 = arith.addf %add3A_601, %gather3A_605 : vector<16xf32>
      %add3A_607 = arith.constant 7 : i32
      %add3A_608 = vector.broadcast %add3A_607 : i32 to vector<16xi32>
      %add3A_609 = arith.addi %mul3A_5, %add3A_608 : vector<16xi32>
      %gather3A_610 = tpu.vector_load_idx %arg14[%add3A_609] : memref<256xf32, #tpu.memory_space<vmem>>[vector<16xi32>], vector<16xf32>,
      %add3A_611 = arith.addf %add3A_606, %gather3A_610 : vector<16xf32>
      %add3A_612 = arith.constant 8 : i32
      %add3A_613 = vector.broadcast %add3A_612 : i32 to vector<16xi32>
      %add3A_614 = arith.addi %mul3A_5, %add3A_613 : vector<16xi32>
      %gather3A_615 = tpu.vector_load_idx %arg14[%add3A_614] : memref<256xf32, #tpu.memory_space<vmem>>[vector<16xi32>], vector<16xf32>,
      %add3A_616 = arith.addf %add3A_611, %gather3A_615 : vector<16xf32>
      %add3A_617 = arith.constant 9 : i32
      %add3A_618 = vector.broadcast %add3A_617 : i32 to vector<16xi32>
      %add3A_619 = arith.addi %mul3A_5, %add3A_618 : vector<16xi32>
      %gather3A_620 = tpu.vector_load_idx %arg14[%add3A_619] : memref<256xf32, #tpu.memory_space<vmem>>[vector<16xi32>], vector<16xf32>,
      %add3A_621 = arith.addf %add3A_616, %gather3A_620 : vector<16xf32>
      %add3A_622 = arith.constant 10 : i32
      %add3A_623 = vector.broadcast %add3A_622 : i32 to vector<16xi32>
      %add3A_624 = arith.addi %mul3A_5, %add3A_623 : vector<16xi32>
      %gather3A_625 = tpu.vector_load_idx %arg14[%add3A_624] : memref<256xf32, #tpu.memory_space<vmem>>[vector<16xi32>], vector<16xf32>,
      %add3A_626 = arith.addf %add3A_621, %gather3A_625 : vector<16xf32>
      %add3A_627 = arith.constant 11 : i32
      %add3A_628 = vector.broadcast %add3A_627 : i32 to vector<16xi32>
      %add3A_629 = arith.addi %mul3A_5, %add3A_628 : vector<16xi32>
      %gather3A_630 = tpu.vector_load_idx %arg14[%add3A_629] : memref<256xf32, #tpu.memory_space<vmem>>[vector<16xi32>], vector<16xf32>,
      %add3A_631 = arith.addf %add3A_626, %gather3A_630 : vector<16xf32>
      %add3A_632 = arith.constant 12 : i32
      %add3A_633 = vector.broadcast %add3A_632 : i32 to vector<16xi32>
      %add3A_634 = arith.addi %mul3A_5, %add3A_633 : vector<16xi32>
      %gather3A_635 = tpu.vector_load_idx %arg14[%add3A_634] : memref<256xf32, #tpu.memory_space<vmem>>[vector<16xi32>], vector<16xf32>,
      %add3A_636 = arith.addf %add3A_631, %gather3A_635 : vector<16xf32>
      %add3A_637 = arith.constant 13 : i32
      %add3A_638 = vector.broadcast %add3A_637 : i32 to vector<16xi32>
      %add3A_639 = arith.addi %mul3A_5, %add3A_638 : vector<16xi32>
      %gather3A_640 = tpu.vector_load_idx %arg14[%add3A_639] : memref<256xf32, #tpu.memory_space<vmem>>[vector<16xi32>], vector<16xf32>,
      %add3A_641 = arith.addf %add3A_636, %gather3A_640 : vector<16xf32>
      %add3A_642 = arith.constant 14 : i32
      %add3A_643 = vector.broadcast %add3A_642 : i32 to vector<16xi32>
      %add3A_644 = arith.addi %mul3A_5, %add3A_643 : vector<16xi32>
      %gather3A_645 = tpu.vector_load_idx %arg14[%add3A_644] : memref<256xf32, #tpu.memory_space<vmem>>[vector<16xi32>], vector<16xf32>,
      %add3A_646 = arith.addf %add3A_641, %gather3A_645 : vector<16xf32>
      %add3A_647 = arith.constant 15 : i32
      %add3A_648 = vector.broadcast %add3A_647 : i32 to vector<16xi32>
      %add3A_649 = arith.addi %mul3A_5, %add3A_648 : vector<16xi32>
      %gather3A_650 = tpu.vector_load_idx %arg14[%add3A_649] : memref<256xf32, #tpu.memory_space<vmem>>[vector<16xi32>], vector<16xf32>,
      %add3A_651 = arith.addf %add3A_646, %gather3A_650 : vector<16xf32>
      %bitcast_convert_type3A = tpu.bitcast %add3A_651 : vector<16xf32> -> vector<16xi32>
      %shift_right_arithmetic3A = arith.constant 1 : i32
      %shift_right_arithmetic3A_652 = vector.broadcast %shift_right_arithmetic3A : i32 to vector<16xi32>
      %shift_right_arithmetic3A_653 = arith.shrsi %bitcast_convert_type3A, %shift_right_arithmetic3A_652 : vector<16xi32>
      %sub3A = arith.constant 1597463007 : i32
      %sub3A_654 = vector.broadcast %sub3A : i32 to vector<16xi32>
      %sub3A_655 = arith.subi %sub3A_654, %shift_right_arithmetic3A_653 : vector<16xi32>
      %bitcast_convert_type3A_656 = tpu.bitcast %sub3A_655 : vector<16xi32> -> vector<16xf32>
      %mul3A_657 = arith.constant 5.000000e-01 : f32
      %mul3A_658 = vector.broadcast %mul3A_657 : f32 to vector<16xf32>
      %mul3A_659 = arith.mulf %mul3A_658, %add3A_651 : vector<16xf32>
      %mul3A_660 = arith.mulf %mul3A_659, %bitcast_convert_type3A_656 : vector<16xf32>
      %mul3A_661 = arith.mulf %mul3A_660, %bitcast_convert_type3A_656 : vector<16xf32>
      %sub3A_662 = arith.constant 1.500000e+00 : f32
      %sub3A_663 = vector.broadcast %sub3A_662 : f32 to vector<16xf32>
      %sub3A_664 = arith.subf %sub3A_663, %mul3A_661 : vector<16xf32>
      %mul3A_665 = arith.mulf %bitcast_convert_type3A_656, %sub3A_664 : vector<16xf32>
      %mul3A_666 = arith.constant 5.000000e-01 : f32
      %mul3A_667 = vector.broadcast %mul3A_666 : f32 to vector<16xf32>
      %mul3A_668 = arith.mulf %mul3A_667, %add3A_651 : vector<16xf32>
      %mul3A_669 = arith.mulf %mul3A_668, %mul3A_665 : vector<16xf32>
      %mul3A_670 = arith.mulf %mul3A_669, %mul3A_665 : vector<16xf32>
      %sub3A_671 = arith.constant 1.500000e+00 : f32
      %sub3A_672 = vector.broadcast %sub3A_671 : f32 to vector<16xf32>
      %sub3A_673 = arith.subf %sub3A_672, %mul3A_670 : vector<16xf32>
      %mul3A_674 = arith.mulf %mul3A_665, %sub3A_673 : vector<16xf32>
      %mul3A_675 = arith.constant 5.000000e-01 : f32
      %mul3A_676 = vector.broadcast %mul3A_675 : f32 to vector<16xf32>
      %mul3A_677 = arith.mulf %mul3A_676, %add3A_651 : vector<16xf32>
      %mul3A_678 = arith.mulf %mul3A_677, %mul3A_674 : vector<16xf32>
      %mul3A_679 = arith.mulf %mul3A_678, %mul3A_674 : vector<16xf32>
      %sub3A_680 = arith.constant 1.500000e+00 : f32
      %sub3A_681 = vector.broadcast %sub3A_680 : f32 to vector<16xf32>
      %sub3A_682 = arith.subf %sub3A_681, %mul3A_679 : vector<16xf32>
      %mul3A_683 = arith.mulf %mul3A_674, %sub3A_682 : vector<16xf32>
      %mul3A_684 = arith.mulf %add3A_651, %mul3A_683 : vector<16xf32>
      %gt3A = arith.constant 0.000000e+00 : f32
      %gt3A_685 = vector.broadcast %gt3A : f32 to vector<16xf32>
      %gt3A_686 = arith.cmpf ogt, %add3A_651, %gt3A_685 : vector<16xf32>
      %jit3A = arith.constant 0.000000e+00 : f32
      %broadcast_in_dim3A = vector.broadcast %jit3A : f32 to vector<16xf32>
      %select_n3A = arith.select %gt3A_686, %mul3A_684, %broadcast_in_dim3A : vector<16xi1>, vector<16xf32>
      %add3A_687 = arith.constant 0 : i32
      %add3A_688 = arith.addi %add3A_687, %mul3A_566 : i32
      %swap3A = arith.index_cast %add3A_688 : i32 to index
      %swap3A_689 = tpu.vector_load %arg15[%swap3A] {strides = array<i32>} : memref<1024xf32, #tpu.memory_space<vmem>>, vector<16xf32>,
      tpu.vector_store %arg15[%swap3A], %select_n3A {strides = array<i32>} : memref<1024xf32, #tpu.memory_space<vmem>>, vector<16xf32>,
      %scan3A_690 = arith.constant 0 : i32
      scf.yield %scan3A_690 : i32
    }
    %scan3A_102 = arith.constant 8 : i32
    %dma_wait3A_103 = arith.constant 1 : i32
    %dma_wait3A_104 = arith.constant 0 : i32
    %dma_wait3A_105 = arith.constant 0 : i32
    %dma_wait3A_106 = tpu.memref_slice %arg11[%dma_wait3A_103, %dma_wait3A_104, %dma_wait3A_105] : memref<2x128x64xf32, #tpu.memory_space<vmem>> -> memref<1x128x64xf32, #tpu.memory_space<vmem>>
    %dma_wait3A_107 = tpu.memref_squeeze %dma_wait3A_106 : memref<1x128x64xf32, #tpu.memory_space<vmem>> -> memref<128x64xf32, #tpu.memory_space<vmem>>
    %dma_wait3A_108 = arith.constant 128 : i32
    %dma_wait3A_109 = tpu.memref_slice %arg8[%dma_wait3A_108] : memref<1024xi32, #tpu.memory_space<vmem>> -> memref<128xi32, #tpu.memory_space<vmem>>
    %dma_wait3A_110 = arith.constant 0 : i32
    %dma_wait3A_111 = arith.constant 0 : i32
    %dma_wait3A_112 = tpu.memref_slice %arg5[%dma_wait3A_110, %dma_wait3A_111] : memref<1000000x64xf32, #tpu.memory_space<hbm>> -> memref<1000000x64xf32, #tpu.memory_space<hbm>>
    tpu.wait_indirect_dma semaphore(%arg19 : memref<!tpu.dma_semaphore, #tpu.memory_space<semaphore_mem>>) src(%dma_wait3A_112 : memref<1000000x64xf32, #tpu.memory_space<hbm>>) dst(%dma_wait3A_107 : memref<128x64xf32, #tpu.memory_space<vmem>>)
    %dma_wait3A_113 = arith.constant 1 : i32
    %dma_wait3A_114 = arith.constant 0 : i32
    %dma_wait3A_115 = arith.constant 0 : i32
    %dma_wait3A_116 = tpu.memref_slice %arg12[%dma_wait3A_113, %dma_wait3A_114, %dma_wait3A_115] : memref<2x128x64xf32, #tpu.memory_space<vmem>> -> memref<1x128x64xf32, #tpu.memory_space<vmem>>
    %dma_wait3A_117 = tpu.memref_squeeze %dma_wait3A_116 : memref<1x128x64xf32, #tpu.memory_space<vmem>> -> memref<128x64xf32, #tpu.memory_space<vmem>>
    %dma_wait3A_118 = arith.constant 128 : i32
    %dma_wait3A_119 = tpu.memref_slice %arg10[%dma_wait3A_118] : memref<1024xi32, #tpu.memory_space<vmem>> -> memref<128xi32, #tpu.memory_space<vmem>>
    %dma_wait3A_120 = arith.constant 0 : i32
    %dma_wait3A_121 = arith.constant 0 : i32
    %dma_wait3A_122 = tpu.memref_slice %arg5[%dma_wait3A_120, %dma_wait3A_121] : memref<1000000x64xf32, #tpu.memory_space<hbm>> -> memref<1000000x64xf32, #tpu.memory_space<hbm>>
    tpu.wait_indirect_dma semaphore(%arg20 : memref<!tpu.dma_semaphore, #tpu.memory_space<semaphore_mem>>) src(%dma_wait3A_122 : memref<1000000x64xf32, #tpu.memory_space<hbm>>) dst(%dma_wait3A_117 : memref<128x64xf32, #tpu.memory_space<vmem>>)
    %dma_wait3A_123 = arith.constant 1 : i32
    %dma_wait3A_124 = arith.constant 0 : i32
    %dma_wait3A_125 = arith.constant 0 : i32
    %dma_wait3A_126 = tpu.memref_slice %arg13[%dma_wait3A_123, %dma_wait3A_124, %dma_wait3A_125] : memref<2x128x128xf32, #tpu.memory_space<vmem>> -> memref<1x128x128xf32, #tpu.memory_space<vmem>>
    %dma_wait3A_127 = tpu.memref_squeeze %dma_wait3A_126 : memref<1x128x128xf32, #tpu.memory_space<vmem>> -> memref<128x128xf32, #tpu.memory_space<vmem>>
    %dma_wait3A_128 = arith.constant 128 : i32
    %dma_wait3A_129 = tpu.memref_slice %arg9[%dma_wait3A_128] : memref<1024xi32, #tpu.memory_space<vmem>> -> memref<128xi32, #tpu.memory_space<vmem>>
    %dma_wait3A_130 = arith.constant 0 : i32
    %dma_wait3A_131 = arith.constant 0 : i32
    %dma_wait3A_132 = tpu.memref_slice %arg6[%dma_wait3A_130, %dma_wait3A_131] : memref<1000000x128xf32, #tpu.memory_space<hbm>> -> memref<1000000x128xf32, #tpu.memory_space<hbm>>
    tpu.wait_indirect_dma semaphore(%arg21 : memref<!tpu.dma_semaphore, #tpu.memory_space<semaphore_mem>>) src(%dma_wait3A_132 : memref<1000000x128xf32, #tpu.memory_space<hbm>>) dst(%dma_wait3A_127 : memref<128x128xf32, #tpu.memory_space<vmem>>)
    %dma_start3A_133 = arith.constant 0 : i32
    %dma_start3A_134 = arith.constant 0 : i32
    %dma_start3A_135 = arith.constant 0 : i32
    %dma_start3A_136 = tpu.memref_slice %arg11[%dma_start3A_133, %dma_start3A_134, %dma_start3A_135] : memref<2x128x64xf32, #tpu.memory_space<vmem>> -> memref<1x128x64xf32, #tpu.memory_space<vmem>>
    %dma_start3A_137 = tpu.memref_squeeze %dma_start3A_136 : memref<1x128x64xf32, #tpu.memory_space<vmem>> -> memref<128x64xf32, #tpu.memory_space<vmem>>
    %dma_start3A_138 = arith.constant 256 : i32
    %dma_start3A_139 = tpu.memref_slice %arg8[%dma_start3A_138] : memref<1024xi32, #tpu.memory_space<vmem>> -> memref<128xi32, #tpu.memory_space<vmem>>
    %dma_start3A_140 = arith.constant 0 : i32
    %dma_start3A_141 = arith.constant 0 : i32
    %dma_start3A_142 = tpu.memref_slice %arg5[%dma_start3A_140, %dma_start3A_141] : memref<1000000x64xf32, #tpu.memory_space<hbm>> -> memref<1000000x64xf32, #tpu.memory_space<hbm>>
    tpu.enqueue_indirect_dma source(%dma_start3A_142 : memref<1000000x64xf32, #tpu.memory_space<hbm>>) target(%dma_start3A_137 : memref<128x64xf32, #tpu.memory_space<vmem>>) offsets(%dma_start3A_139 : memref<128xi32, #tpu.memory_space<vmem>>) semaphore(%arg16 : memref<!tpu.dma_semaphore, #tpu.memory_space<semaphore_mem>>)
    %dma_start3A_143 = arith.constant 0 : i32
    %dma_start3A_144 = arith.constant 0 : i32
    %dma_start3A_145 = arith.constant 0 : i32
    %dma_start3A_146 = tpu.memref_slice %arg12[%dma_start3A_143, %dma_start3A_144, %dma_start3A_145] : memref<2x128x64xf32, #tpu.memory_space<vmem>> -> memref<1x128x64xf32, #tpu.memory_space<vmem>>
    %dma_start3A_147 = tpu.memref_squeeze %dma_start3A_146 : memref<1x128x64xf32, #tpu.memory_space<vmem>> -> memref<128x64xf32, #tpu.memory_space<vmem>>
    %dma_start3A_148 = arith.constant 256 : i32
    %dma_start3A_149 = tpu.memref_slice %arg10[%dma_start3A_148] : memref<1024xi32, #tpu.memory_space<vmem>> -> memref<128xi32, #tpu.memory_space<vmem>>
    %dma_start3A_150 = arith.constant 0 : i32
    %dma_start3A_151 = arith.constant 0 : i32
    %dma_start3A_152 = tpu.memref_slice %arg5[%dma_start3A_150, %dma_start3A_151] : memref<1000000x64xf32, #tpu.memory_space<hbm>> -> memref<1000000x64xf32, #tpu.memory_space<hbm>>
    tpu.enqueue_indirect_dma source(%dma_start3A_152 : memref<1000000x64xf32, #tpu.memory_space<hbm>>) target(%dma_start3A_147 : memref<128x64xf32, #tpu.memory_space<vmem>>) offsets(%dma_start3A_149 : memref<128xi32, #tpu.memory_space<vmem>>) semaphore(%arg17 : memref<!tpu.dma_semaphore, #tpu.memory_space<semaphore_mem>>)
    %dma_start3A_153 = arith.constant 0 : i32
    %dma_start3A_154 = arith.constant 0 : i32
    %dma_start3A_155 = arith.constant 0 : i32
    %dma_start3A_156 = tpu.memref_slice %arg13[%dma_start3A_153, %dma_start3A_154, %dma_start3A_155] : memref<2x128x128xf32, #tpu.memory_space<vmem>> -> memref<1x128x128xf32, #tpu.memory_space<vmem>>
    %dma_start3A_157 = tpu.memref_squeeze %dma_start3A_156 : memref<1x128x128xf32, #tpu.memory_space<vmem>> -> memref<128x128xf32, #tpu.memory_space<vmem>>
    %dma_start3A_158 = arith.constant 256 : i32
    %dma_start3A_159 = tpu.memref_slice %arg9[%dma_start3A_158] : memref<1024xi32, #tpu.memory_space<vmem>> -> memref<128xi32, #tpu.memory_space<vmem>>
    %dma_start3A_160 = arith.constant 0 : i32
    %dma_start3A_161 = arith.constant 0 : i32
    %dma_start3A_162 = tpu.memref_slice %arg6[%dma_start3A_160, %dma_start3A_161] : memref<1000000x128xf32, #tpu.memory_space<hbm>> -> memref<1000000x128xf32, #tpu.memory_space<hbm>>
    tpu.enqueue_indirect_dma source(%dma_start3A_162 : memref<1000000x128xf32, #tpu.memory_space<hbm>>) target(%dma_start3A_157 : memref<128x128xf32, #tpu.memory_space<vmem>>) offsets(%dma_start3A_159 : memref<128xi32, #tpu.memory_space<vmem>>) semaphore(%arg18 : memref<!tpu.dma_semaphore, #tpu.memory_space<semaphore_mem>>)
    %scan3A_163 = arith.constant 1 : i32
    %scan3A_164 = arith.constant 1 : i32
    %scan3A_165 = arith.constant 1 : i32
    %scan3A_166 = arith.constant 0 : i32
    %scan3A_167 = arith.constant 0 : i32
    %scan3A_168 = arith.constant 8 : i32
    %scan3A_169 = arith.addi %scan3A_167, %scan3A_168 : i32
    %scan3A_170 = arith.constant 1 : i32
    %scan3A_171 = scf.for %scan3A_563 = %scan3A_167 to %scan3A_169 step %scan3A_170 iter_args(%scan3A_564 = %scan3A_166) -> (i32)  : i32 {
      %mul3A_565 = arith.constant 16 : i32
      %mul3A_566 = arith.muli %scan3A_563, %mul3A_565 : i32
      %scan3A_567 = arith.constant 0 : i32
      %scan3A_568 = arith.constant 0 : i32
      %scan3A_569 = arith.constant 16 : i32
      %scan3A_570 = arith.addi %scan3A_568, %scan3A_569 : i32
      %scan3A_571 = arith.constant 1 : i32
      %scan3A_572 = scf.for %scan3A_691 = %scan3A_568 to %scan3A_570 step %scan3A_571 iter_args(%scan3A_692 = %scan3A_567) -> (i32)  : i32 {
        %add3A_693 = arith.addi %mul3A_566, %scan3A_691 : i32
        %get3A = arith.constant 0 : i32
        %get3A_694 = arith.constant 0 : i32
        %get3A_695 = tpu.memref_slice %arg11[%scan3A_163, %get3A, %get3A_694] : memref<2x128x64xf32, #tpu.memory_space<vmem>> -> memref<1x128x64xf32, #tpu.memory_space<vmem>>
        %get3A_696 = tpu.memref_squeeze %get3A_695 : memref<1x128x64xf32, #tpu.memory_space<vmem>> -> memref<128x64xf32, #tpu.memory_space<vmem>>
        %get3A_697 = arith.index_cast %add3A_693 : i32 to index
        %get3A_698 = arith.constant 0 : index
        %get3A_699 = tpu.vector_load %get3A_696[%get3A_697, %get3A_698] {strides = array<i32>} : memref<128x64xf32, #tpu.memory_space<vmem>>, vector<16xf32>,
        %get3A_700 = arith.constant 0 : i32
        %get3A_701 = arith.constant 0 : i32
        %get3A_702 = tpu.memref_slice %arg12[%scan3A_164, %get3A_700, %get3A_701] : memref<2x128x64xf32, #tpu.memory_space<vmem>> -> memref<1x128x64xf32, #tpu.memory_space<vmem>>
        %get3A_703 = tpu.memref_squeeze %get3A_702 : memref<1x128x64xf32, #tpu.memory_space<vmem>> -> memref<128x64xf32, #tpu.memory_space<vmem>>
        %get3A_704 = arith.index_cast %add3A_693 : i32 to index
        %get3A_705 = arith.constant 0 : index
        %get3A_706 = tpu.vector_load %get3A_703[%get3A_704, %get3A_705] {strides = array<i32>} : memref<128x64xf32, #tpu.memory_space<vmem>>, vector<16xf32>,
        %get3A_707 = arith.constant 0 : i32
        %get3A_708 = arith.constant 0 : i32
        %get3A_709 = tpu.memref_slice %arg13[%scan3A_165, %get3A_707, %get3A_708] : memref<2x128x128xf32, #tpu.memory_space<vmem>> -> memref<1x128x128xf32, #tpu.memory_space<vmem>>
        %get3A_710 = tpu.memref_squeeze %get3A_709 : memref<1x128x128xf32, #tpu.memory_space<vmem>> -> memref<128x128xf32, #tpu.memory_space<vmem>>
        %get3A_711 = arith.index_cast %add3A_693 : i32 to index
        %get3A_712 = arith.constant 0 : index
        %get3A_713 = tpu.vector_load %get3A_710[%get3A_711, %get3A_712] {strides = array<i32>} : memref<128x128xf32, #tpu.memory_space<vmem>>, vector<16xf32>,
        %get3A_714 = arith.constant 0 : i32
        %get3A_715 = arith.constant 0 : i32
        %get3A_716 = tpu.memref_slice %arg13[%scan3A_165, %get3A_714, %get3A_715] : memref<2x128x128xf32, #tpu.memory_space<vmem>> -> memref<1x128x128xf32, #tpu.memory_space<vmem>>
        %get3A_717 = tpu.memref_squeeze %get3A_716 : memref<1x128x128xf32, #tpu.memory_space<vmem>> -> memref<128x128xf32, #tpu.memory_space<vmem>>
        %get3A_718 = arith.index_cast %add3A_693 : i32 to index
        %get3A_719 = arith.constant 64 : index
        %get3A_720 = tpu.vector_load %get3A_717[%get3A_718, %get3A_719] {strides = array<i32>} : memref<128x128xf32, #tpu.memory_space<vmem>>, vector<16xf32>,
        %sub3A_721 = arith.subf %get3A_699, %get3A_706 : vector<16xf32>
        %add3A_722 = arith.addf %sub3A_721, %get3A_713 : vector<16xf32>
        %add3A_723 = arith.addf %add3A_722, %get3A_720 : vector<16xf32>
        %mul3A_724 = arith.mulf %add3A_723, %add3A_723 : vector<16xf32>
        %get3A_725 = arith.constant 0 : i32
        %get3A_726 = arith.constant 0 : i32
        %get3A_727 = tpu.memref_slice %arg11[%scan3A_163, %get3A_725, %get3A_726] : memref<2x128x64xf32, #tpu.memory_space<vmem>> -> memref<1x128x64xf32, #tpu.memory_space<vmem>>
        %get3A_728 = tpu.memref_squeeze %get3A_727 : memref<1x128x64xf32, #tpu.memory_space<vmem>> -> memref<128x64xf32, #tpu.memory_space<vmem>>
        %get3A_729 = arith.index_cast %add3A_693 : i32 to index
        %get3A_730 = arith.constant 16 : index
        %get3A_731 = tpu.vector_load %get3A_728[%get3A_729, %get3A_730] {strides = array<i32>} : memref<128x64xf32, #tpu.memory_space<vmem>>, vector<16xf32>,
        %get3A_732 = arith.constant 0 : i32
        %get3A_733 = arith.constant 0 : i32
        %get3A_734 = tpu.memref_slice %arg12[%scan3A_164, %get3A_732, %get3A_733] : memref<2x128x64xf32, #tpu.memory_space<vmem>> -> memref<1x128x64xf32, #tpu.memory_space<vmem>>
        %get3A_735 = tpu.memref_squeeze %get3A_734 : memref<1x128x64xf32, #tpu.memory_space<vmem>> -> memref<128x64xf32, #tpu.memory_space<vmem>>
        %get3A_736 = arith.index_cast %add3A_693 : i32 to index
        %get3A_737 = arith.constant 16 : index
        %get3A_738 = tpu.vector_load %get3A_735[%get3A_736, %get3A_737] {strides = array<i32>} : memref<128x64xf32, #tpu.memory_space<vmem>>, vector<16xf32>,
        %get3A_739 = arith.constant 0 : i32
        %get3A_740 = arith.constant 0 : i32
        %get3A_741 = tpu.memref_slice %arg13[%scan3A_165, %get3A_739, %get3A_740] : memref<2x128x128xf32, #tpu.memory_space<vmem>> -> memref<1x128x128xf32, #tpu.memory_space<vmem>>
        %get3A_742 = tpu.memref_squeeze %get3A_741 : memref<1x128x128xf32, #tpu.memory_space<vmem>> -> memref<128x128xf32, #tpu.memory_space<vmem>>
        %get3A_743 = arith.index_cast %add3A_693 : i32 to index
        %get3A_744 = arith.constant 16 : index
        %get3A_745 = tpu.vector_load %get3A_742[%get3A_743, %get3A_744] {strides = array<i32>} : memref<128x128xf32, #tpu.memory_space<vmem>>, vector<16xf32>,
        %get3A_746 = arith.constant 0 : i32
        %get3A_747 = arith.constant 0 : i32
        %get3A_748 = tpu.memref_slice %arg13[%scan3A_165, %get3A_746, %get3A_747] : memref<2x128x128xf32, #tpu.memory_space<vmem>> -> memref<1x128x128xf32, #tpu.memory_space<vmem>>
        %get3A_749 = tpu.memref_squeeze %get3A_748 : memref<1x128x128xf32, #tpu.memory_space<vmem>> -> memref<128x128xf32, #tpu.memory_space<vmem>>
        %get3A_750 = arith.index_cast %add3A_693 : i32 to index
        %get3A_751 = arith.constant 80 : index
        %get3A_752 = tpu.vector_load %get3A_749[%get3A_750, %get3A_751] {strides = array<i32>} : memref<128x128xf32, #tpu.memory_space<vmem>>, vector<16xf32>,
        %sub3A_753 = arith.subf %get3A_731, %get3A_738 : vector<16xf32>
        %add3A_754 = arith.addf %sub3A_753, %get3A_745 : vector<16xf32>
        %add3A_755 = arith.addf %add3A_754, %get3A_752 : vector<16xf32>
        %mul3A_756 = arith.mulf %add3A_755, %add3A_755 : vector<16xf32>
        %add3A_757 = arith.addf %mul3A_724, %mul3A_756 : vector<16xf32>
        %get3A_758 = arith.constant 0 : i32
        %get3A_759 = arith.constant 0 : i32
        %get3A_760 = tpu.memref_slice %arg11[%scan3A_163, %get3A_758, %get3A_759] : memref<2x128x64xf32, #tpu.memory_space<vmem>> -> memref<1x128x64xf32, #tpu.memory_space<vmem>>
        %get3A_761 = tpu.memref_squeeze %get3A_760 : memref<1x128x64xf32, #tpu.memory_space<vmem>> -> memref<128x64xf32, #tpu.memory_space<vmem>>
        %get3A_762 = arith.index_cast %add3A_693 : i32 to index
        %get3A_763 = arith.constant 32 : index
        %get3A_764 = tpu.vector_load %get3A_761[%get3A_762, %get3A_763] {strides = array<i32>} : memref<128x64xf32, #tpu.memory_space<vmem>>, vector<16xf32>,
        %get3A_765 = arith.constant 0 : i32
        %get3A_766 = arith.constant 0 : i32
        %get3A_767 = tpu.memref_slice %arg12[%scan3A_164, %get3A_765, %get3A_766] : memref<2x128x64xf32, #tpu.memory_space<vmem>> -> memref<1x128x64xf32, #tpu.memory_space<vmem>>
        %get3A_768 = tpu.memref_squeeze %get3A_767 : memref<1x128x64xf32, #tpu.memory_space<vmem>> -> memref<128x64xf32, #tpu.memory_space<vmem>>
        %get3A_769 = arith.index_cast %add3A_693 : i32 to index
        %get3A_770 = arith.constant 32 : index
        %get3A_771 = tpu.vector_load %get3A_768[%get3A_769, %get3A_770] {strides = array<i32>} : memref<128x64xf32, #tpu.memory_space<vmem>>, vector<16xf32>,
        %get3A_772 = arith.constant 0 : i32
        %get3A_773 = arith.constant 0 : i32
        %get3A_774 = tpu.memref_slice %arg13[%scan3A_165, %get3A_772, %get3A_773] : memref<2x128x128xf32, #tpu.memory_space<vmem>> -> memref<1x128x128xf32, #tpu.memory_space<vmem>>
        %get3A_775 = tpu.memref_squeeze %get3A_774 : memref<1x128x128xf32, #tpu.memory_space<vmem>> -> memref<128x128xf32, #tpu.memory_space<vmem>>
        %get3A_776 = arith.index_cast %add3A_693 : i32 to index
        %get3A_777 = arith.constant 32 : index
        %get3A_778 = tpu.vector_load %get3A_775[%get3A_776, %get3A_777] {strides = array<i32>} : memref<128x128xf32, #tpu.memory_space<vmem>>, vector<16xf32>,
        %get3A_779 = arith.constant 0 : i32
        %get3A_780 = arith.constant 0 : i32
        %get3A_781 = tpu.memref_slice %arg13[%scan3A_165, %get3A_779, %get3A_780] : memref<2x128x128xf32, #tpu.memory_space<vmem>> -> memref<1x128x128xf32, #tpu.memory_space<vmem>>
        %get3A_782 = tpu.memref_squeeze %get3A_781 : memref<1x128x128xf32, #tpu.memory_space<vmem>> -> memref<128x128xf32, #tpu.memory_space<vmem>>
        %get3A_783 = arith.index_cast %add3A_693 : i32 to index
        %get3A_784 = arith.constant 96 : index
        %get3A_785 = tpu.vector_load %get3A_782[%get3A_783, %get3A_784] {strides = array<i32>} : memref<128x128xf32, #tpu.memory_space<vmem>>, vector<16xf32>,
        %sub3A_786 = arith.subf %get3A_764, %get3A_771 : vector<16xf32>
        %add3A_787 = arith.addf %sub3A_786, %get3A_778 : vector<16xf32>
        %add3A_788 = arith.addf %add3A_787, %get3A_785 : vector<16xf32>
        %mul3A_789 = arith.mulf %add3A_788, %add3A_788 : vector<16xf32>
        %add3A_790 = arith.addf %add3A_757, %mul3A_789 : vector<16xf32>
        %get3A_791 = arith.constant 0 : i32
        %get3A_792 = arith.constant 0 : i32
        %get3A_793 = tpu.memref_slice %arg11[%scan3A_163, %get3A_791, %get3A_792] : memref<2x128x64xf32, #tpu.memory_space<vmem>> -> memref<1x128x64xf32, #tpu.memory_space<vmem>>
        %get3A_794 = tpu.memref_squeeze %get3A_793 : memref<1x128x64xf32, #tpu.memory_space<vmem>> -> memref<128x64xf32, #tpu.memory_space<vmem>>
        %get3A_795 = arith.index_cast %add3A_693 : i32 to index
        %get3A_796 = arith.constant 48 : index
        %get3A_797 = tpu.vector_load %get3A_794[%get3A_795, %get3A_796] {strides = array<i32>} : memref<128x64xf32, #tpu.memory_space<vmem>>, vector<16xf32>,
        %get3A_798 = arith.constant 0 : i32
        %get3A_799 = arith.constant 0 : i32
        %get3A_800 = tpu.memref_slice %arg12[%scan3A_164, %get3A_798, %get3A_799] : memref<2x128x64xf32, #tpu.memory_space<vmem>> -> memref<1x128x64xf32, #tpu.memory_space<vmem>>
        %get3A_801 = tpu.memref_squeeze %get3A_800 : memref<1x128x64xf32, #tpu.memory_space<vmem>> -> memref<128x64xf32, #tpu.memory_space<vmem>>
        %get3A_802 = arith.index_cast %add3A_693 : i32 to index
        %get3A_803 = arith.constant 48 : index
        %get3A_804 = tpu.vector_load %get3A_801[%get3A_802, %get3A_803] {strides = array<i32>} : memref<128x64xf32, #tpu.memory_space<vmem>>, vector<16xf32>,
        %get3A_805 = arith.constant 0 : i32
        %get3A_806 = arith.constant 0 : i32
        %get3A_807 = tpu.memref_slice %arg13[%scan3A_165, %get3A_805, %get3A_806] : memref<2x128x128xf32, #tpu.memory_space<vmem>> -> memref<1x128x128xf32, #tpu.memory_space<vmem>>
        %get3A_808 = tpu.memref_squeeze %get3A_807 : memref<1x128x128xf32, #tpu.memory_space<vmem>> -> memref<128x128xf32, #tpu.memory_space<vmem>>
        %get3A_809 = arith.index_cast %add3A_693 : i32 to index
        %get3A_810 = arith.constant 48 : index
        %get3A_811 = tpu.vector_load %get3A_808[%get3A_809, %get3A_810] {strides = array<i32>} : memref<128x128xf32, #tpu.memory_space<vmem>>, vector<16xf32>,
        %get3A_812 = arith.constant 0 : i32
        %get3A_813 = arith.constant 0 : i32
        %get3A_814 = tpu.memref_slice %arg13[%scan3A_165, %get3A_812, %get3A_813] : memref<2x128x128xf32, #tpu.memory_space<vmem>> -> memref<1x128x128xf32, #tpu.memory_space<vmem>>
        %get3A_815 = tpu.memref_squeeze %get3A_814 : memref<1x128x128xf32, #tpu.memory_space<vmem>> -> memref<128x128xf32, #tpu.memory_space<vmem>>
        %get3A_816 = arith.index_cast %add3A_693 : i32 to index
        %get3A_817 = arith.constant 112 : index
        %get3A_818 = tpu.vector_load %get3A_815[%get3A_816, %get3A_817] {strides = array<i32>} : memref<128x128xf32, #tpu.memory_space<vmem>>, vector<16xf32>,
        %sub3A_819 = arith.subf %get3A_797, %get3A_804 : vector<16xf32>
        %add3A_820 = arith.addf %sub3A_819, %get3A_811 : vector<16xf32>
        %add3A_821 = arith.addf %add3A_820, %get3A_818 : vector<16xf32>
        %mul3A_822 = arith.mulf %add3A_821, %add3A_821 : vector<16xf32>
        %add3A_823 = arith.addf %add3A_790, %mul3A_822 : vector<16xf32>
        %mul3A_824 = arith.constant 16 : i32
        %mul3A_825 = arith.muli %scan3A_691, %mul3A_824 : i32
        %swap3A_826 = arith.index_cast %mul3A_825 : i32 to index
        %swap3A_827 = tpu.vector_load %arg14[%swap3A_826] {strides = array<i32>} : memref<256xf32, #tpu.memory_space<vmem>>, vector<16xf32>,
        tpu.vector_store %arg14[%swap3A_826], %add3A_823 {strides = array<i32>} : memref<256xf32, #tpu.memory_space<vmem>>, vector<16xf32>,
        %scan3A_828 = arith.constant 0 : i32
        scf.yield %scan3A_828 : i32
      }
      %scan3A_573 = arith.constant 16 : i32
      %add3A_574 = arith.constant 0 : i32
      %add3A_575 = vector.broadcast %add3A_574 : i32 to vector<16xi32>
      %add3A_576 = arith.addi %mul3A_5, %add3A_575 : vector<16xi32>
      %gather3A = tpu.vector_load_idx %arg14[%add3A_576] : memref<256xf32, #tpu.memory_space<vmem>>[vector<16xi32>], vector<16xf32>,
      %add3A_577 = arith.constant 1 : i32
      %add3A_578 = vector.broadcast %add3A_577 : i32 to vector<16xi32>
      %add3A_579 = arith.addi %mul3A_5, %add3A_578 : vector<16xi32>
      %gather3A_580 = tpu.vector_load_idx %arg14[%add3A_579] : memref<256xf32, #tpu.memory_space<vmem>>[vector<16xi32>], vector<16xf32>,
      %add3A_581 = arith.addf %gather3A, %gather3A_580 : vector<16xf32>
      %add3A_582 = arith.constant 2 : i32
      %add3A_583 = vector.broadcast %add3A_582 : i32 to vector<16xi32>
      %add3A_584 = arith.addi %mul3A_5, %add3A_583 : vector<16xi32>
      %gather3A_585 = tpu.vector_load_idx %arg14[%add3A_584] : memref<256xf32, #tpu.memory_space<vmem>>[vector<16xi32>], vector<16xf32>,
      %add3A_586 = arith.addf %add3A_581, %gather3A_585 : vector<16xf32>
      %add3A_587 = arith.constant 3 : i32
      %add3A_588 = vector.broadcast %add3A_587 : i32 to vector<16xi32>
      %add3A_589 = arith.addi %mul3A_5, %add3A_588 : vector<16xi32>
      %gather3A_590 = tpu.vector_load_idx %arg14[%add3A_589] : memref<256xf32, #tpu.memory_space<vmem>>[vector<16xi32>], vector<16xf32>,
      %add3A_591 = arith.addf %add3A_586, %gather3A_590 : vector<16xf32>
      %add3A_592 = arith.constant 4 : i32
      %add3A_593 = vector.broadcast %add3A_592 : i32 to vector<16xi32>
      %add3A_594 = arith.addi %mul3A_5, %add3A_593 : vector<16xi32>
      %gather3A_595 = tpu.vector_load_idx %arg14[%add3A_594] : memref<256xf32, #tpu.memory_space<vmem>>[vector<16xi32>], vector<16xf32>,
      %add3A_596 = arith.addf %add3A_591, %gather3A_595 : vector<16xf32>
      %add3A_597 = arith.constant 5 : i32
      %add3A_598 = vector.broadcast %add3A_597 : i32 to vector<16xi32>
      %add3A_599 = arith.addi %mul3A_5, %add3A_598 : vector<16xi32>
      %gather3A_600 = tpu.vector_load_idx %arg14[%add3A_599] : memref<256xf32, #tpu.memory_space<vmem>>[vector<16xi32>], vector<16xf32>,
      %add3A_601 = arith.addf %add3A_596, %gather3A_600 : vector<16xf32>
      %add3A_602 = arith.constant 6 : i32
      %add3A_603 = vector.broadcast %add3A_602 : i32 to vector<16xi32>
      %add3A_604 = arith.addi %mul3A_5, %add3A_603 : vector<16xi32>
      %gather3A_605 = tpu.vector_load_idx %arg14[%add3A_604] : memref<256xf32, #tpu.memory_space<vmem>>[vector<16xi32>], vector<16xf32>,
      %add3A_606 = arith.addf %add3A_601, %gather3A_605 : vector<16xf32>
      %add3A_607 = arith.constant 7 : i32
      %add3A_608 = vector.broadcast %add3A_607 : i32 to vector<16xi32>
      %add3A_609 = arith.addi %mul3A_5, %add3A_608 : vector<16xi32>
      %gather3A_610 = tpu.vector_load_idx %arg14[%add3A_609] : memref<256xf32, #tpu.memory_space<vmem>>[vector<16xi32>], vector<16xf32>,
      %add3A_611 = arith.addf %add3A_606, %gather3A_610 : vector<16xf32>
      %add3A_612 = arith.constant 8 : i32
      %add3A_613 = vector.broadcast %add3A_612 : i32 to vector<16xi32>
      %add3A_614 = arith.addi %mul3A_5, %add3A_613 : vector<16xi32>
      %gather3A_615 = tpu.vector_load_idx %arg14[%add3A_614] : memref<256xf32, #tpu.memory_space<vmem>>[vector<16xi32>], vector<16xf32>,
      %add3A_616 = arith.addf %add3A_611, %gather3A_615 : vector<16xf32>
      %add3A_617 = arith.constant 9 : i32
      %add3A_618 = vector.broadcast %add3A_617 : i32 to vector<16xi32>
      %add3A_619 = arith.addi %mul3A_5, %add3A_618 : vector<16xi32>
      %gather3A_620 = tpu.vector_load_idx %arg14[%add3A_619] : memref<256xf32, #tpu.memory_space<vmem>>[vector<16xi32>], vector<16xf32>,
      %add3A_621 = arith.addf %add3A_616, %gather3A_620 : vector<16xf32>
      %add3A_622 = arith.constant 10 : i32
      %add3A_623 = vector.broadcast %add3A_622 : i32 to vector<16xi32>
      %add3A_624 = arith.addi %mul3A_5, %add3A_623 : vector<16xi32>
      %gather3A_625 = tpu.vector_load_idx %arg14[%add3A_624] : memref<256xf32, #tpu.memory_space<vmem>>[vector<16xi32>], vector<16xf32>,
      %add3A_626 = arith.addf %add3A_621, %gather3A_625 : vector<16xf32>
      %add3A_627 = arith.constant 11 : i32
      %add3A_628 = vector.broadcast %add3A_627 : i32 to vector<16xi32>
      %add3A_629 = arith.addi %mul3A_5, %add3A_628 : vector<16xi32>
      %gather3A_630 = tpu.vector_load_idx %arg14[%add3A_629] : memref<256xf32, #tpu.memory_space<vmem>>[vector<16xi32>], vector<16xf32>,
      %add3A_631 = arith.addf %add3A_626, %gather3A_630 : vector<16xf32>
      %add3A_632 = arith.constant 12 : i32
      %add3A_633 = vector.broadcast %add3A_632 : i32 to vector<16xi32>
      %add3A_634 = arith.addi %mul3A_5, %add3A_633 : vector<16xi32>
      %gather3A_635 = tpu.vector_load_idx %arg14[%add3A_634] : memref<256xf32, #tpu.memory_space<vmem>>[vector<16xi32>], vector<16xf32>,
      %add3A_636 = arith.addf %add3A_631, %gather3A_635 : vector<16xf32>
      %add3A_637 = arith.constant 13 : i32
      %add3A_638 = vector.broadcast %add3A_637 : i32 to vector<16xi32>
      %add3A_639 = arith.addi %mul3A_5, %add3A_638 : vector<16xi32>
      %gather3A_640 = tpu.vector_load_idx %arg14[%add3A_639] : memref<256xf32, #tpu.memory_space<vmem>>[vector<16xi32>], vector<16xf32>,
      %add3A_641 = arith.addf %add3A_636, %gather3A_640 : vector<16xf32>
      %add3A_642 = arith.constant 14 : i32
      %add3A_643 = vector.broadcast %add3A_642 : i32 to vector<16xi32>
      %add3A_644 = arith.addi %mul3A_5, %add3A_643 : vector<16xi32>
      %gather3A_645 = tpu.vector_load_idx %arg14[%add3A_644] : memref<256xf32, #tpu.memory_space<vmem>>[vector<16xi32>], vector<16xf32>,
      %add3A_646 = arith.addf %add3A_641, %gather3A_645 : vector<16xf32>
      %add3A_647 = arith.constant 15 : i32
      %add3A_648 = vector.broadcast %add3A_647 : i32 to vector<16xi32>
      %add3A_649 = arith.addi %mul3A_5, %add3A_648 : vector<16xi32>
      %gather3A_650 = tpu.vector_load_idx %arg14[%add3A_649] : memref<256xf32, #tpu.memory_space<vmem>>[vector<16xi32>], vector<16xf32>,
      %add3A_651 = arith.addf %add3A_646, %gather3A_650 : vector<16xf32>
      %bitcast_convert_type3A = tpu.bitcast %add3A_651 : vector<16xf32> -> vector<16xi32>
      %shift_right_arithmetic3A = arith.constant 1 : i32
      %shift_right_arithmetic3A_652 = vector.broadcast %shift_right_arithmetic3A : i32 to vector<16xi32>
      %shift_right_arithmetic3A_653 = arith.shrsi %bitcast_convert_type3A, %shift_right_arithmetic3A_652 : vector<16xi32>
      %sub3A = arith.constant 1597463007 : i32
      %sub3A_654 = vector.broadcast %sub3A : i32 to vector<16xi32>
      %sub3A_655 = arith.subi %sub3A_654, %shift_right_arithmetic3A_653 : vector<16xi32>
      %bitcast_convert_type3A_656 = tpu.bitcast %sub3A_655 : vector<16xi32> -> vector<16xf32>
      %mul3A_657 = arith.constant 5.000000e-01 : f32
      %mul3A_658 = vector.broadcast %mul3A_657 : f32 to vector<16xf32>
      %mul3A_659 = arith.mulf %mul3A_658, %add3A_651 : vector<16xf32>
      %mul3A_660 = arith.mulf %mul3A_659, %bitcast_convert_type3A_656 : vector<16xf32>
      %mul3A_661 = arith.mulf %mul3A_660, %bitcast_convert_type3A_656 : vector<16xf32>
      %sub3A_662 = arith.constant 1.500000e+00 : f32
      %sub3A_663 = vector.broadcast %sub3A_662 : f32 to vector<16xf32>
      %sub3A_664 = arith.subf %sub3A_663, %mul3A_661 : vector<16xf32>
      %mul3A_665 = arith.mulf %bitcast_convert_type3A_656, %sub3A_664 : vector<16xf32>
      %mul3A_666 = arith.constant 5.000000e-01 : f32
      %mul3A_667 = vector.broadcast %mul3A_666 : f32 to vector<16xf32>
      %mul3A_668 = arith.mulf %mul3A_667, %add3A_651 : vector<16xf32>
      %mul3A_669 = arith.mulf %mul3A_668, %mul3A_665 : vector<16xf32>
      %mul3A_670 = arith.mulf %mul3A_669, %mul3A_665 : vector<16xf32>
      %sub3A_671 = arith.constant 1.500000e+00 : f32
      %sub3A_672 = vector.broadcast %sub3A_671 : f32 to vector<16xf32>
      %sub3A_673 = arith.subf %sub3A_672, %mul3A_670 : vector<16xf32>
      %mul3A_674 = arith.mulf %mul3A_665, %sub3A_673 : vector<16xf32>
      %mul3A_675 = arith.constant 5.000000e-01 : f32
      %mul3A_676 = vector.broadcast %mul3A_675 : f32 to vector<16xf32>
      %mul3A_677 = arith.mulf %mul3A_676, %add3A_651 : vector<16xf32>
      %mul3A_678 = arith.mulf %mul3A_677, %mul3A_674 : vector<16xf32>
      %mul3A_679 = arith.mulf %mul3A_678, %mul3A_674 : vector<16xf32>
      %sub3A_680 = arith.constant 1.500000e+00 : f32
      %sub3A_681 = vector.broadcast %sub3A_680 : f32 to vector<16xf32>
      %sub3A_682 = arith.subf %sub3A_681, %mul3A_679 : vector<16xf32>
      %mul3A_683 = arith.mulf %mul3A_674, %sub3A_682 : vector<16xf32>
      %mul3A_684 = arith.mulf %add3A_651, %mul3A_683 : vector<16xf32>
      %gt3A = arith.constant 0.000000e+00 : f32
      %gt3A_685 = vector.broadcast %gt3A : f32 to vector<16xf32>
      %gt3A_686 = arith.cmpf ogt, %add3A_651, %gt3A_685 : vector<16xf32>
      %jit3A = arith.constant 0.000000e+00 : f32
      %broadcast_in_dim3A = vector.broadcast %jit3A : f32 to vector<16xf32>
      %select_n3A = arith.select %gt3A_686, %mul3A_684, %broadcast_in_dim3A : vector<16xi1>, vector<16xf32>
      %add3A_687 = arith.constant 128 : i32
      %add3A_688 = arith.addi %add3A_687, %mul3A_566 : i32
      %swap3A = arith.index_cast %add3A_688 : i32 to index
      %swap3A_689 = tpu.vector_load %arg15[%swap3A] {strides = array<i32>} : memref<1024xf32, #tpu.memory_space<vmem>>, vector<16xf32>,
      tpu.vector_store %arg15[%swap3A], %select_n3A {strides = array<i32>} : memref<1024xf32, #tpu.memory_space<vmem>>, vector<16xf32>,
      %scan3A_690 = arith.constant 0 : i32
      scf.yield %scan3A_690 : i32
    }
    %scan3A_172 = arith.constant 8 : i32
    %dma_wait3A_173 = arith.constant 0 : i32
    %dma_wait3A_174 = arith.constant 0 : i32
    %dma_wait3A_175 = arith.constant 0 : i32
    %dma_wait3A_176 = tpu.memref_slice %arg11[%dma_wait3A_173, %dma_wait3A_174, %dma_wait3A_175] : memref<2x128x64xf32, #tpu.memory_space<vmem>> -> memref<1x128x64xf32, #tpu.memory_space<vmem>>
    %dma_wait3A_177 = tpu.memref_squeeze %dma_wait3A_176 : memref<1x128x64xf32, #tpu.memory_space<vmem>> -> memref<128x64xf32, #tpu.memory_space<vmem>>
    %dma_wait3A_178 = arith.constant 256 : i32
    %dma_wait3A_179 = tpu.memref_slice %arg8[%dma_wait3A_178] : memref<1024xi32, #tpu.memory_space<vmem>> -> memref<128xi32, #tpu.memory_space<vmem>>
    %dma_wait3A_180 = arith.constant 0 : i32
    %dma_wait3A_181 = arith.constant 0 : i32
    %dma_wait3A_182 = tpu.memref_slice %arg5[%dma_wait3A_180, %dma_wait3A_181] : memref<1000000x64xf32, #tpu.memory_space<hbm>> -> memref<1000000x64xf32, #tpu.memory_space<hbm>>
    tpu.wait_indirect_dma semaphore(%arg16 : memref<!tpu.dma_semaphore, #tpu.memory_space<semaphore_mem>>) src(%dma_wait3A_182 : memref<1000000x64xf32, #tpu.memory_space<hbm>>) dst(%dma_wait3A_177 : memref<128x64xf32, #tpu.memory_space<vmem>>)
    %dma_wait3A_183 = arith.constant 0 : i32
    %dma_wait3A_184 = arith.constant 0 : i32
    %dma_wait3A_185 = arith.constant 0 : i32
    %dma_wait3A_186 = tpu.memref_slice %arg12[%dma_wait3A_183, %dma_wait3A_184, %dma_wait3A_185] : memref<2x128x64xf32, #tpu.memory_space<vmem>> -> memref<1x128x64xf32, #tpu.memory_space<vmem>>
    %dma_wait3A_187 = tpu.memref_squeeze %dma_wait3A_186 : memref<1x128x64xf32, #tpu.memory_space<vmem>> -> memref<128x64xf32, #tpu.memory_space<vmem>>
    %dma_wait3A_188 = arith.constant 256 : i32
    %dma_wait3A_189 = tpu.memref_slice %arg10[%dma_wait3A_188] : memref<1024xi32, #tpu.memory_space<vmem>> -> memref<128xi32, #tpu.memory_space<vmem>>
    %dma_wait3A_190 = arith.constant 0 : i32
    %dma_wait3A_191 = arith.constant 0 : i32
    %dma_wait3A_192 = tpu.memref_slice %arg5[%dma_wait3A_190, %dma_wait3A_191] : memref<1000000x64xf32, #tpu.memory_space<hbm>> -> memref<1000000x64xf32, #tpu.memory_space<hbm>>
    tpu.wait_indirect_dma semaphore(%arg17 : memref<!tpu.dma_semaphore, #tpu.memory_space<semaphore_mem>>) src(%dma_wait3A_192 : memref<1000000x64xf32, #tpu.memory_space<hbm>>) dst(%dma_wait3A_187 : memref<128x64xf32, #tpu.memory_space<vmem>>)
    %dma_wait3A_193 = arith.constant 0 : i32
    %dma_wait3A_194 = arith.constant 0 : i32
    %dma_wait3A_195 = arith.constant 0 : i32
    %dma_wait3A_196 = tpu.memref_slice %arg13[%dma_wait3A_193, %dma_wait3A_194, %dma_wait3A_195] : memref<2x128x128xf32, #tpu.memory_space<vmem>> -> memref<1x128x128xf32, #tpu.memory_space<vmem>>
    %dma_wait3A_197 = tpu.memref_squeeze %dma_wait3A_196 : memref<1x128x128xf32, #tpu.memory_space<vmem>> -> memref<128x128xf32, #tpu.memory_space<vmem>>
    %dma_wait3A_198 = arith.constant 256 : i32
    %dma_wait3A_199 = tpu.memref_slice %arg9[%dma_wait3A_198] : memref<1024xi32, #tpu.memory_space<vmem>> -> memref<128xi32, #tpu.memory_space<vmem>>
    %dma_wait3A_200 = arith.constant 0 : i32
    %dma_wait3A_201 = arith.constant 0 : i32
    %dma_wait3A_202 = tpu.memref_slice %arg6[%dma_wait3A_200, %dma_wait3A_201] : memref<1000000x128xf32, #tpu.memory_space<hbm>> -> memref<1000000x128xf32, #tpu.memory_space<hbm>>
    tpu.wait_indirect_dma semaphore(%arg18 : memref<!tpu.dma_semaphore, #tpu.memory_space<semaphore_mem>>) src(%dma_wait3A_202 : memref<1000000x128xf32, #tpu.memory_space<hbm>>) dst(%dma_wait3A_197 : memref<128x128xf32, #tpu.memory_space<vmem>>)
    %dma_start3A_203 = arith.constant 1 : i32
    %dma_start3A_204 = arith.constant 0 : i32
    %dma_start3A_205 = arith.constant 0 : i32
    %dma_start3A_206 = tpu.memref_slice %arg11[%dma_start3A_203, %dma_start3A_204, %dma_start3A_205] : memref<2x128x64xf32, #tpu.memory_space<vmem>> -> memref<1x128x64xf32, #tpu.memory_space<vmem>>
    %dma_start3A_207 = tpu.memref_squeeze %dma_start3A_206 : memref<1x128x64xf32, #tpu.memory_space<vmem>> -> memref<128x64xf32, #tpu.memory_space<vmem>>
    %dma_start3A_208 = arith.constant 384 : i32
    %dma_start3A_209 = tpu.memref_slice %arg8[%dma_start3A_208] : memref<1024xi32, #tpu.memory_space<vmem>> -> memref<128xi32, #tpu.memory_space<vmem>>
    %dma_start3A_210 = arith.constant 0 : i32
    %dma_start3A_211 = arith.constant 0 : i32
    %dma_start3A_212 = tpu.memref_slice %arg5[%dma_start3A_210, %dma_start3A_211] : memref<1000000x64xf32, #tpu.memory_space<hbm>> -> memref<1000000x64xf32, #tpu.memory_space<hbm>>
    tpu.enqueue_indirect_dma source(%dma_start3A_212 : memref<1000000x64xf32, #tpu.memory_space<hbm>>) target(%dma_start3A_207 : memref<128x64xf32, #tpu.memory_space<vmem>>) offsets(%dma_start3A_209 : memref<128xi32, #tpu.memory_space<vmem>>) semaphore(%arg19 : memref<!tpu.dma_semaphore, #tpu.memory_space<semaphore_mem>>)
    %dma_start3A_213 = arith.constant 1 : i32
    %dma_start3A_214 = arith.constant 0 : i32
    %dma_start3A_215 = arith.constant 0 : i32
    %dma_start3A_216 = tpu.memref_slice %arg12[%dma_start3A_213, %dma_start3A_214, %dma_start3A_215] : memref<2x128x64xf32, #tpu.memory_space<vmem>> -> memref<1x128x64xf32, #tpu.memory_space<vmem>>
    %dma_start3A_217 = tpu.memref_squeeze %dma_start3A_216 : memref<1x128x64xf32, #tpu.memory_space<vmem>> -> memref<128x64xf32, #tpu.memory_space<vmem>>
    %dma_start3A_218 = arith.constant 384 : i32
    %dma_start3A_219 = tpu.memref_slice %arg10[%dma_start3A_218] : memref<1024xi32, #tpu.memory_space<vmem>> -> memref<128xi32, #tpu.memory_space<vmem>>
    %dma_start3A_220 = arith.constant 0 : i32
    %dma_start3A_221 = arith.constant 0 : i32
    %dma_start3A_222 = tpu.memref_slice %arg5[%dma_start3A_220, %dma_start3A_221] : memref<1000000x64xf32, #tpu.memory_space<hbm>> -> memref<1000000x64xf32, #tpu.memory_space<hbm>>
    tpu.enqueue_indirect_dma source(%dma_start3A_222 : memref<1000000x64xf32, #tpu.memory_space<hbm>>) target(%dma_start3A_217 : memref<128x64xf32, #tpu.memory_space<vmem>>) offsets(%dma_start3A_219 : memref<128xi32, #tpu.memory_space<vmem>>) semaphore(%arg20 : memref<!tpu.dma_semaphore, #tpu.memory_space<semaphore_mem>>)
    %dma_start3A_223 = arith.constant 1 : i32
    %dma_start3A_224 = arith.constant 0 : i32
    %dma_start3A_225 = arith.constant 0 : i32
    %dma_start3A_226 = tpu.memref_slice %arg13[%dma_start3A_223, %dma_start3A_224, %dma_start3A_225] : memref<2x128x128xf32, #tpu.memory_space<vmem>> -> memref<1x128x128xf32, #tpu.memory_space<vmem>>
    %dma_start3A_227 = tpu.memref_squeeze %dma_start3A_226 : memref<1x128x128xf32, #tpu.memory_space<vmem>> -> memref<128x128xf32, #tpu.memory_space<vmem>>
    %dma_start3A_228 = arith.constant 384 : i32
    %dma_start3A_229 = tpu.memref_slice %arg9[%dma_start3A_228] : memref<1024xi32, #tpu.memory_space<vmem>> -> memref<128xi32, #tpu.memory_space<vmem>>
    %dma_start3A_230 = arith.constant 0 : i32
    %dma_start3A_231 = arith.constant 0 : i32
    %dma_start3A_232 = tpu.memref_slice %arg6[%dma_start3A_230, %dma_start3A_231] : memref<1000000x128xf32, #tpu.memory_space<hbm>> -> memref<1000000x128xf32, #tpu.memory_space<hbm>>
    tpu.enqueue_indirect_dma source(%dma_start3A_232 : memref<1000000x128xf32, #tpu.memory_space<hbm>>) target(%dma_start3A_227 : memref<128x128xf32, #tpu.memory_space<vmem>>) offsets(%dma_start3A_229 : memref<128xi32, #tpu.memory_space<vmem>>) semaphore(%arg21 : memref<!tpu.dma_semaphore, #tpu.memory_space<semaphore_mem>>)
    %scan3A_233 = arith.constant 0 : i32
    %scan3A_234 = arith.constant 0 : i32
    %scan3A_235 = arith.constant 0 : i32
    %scan3A_236 = arith.constant 0 : i32
    %scan3A_237 = arith.constant 0 : i32
    %scan3A_238 = arith.constant 8 : i32
    %scan3A_239 = arith.addi %scan3A_237, %scan3A_238 : i32
    %scan3A_240 = arith.constant 1 : i32
    %scan3A_241 = scf.for %scan3A_563 = %scan3A_237 to %scan3A_239 step %scan3A_240 iter_args(%scan3A_564 = %scan3A_236) -> (i32)  : i32 {
      %mul3A_565 = arith.constant 16 : i32
      %mul3A_566 = arith.muli %scan3A_563, %mul3A_565 : i32
      %scan3A_567 = arith.constant 0 : i32
      %scan3A_568 = arith.constant 0 : i32
      %scan3A_569 = arith.constant 16 : i32
      %scan3A_570 = arith.addi %scan3A_568, %scan3A_569 : i32
      %scan3A_571 = arith.constant 1 : i32
      %scan3A_572 = scf.for %scan3A_691 = %scan3A_568 to %scan3A_570 step %scan3A_571 iter_args(%scan3A_692 = %scan3A_567) -> (i32)  : i32 {
        %add3A_693 = arith.addi %mul3A_566, %scan3A_691 : i32
        %get3A = arith.constant 0 : i32
        %get3A_694 = arith.constant 0 : i32
        %get3A_695 = tpu.memref_slice %arg11[%scan3A_233, %get3A, %get3A_694] : memref<2x128x64xf32, #tpu.memory_space<vmem>> -> memref<1x128x64xf32, #tpu.memory_space<vmem>>
        %get3A_696 = tpu.memref_squeeze %get3A_695 : memref<1x128x64xf32, #tpu.memory_space<vmem>> -> memref<128x64xf32, #tpu.memory_space<vmem>>
        %get3A_697 = arith.index_cast %add3A_693 : i32 to index
        %get3A_698 = arith.constant 0 : index
        %get3A_699 = tpu.vector_load %get3A_696[%get3A_697, %get3A_698] {strides = array<i32>} : memref<128x64xf32, #tpu.memory_space<vmem>>, vector<16xf32>,
        %get3A_700 = arith.constant 0 : i32
        %get3A_701 = arith.constant 0 : i32
        %get3A_702 = tpu.memref_slice %arg12[%scan3A_234, %get3A_700, %get3A_701] : memref<2x128x64xf32, #tpu.memory_space<vmem>> -> memref<1x128x64xf32, #tpu.memory_space<vmem>>
        %get3A_703 = tpu.memref_squeeze %get3A_702 : memref<1x128x64xf32, #tpu.memory_space<vmem>> -> memref<128x64xf32, #tpu.memory_space<vmem>>
        %get3A_704 = arith.index_cast %add3A_693 : i32 to index
        %get3A_705 = arith.constant 0 : index
        %get3A_706 = tpu.vector_load %get3A_703[%get3A_704, %get3A_705] {strides = array<i32>} : memref<128x64xf32, #tpu.memory_space<vmem>>, vector<16xf32>,
        %get3A_707 = arith.constant 0 : i32
        %get3A_708 = arith.constant 0 : i32
        %get3A_709 = tpu.memref_slice %arg13[%scan3A_235, %get3A_707, %get3A_708] : memref<2x128x128xf32, #tpu.memory_space<vmem>> -> memref<1x128x128xf32, #tpu.memory_space<vmem>>
        %get3A_710 = tpu.memref_squeeze %get3A_709 : memref<1x128x128xf32, #tpu.memory_space<vmem>> -> memref<128x128xf32, #tpu.memory_space<vmem>>
        %get3A_711 = arith.index_cast %add3A_693 : i32 to index
        %get3A_712 = arith.constant 0 : index
        %get3A_713 = tpu.vector_load %get3A_710[%get3A_711, %get3A_712] {strides = array<i32>} : memref<128x128xf32, #tpu.memory_space<vmem>>, vector<16xf32>,
        %get3A_714 = arith.constant 0 : i32
        %get3A_715 = arith.constant 0 : i32
        %get3A_716 = tpu.memref_slice %arg13[%scan3A_235, %get3A_714, %get3A_715] : memref<2x128x128xf32, #tpu.memory_space<vmem>> -> memref<1x128x128xf32, #tpu.memory_space<vmem>>
        %get3A_717 = tpu.memref_squeeze %get3A_716 : memref<1x128x128xf32, #tpu.memory_space<vmem>> -> memref<128x128xf32, #tpu.memory_space<vmem>>
        %get3A_718 = arith.index_cast %add3A_693 : i32 to index
        %get3A_719 = arith.constant 64 : index
        %get3A_720 = tpu.vector_load %get3A_717[%get3A_718, %get3A_719] {strides = array<i32>} : memref<128x128xf32, #tpu.memory_space<vmem>>, vector<16xf32>,
        %sub3A_721 = arith.subf %get3A_699, %get3A_706 : vector<16xf32>
        %add3A_722 = arith.addf %sub3A_721, %get3A_713 : vector<16xf32>
        %add3A_723 = arith.addf %add3A_722, %get3A_720 : vector<16xf32>
        %mul3A_724 = arith.mulf %add3A_723, %add3A_723 : vector<16xf32>
        %get3A_725 = arith.constant 0 : i32
        %get3A_726 = arith.constant 0 : i32
        %get3A_727 = tpu.memref_slice %arg11[%scan3A_233, %get3A_725, %get3A_726] : memref<2x128x64xf32, #tpu.memory_space<vmem>> -> memref<1x128x64xf32, #tpu.memory_space<vmem>>
        %get3A_728 = tpu.memref_squeeze %get3A_727 : memref<1x128x64xf32, #tpu.memory_space<vmem>> -> memref<128x64xf32, #tpu.memory_space<vmem>>
        %get3A_729 = arith.index_cast %add3A_693 : i32 to index
        %get3A_730 = arith.constant 16 : index
        %get3A_731 = tpu.vector_load %get3A_728[%get3A_729, %get3A_730] {strides = array<i32>} : memref<128x64xf32, #tpu.memory_space<vmem>>, vector<16xf32>,
        %get3A_732 = arith.constant 0 : i32
        %get3A_733 = arith.constant 0 : i32
        %get3A_734 = tpu.memref_slice %arg12[%scan3A_234, %get3A_732, %get3A_733] : memref<2x128x64xf32, #tpu.memory_space<vmem>> -> memref<1x128x64xf32, #tpu.memory_space<vmem>>
        %get3A_735 = tpu.memref_squeeze %get3A_734 : memref<1x128x64xf32, #tpu.memory_space<vmem>> -> memref<128x64xf32, #tpu.memory_space<vmem>>
        %get3A_736 = arith.index_cast %add3A_693 : i32 to index
        %get3A_737 = arith.constant 16 : index
        %get3A_738 = tpu.vector_load %get3A_735[%get3A_736, %get3A_737] {strides = array<i32>} : memref<128x64xf32, #tpu.memory_space<vmem>>, vector<16xf32>,
        %get3A_739 = arith.constant 0 : i32
        %get3A_740 = arith.constant 0 : i32
        %get3A_741 = tpu.memref_slice %arg13[%scan3A_235, %get3A_739, %get3A_740] : memref<2x128x128xf32, #tpu.memory_space<vmem>> -> memref<1x128x128xf32, #tpu.memory_space<vmem>>
        %get3A_742 = tpu.memref_squeeze %get3A_741 : memref<1x128x128xf32, #tpu.memory_space<vmem>> -> memref<128x128xf32, #tpu.memory_space<vmem>>
        %get3A_743 = arith.index_cast %add3A_693 : i32 to index
        %get3A_744 = arith.constant 16 : index
        %get3A_745 = tpu.vector_load %get3A_742[%get3A_743, %get3A_744] {strides = array<i32>} : memref<128x128xf32, #tpu.memory_space<vmem>>, vector<16xf32>,
        %get3A_746 = arith.constant 0 : i32
        %get3A_747 = arith.constant 0 : i32
        %get3A_748 = tpu.memref_slice %arg13[%scan3A_235, %get3A_746, %get3A_747] : memref<2x128x128xf32, #tpu.memory_space<vmem>> -> memref<1x128x128xf32, #tpu.memory_space<vmem>>
        %get3A_749 = tpu.memref_squeeze %get3A_748 : memref<1x128x128xf32, #tpu.memory_space<vmem>> -> memref<128x128xf32, #tpu.memory_space<vmem>>
        %get3A_750 = arith.index_cast %add3A_693 : i32 to index
        %get3A_751 = arith.constant 80 : index
        %get3A_752 = tpu.vector_load %get3A_749[%get3A_750, %get3A_751] {strides = array<i32>} : memref<128x128xf32, #tpu.memory_space<vmem>>, vector<16xf32>,
        %sub3A_753 = arith.subf %get3A_731, %get3A_738 : vector<16xf32>
        %add3A_754 = arith.addf %sub3A_753, %get3A_745 : vector<16xf32>
        %add3A_755 = arith.addf %add3A_754, %get3A_752 : vector<16xf32>
        %mul3A_756 = arith.mulf %add3A_755, %add3A_755 : vector<16xf32>
        %add3A_757 = arith.addf %mul3A_724, %mul3A_756 : vector<16xf32>
        %get3A_758 = arith.constant 0 : i32
        %get3A_759 = arith.constant 0 : i32
        %get3A_760 = tpu.memref_slice %arg11[%scan3A_233, %get3A_758, %get3A_759] : memref<2x128x64xf32, #tpu.memory_space<vmem>> -> memref<1x128x64xf32, #tpu.memory_space<vmem>>
        %get3A_761 = tpu.memref_squeeze %get3A_760 : memref<1x128x64xf32, #tpu.memory_space<vmem>> -> memref<128x64xf32, #tpu.memory_space<vmem>>
        %get3A_762 = arith.index_cast %add3A_693 : i32 to index
        %get3A_763 = arith.constant 32 : index
        %get3A_764 = tpu.vector_load %get3A_761[%get3A_762, %get3A_763] {strides = array<i32>} : memref<128x64xf32, #tpu.memory_space<vmem>>, vector<16xf32>,
        %get3A_765 = arith.constant 0 : i32
        %get3A_766 = arith.constant 0 : i32
        %get3A_767 = tpu.memref_slice %arg12[%scan3A_234, %get3A_765, %get3A_766] : memref<2x128x64xf32, #tpu.memory_space<vmem>> -> memref<1x128x64xf32, #tpu.memory_space<vmem>>
        %get3A_768 = tpu.memref_squeeze %get3A_767 : memref<1x128x64xf32, #tpu.memory_space<vmem>> -> memref<128x64xf32, #tpu.memory_space<vmem>>
        %get3A_769 = arith.index_cast %add3A_693 : i32 to index
        %get3A_770 = arith.constant 32 : index
        %get3A_771 = tpu.vector_load %get3A_768[%get3A_769, %get3A_770] {strides = array<i32>} : memref<128x64xf32, #tpu.memory_space<vmem>>, vector<16xf32>,
        %get3A_772 = arith.constant 0 : i32
        %get3A_773 = arith.constant 0 : i32
        %get3A_774 = tpu.memref_slice %arg13[%scan3A_235, %get3A_772, %get3A_773] : memref<2x128x128xf32, #tpu.memory_space<vmem>> -> memref<1x128x128xf32, #tpu.memory_space<vmem>>
        %get3A_775 = tpu.memref_squeeze %get3A_774 : memref<1x128x128xf32, #tpu.memory_space<vmem>> -> memref<128x128xf32, #tpu.memory_space<vmem>>
        %get3A_776 = arith.index_cast %add3A_693 : i32 to index
        %get3A_777 = arith.constant 32 : index
        %get3A_778 = tpu.vector_load %get3A_775[%get3A_776, %get3A_777] {strides = array<i32>} : memref<128x128xf32, #tpu.memory_space<vmem>>, vector<16xf32>,
        %get3A_779 = arith.constant 0 : i32
        %get3A_780 = arith.constant 0 : i32
        %get3A_781 = tpu.memref_slice %arg13[%scan3A_235, %get3A_779, %get3A_780] : memref<2x128x128xf32, #tpu.memory_space<vmem>> -> memref<1x128x128xf32, #tpu.memory_space<vmem>>
        %get3A_782 = tpu.memref_squeeze %get3A_781 : memref<1x128x128xf32, #tpu.memory_space<vmem>> -> memref<128x128xf32, #tpu.memory_space<vmem>>
        %get3A_783 = arith.index_cast %add3A_693 : i32 to index
        %get3A_784 = arith.constant 96 : index
        %get3A_785 = tpu.vector_load %get3A_782[%get3A_783, %get3A_784] {strides = array<i32>} : memref<128x128xf32, #tpu.memory_space<vmem>>, vector<16xf32>,
        %sub3A_786 = arith.subf %get3A_764, %get3A_771 : vector<16xf32>
        %add3A_787 = arith.addf %sub3A_786, %get3A_778 : vector<16xf32>
        %add3A_788 = arith.addf %add3A_787, %get3A_785 : vector<16xf32>
        %mul3A_789 = arith.mulf %add3A_788, %add3A_788 : vector<16xf32>
        %add3A_790 = arith.addf %add3A_757, %mul3A_789 : vector<16xf32>
        %get3A_791 = arith.constant 0 : i32
        %get3A_792 = arith.constant 0 : i32
        %get3A_793 = tpu.memref_slice %arg11[%scan3A_233, %get3A_791, %get3A_792] : memref<2x128x64xf32, #tpu.memory_space<vmem>> -> memref<1x128x64xf32, #tpu.memory_space<vmem>>
        %get3A_794 = tpu.memref_squeeze %get3A_793 : memref<1x128x64xf32, #tpu.memory_space<vmem>> -> memref<128x64xf32, #tpu.memory_space<vmem>>
        %get3A_795 = arith.index_cast %add3A_693 : i32 to index
        %get3A_796 = arith.constant 48 : index
        %get3A_797 = tpu.vector_load %get3A_794[%get3A_795, %get3A_796] {strides = array<i32>} : memref<128x64xf32, #tpu.memory_space<vmem>>, vector<16xf32>,
        %get3A_798 = arith.constant 0 : i32
        %get3A_799 = arith.constant 0 : i32
        %get3A_800 = tpu.memref_slice %arg12[%scan3A_234, %get3A_798, %get3A_799] : memref<2x128x64xf32, #tpu.memory_space<vmem>> -> memref<1x128x64xf32, #tpu.memory_space<vmem>>
        %get3A_801 = tpu.memref_squeeze %get3A_800 : memref<1x128x64xf32, #tpu.memory_space<vmem>> -> memref<128x64xf32, #tpu.memory_space<vmem>>
        %get3A_802 = arith.index_cast %add3A_693 : i32 to index
        %get3A_803 = arith.constant 48 : index
        %get3A_804 = tpu.vector_load %get3A_801[%get3A_802, %get3A_803] {strides = array<i32>} : memref<128x64xf32, #tpu.memory_space<vmem>>, vector<16xf32>,
        %get3A_805 = arith.constant 0 : i32
        %get3A_806 = arith.constant 0 : i32
        %get3A_807 = tpu.memref_slice %arg13[%scan3A_235, %get3A_805, %get3A_806] : memref<2x128x128xf32, #tpu.memory_space<vmem>> -> memref<1x128x128xf32, #tpu.memory_space<vmem>>
        %get3A_808 = tpu.memref_squeeze %get3A_807 : memref<1x128x128xf32, #tpu.memory_space<vmem>> -> memref<128x128xf32, #tpu.memory_space<vmem>>
        %get3A_809 = arith.index_cast %add3A_693 : i32 to index
        %get3A_810 = arith.constant 48 : index
        %get3A_811 = tpu.vector_load %get3A_808[%get3A_809, %get3A_810] {strides = array<i32>} : memref<128x128xf32, #tpu.memory_space<vmem>>, vector<16xf32>,
        %get3A_812 = arith.constant 0 : i32
        %get3A_813 = arith.constant 0 : i32
        %get3A_814 = tpu.memref_slice %arg13[%scan3A_235, %get3A_812, %get3A_813] : memref<2x128x128xf32, #tpu.memory_space<vmem>> -> memref<1x128x128xf32, #tpu.memory_space<vmem>>
        %get3A_815 = tpu.memref_squeeze %get3A_814 : memref<1x128x128xf32, #tpu.memory_space<vmem>> -> memref<128x128xf32, #tpu.memory_space<vmem>>
        %get3A_816 = arith.index_cast %add3A_693 : i32 to index
        %get3A_817 = arith.constant 112 : index
        %get3A_818 = tpu.vector_load %get3A_815[%get3A_816, %get3A_817] {strides = array<i32>} : memref<128x128xf32, #tpu.memory_space<vmem>>, vector<16xf32>,
        %sub3A_819 = arith.subf %get3A_797, %get3A_804 : vector<16xf32>
        %add3A_820 = arith.addf %sub3A_819, %get3A_811 : vector<16xf32>
        %add3A_821 = arith.addf %add3A_820, %get3A_818 : vector<16xf32>
        %mul3A_822 = arith.mulf %add3A_821, %add3A_821 : vector<16xf32>
        %add3A_823 = arith.addf %add3A_790, %mul3A_822 : vector<16xf32>
        %mul3A_824 = arith.constant 16 : i32
        %mul3A_825 = arith.muli %scan3A_691, %mul3A_824 : i32
        %swap3A_826 = arith.index_cast %mul3A_825 : i32 to index
        %swap3A_827 = tpu.vector_load %arg14[%swap3A_826] {strides = array<i32>} : memref<256xf32, #tpu.memory_space<vmem>>, vector<16xf32>,
        tpu.vector_store %arg14[%swap3A_826], %add3A_823 {strides = array<i32>} : memref<256xf32, #tpu.memory_space<vmem>>, vector<16xf32>,
        %scan3A_828 = arith.constant 0 : i32
        scf.yield %scan3A_828 : i32
      }
      %scan3A_573 = arith.constant 16 : i32
      %add3A_574 = arith.constant 0 : i32
      %add3A_575 = vector.broadcast %add3A_574 : i32 to vector<16xi32>
      %add3A_576 = arith.addi %mul3A_5, %add3A_575 : vector<16xi32>
      %gather3A = tpu.vector_load_idx %arg14[%add3A_576] : memref<256xf32, #tpu.memory_space<vmem>>[vector<16xi32>], vector<16xf32>,
      %add3A_577 = arith.constant 1 : i32
      %add3A_578 = vector.broadcast %add3A_577 : i32 to vector<16xi32>
      %add3A_579 = arith.addi %mul3A_5, %add3A_578 : vector<16xi32>
      %gather3A_580 = tpu.vector_load_idx %arg14[%add3A_579] : memref<256xf32, #tpu.memory_space<vmem>>[vector<16xi32>], vector<16xf32>,
      %add3A_581 = arith.addf %gather3A, %gather3A_580 : vector<16xf32>
      %add3A_582 = arith.constant 2 : i32
      %add3A_583 = vector.broadcast %add3A_582 : i32 to vector<16xi32>
      %add3A_584 = arith.addi %mul3A_5, %add3A_583 : vector<16xi32>
      %gather3A_585 = tpu.vector_load_idx %arg14[%add3A_584] : memref<256xf32, #tpu.memory_space<vmem>>[vector<16xi32>], vector<16xf32>,
      %add3A_586 = arith.addf %add3A_581, %gather3A_585 : vector<16xf32>
      %add3A_587 = arith.constant 3 : i32
      %add3A_588 = vector.broadcast %add3A_587 : i32 to vector<16xi32>
      %add3A_589 = arith.addi %mul3A_5, %add3A_588 : vector<16xi32>
      %gather3A_590 = tpu.vector_load_idx %arg14[%add3A_589] : memref<256xf32, #tpu.memory_space<vmem>>[vector<16xi32>], vector<16xf32>,
      %add3A_591 = arith.addf %add3A_586, %gather3A_590 : vector<16xf32>
      %add3A_592 = arith.constant 4 : i32
      %add3A_593 = vector.broadcast %add3A_592 : i32 to vector<16xi32>
      %add3A_594 = arith.addi %mul3A_5, %add3A_593 : vector<16xi32>
      %gather3A_595 = tpu.vector_load_idx %arg14[%add3A_594] : memref<256xf32, #tpu.memory_space<vmem>>[vector<16xi32>], vector<16xf32>,
      %add3A_596 = arith.addf %add3A_591, %gather3A_595 : vector<16xf32>
      %add3A_597 = arith.constant 5 : i32
      %add3A_598 = vector.broadcast %add3A_597 : i32 to vector<16xi32>
      %add3A_599 = arith.addi %mul3A_5, %add3A_598 : vector<16xi32>
      %gather3A_600 = tpu.vector_load_idx %arg14[%add3A_599] : memref<256xf32, #tpu.memory_space<vmem>>[vector<16xi32>], vector<16xf32>,
      %add3A_601 = arith.addf %add3A_596, %gather3A_600 : vector<16xf32>
      %add3A_602 = arith.constant 6 : i32
      %add3A_603 = vector.broadcast %add3A_602 : i32 to vector<16xi32>
      %add3A_604 = arith.addi %mul3A_5, %add3A_603 : vector<16xi32>
      %gather3A_605 = tpu.vector_load_idx %arg14[%add3A_604] : memref<256xf32, #tpu.memory_space<vmem>>[vector<16xi32>], vector<16xf32>,
      %add3A_606 = arith.addf %add3A_601, %gather3A_605 : vector<16xf32>
      %add3A_607 = arith.constant 7 : i32
      %add3A_608 = vector.broadcast %add3A_607 : i32 to vector<16xi32>
      %add3A_609 = arith.addi %mul3A_5, %add3A_608 : vector<16xi32>
      %gather3A_610 = tpu.vector_load_idx %arg14[%add3A_609] : memref<256xf32, #tpu.memory_space<vmem>>[vector<16xi32>], vector<16xf32>,
      %add3A_611 = arith.addf %add3A_606, %gather3A_610 : vector<16xf32>
      %add3A_612 = arith.constant 8 : i32
      %add3A_613 = vector.broadcast %add3A_612 : i32 to vector<16xi32>
      %add3A_614 = arith.addi %mul3A_5, %add3A_613 : vector<16xi32>
      %gather3A_615 = tpu.vector_load_idx %arg14[%add3A_614] : memref<256xf32, #tpu.memory_space<vmem>>[vector<16xi32>], vector<16xf32>,
      %add3A_616 = arith.addf %add3A_611, %gather3A_615 : vector<16xf32>
      %add3A_617 = arith.constant 9 : i32
      %add3A_618 = vector.broadcast %add3A_617 : i32 to vector<16xi32>
      %add3A_619 = arith.addi %mul3A_5, %add3A_618 : vector<16xi32>
      %gather3A_620 = tpu.vector_load_idx %arg14[%add3A_619] : memref<256xf32, #tpu.memory_space<vmem>>[vector<16xi32>], vector<16xf32>,
      %add3A_621 = arith.addf %add3A_616, %gather3A_620 : vector<16xf32>
      %add3A_622 = arith.constant 10 : i32
      %add3A_623 = vector.broadcast %add3A_622 : i32 to vector<16xi32>
      %add3A_624 = arith.addi %mul3A_5, %add3A_623 : vector<16xi32>
      %gather3A_625 = tpu.vector_load_idx %arg14[%add3A_624] : memref<256xf32, #tpu.memory_space<vmem>>[vector<16xi32>], vector<16xf32>,
      %add3A_626 = arith.addf %add3A_621, %gather3A_625 : vector<16xf32>
      %add3A_627 = arith.constant 11 : i32
      %add3A_628 = vector.broadcast %add3A_627 : i32 to vector<16xi32>
      %add3A_629 = arith.addi %mul3A_5, %add3A_628 : vector<16xi32>
      %gather3A_630 = tpu.vector_load_idx %arg14[%add3A_629] : memref<256xf32, #tpu.memory_space<vmem>>[vector<16xi32>], vector<16xf32>,
      %add3A_631 = arith.addf %add3A_626, %gather3A_630 : vector<16xf32>
      %add3A_632 = arith.constant 12 : i32
      %add3A_633 = vector.broadcast %add3A_632 : i32 to vector<16xi32>
      %add3A_634 = arith.addi %mul3A_5, %add3A_633 : vector<16xi32>
      %gather3A_635 = tpu.vector_load_idx %arg14[%add3A_634] : memref<256xf32, #tpu.memory_space<vmem>>[vector<16xi32>], vector<16xf32>,
      %add3A_636 = arith.addf %add3A_631, %gather3A_635 : vector<16xf32>
      %add3A_637 = arith.constant 13 : i32
      %add3A_638 = vector.broadcast %add3A_637 : i32 to vector<16xi32>
      %add3A_639 = arith.addi %mul3A_5, %add3A_638 : vector<16xi32>
      %gather3A_640 = tpu.vector_load_idx %arg14[%add3A_639] : memref<256xf32, #tpu.memory_space<vmem>>[vector<16xi32>], vector<16xf32>,
      %add3A_641 = arith.addf %add3A_636, %gather3A_640 : vector<16xf32>
      %add3A_642 = arith.constant 14 : i32
      %add3A_643 = vector.broadcast %add3A_642 : i32 to vector<16xi32>
      %add3A_644 = arith.addi %mul3A_5, %add3A_643 : vector<16xi32>
      %gather3A_645 = tpu.vector_load_idx %arg14[%add3A_644] : memref<256xf32, #tpu.memory_space<vmem>>[vector<16xi32>], vector<16xf32>,
      %add3A_646 = arith.addf %add3A_641, %gather3A_645 : vector<16xf32>
      %add3A_647 = arith.constant 15 : i32
      %add3A_648 = vector.broadcast %add3A_647 : i32 to vector<16xi32>
      %add3A_649 = arith.addi %mul3A_5, %add3A_648 : vector<16xi32>
      %gather3A_650 = tpu.vector_load_idx %arg14[%add3A_649] : memref<256xf32, #tpu.memory_space<vmem>>[vector<16xi32>], vector<16xf32>,
      %add3A_651 = arith.addf %add3A_646, %gather3A_650 : vector<16xf32>
      %bitcast_convert_type3A = tpu.bitcast %add3A_651 : vector<16xf32> -> vector<16xi32>
      %shift_right_arithmetic3A = arith.constant 1 : i32
      %shift_right_arithmetic3A_652 = vector.broadcast %shift_right_arithmetic3A : i32 to vector<16xi32>
      %shift_right_arithmetic3A_653 = arith.shrsi %bitcast_convert_type3A, %shift_right_arithmetic3A_652 : vector<16xi32>
      %sub3A = arith.constant 1597463007 : i32
      %sub3A_654 = vector.broadcast %sub3A : i32 to vector<16xi32>
      %sub3A_655 = arith.subi %sub3A_654, %shift_right_arithmetic3A_653 : vector<16xi32>
      %bitcast_convert_type3A_656 = tpu.bitcast %sub3A_655 : vector<16xi32> -> vector<16xf32>
      %mul3A_657 = arith.constant 5.000000e-01 : f32
      %mul3A_658 = vector.broadcast %mul3A_657 : f32 to vector<16xf32>
      %mul3A_659 = arith.mulf %mul3A_658, %add3A_651 : vector<16xf32>
      %mul3A_660 = arith.mulf %mul3A_659, %bitcast_convert_type3A_656 : vector<16xf32>
      %mul3A_661 = arith.mulf %mul3A_660, %bitcast_convert_type3A_656 : vector<16xf32>
      %sub3A_662 = arith.constant 1.500000e+00 : f32
      %sub3A_663 = vector.broadcast %sub3A_662 : f32 to vector<16xf32>
      %sub3A_664 = arith.subf %sub3A_663, %mul3A_661 : vector<16xf32>
      %mul3A_665 = arith.mulf %bitcast_convert_type3A_656, %sub3A_664 : vector<16xf32>
      %mul3A_666 = arith.constant 5.000000e-01 : f32
      %mul3A_667 = vector.broadcast %mul3A_666 : f32 to vector<16xf32>
      %mul3A_668 = arith.mulf %mul3A_667, %add3A_651 : vector<16xf32>
      %mul3A_669 = arith.mulf %mul3A_668, %mul3A_665 : vector<16xf32>
      %mul3A_670 = arith.mulf %mul3A_669, %mul3A_665 : vector<16xf32>
      %sub3A_671 = arith.constant 1.500000e+00 : f32
      %sub3A_672 = vector.broadcast %sub3A_671 : f32 to vector<16xf32>
      %sub3A_673 = arith.subf %sub3A_672, %mul3A_670 : vector<16xf32>
      %mul3A_674 = arith.mulf %mul3A_665, %sub3A_673 : vector<16xf32>
      %mul3A_675 = arith.constant 5.000000e-01 : f32
      %mul3A_676 = vector.broadcast %mul3A_675 : f32 to vector<16xf32>
      %mul3A_677 = arith.mulf %mul3A_676, %add3A_651 : vector<16xf32>
      %mul3A_678 = arith.mulf %mul3A_677, %mul3A_674 : vector<16xf32>
      %mul3A_679 = arith.mulf %mul3A_678, %mul3A_674 : vector<16xf32>
      %sub3A_680 = arith.constant 1.500000e+00 : f32
      %sub3A_681 = vector.broadcast %sub3A_680 : f32 to vector<16xf32>
      %sub3A_682 = arith.subf %sub3A_681, %mul3A_679 : vector<16xf32>
      %mul3A_683 = arith.mulf %mul3A_674, %sub3A_682 : vector<16xf32>
      %mul3A_684 = arith.mulf %add3A_651, %mul3A_683 : vector<16xf32>
      %gt3A = arith.constant 0.000000e+00 : f32
      %gt3A_685 = vector.broadcast %gt3A : f32 to vector<16xf32>
      %gt3A_686 = arith.cmpf ogt, %add3A_651, %gt3A_685 : vector<16xf32>
      %jit3A = arith.constant 0.000000e+00 : f32
      %broadcast_in_dim3A = vector.broadcast %jit3A : f32 to vector<16xf32>
      %select_n3A = arith.select %gt3A_686, %mul3A_684, %broadcast_in_dim3A : vector<16xi1>, vector<16xf32>
      %add3A_687 = arith.constant 256 : i32
      %add3A_688 = arith.addi %add3A_687, %mul3A_566 : i32
      %swap3A = arith.index_cast %add3A_688 : i32 to index
      %swap3A_689 = tpu.vector_load %arg15[%swap3A] {strides = array<i32>} : memref<1024xf32, #tpu.memory_space<vmem>>, vector<16xf32>,
      tpu.vector_store %arg15[%swap3A], %select_n3A {strides = array<i32>} : memref<1024xf32, #tpu.memory_space<vmem>>, vector<16xf32>,
      %scan3A_690 = arith.constant 0 : i32
      scf.yield %scan3A_690 : i32
    }
    %scan3A_242 = arith.constant 8 : i32
    %dma_wait3A_243 = arith.constant 1 : i32
    %dma_wait3A_244 = arith.constant 0 : i32
    %dma_wait3A_245 = arith.constant 0 : i32
    %dma_wait3A_246 = tpu.memref_slice %arg11[%dma_wait3A_243, %dma_wait3A_244, %dma_wait3A_245] : memref<2x128x64xf32, #tpu.memory_space<vmem>> -> memref<1x128x64xf32, #tpu.memory_space<vmem>>
    %dma_wait3A_247 = tpu.memref_squeeze %dma_wait3A_246 : memref<1x128x64xf32, #tpu.memory_space<vmem>> -> memref<128x64xf32, #tpu.memory_space<vmem>>
    %dma_wait3A_248 = arith.constant 384 : i32
    %dma_wait3A_249 = tpu.memref_slice %arg8[%dma_wait3A_248] : memref<1024xi32, #tpu.memory_space<vmem>> -> memref<128xi32, #tpu.memory_space<vmem>>
    %dma_wait3A_250 = arith.constant 0 : i32
    %dma_wait3A_251 = arith.constant 0 : i32
    %dma_wait3A_252 = tpu.memref_slice %arg5[%dma_wait3A_250, %dma_wait3A_251] : memref<1000000x64xf32, #tpu.memory_space<hbm>> -> memref<1000000x64xf32, #tpu.memory_space<hbm>>
    tpu.wait_indirect_dma semaphore(%arg19 : memref<!tpu.dma_semaphore, #tpu.memory_space<semaphore_mem>>) src(%dma_wait3A_252 : memref<1000000x64xf32, #tpu.memory_space<hbm>>) dst(%dma_wait3A_247 : memref<128x64xf32, #tpu.memory_space<vmem>>)
    %dma_wait3A_253 = arith.constant 1 : i32
    %dma_wait3A_254 = arith.constant 0 : i32
    %dma_wait3A_255 = arith.constant 0 : i32
    %dma_wait3A_256 = tpu.memref_slice %arg12[%dma_wait3A_253, %dma_wait3A_254, %dma_wait3A_255] : memref<2x128x64xf32, #tpu.memory_space<vmem>> -> memref<1x128x64xf32, #tpu.memory_space<vmem>>
    %dma_wait3A_257 = tpu.memref_squeeze %dma_wait3A_256 : memref<1x128x64xf32, #tpu.memory_space<vmem>> -> memref<128x64xf32, #tpu.memory_space<vmem>>
    %dma_wait3A_258 = arith.constant 384 : i32
    %dma_wait3A_259 = tpu.memref_slice %arg10[%dma_wait3A_258] : memref<1024xi32, #tpu.memory_space<vmem>> -> memref<128xi32, #tpu.memory_space<vmem>>
    %dma_wait3A_260 = arith.constant 0 : i32
    %dma_wait3A_261 = arith.constant 0 : i32
    %dma_wait3A_262 = tpu.memref_slice %arg5[%dma_wait3A_260, %dma_wait3A_261] : memref<1000000x64xf32, #tpu.memory_space<hbm>> -> memref<1000000x64xf32, #tpu.memory_space<hbm>>
    tpu.wait_indirect_dma semaphore(%arg20 : memref<!tpu.dma_semaphore, #tpu.memory_space<semaphore_mem>>) src(%dma_wait3A_262 : memref<1000000x64xf32, #tpu.memory_space<hbm>>) dst(%dma_wait3A_257 : memref<128x64xf32, #tpu.memory_space<vmem>>)
    %dma_wait3A_263 = arith.constant 1 : i32
    %dma_wait3A_264 = arith.constant 0 : i32
    %dma_wait3A_265 = arith.constant 0 : i32
    %dma_wait3A_266 = tpu.memref_slice %arg13[%dma_wait3A_263, %dma_wait3A_264, %dma_wait3A_265] : memref<2x128x128xf32, #tpu.memory_space<vmem>> -> memref<1x128x128xf32, #tpu.memory_space<vmem>>
    %dma_wait3A_267 = tpu.memref_squeeze %dma_wait3A_266 : memref<1x128x128xf32, #tpu.memory_space<vmem>> -> memref<128x128xf32, #tpu.memory_space<vmem>>
    %dma_wait3A_268 = arith.constant 384 : i32
    %dma_wait3A_269 = tpu.memref_slice %arg9[%dma_wait3A_268] : memref<1024xi32, #tpu.memory_space<vmem>> -> memref<128xi32, #tpu.memory_space<vmem>>
    %dma_wait3A_270 = arith.constant 0 : i32
    %dma_wait3A_271 = arith.constant 0 : i32
    %dma_wait3A_272 = tpu.memref_slice %arg6[%dma_wait3A_270, %dma_wait3A_271] : memref<1000000x128xf32, #tpu.memory_space<hbm>> -> memref<1000000x128xf32, #tpu.memory_space<hbm>>
    tpu.wait_indirect_dma semaphore(%arg21 : memref<!tpu.dma_semaphore, #tpu.memory_space<semaphore_mem>>) src(%dma_wait3A_272 : memref<1000000x128xf32, #tpu.memory_space<hbm>>) dst(%dma_wait3A_267 : memref<128x128xf32, #tpu.memory_space<vmem>>)
    %dma_start3A_273 = arith.constant 0 : i32
    %dma_start3A_274 = arith.constant 0 : i32
    %dma_start3A_275 = arith.constant 0 : i32
    %dma_start3A_276 = tpu.memref_slice %arg11[%dma_start3A_273, %dma_start3A_274, %dma_start3A_275] : memref<2x128x64xf32, #tpu.memory_space<vmem>> -> memref<1x128x64xf32, #tpu.memory_space<vmem>>
    %dma_start3A_277 = tpu.memref_squeeze %dma_start3A_276 : memref<1x128x64xf32, #tpu.memory_space<vmem>> -> memref<128x64xf32, #tpu.memory_space<vmem>>
    %dma_start3A_278 = arith.constant 512 : i32
    %dma_start3A_279 = tpu.memref_slice %arg8[%dma_start3A_278] : memref<1024xi32, #tpu.memory_space<vmem>> -> memref<128xi32, #tpu.memory_space<vmem>>
    %dma_start3A_280 = arith.constant 0 : i32
    %dma_start3A_281 = arith.constant 0 : i32
    %dma_start3A_282 = tpu.memref_slice %arg5[%dma_start3A_280, %dma_start3A_281] : memref<1000000x64xf32, #tpu.memory_space<hbm>> -> memref<1000000x64xf32, #tpu.memory_space<hbm>>
    tpu.enqueue_indirect_dma source(%dma_start3A_282 : memref<1000000x64xf32, #tpu.memory_space<hbm>>) target(%dma_start3A_277 : memref<128x64xf32, #tpu.memory_space<vmem>>) offsets(%dma_start3A_279 : memref<128xi32, #tpu.memory_space<vmem>>) semaphore(%arg16 : memref<!tpu.dma_semaphore, #tpu.memory_space<semaphore_mem>>)
    %dma_start3A_283 = arith.constant 0 : i32
    %dma_start3A_284 = arith.constant 0 : i32
    %dma_start3A_285 = arith.constant 0 : i32
    %dma_start3A_286 = tpu.memref_slice %arg12[%dma_start3A_283, %dma_start3A_284, %dma_start3A_285] : memref<2x128x64xf32, #tpu.memory_space<vmem>> -> memref<1x128x64xf32, #tpu.memory_space<vmem>>
    %dma_start3A_287 = tpu.memref_squeeze %dma_start3A_286 : memref<1x128x64xf32, #tpu.memory_space<vmem>> -> memref<128x64xf32, #tpu.memory_space<vmem>>
    %dma_start3A_288 = arith.constant 512 : i32
    %dma_start3A_289 = tpu.memref_slice %arg10[%dma_start3A_288] : memref<1024xi32, #tpu.memory_space<vmem>> -> memref<128xi32, #tpu.memory_space<vmem>>
    %dma_start3A_290 = arith.constant 0 : i32
    %dma_start3A_291 = arith.constant 0 : i32
    %dma_start3A_292 = tpu.memref_slice %arg5[%dma_start3A_290, %dma_start3A_291] : memref<1000000x64xf32, #tpu.memory_space<hbm>> -> memref<1000000x64xf32, #tpu.memory_space<hbm>>
    tpu.enqueue_indirect_dma source(%dma_start3A_292 : memref<1000000x64xf32, #tpu.memory_space<hbm>>) target(%dma_start3A_287 : memref<128x64xf32, #tpu.memory_space<vmem>>) offsets(%dma_start3A_289 : memref<128xi32, #tpu.memory_space<vmem>>) semaphore(%arg17 : memref<!tpu.dma_semaphore, #tpu.memory_space<semaphore_mem>>)
    %dma_start3A_293 = arith.constant 0 : i32
    %dma_start3A_294 = arith.constant 0 : i32
    %dma_start3A_295 = arith.constant 0 : i32
    %dma_start3A_296 = tpu.memref_slice %arg13[%dma_start3A_293, %dma_start3A_294, %dma_start3A_295] : memref<2x128x128xf32, #tpu.memory_space<vmem>> -> memref<1x128x128xf32, #tpu.memory_space<vmem>>
    %dma_start3A_297 = tpu.memref_squeeze %dma_start3A_296 : memref<1x128x128xf32, #tpu.memory_space<vmem>> -> memref<128x128xf32, #tpu.memory_space<vmem>>
    %dma_start3A_298 = arith.constant 512 : i32
    %dma_start3A_299 = tpu.memref_slice %arg9[%dma_start3A_298] : memref<1024xi32, #tpu.memory_space<vmem>> -> memref<128xi32, #tpu.memory_space<vmem>>
    %dma_start3A_300 = arith.constant 0 : i32
    %dma_start3A_301 = arith.constant 0 : i32
    %dma_start3A_302 = tpu.memref_slice %arg6[%dma_start3A_300, %dma_start3A_301] : memref<1000000x128xf32, #tpu.memory_space<hbm>> -> memref<1000000x128xf32, #tpu.memory_space<hbm>>
    tpu.enqueue_indirect_dma source(%dma_start3A_302 : memref<1000000x128xf32, #tpu.memory_space<hbm>>) target(%dma_start3A_297 : memref<128x128xf32, #tpu.memory_space<vmem>>) offsets(%dma_start3A_299 : memref<128xi32, #tpu.memory_space<vmem>>) semaphore(%arg18 : memref<!tpu.dma_semaphore, #tpu.memory_space<semaphore_mem>>)
    %scan3A_303 = arith.constant 1 : i32
    %scan3A_304 = arith.constant 1 : i32
    %scan3A_305 = arith.constant 1 : i32
    %scan3A_306 = arith.constant 0 : i32
    %scan3A_307 = arith.constant 0 : i32
    %scan3A_308 = arith.constant 8 : i32
    %scan3A_309 = arith.addi %scan3A_307, %scan3A_308 : i32
    %scan3A_310 = arith.constant 1 : i32
    %scan3A_311 = scf.for %scan3A_563 = %scan3A_307 to %scan3A_309 step %scan3A_310 iter_args(%scan3A_564 = %scan3A_306) -> (i32)  : i32 {
      %mul3A_565 = arith.constant 16 : i32
      %mul3A_566 = arith.muli %scan3A_563, %mul3A_565 : i32
      %scan3A_567 = arith.constant 0 : i32
      %scan3A_568 = arith.constant 0 : i32
      %scan3A_569 = arith.constant 16 : i32
      %scan3A_570 = arith.addi %scan3A_568, %scan3A_569 : i32
      %scan3A_571 = arith.constant 1 : i32
      %scan3A_572 = scf.for %scan3A_691 = %scan3A_568 to %scan3A_570 step %scan3A_571 iter_args(%scan3A_692 = %scan3A_567) -> (i32)  : i32 {
        %add3A_693 = arith.addi %mul3A_566, %scan3A_691 : i32
        %get3A = arith.constant 0 : i32
        %get3A_694 = arith.constant 0 : i32
        %get3A_695 = tpu.memref_slice %arg11[%scan3A_303, %get3A, %get3A_694] : memref<2x128x64xf32, #tpu.memory_space<vmem>> -> memref<1x128x64xf32, #tpu.memory_space<vmem>>
        %get3A_696 = tpu.memref_squeeze %get3A_695 : memref<1x128x64xf32, #tpu.memory_space<vmem>> -> memref<128x64xf32, #tpu.memory_space<vmem>>
        %get3A_697 = arith.index_cast %add3A_693 : i32 to index
        %get3A_698 = arith.constant 0 : index
        %get3A_699 = tpu.vector_load %get3A_696[%get3A_697, %get3A_698] {strides = array<i32>} : memref<128x64xf32, #tpu.memory_space<vmem>>, vector<16xf32>,
        %get3A_700 = arith.constant 0 : i32
        %get3A_701 = arith.constant 0 : i32
        %get3A_702 = tpu.memref_slice %arg12[%scan3A_304, %get3A_700, %get3A_701] : memref<2x128x64xf32, #tpu.memory_space<vmem>> -> memref<1x128x64xf32, #tpu.memory_space<vmem>>
        %get3A_703 = tpu.memref_squeeze %get3A_702 : memref<1x128x64xf32, #tpu.memory_space<vmem>> -> memref<128x64xf32, #tpu.memory_space<vmem>>
        %get3A_704 = arith.index_cast %add3A_693 : i32 to index
        %get3A_705 = arith.constant 0 : index
        %get3A_706 = tpu.vector_load %get3A_703[%get3A_704, %get3A_705] {strides = array<i32>} : memref<128x64xf32, #tpu.memory_space<vmem>>, vector<16xf32>,
        %get3A_707 = arith.constant 0 : i32
        %get3A_708 = arith.constant 0 : i32
        %get3A_709 = tpu.memref_slice %arg13[%scan3A_305, %get3A_707, %get3A_708] : memref<2x128x128xf32, #tpu.memory_space<vmem>> -> memref<1x128x128xf32, #tpu.memory_space<vmem>>
        %get3A_710 = tpu.memref_squeeze %get3A_709 : memref<1x128x128xf32, #tpu.memory_space<vmem>> -> memref<128x128xf32, #tpu.memory_space<vmem>>
        %get3A_711 = arith.index_cast %add3A_693 : i32 to index
        %get3A_712 = arith.constant 0 : index
        %get3A_713 = tpu.vector_load %get3A_710[%get3A_711, %get3A_712] {strides = array<i32>} : memref<128x128xf32, #tpu.memory_space<vmem>>, vector<16xf32>,
        %get3A_714 = arith.constant 0 : i32
        %get3A_715 = arith.constant 0 : i32
        %get3A_716 = tpu.memref_slice %arg13[%scan3A_305, %get3A_714, %get3A_715] : memref<2x128x128xf32, #tpu.memory_space<vmem>> -> memref<1x128x128xf32, #tpu.memory_space<vmem>>
        %get3A_717 = tpu.memref_squeeze %get3A_716 : memref<1x128x128xf32, #tpu.memory_space<vmem>> -> memref<128x128xf32, #tpu.memory_space<vmem>>
        %get3A_718 = arith.index_cast %add3A_693 : i32 to index
        %get3A_719 = arith.constant 64 : index
        %get3A_720 = tpu.vector_load %get3A_717[%get3A_718, %get3A_719] {strides = array<i32>} : memref<128x128xf32, #tpu.memory_space<vmem>>, vector<16xf32>,
        %sub3A_721 = arith.subf %get3A_699, %get3A_706 : vector<16xf32>
        %add3A_722 = arith.addf %sub3A_721, %get3A_713 : vector<16xf32>
        %add3A_723 = arith.addf %add3A_722, %get3A_720 : vector<16xf32>
        %mul3A_724 = arith.mulf %add3A_723, %add3A_723 : vector<16xf32>
        %get3A_725 = arith.constant 0 : i32
        %get3A_726 = arith.constant 0 : i32
        %get3A_727 = tpu.memref_slice %arg11[%scan3A_303, %get3A_725, %get3A_726] : memref<2x128x64xf32, #tpu.memory_space<vmem>> -> memref<1x128x64xf32, #tpu.memory_space<vmem>>
        %get3A_728 = tpu.memref_squeeze %get3A_727 : memref<1x128x64xf32, #tpu.memory_space<vmem>> -> memref<128x64xf32, #tpu.memory_space<vmem>>
        %get3A_729 = arith.index_cast %add3A_693 : i32 to index
        %get3A_730 = arith.constant 16 : index
        %get3A_731 = tpu.vector_load %get3A_728[%get3A_729, %get3A_730] {strides = array<i32>} : memref<128x64xf32, #tpu.memory_space<vmem>>, vector<16xf32>,
        %get3A_732 = arith.constant 0 : i32
        %get3A_733 = arith.constant 0 : i32
        %get3A_734 = tpu.memref_slice %arg12[%scan3A_304, %get3A_732, %get3A_733] : memref<2x128x64xf32, #tpu.memory_space<vmem>> -> memref<1x128x64xf32, #tpu.memory_space<vmem>>
        %get3A_735 = tpu.memref_squeeze %get3A_734 : memref<1x128x64xf32, #tpu.memory_space<vmem>> -> memref<128x64xf32, #tpu.memory_space<vmem>>
        %get3A_736 = arith.index_cast %add3A_693 : i32 to index
        %get3A_737 = arith.constant 16 : index
        %get3A_738 = tpu.vector_load %get3A_735[%get3A_736, %get3A_737] {strides = array<i32>} : memref<128x64xf32, #tpu.memory_space<vmem>>, vector<16xf32>,
        %get3A_739 = arith.constant 0 : i32
        %get3A_740 = arith.constant 0 : i32
        %get3A_741 = tpu.memref_slice %arg13[%scan3A_305, %get3A_739, %get3A_740] : memref<2x128x128xf32, #tpu.memory_space<vmem>> -> memref<1x128x128xf32, #tpu.memory_space<vmem>>
        %get3A_742 = tpu.memref_squeeze %get3A_741 : memref<1x128x128xf32, #tpu.memory_space<vmem>> -> memref<128x128xf32, #tpu.memory_space<vmem>>
        %get3A_743 = arith.index_cast %add3A_693 : i32 to index
        %get3A_744 = arith.constant 16 : index
        %get3A_745 = tpu.vector_load %get3A_742[%get3A_743, %get3A_744] {strides = array<i32>} : memref<128x128xf32, #tpu.memory_space<vmem>>, vector<16xf32>,
        %get3A_746 = arith.constant 0 : i32
        %get3A_747 = arith.constant 0 : i32
        %get3A_748 = tpu.memref_slice %arg13[%scan3A_305, %get3A_746, %get3A_747] : memref<2x128x128xf32, #tpu.memory_space<vmem>> -> memref<1x128x128xf32, #tpu.memory_space<vmem>>
        %get3A_749 = tpu.memref_squeeze %get3A_748 : memref<1x128x128xf32, #tpu.memory_space<vmem>> -> memref<128x128xf32, #tpu.memory_space<vmem>>
        %get3A_750 = arith.index_cast %add3A_693 : i32 to index
        %get3A_751 = arith.constant 80 : index
        %get3A_752 = tpu.vector_load %get3A_749[%get3A_750, %get3A_751] {strides = array<i32>} : memref<128x128xf32, #tpu.memory_space<vmem>>, vector<16xf32>,
        %sub3A_753 = arith.subf %get3A_731, %get3A_738 : vector<16xf32>
        %add3A_754 = arith.addf %sub3A_753, %get3A_745 : vector<16xf32>
        %add3A_755 = arith.addf %add3A_754, %get3A_752 : vector<16xf32>
        %mul3A_756 = arith.mulf %add3A_755, %add3A_755 : vector<16xf32>
        %add3A_757 = arith.addf %mul3A_724, %mul3A_756 : vector<16xf32>
        %get3A_758 = arith.constant 0 : i32
        %get3A_759 = arith.constant 0 : i32
        %get3A_760 = tpu.memref_slice %arg11[%scan3A_303, %get3A_758, %get3A_759] : memref<2x128x64xf32, #tpu.memory_space<vmem>> -> memref<1x128x64xf32, #tpu.memory_space<vmem>>
        %get3A_761 = tpu.memref_squeeze %get3A_760 : memref<1x128x64xf32, #tpu.memory_space<vmem>> -> memref<128x64xf32, #tpu.memory_space<vmem>>
        %get3A_762 = arith.index_cast %add3A_693 : i32 to index
        %get3A_763 = arith.constant 32 : index
        %get3A_764 = tpu.vector_load %get3A_761[%get3A_762, %get3A_763] {strides = array<i32>} : memref<128x64xf32, #tpu.memory_space<vmem>>, vector<16xf32>,
        %get3A_765 = arith.constant 0 : i32
        %get3A_766 = arith.constant 0 : i32
        %get3A_767 = tpu.memref_slice %arg12[%scan3A_304, %get3A_765, %get3A_766] : memref<2x128x64xf32, #tpu.memory_space<vmem>> -> memref<1x128x64xf32, #tpu.memory_space<vmem>>
        %get3A_768 = tpu.memref_squeeze %get3A_767 : memref<1x128x64xf32, #tpu.memory_space<vmem>> -> memref<128x64xf32, #tpu.memory_space<vmem>>
        %get3A_769 = arith.index_cast %add3A_693 : i32 to index
        %get3A_770 = arith.constant 32 : index
        %get3A_771 = tpu.vector_load %get3A_768[%get3A_769, %get3A_770] {strides = array<i32>} : memref<128x64xf32, #tpu.memory_space<vmem>>, vector<16xf32>,
        %get3A_772 = arith.constant 0 : i32
        %get3A_773 = arith.constant 0 : i32
        %get3A_774 = tpu.memref_slice %arg13[%scan3A_305, %get3A_772, %get3A_773] : memref<2x128x128xf32, #tpu.memory_space<vmem>> -> memref<1x128x128xf32, #tpu.memory_space<vmem>>
        %get3A_775 = tpu.memref_squeeze %get3A_774 : memref<1x128x128xf32, #tpu.memory_space<vmem>> -> memref<128x128xf32, #tpu.memory_space<vmem>>
        %get3A_776 = arith.index_cast %add3A_693 : i32 to index
        %get3A_777 = arith.constant 32 : index
        %get3A_778 = tpu.vector_load %get3A_775[%get3A_776, %get3A_777] {strides = array<i32>} : memref<128x128xf32, #tpu.memory_space<vmem>>, vector<16xf32>,
        %get3A_779 = arith.constant 0 : i32
        %get3A_780 = arith.constant 0 : i32
        %get3A_781 = tpu.memref_slice %arg13[%scan3A_305, %get3A_779, %get3A_780] : memref<2x128x128xf32, #tpu.memory_space<vmem>> -> memref<1x128x128xf32, #tpu.memory_space<vmem>>
        %get3A_782 = tpu.memref_squeeze %get3A_781 : memref<1x128x128xf32, #tpu.memory_space<vmem>> -> memref<128x128xf32, #tpu.memory_space<vmem>>
        %get3A_783 = arith.index_cast %add3A_693 : i32 to index
        %get3A_784 = arith.constant 96 : index
        %get3A_785 = tpu.vector_load %get3A_782[%get3A_783, %get3A_784] {strides = array<i32>} : memref<128x128xf32, #tpu.memory_space<vmem>>, vector<16xf32>,
        %sub3A_786 = arith.subf %get3A_764, %get3A_771 : vector<16xf32>
        %add3A_787 = arith.addf %sub3A_786, %get3A_778 : vector<16xf32>
        %add3A_788 = arith.addf %add3A_787, %get3A_785 : vector<16xf32>
        %mul3A_789 = arith.mulf %add3A_788, %add3A_788 : vector<16xf32>
        %add3A_790 = arith.addf %add3A_757, %mul3A_789 : vector<16xf32>
        %get3A_791 = arith.constant 0 : i32
        %get3A_792 = arith.constant 0 : i32
        %get3A_793 = tpu.memref_slice %arg11[%scan3A_303, %get3A_791, %get3A_792] : memref<2x128x64xf32, #tpu.memory_space<vmem>> -> memref<1x128x64xf32, #tpu.memory_space<vmem>>
        %get3A_794 = tpu.memref_squeeze %get3A_793 : memref<1x128x64xf32, #tpu.memory_space<vmem>> -> memref<128x64xf32, #tpu.memory_space<vmem>>
        %get3A_795 = arith.index_cast %add3A_693 : i32 to index
        %get3A_796 = arith.constant 48 : index
        %get3A_797 = tpu.vector_load %get3A_794[%get3A_795, %get3A_796] {strides = array<i32>} : memref<128x64xf32, #tpu.memory_space<vmem>>, vector<16xf32>,
        %get3A_798 = arith.constant 0 : i32
        %get3A_799 = arith.constant 0 : i32
        %get3A_800 = tpu.memref_slice %arg12[%scan3A_304, %get3A_798, %get3A_799] : memref<2x128x64xf32, #tpu.memory_space<vmem>> -> memref<1x128x64xf32, #tpu.memory_space<vmem>>
        %get3A_801 = tpu.memref_squeeze %get3A_800 : memref<1x128x64xf32, #tpu.memory_space<vmem>> -> memref<128x64xf32, #tpu.memory_space<vmem>>
        %get3A_802 = arith.index_cast %add3A_693 : i32 to index
        %get3A_803 = arith.constant 48 : index
        %get3A_804 = tpu.vector_load %get3A_801[%get3A_802, %get3A_803] {strides = array<i32>} : memref<128x64xf32, #tpu.memory_space<vmem>>, vector<16xf32>,
        %get3A_805 = arith.constant 0 : i32
        %get3A_806 = arith.constant 0 : i32
        %get3A_807 = tpu.memref_slice %arg13[%scan3A_305, %get3A_805, %get3A_806] : memref<2x128x128xf32, #tpu.memory_space<vmem>> -> memref<1x128x128xf32, #tpu.memory_space<vmem>>
        %get3A_808 = tpu.memref_squeeze %get3A_807 : memref<1x128x128xf32, #tpu.memory_space<vmem>> -> memref<128x128xf32, #tpu.memory_space<vmem>>
        %get3A_809 = arith.index_cast %add3A_693 : i32 to index
        %get3A_810 = arith.constant 48 : index
        %get3A_811 = tpu.vector_load %get3A_808[%get3A_809, %get3A_810] {strides = array<i32>} : memref<128x128xf32, #tpu.memory_space<vmem>>, vector<16xf32>,
        %get3A_812 = arith.constant 0 : i32
        %get3A_813 = arith.constant 0 : i32
        %get3A_814 = tpu.memref_slice %arg13[%scan3A_305, %get3A_812, %get3A_813] : memref<2x128x128xf32, #tpu.memory_space<vmem>> -> memref<1x128x128xf32, #tpu.memory_space<vmem>>
        %get3A_815 = tpu.memref_squeeze %get3A_814 : memref<1x128x128xf32, #tpu.memory_space<vmem>> -> memref<128x128xf32, #tpu.memory_space<vmem>>
        %get3A_816 = arith.index_cast %add3A_693 : i32 to index
        %get3A_817 = arith.constant 112 : index
        %get3A_818 = tpu.vector_load %get3A_815[%get3A_816, %get3A_817] {strides = array<i32>} : memref<128x128xf32, #tpu.memory_space<vmem>>, vector<16xf32>,
        %sub3A_819 = arith.subf %get3A_797, %get3A_804 : vector<16xf32>
        %add3A_820 = arith.addf %sub3A_819, %get3A_811 : vector<16xf32>
        %add3A_821 = arith.addf %add3A_820, %get3A_818 : vector<16xf32>
        %mul3A_822 = arith.mulf %add3A_821, %add3A_821 : vector<16xf32>
        %add3A_823 = arith.addf %add3A_790, %mul3A_822 : vector<16xf32>
        %mul3A_824 = arith.constant 16 : i32
        %mul3A_825 = arith.muli %scan3A_691, %mul3A_824 : i32
        %swap3A_826 = arith.index_cast %mul3A_825 : i32 to index
        %swap3A_827 = tpu.vector_load %arg14[%swap3A_826] {strides = array<i32>} : memref<256xf32, #tpu.memory_space<vmem>>, vector<16xf32>,
        tpu.vector_store %arg14[%swap3A_826], %add3A_823 {strides = array<i32>} : memref<256xf32, #tpu.memory_space<vmem>>, vector<16xf32>,
        %scan3A_828 = arith.constant 0 : i32
        scf.yield %scan3A_828 : i32
      }
      %scan3A_573 = arith.constant 16 : i32
      %add3A_574 = arith.constant 0 : i32
      %add3A_575 = vector.broadcast %add3A_574 : i32 to vector<16xi32>
      %add3A_576 = arith.addi %mul3A_5, %add3A_575 : vector<16xi32>
      %gather3A = tpu.vector_load_idx %arg14[%add3A_576] : memref<256xf32, #tpu.memory_space<vmem>>[vector<16xi32>], vector<16xf32>,
      %add3A_577 = arith.constant 1 : i32
      %add3A_578 = vector.broadcast %add3A_577 : i32 to vector<16xi32>
      %add3A_579 = arith.addi %mul3A_5, %add3A_578 : vector<16xi32>
      %gather3A_580 = tpu.vector_load_idx %arg14[%add3A_579] : memref<256xf32, #tpu.memory_space<vmem>>[vector<16xi32>], vector<16xf32>,
      %add3A_581 = arith.addf %gather3A, %gather3A_580 : vector<16xf32>
      %add3A_582 = arith.constant 2 : i32
      %add3A_583 = vector.broadcast %add3A_582 : i32 to vector<16xi32>
      %add3A_584 = arith.addi %mul3A_5, %add3A_583 : vector<16xi32>
      %gather3A_585 = tpu.vector_load_idx %arg14[%add3A_584] : memref<256xf32, #tpu.memory_space<vmem>>[vector<16xi32>], vector<16xf32>,
      %add3A_586 = arith.addf %add3A_581, %gather3A_585 : vector<16xf32>
      %add3A_587 = arith.constant 3 : i32
      %add3A_588 = vector.broadcast %add3A_587 : i32 to vector<16xi32>
      %add3A_589 = arith.addi %mul3A_5, %add3A_588 : vector<16xi32>
      %gather3A_590 = tpu.vector_load_idx %arg14[%add3A_589] : memref<256xf32, #tpu.memory_space<vmem>>[vector<16xi32>], vector<16xf32>,
      %add3A_591 = arith.addf %add3A_586, %gather3A_590 : vector<16xf32>
      %add3A_592 = arith.constant 4 : i32
      %add3A_593 = vector.broadcast %add3A_592 : i32 to vector<16xi32>
      %add3A_594 = arith.addi %mul3A_5, %add3A_593 : vector<16xi32>
      %gather3A_595 = tpu.vector_load_idx %arg14[%add3A_594] : memref<256xf32, #tpu.memory_space<vmem>>[vector<16xi32>], vector<16xf32>,
      %add3A_596 = arith.addf %add3A_591, %gather3A_595 : vector<16xf32>
      %add3A_597 = arith.constant 5 : i32
      %add3A_598 = vector.broadcast %add3A_597 : i32 to vector<16xi32>
      %add3A_599 = arith.addi %mul3A_5, %add3A_598 : vector<16xi32>
      %gather3A_600 = tpu.vector_load_idx %arg14[%add3A_599] : memref<256xf32, #tpu.memory_space<vmem>>[vector<16xi32>], vector<16xf32>,
      %add3A_601 = arith.addf %add3A_596, %gather3A_600 : vector<16xf32>
      %add3A_602 = arith.constant 6 : i32
      %add3A_603 = vector.broadcast %add3A_602 : i32 to vector<16xi32>
      %add3A_604 = arith.addi %mul3A_5, %add3A_603 : vector<16xi32>
      %gather3A_605 = tpu.vector_load_idx %arg14[%add3A_604] : memref<256xf32, #tpu.memory_space<vmem>>[vector<16xi32>], vector<16xf32>,
      %add3A_606 = arith.addf %add3A_601, %gather3A_605 : vector<16xf32>
      %add3A_607 = arith.constant 7 : i32
      %add3A_608 = vector.broadcast %add3A_607 : i32 to vector<16xi32>
      %add3A_609 = arith.addi %mul3A_5, %add3A_608 : vector<16xi32>
      %gather3A_610 = tpu.vector_load_idx %arg14[%add3A_609] : memref<256xf32, #tpu.memory_space<vmem>>[vector<16xi32>], vector<16xf32>,
      %add3A_611 = arith.addf %add3A_606, %gather3A_610 : vector<16xf32>
      %add3A_612 = arith.constant 8 : i32
      %add3A_613 = vector.broadcast %add3A_612 : i32 to vector<16xi32>
      %add3A_614 = arith.addi %mul3A_5, %add3A_613 : vector<16xi32>
      %gather3A_615 = tpu.vector_load_idx %arg14[%add3A_614] : memref<256xf32, #tpu.memory_space<vmem>>[vector<16xi32>], vector<16xf32>,
      %add3A_616 = arith.addf %add3A_611, %gather3A_615 : vector<16xf32>
      %add3A_617 = arith.constant 9 : i32
      %add3A_618 = vector.broadcast %add3A_617 : i32 to vector<16xi32>
      %add3A_619 = arith.addi %mul3A_5, %add3A_618 : vector<16xi32>
      %gather3A_620 = tpu.vector_load_idx %arg14[%add3A_619] : memref<256xf32, #tpu.memory_space<vmem>>[vector<16xi32>], vector<16xf32>,
      %add3A_621 = arith.addf %add3A_616, %gather3A_620 : vector<16xf32>
      %add3A_622 = arith.constant 10 : i32
      %add3A_623 = vector.broadcast %add3A_622 : i32 to vector<16xi32>
      %add3A_624 = arith.addi %mul3A_5, %add3A_623 : vector<16xi32>
      %gather3A_625 = tpu.vector_load_idx %arg14[%add3A_624] : memref<256xf32, #tpu.memory_space<vmem>>[vector<16xi32>], vector<16xf32>,
      %add3A_626 = arith.addf %add3A_621, %gather3A_625 : vector<16xf32>
      %add3A_627 = arith.constant 11 : i32
      %add3A_628 = vector.broadcast %add3A_627 : i32 to vector<16xi32>
      %add3A_629 = arith.addi %mul3A_5, %add3A_628 : vector<16xi32>
      %gather3A_630 = tpu.vector_load_idx %arg14[%add3A_629] : memref<256xf32, #tpu.memory_space<vmem>>[vector<16xi32>], vector<16xf32>,
      %add3A_631 = arith.addf %add3A_626, %gather3A_630 : vector<16xf32>
      %add3A_632 = arith.constant 12 : i32
      %add3A_633 = vector.broadcast %add3A_632 : i32 to vector<16xi32>
      %add3A_634 = arith.addi %mul3A_5, %add3A_633 : vector<16xi32>
      %gather3A_635 = tpu.vector_load_idx %arg14[%add3A_634] : memref<256xf32, #tpu.memory_space<vmem>>[vector<16xi32>], vector<16xf32>,
      %add3A_636 = arith.addf %add3A_631, %gather3A_635 : vector<16xf32>
      %add3A_637 = arith.constant 13 : i32
      %add3A_638 = vector.broadcast %add3A_637 : i32 to vector<16xi32>
      %add3A_639 = arith.addi %mul3A_5, %add3A_638 : vector<16xi32>
      %gather3A_640 = tpu.vector_load_idx %arg14[%add3A_639] : memref<256xf32, #tpu.memory_space<vmem>>[vector<16xi32>], vector<16xf32>,
      %add3A_641 = arith.addf %add3A_636, %gather3A_640 : vector<16xf32>
      %add3A_642 = arith.constant 14 : i32
      %add3A_643 = vector.broadcast %add3A_642 : i32 to vector<16xi32>
      %add3A_644 = arith.addi %mul3A_5, %add3A_643 : vector<16xi32>
      %gather3A_645 = tpu.vector_load_idx %arg14[%add3A_644] : memref<256xf32, #tpu.memory_space<vmem>>[vector<16xi32>], vector<16xf32>,
      %add3A_646 = arith.addf %add3A_641, %gather3A_645 : vector<16xf32>
      %add3A_647 = arith.constant 15 : i32
      %add3A_648 = vector.broadcast %add3A_647 : i32 to vector<16xi32>
      %add3A_649 = arith.addi %mul3A_5, %add3A_648 : vector<16xi32>
      %gather3A_650 = tpu.vector_load_idx %arg14[%add3A_649] : memref<256xf32, #tpu.memory_space<vmem>>[vector<16xi32>], vector<16xf32>,
      %add3A_651 = arith.addf %add3A_646, %gather3A_650 : vector<16xf32>
      %bitcast_convert_type3A = tpu.bitcast %add3A_651 : vector<16xf32> -> vector<16xi32>
      %shift_right_arithmetic3A = arith.constant 1 : i32
      %shift_right_arithmetic3A_652 = vector.broadcast %shift_right_arithmetic3A : i32 to vector<16xi32>
      %shift_right_arithmetic3A_653 = arith.shrsi %bitcast_convert_type3A, %shift_right_arithmetic3A_652 : vector<16xi32>
      %sub3A = arith.constant 1597463007 : i32
      %sub3A_654 = vector.broadcast %sub3A : i32 to vector<16xi32>
      %sub3A_655 = arith.subi %sub3A_654, %shift_right_arithmetic3A_653 : vector<16xi32>
      %bitcast_convert_type3A_656 = tpu.bitcast %sub3A_655 : vector<16xi32> -> vector<16xf32>
      %mul3A_657 = arith.constant 5.000000e-01 : f32
      %mul3A_658 = vector.broadcast %mul3A_657 : f32 to vector<16xf32>
      %mul3A_659 = arith.mulf %mul3A_658, %add3A_651 : vector<16xf32>
      %mul3A_660 = arith.mulf %mul3A_659, %bitcast_convert_type3A_656 : vector<16xf32>
      %mul3A_661 = arith.mulf %mul3A_660, %bitcast_convert_type3A_656 : vector<16xf32>
      %sub3A_662 = arith.constant 1.500000e+00 : f32
      %sub3A_663 = vector.broadcast %sub3A_662 : f32 to vector<16xf32>
      %sub3A_664 = arith.subf %sub3A_663, %mul3A_661 : vector<16xf32>
      %mul3A_665 = arith.mulf %bitcast_convert_type3A_656, %sub3A_664 : vector<16xf32>
      %mul3A_666 = arith.constant 5.000000e-01 : f32
      %mul3A_667 = vector.broadcast %mul3A_666 : f32 to vector<16xf32>
      %mul3A_668 = arith.mulf %mul3A_667, %add3A_651 : vector<16xf32>
      %mul3A_669 = arith.mulf %mul3A_668, %mul3A_665 : vector<16xf32>
      %mul3A_670 = arith.mulf %mul3A_669, %mul3A_665 : vector<16xf32>
      %sub3A_671 = arith.constant 1.500000e+00 : f32
      %sub3A_672 = vector.broadcast %sub3A_671 : f32 to vector<16xf32>
      %sub3A_673 = arith.subf %sub3A_672, %mul3A_670 : vector<16xf32>
      %mul3A_674 = arith.mulf %mul3A_665, %sub3A_673 : vector<16xf32>
      %mul3A_675 = arith.constant 5.000000e-01 : f32
      %mul3A_676 = vector.broadcast %mul3A_675 : f32 to vector<16xf32>
      %mul3A_677 = arith.mulf %mul3A_676, %add3A_651 : vector<16xf32>
      %mul3A_678 = arith.mulf %mul3A_677, %mul3A_674 : vector<16xf32>
      %mul3A_679 = arith.mulf %mul3A_678, %mul3A_674 : vector<16xf32>
      %sub3A_680 = arith.constant 1.500000e+00 : f32
      %sub3A_681 = vector.broadcast %sub3A_680 : f32 to vector<16xf32>
      %sub3A_682 = arith.subf %sub3A_681, %mul3A_679 : vector<16xf32>
      %mul3A_683 = arith.mulf %mul3A_674, %sub3A_682 : vector<16xf32>
      %mul3A_684 = arith.mulf %add3A_651, %mul3A_683 : vector<16xf32>
      %gt3A = arith.constant 0.000000e+00 : f32
      %gt3A_685 = vector.broadcast %gt3A : f32 to vector<16xf32>
      %gt3A_686 = arith.cmpf ogt, %add3A_651, %gt3A_685 : vector<16xf32>
      %jit3A = arith.constant 0.000000e+00 : f32
      %broadcast_in_dim3A = vector.broadcast %jit3A : f32 to vector<16xf32>
      %select_n3A = arith.select %gt3A_686, %mul3A_684, %broadcast_in_dim3A : vector<16xi1>, vector<16xf32>
      %add3A_687 = arith.constant 384 : i32
      %add3A_688 = arith.addi %add3A_687, %mul3A_566 : i32
      %swap3A = arith.index_cast %add3A_688 : i32 to index
      %swap3A_689 = tpu.vector_load %arg15[%swap3A] {strides = array<i32>} : memref<1024xf32, #tpu.memory_space<vmem>>, vector<16xf32>,
      tpu.vector_store %arg15[%swap3A], %select_n3A {strides = array<i32>} : memref<1024xf32, #tpu.memory_space<vmem>>, vector<16xf32>,
      %scan3A_690 = arith.constant 0 : i32
      scf.yield %scan3A_690 : i32
    }
    %scan3A_312 = arith.constant 8 : i32
    %dma_wait3A_313 = arith.constant 0 : i32
    %dma_wait3A_314 = arith.constant 0 : i32
    %dma_wait3A_315 = arith.constant 0 : i32
    %dma_wait3A_316 = tpu.memref_slice %arg11[%dma_wait3A_313, %dma_wait3A_314, %dma_wait3A_315] : memref<2x128x64xf32, #tpu.memory_space<vmem>> -> memref<1x128x64xf32, #tpu.memory_space<vmem>>
    %dma_wait3A_317 = tpu.memref_squeeze %dma_wait3A_316 : memref<1x128x64xf32, #tpu.memory_space<vmem>> -> memref<128x64xf32, #tpu.memory_space<vmem>>
    %dma_wait3A_318 = arith.constant 512 : i32
    %dma_wait3A_319 = tpu.memref_slice %arg8[%dma_wait3A_318] : memref<1024xi32, #tpu.memory_space<vmem>> -> memref<128xi32, #tpu.memory_space<vmem>>
    %dma_wait3A_320 = arith.constant 0 : i32
    %dma_wait3A_321 = arith.constant 0 : i32
    %dma_wait3A_322 = tpu.memref_slice %arg5[%dma_wait3A_320, %dma_wait3A_321] : memref<1000000x64xf32, #tpu.memory_space<hbm>> -> memref<1000000x64xf32, #tpu.memory_space<hbm>>
    tpu.wait_indirect_dma semaphore(%arg16 : memref<!tpu.dma_semaphore, #tpu.memory_space<semaphore_mem>>) src(%dma_wait3A_322 : memref<1000000x64xf32, #tpu.memory_space<hbm>>) dst(%dma_wait3A_317 : memref<128x64xf32, #tpu.memory_space<vmem>>)
    %dma_wait3A_323 = arith.constant 0 : i32
    %dma_wait3A_324 = arith.constant 0 : i32
    %dma_wait3A_325 = arith.constant 0 : i32
    %dma_wait3A_326 = tpu.memref_slice %arg12[%dma_wait3A_323, %dma_wait3A_324, %dma_wait3A_325] : memref<2x128x64xf32, #tpu.memory_space<vmem>> -> memref<1x128x64xf32, #tpu.memory_space<vmem>>
    %dma_wait3A_327 = tpu.memref_squeeze %dma_wait3A_326 : memref<1x128x64xf32, #tpu.memory_space<vmem>> -> memref<128x64xf32, #tpu.memory_space<vmem>>
    %dma_wait3A_328 = arith.constant 512 : i32
    %dma_wait3A_329 = tpu.memref_slice %arg10[%dma_wait3A_328] : memref<1024xi32, #tpu.memory_space<vmem>> -> memref<128xi32, #tpu.memory_space<vmem>>
    %dma_wait3A_330 = arith.constant 0 : i32
    %dma_wait3A_331 = arith.constant 0 : i32
    %dma_wait3A_332 = tpu.memref_slice %arg5[%dma_wait3A_330, %dma_wait3A_331] : memref<1000000x64xf32, #tpu.memory_space<hbm>> -> memref<1000000x64xf32, #tpu.memory_space<hbm>>
    tpu.wait_indirect_dma semaphore(%arg17 : memref<!tpu.dma_semaphore, #tpu.memory_space<semaphore_mem>>) src(%dma_wait3A_332 : memref<1000000x64xf32, #tpu.memory_space<hbm>>) dst(%dma_wait3A_327 : memref<128x64xf32, #tpu.memory_space<vmem>>)
    %dma_wait3A_333 = arith.constant 0 : i32
    %dma_wait3A_334 = arith.constant 0 : i32
    %dma_wait3A_335 = arith.constant 0 : i32
    %dma_wait3A_336 = tpu.memref_slice %arg13[%dma_wait3A_333, %dma_wait3A_334, %dma_wait3A_335] : memref<2x128x128xf32, #tpu.memory_space<vmem>> -> memref<1x128x128xf32, #tpu.memory_space<vmem>>
    %dma_wait3A_337 = tpu.memref_squeeze %dma_wait3A_336 : memref<1x128x128xf32, #tpu.memory_space<vmem>> -> memref<128x128xf32, #tpu.memory_space<vmem>>
    %dma_wait3A_338 = arith.constant 512 : i32
    %dma_wait3A_339 = tpu.memref_slice %arg9[%dma_wait3A_338] : memref<1024xi32, #tpu.memory_space<vmem>> -> memref<128xi32, #tpu.memory_space<vmem>>
    %dma_wait3A_340 = arith.constant 0 : i32
    %dma_wait3A_341 = arith.constant 0 : i32
    %dma_wait3A_342 = tpu.memref_slice %arg6[%dma_wait3A_340, %dma_wait3A_341] : memref<1000000x128xf32, #tpu.memory_space<hbm>> -> memref<1000000x128xf32, #tpu.memory_space<hbm>>
    tpu.wait_indirect_dma semaphore(%arg18 : memref<!tpu.dma_semaphore, #tpu.memory_space<semaphore_mem>>) src(%dma_wait3A_342 : memref<1000000x128xf32, #tpu.memory_space<hbm>>) dst(%dma_wait3A_337 : memref<128x128xf32, #tpu.memory_space<vmem>>)
    %dma_start3A_343 = arith.constant 1 : i32
    %dma_start3A_344 = arith.constant 0 : i32
    %dma_start3A_345 = arith.constant 0 : i32
    %dma_start3A_346 = tpu.memref_slice %arg11[%dma_start3A_343, %dma_start3A_344, %dma_start3A_345] : memref<2x128x64xf32, #tpu.memory_space<vmem>> -> memref<1x128x64xf32, #tpu.memory_space<vmem>>
    %dma_start3A_347 = tpu.memref_squeeze %dma_start3A_346 : memref<1x128x64xf32, #tpu.memory_space<vmem>> -> memref<128x64xf32, #tpu.memory_space<vmem>>
    %dma_start3A_348 = arith.constant 640 : i32
    %dma_start3A_349 = tpu.memref_slice %arg8[%dma_start3A_348] : memref<1024xi32, #tpu.memory_space<vmem>> -> memref<128xi32, #tpu.memory_space<vmem>>
    %dma_start3A_350 = arith.constant 0 : i32
    %dma_start3A_351 = arith.constant 0 : i32
    %dma_start3A_352 = tpu.memref_slice %arg5[%dma_start3A_350, %dma_start3A_351] : memref<1000000x64xf32, #tpu.memory_space<hbm>> -> memref<1000000x64xf32, #tpu.memory_space<hbm>>
    tpu.enqueue_indirect_dma source(%dma_start3A_352 : memref<1000000x64xf32, #tpu.memory_space<hbm>>) target(%dma_start3A_347 : memref<128x64xf32, #tpu.memory_space<vmem>>) offsets(%dma_start3A_349 : memref<128xi32, #tpu.memory_space<vmem>>) semaphore(%arg19 : memref<!tpu.dma_semaphore, #tpu.memory_space<semaphore_mem>>)
    %dma_start3A_353 = arith.constant 1 : i32
    %dma_start3A_354 = arith.constant 0 : i32
    %dma_start3A_355 = arith.constant 0 : i32
    %dma_start3A_356 = tpu.memref_slice %arg12[%dma_start3A_353, %dma_start3A_354, %dma_start3A_355] : memref<2x128x64xf32, #tpu.memory_space<vmem>> -> memref<1x128x64xf32, #tpu.memory_space<vmem>>
    %dma_start3A_357 = tpu.memref_squeeze %dma_start3A_356 : memref<1x128x64xf32, #tpu.memory_space<vmem>> -> memref<128x64xf32, #tpu.memory_space<vmem>>
    %dma_start3A_358 = arith.constant 640 : i32
    %dma_start3A_359 = tpu.memref_slice %arg10[%dma_start3A_358] : memref<1024xi32, #tpu.memory_space<vmem>> -> memref<128xi32, #tpu.memory_space<vmem>>
    %dma_start3A_360 = arith.constant 0 : i32
    %dma_start3A_361 = arith.constant 0 : i32
    %dma_start3A_362 = tpu.memref_slice %arg5[%dma_start3A_360, %dma_start3A_361] : memref<1000000x64xf32, #tpu.memory_space<hbm>> -> memref<1000000x64xf32, #tpu.memory_space<hbm>>
    tpu.enqueue_indirect_dma source(%dma_start3A_362 : memref<1000000x64xf32, #tpu.memory_space<hbm>>) target(%dma_start3A_357 : memref<128x64xf32, #tpu.memory_space<vmem>>) offsets(%dma_start3A_359 : memref<128xi32, #tpu.memory_space<vmem>>) semaphore(%arg20 : memref<!tpu.dma_semaphore, #tpu.memory_space<semaphore_mem>>)
    %dma_start3A_363 = arith.constant 1 : i32
    %dma_start3A_364 = arith.constant 0 : i32
    %dma_start3A_365 = arith.constant 0 : i32
    %dma_start3A_366 = tpu.memref_slice %arg13[%dma_start3A_363, %dma_start3A_364, %dma_start3A_365] : memref<2x128x128xf32, #tpu.memory_space<vmem>> -> memref<1x128x128xf32, #tpu.memory_space<vmem>>
    %dma_start3A_367 = tpu.memref_squeeze %dma_start3A_366 : memref<1x128x128xf32, #tpu.memory_space<vmem>> -> memref<128x128xf32, #tpu.memory_space<vmem>>
    %dma_start3A_368 = arith.constant 640 : i32
    %dma_start3A_369 = tpu.memref_slice %arg9[%dma_start3A_368] : memref<1024xi32, #tpu.memory_space<vmem>> -> memref<128xi32, #tpu.memory_space<vmem>>
    %dma_start3A_370 = arith.constant 0 : i32
    %dma_start3A_371 = arith.constant 0 : i32
    %dma_start3A_372 = tpu.memref_slice %arg6[%dma_start3A_370, %dma_start3A_371] : memref<1000000x128xf32, #tpu.memory_space<hbm>> -> memref<1000000x128xf32, #tpu.memory_space<hbm>>
    tpu.enqueue_indirect_dma source(%dma_start3A_372 : memref<1000000x128xf32, #tpu.memory_space<hbm>>) target(%dma_start3A_367 : memref<128x128xf32, #tpu.memory_space<vmem>>) offsets(%dma_start3A_369 : memref<128xi32, #tpu.memory_space<vmem>>) semaphore(%arg21 : memref<!tpu.dma_semaphore, #tpu.memory_space<semaphore_mem>>)
    %scan3A_373 = arith.constant 0 : i32
    %scan3A_374 = arith.constant 0 : i32
    %scan3A_375 = arith.constant 0 : i32
    %scan3A_376 = arith.constant 0 : i32
    %scan3A_377 = arith.constant 0 : i32
    %scan3A_378 = arith.constant 8 : i32
    %scan3A_379 = arith.addi %scan3A_377, %scan3A_378 : i32
    %scan3A_380 = arith.constant 1 : i32
    %scan3A_381 = scf.for %scan3A_563 = %scan3A_377 to %scan3A_379 step %scan3A_380 iter_args(%scan3A_564 = %scan3A_376) -> (i32)  : i32 {
      %mul3A_565 = arith.constant 16 : i32
      %mul3A_566 = arith.muli %scan3A_563, %mul3A_565 : i32
      %scan3A_567 = arith.constant 0 : i32
      %scan3A_568 = arith.constant 0 : i32
      %scan3A_569 = arith.constant 16 : i32
      %scan3A_570 = arith.addi %scan3A_568, %scan3A_569 : i32
      %scan3A_571 = arith.constant 1 : i32
      %scan3A_572 = scf.for %scan3A_691 = %scan3A_568 to %scan3A_570 step %scan3A_571 iter_args(%scan3A_692 = %scan3A_567) -> (i32)  : i32 {
        %add3A_693 = arith.addi %mul3A_566, %scan3A_691 : i32
        %get3A = arith.constant 0 : i32
        %get3A_694 = arith.constant 0 : i32
        %get3A_695 = tpu.memref_slice %arg11[%scan3A_373, %get3A, %get3A_694] : memref<2x128x64xf32, #tpu.memory_space<vmem>> -> memref<1x128x64xf32, #tpu.memory_space<vmem>>
        %get3A_696 = tpu.memref_squeeze %get3A_695 : memref<1x128x64xf32, #tpu.memory_space<vmem>> -> memref<128x64xf32, #tpu.memory_space<vmem>>
        %get3A_697 = arith.index_cast %add3A_693 : i32 to index
        %get3A_698 = arith.constant 0 : index
        %get3A_699 = tpu.vector_load %get3A_696[%get3A_697, %get3A_698] {strides = array<i32>} : memref<128x64xf32, #tpu.memory_space<vmem>>, vector<16xf32>,
        %get3A_700 = arith.constant 0 : i32
        %get3A_701 = arith.constant 0 : i32
        %get3A_702 = tpu.memref_slice %arg12[%scan3A_374, %get3A_700, %get3A_701] : memref<2x128x64xf32, #tpu.memory_space<vmem>> -> memref<1x128x64xf32, #tpu.memory_space<vmem>>
        %get3A_703 = tpu.memref_squeeze %get3A_702 : memref<1x128x64xf32, #tpu.memory_space<vmem>> -> memref<128x64xf32, #tpu.memory_space<vmem>>
        %get3A_704 = arith.index_cast %add3A_693 : i32 to index
        %get3A_705 = arith.constant 0 : index
        %get3A_706 = tpu.vector_load %get3A_703[%get3A_704, %get3A_705] {strides = array<i32>} : memref<128x64xf32, #tpu.memory_space<vmem>>, vector<16xf32>,
        %get3A_707 = arith.constant 0 : i32
        %get3A_708 = arith.constant 0 : i32
        %get3A_709 = tpu.memref_slice %arg13[%scan3A_375, %get3A_707, %get3A_708] : memref<2x128x128xf32, #tpu.memory_space<vmem>> -> memref<1x128x128xf32, #tpu.memory_space<vmem>>
        %get3A_710 = tpu.memref_squeeze %get3A_709 : memref<1x128x128xf32, #tpu.memory_space<vmem>> -> memref<128x128xf32, #tpu.memory_space<vmem>>
        %get3A_711 = arith.index_cast %add3A_693 : i32 to index
        %get3A_712 = arith.constant 0 : index
        %get3A_713 = tpu.vector_load %get3A_710[%get3A_711, %get3A_712] {strides = array<i32>} : memref<128x128xf32, #tpu.memory_space<vmem>>, vector<16xf32>,
        %get3A_714 = arith.constant 0 : i32
        %get3A_715 = arith.constant 0 : i32
        %get3A_716 = tpu.memref_slice %arg13[%scan3A_375, %get3A_714, %get3A_715] : memref<2x128x128xf32, #tpu.memory_space<vmem>> -> memref<1x128x128xf32, #tpu.memory_space<vmem>>
        %get3A_717 = tpu.memref_squeeze %get3A_716 : memref<1x128x128xf32, #tpu.memory_space<vmem>> -> memref<128x128xf32, #tpu.memory_space<vmem>>
        %get3A_718 = arith.index_cast %add3A_693 : i32 to index
        %get3A_719 = arith.constant 64 : index
        %get3A_720 = tpu.vector_load %get3A_717[%get3A_718, %get3A_719] {strides = array<i32>} : memref<128x128xf32, #tpu.memory_space<vmem>>, vector<16xf32>,
        %sub3A_721 = arith.subf %get3A_699, %get3A_706 : vector<16xf32>
        %add3A_722 = arith.addf %sub3A_721, %get3A_713 : vector<16xf32>
        %add3A_723 = arith.addf %add3A_722, %get3A_720 : vector<16xf32>
        %mul3A_724 = arith.mulf %add3A_723, %add3A_723 : vector<16xf32>
        %get3A_725 = arith.constant 0 : i32
        %get3A_726 = arith.constant 0 : i32
        %get3A_727 = tpu.memref_slice %arg11[%scan3A_373, %get3A_725, %get3A_726] : memref<2x128x64xf32, #tpu.memory_space<vmem>> -> memref<1x128x64xf32, #tpu.memory_space<vmem>>
        %get3A_728 = tpu.memref_squeeze %get3A_727 : memref<1x128x64xf32, #tpu.memory_space<vmem>> -> memref<128x64xf32, #tpu.memory_space<vmem>>
        %get3A_729 = arith.index_cast %add3A_693 : i32 to index
        %get3A_730 = arith.constant 16 : index
        %get3A_731 = tpu.vector_load %get3A_728[%get3A_729, %get3A_730] {strides = array<i32>} : memref<128x64xf32, #tpu.memory_space<vmem>>, vector<16xf32>,
        %get3A_732 = arith.constant 0 : i32
        %get3A_733 = arith.constant 0 : i32
        %get3A_734 = tpu.memref_slice %arg12[%scan3A_374, %get3A_732, %get3A_733] : memref<2x128x64xf32, #tpu.memory_space<vmem>> -> memref<1x128x64xf32, #tpu.memory_space<vmem>>
        %get3A_735 = tpu.memref_squeeze %get3A_734 : memref<1x128x64xf32, #tpu.memory_space<vmem>> -> memref<128x64xf32, #tpu.memory_space<vmem>>
        %get3A_736 = arith.index_cast %add3A_693 : i32 to index
        %get3A_737 = arith.constant 16 : index
        %get3A_738 = tpu.vector_load %get3A_735[%get3A_736, %get3A_737] {strides = array<i32>} : memref<128x64xf32, #tpu.memory_space<vmem>>, vector<16xf32>,
        %get3A_739 = arith.constant 0 : i32
        %get3A_740 = arith.constant 0 : i32
        %get3A_741 = tpu.memref_slice %arg13[%scan3A_375, %get3A_739, %get3A_740] : memref<2x128x128xf32, #tpu.memory_space<vmem>> -> memref<1x128x128xf32, #tpu.memory_space<vmem>>
        %get3A_742 = tpu.memref_squeeze %get3A_741 : memref<1x128x128xf32, #tpu.memory_space<vmem>> -> memref<128x128xf32, #tpu.memory_space<vmem>>
        %get3A_743 = arith.index_cast %add3A_693 : i32 to index
        %get3A_744 = arith.constant 16 : index
        %get3A_745 = tpu.vector_load %get3A_742[%get3A_743, %get3A_744] {strides = array<i32>} : memref<128x128xf32, #tpu.memory_space<vmem>>, vector<16xf32>,
        %get3A_746 = arith.constant 0 : i32
        %get3A_747 = arith.constant 0 : i32
        %get3A_748 = tpu.memref_slice %arg13[%scan3A_375, %get3A_746, %get3A_747] : memref<2x128x128xf32, #tpu.memory_space<vmem>> -> memref<1x128x128xf32, #tpu.memory_space<vmem>>
        %get3A_749 = tpu.memref_squeeze %get3A_748 : memref<1x128x128xf32, #tpu.memory_space<vmem>> -> memref<128x128xf32, #tpu.memory_space<vmem>>
        %get3A_750 = arith.index_cast %add3A_693 : i32 to index
        %get3A_751 = arith.constant 80 : index
        %get3A_752 = tpu.vector_load %get3A_749[%get3A_750, %get3A_751] {strides = array<i32>} : memref<128x128xf32, #tpu.memory_space<vmem>>, vector<16xf32>,
        %sub3A_753 = arith.subf %get3A_731, %get3A_738 : vector<16xf32>
        %add3A_754 = arith.addf %sub3A_753, %get3A_745 : vector<16xf32>
        %add3A_755 = arith.addf %add3A_754, %get3A_752 : vector<16xf32>
        %mul3A_756 = arith.mulf %add3A_755, %add3A_755 : vector<16xf32>
        %add3A_757 = arith.addf %mul3A_724, %mul3A_756 : vector<16xf32>
        %get3A_758 = arith.constant 0 : i32
        %get3A_759 = arith.constant 0 : i32
        %get3A_760 = tpu.memref_slice %arg11[%scan3A_373, %get3A_758, %get3A_759] : memref<2x128x64xf32, #tpu.memory_space<vmem>> -> memref<1x128x64xf32, #tpu.memory_space<vmem>>
        %get3A_761 = tpu.memref_squeeze %get3A_760 : memref<1x128x64xf32, #tpu.memory_space<vmem>> -> memref<128x64xf32, #tpu.memory_space<vmem>>
        %get3A_762 = arith.index_cast %add3A_693 : i32 to index
        %get3A_763 = arith.constant 32 : index
        %get3A_764 = tpu.vector_load %get3A_761[%get3A_762, %get3A_763] {strides = array<i32>} : memref<128x64xf32, #tpu.memory_space<vmem>>, vector<16xf32>,
        %get3A_765 = arith.constant 0 : i32
        %get3A_766 = arith.constant 0 : i32
        %get3A_767 = tpu.memref_slice %arg12[%scan3A_374, %get3A_765, %get3A_766] : memref<2x128x64xf32, #tpu.memory_space<vmem>> -> memref<1x128x64xf32, #tpu.memory_space<vmem>>
        %get3A_768 = tpu.memref_squeeze %get3A_767 : memref<1x128x64xf32, #tpu.memory_space<vmem>> -> memref<128x64xf32, #tpu.memory_space<vmem>>
        %get3A_769 = arith.index_cast %add3A_693 : i32 to index
        %get3A_770 = arith.constant 32 : index
        %get3A_771 = tpu.vector_load %get3A_768[%get3A_769, %get3A_770] {strides = array<i32>} : memref<128x64xf32, #tpu.memory_space<vmem>>, vector<16xf32>,
        %get3A_772 = arith.constant 0 : i32
        %get3A_773 = arith.constant 0 : i32
        %get3A_774 = tpu.memref_slice %arg13[%scan3A_375, %get3A_772, %get3A_773] : memref<2x128x128xf32, #tpu.memory_space<vmem>> -> memref<1x128x128xf32, #tpu.memory_space<vmem>>
        %get3A_775 = tpu.memref_squeeze %get3A_774 : memref<1x128x128xf32, #tpu.memory_space<vmem>> -> memref<128x128xf32, #tpu.memory_space<vmem>>
        %get3A_776 = arith.index_cast %add3A_693 : i32 to index
        %get3A_777 = arith.constant 32 : index
        %get3A_778 = tpu.vector_load %get3A_775[%get3A_776, %get3A_777] {strides = array<i32>} : memref<128x128xf32, #tpu.memory_space<vmem>>, vector<16xf32>,
        %get3A_779 = arith.constant 0 : i32
        %get3A_780 = arith.constant 0 : i32
        %get3A_781 = tpu.memref_slice %arg13[%scan3A_375, %get3A_779, %get3A_780] : memref<2x128x128xf32, #tpu.memory_space<vmem>> -> memref<1x128x128xf32, #tpu.memory_space<vmem>>
        %get3A_782 = tpu.memref_squeeze %get3A_781 : memref<1x128x128xf32, #tpu.memory_space<vmem>> -> memref<128x128xf32, #tpu.memory_space<vmem>>
        %get3A_783 = arith.index_cast %add3A_693 : i32 to index
        %get3A_784 = arith.constant 96 : index
        %get3A_785 = tpu.vector_load %get3A_782[%get3A_783, %get3A_784] {strides = array<i32>} : memref<128x128xf32, #tpu.memory_space<vmem>>, vector<16xf32>,
        %sub3A_786 = arith.subf %get3A_764, %get3A_771 : vector<16xf32>
        %add3A_787 = arith.addf %sub3A_786, %get3A_778 : vector<16xf32>
        %add3A_788 = arith.addf %add3A_787, %get3A_785 : vector<16xf32>
        %mul3A_789 = arith.mulf %add3A_788, %add3A_788 : vector<16xf32>
        %add3A_790 = arith.addf %add3A_757, %mul3A_789 : vector<16xf32>
        %get3A_791 = arith.constant 0 : i32
        %get3A_792 = arith.constant 0 : i32
        %get3A_793 = tpu.memref_slice %arg11[%scan3A_373, %get3A_791, %get3A_792] : memref<2x128x64xf32, #tpu.memory_space<vmem>> -> memref<1x128x64xf32, #tpu.memory_space<vmem>>
        %get3A_794 = tpu.memref_squeeze %get3A_793 : memref<1x128x64xf32, #tpu.memory_space<vmem>> -> memref<128x64xf32, #tpu.memory_space<vmem>>
        %get3A_795 = arith.index_cast %add3A_693 : i32 to index
        %get3A_796 = arith.constant 48 : index
        %get3A_797 = tpu.vector_load %get3A_794[%get3A_795, %get3A_796] {strides = array<i32>} : memref<128x64xf32, #tpu.memory_space<vmem>>, vector<16xf32>,
        %get3A_798 = arith.constant 0 : i32
        %get3A_799 = arith.constant 0 : i32
        %get3A_800 = tpu.memref_slice %arg12[%scan3A_374, %get3A_798, %get3A_799] : memref<2x128x64xf32, #tpu.memory_space<vmem>> -> memref<1x128x64xf32, #tpu.memory_space<vmem>>
        %get3A_801 = tpu.memref_squeeze %get3A_800 : memref<1x128x64xf32, #tpu.memory_space<vmem>> -> memref<128x64xf32, #tpu.memory_space<vmem>>
        %get3A_802 = arith.index_cast %add3A_693 : i32 to index
        %get3A_803 = arith.constant 48 : index
        %get3A_804 = tpu.vector_load %get3A_801[%get3A_802, %get3A_803] {strides = array<i32>} : memref<128x64xf32, #tpu.memory_space<vmem>>, vector<16xf32>,
        %get3A_805 = arith.constant 0 : i32
        %get3A_806 = arith.constant 0 : i32
        %get3A_807 = tpu.memref_slice %arg13[%scan3A_375, %get3A_805, %get3A_806] : memref<2x128x128xf32, #tpu.memory_space<vmem>> -> memref<1x128x128xf32, #tpu.memory_space<vmem>>
        %get3A_808 = tpu.memref_squeeze %get3A_807 : memref<1x128x128xf32, #tpu.memory_space<vmem>> -> memref<128x128xf32, #tpu.memory_space<vmem>>
        %get3A_809 = arith.index_cast %add3A_693 : i32 to index
        %get3A_810 = arith.constant 48 : index
        %get3A_811 = tpu.vector_load %get3A_808[%get3A_809, %get3A_810] {strides = array<i32>} : memref<128x128xf32, #tpu.memory_space<vmem>>, vector<16xf32>,
        %get3A_812 = arith.constant 0 : i32
        %get3A_813 = arith.constant 0 : i32
        %get3A_814 = tpu.memref_slice %arg13[%scan3A_375, %get3A_812, %get3A_813] : memref<2x128x128xf32, #tpu.memory_space<vmem>> -> memref<1x128x128xf32, #tpu.memory_space<vmem>>
        %get3A_815 = tpu.memref_squeeze %get3A_814 : memref<1x128x128xf32, #tpu.memory_space<vmem>> -> memref<128x128xf32, #tpu.memory_space<vmem>>
        %get3A_816 = arith.index_cast %add3A_693 : i32 to index
        %get3A_817 = arith.constant 112 : index
        %get3A_818 = tpu.vector_load %get3A_815[%get3A_816, %get3A_817] {strides = array<i32>} : memref<128x128xf32, #tpu.memory_space<vmem>>, vector<16xf32>,
        %sub3A_819 = arith.subf %get3A_797, %get3A_804 : vector<16xf32>
        %add3A_820 = arith.addf %sub3A_819, %get3A_811 : vector<16xf32>
        %add3A_821 = arith.addf %add3A_820, %get3A_818 : vector<16xf32>
        %mul3A_822 = arith.mulf %add3A_821, %add3A_821 : vector<16xf32>
        %add3A_823 = arith.addf %add3A_790, %mul3A_822 : vector<16xf32>
        %mul3A_824 = arith.constant 16 : i32
        %mul3A_825 = arith.muli %scan3A_691, %mul3A_824 : i32
        %swap3A_826 = arith.index_cast %mul3A_825 : i32 to index
        %swap3A_827 = tpu.vector_load %arg14[%swap3A_826] {strides = array<i32>} : memref<256xf32, #tpu.memory_space<vmem>>, vector<16xf32>,
        tpu.vector_store %arg14[%swap3A_826], %add3A_823 {strides = array<i32>} : memref<256xf32, #tpu.memory_space<vmem>>, vector<16xf32>,
        %scan3A_828 = arith.constant 0 : i32
        scf.yield %scan3A_828 : i32
      }
      %scan3A_573 = arith.constant 16 : i32
      %add3A_574 = arith.constant 0 : i32
      %add3A_575 = vector.broadcast %add3A_574 : i32 to vector<16xi32>
      %add3A_576 = arith.addi %mul3A_5, %add3A_575 : vector<16xi32>
      %gather3A = tpu.vector_load_idx %arg14[%add3A_576] : memref<256xf32, #tpu.memory_space<vmem>>[vector<16xi32>], vector<16xf32>,
      %add3A_577 = arith.constant 1 : i32
      %add3A_578 = vector.broadcast %add3A_577 : i32 to vector<16xi32>
      %add3A_579 = arith.addi %mul3A_5, %add3A_578 : vector<16xi32>
      %gather3A_580 = tpu.vector_load_idx %arg14[%add3A_579] : memref<256xf32, #tpu.memory_space<vmem>>[vector<16xi32>], vector<16xf32>,
      %add3A_581 = arith.addf %gather3A, %gather3A_580 : vector<16xf32>
      %add3A_582 = arith.constant 2 : i32
      %add3A_583 = vector.broadcast %add3A_582 : i32 to vector<16xi32>
      %add3A_584 = arith.addi %mul3A_5, %add3A_583 : vector<16xi32>
      %gather3A_585 = tpu.vector_load_idx %arg14[%add3A_584] : memref<256xf32, #tpu.memory_space<vmem>>[vector<16xi32>], vector<16xf32>,
      %add3A_586 = arith.addf %add3A_581, %gather3A_585 : vector<16xf32>
      %add3A_587 = arith.constant 3 : i32
      %add3A_588 = vector.broadcast %add3A_587 : i32 to vector<16xi32>
      %add3A_589 = arith.addi %mul3A_5, %add3A_588 : vector<16xi32>
      %gather3A_590 = tpu.vector_load_idx %arg14[%add3A_589] : memref<256xf32, #tpu.memory_space<vmem>>[vector<16xi32>], vector<16xf32>,
      %add3A_591 = arith.addf %add3A_586, %gather3A_590 : vector<16xf32>
      %add3A_592 = arith.constant 4 : i32
      %add3A_593 = vector.broadcast %add3A_592 : i32 to vector<16xi32>
      %add3A_594 = arith.addi %mul3A_5, %add3A_593 : vector<16xi32>
      %gather3A_595 = tpu.vector_load_idx %arg14[%add3A_594] : memref<256xf32, #tpu.memory_space<vmem>>[vector<16xi32>], vector<16xf32>,
      %add3A_596 = arith.addf %add3A_591, %gather3A_595 : vector<16xf32>
      %add3A_597 = arith.constant 5 : i32
      %add3A_598 = vector.broadcast %add3A_597 : i32 to vector<16xi32>
      %add3A_599 = arith.addi %mul3A_5, %add3A_598 : vector<16xi32>
      %gather3A_600 = tpu.vector_load_idx %arg14[%add3A_599] : memref<256xf32, #tpu.memory_space<vmem>>[vector<16xi32>], vector<16xf32>,
      %add3A_601 = arith.addf %add3A_596, %gather3A_600 : vector<16xf32>
      %add3A_602 = arith.constant 6 : i32
      %add3A_603 = vector.broadcast %add3A_602 : i32 to vector<16xi32>
      %add3A_604 = arith.addi %mul3A_5, %add3A_603 : vector<16xi32>
      %gather3A_605 = tpu.vector_load_idx %arg14[%add3A_604] : memref<256xf32, #tpu.memory_space<vmem>>[vector<16xi32>], vector<16xf32>,
      %add3A_606 = arith.addf %add3A_601, %gather3A_605 : vector<16xf32>
      %add3A_607 = arith.constant 7 : i32
      %add3A_608 = vector.broadcast %add3A_607 : i32 to vector<16xi32>
      %add3A_609 = arith.addi %mul3A_5, %add3A_608 : vector<16xi32>
      %gather3A_610 = tpu.vector_load_idx %arg14[%add3A_609] : memref<256xf32, #tpu.memory_space<vmem>>[vector<16xi32>], vector<16xf32>,
      %add3A_611 = arith.addf %add3A_606, %gather3A_610 : vector<16xf32>
      %add3A_612 = arith.constant 8 : i32
      %add3A_613 = vector.broadcast %add3A_612 : i32 to vector<16xi32>
      %add3A_614 = arith.addi %mul3A_5, %add3A_613 : vector<16xi32>
      %gather3A_615 = tpu.vector_load_idx %arg14[%add3A_614] : memref<256xf32, #tpu.memory_space<vmem>>[vector<16xi32>], vector<16xf32>,
      %add3A_616 = arith.addf %add3A_611, %gather3A_615 : vector<16xf32>
      %add3A_617 = arith.constant 9 : i32
      %add3A_618 = vector.broadcast %add3A_617 : i32 to vector<16xi32>
      %add3A_619 = arith.addi %mul3A_5, %add3A_618 : vector<16xi32>
      %gather3A_620 = tpu.vector_load_idx %arg14[%add3A_619] : memref<256xf32, #tpu.memory_space<vmem>>[vector<16xi32>], vector<16xf32>,
      %add3A_621 = arith.addf %add3A_616, %gather3A_620 : vector<16xf32>
      %add3A_622 = arith.constant 10 : i32
      %add3A_623 = vector.broadcast %add3A_622 : i32 to vector<16xi32>
      %add3A_624 = arith.addi %mul3A_5, %add3A_623 : vector<16xi32>
      %gather3A_625 = tpu.vector_load_idx %arg14[%add3A_624] : memref<256xf32, #tpu.memory_space<vmem>>[vector<16xi32>], vector<16xf32>,
      %add3A_626 = arith.addf %add3A_621, %gather3A_625 : vector<16xf32>
      %add3A_627 = arith.constant 11 : i32
      %add3A_628 = vector.broadcast %add3A_627 : i32 to vector<16xi32>
      %add3A_629 = arith.addi %mul3A_5, %add3A_628 : vector<16xi32>
      %gather3A_630 = tpu.vector_load_idx %arg14[%add3A_629] : memref<256xf32, #tpu.memory_space<vmem>>[vector<16xi32>], vector<16xf32>,
      %add3A_631 = arith.addf %add3A_626, %gather3A_630 : vector<16xf32>
      %add3A_632 = arith.constant 12 : i32
      %add3A_633 = vector.broadcast %add3A_632 : i32 to vector<16xi32>
      %add3A_634 = arith.addi %mul3A_5, %add3A_633 : vector<16xi32>
      %gather3A_635 = tpu.vector_load_idx %arg14[%add3A_634] : memref<256xf32, #tpu.memory_space<vmem>>[vector<16xi32>], vector<16xf32>,
      %add3A_636 = arith.addf %add3A_631, %gather3A_635 : vector<16xf32>
      %add3A_637 = arith.constant 13 : i32
      %add3A_638 = vector.broadcast %add3A_637 : i32 to vector<16xi32>
      %add3A_639 = arith.addi %mul3A_5, %add3A_638 : vector<16xi32>
      %gather3A_640 = tpu.vector_load_idx %arg14[%add3A_639] : memref<256xf32, #tpu.memory_space<vmem>>[vector<16xi32>], vector<16xf32>,
      %add3A_641 = arith.addf %add3A_636, %gather3A_640 : vector<16xf32>
      %add3A_642 = arith.constant 14 : i32
      %add3A_643 = vector.broadcast %add3A_642 : i32 to vector<16xi32>
      %add3A_644 = arith.addi %mul3A_5, %add3A_643 : vector<16xi32>
      %gather3A_645 = tpu.vector_load_idx %arg14[%add3A_644] : memref<256xf32, #tpu.memory_space<vmem>>[vector<16xi32>], vector<16xf32>,
      %add3A_646 = arith.addf %add3A_641, %gather3A_645 : vector<16xf32>
      %add3A_647 = arith.constant 15 : i32
      %add3A_648 = vector.broadcast %add3A_647 : i32 to vector<16xi32>
      %add3A_649 = arith.addi %mul3A_5, %add3A_648 : vector<16xi32>
      %gather3A_650 = tpu.vector_load_idx %arg14[%add3A_649] : memref<256xf32, #tpu.memory_space<vmem>>[vector<16xi32>], vector<16xf32>,
      %add3A_651 = arith.addf %add3A_646, %gather3A_650 : vector<16xf32>
      %bitcast_convert_type3A = tpu.bitcast %add3A_651 : vector<16xf32> -> vector<16xi32>
      %shift_right_arithmetic3A = arith.constant 1 : i32
      %shift_right_arithmetic3A_652 = vector.broadcast %shift_right_arithmetic3A : i32 to vector<16xi32>
      %shift_right_arithmetic3A_653 = arith.shrsi %bitcast_convert_type3A, %shift_right_arithmetic3A_652 : vector<16xi32>
      %sub3A = arith.constant 1597463007 : i32
      %sub3A_654 = vector.broadcast %sub3A : i32 to vector<16xi32>
      %sub3A_655 = arith.subi %sub3A_654, %shift_right_arithmetic3A_653 : vector<16xi32>
      %bitcast_convert_type3A_656 = tpu.bitcast %sub3A_655 : vector<16xi32> -> vector<16xf32>
      %mul3A_657 = arith.constant 5.000000e-01 : f32
      %mul3A_658 = vector.broadcast %mul3A_657 : f32 to vector<16xf32>
      %mul3A_659 = arith.mulf %mul3A_658, %add3A_651 : vector<16xf32>
      %mul3A_660 = arith.mulf %mul3A_659, %bitcast_convert_type3A_656 : vector<16xf32>
      %mul3A_661 = arith.mulf %mul3A_660, %bitcast_convert_type3A_656 : vector<16xf32>
      %sub3A_662 = arith.constant 1.500000e+00 : f32
      %sub3A_663 = vector.broadcast %sub3A_662 : f32 to vector<16xf32>
      %sub3A_664 = arith.subf %sub3A_663, %mul3A_661 : vector<16xf32>
      %mul3A_665 = arith.mulf %bitcast_convert_type3A_656, %sub3A_664 : vector<16xf32>
      %mul3A_666 = arith.constant 5.000000e-01 : f32
      %mul3A_667 = vector.broadcast %mul3A_666 : f32 to vector<16xf32>
      %mul3A_668 = arith.mulf %mul3A_667, %add3A_651 : vector<16xf32>
      %mul3A_669 = arith.mulf %mul3A_668, %mul3A_665 : vector<16xf32>
      %mul3A_670 = arith.mulf %mul3A_669, %mul3A_665 : vector<16xf32>
      %sub3A_671 = arith.constant 1.500000e+00 : f32
      %sub3A_672 = vector.broadcast %sub3A_671 : f32 to vector<16xf32>
      %sub3A_673 = arith.subf %sub3A_672, %mul3A_670 : vector<16xf32>
      %mul3A_674 = arith.mulf %mul3A_665, %sub3A_673 : vector<16xf32>
      %mul3A_675 = arith.constant 5.000000e-01 : f32
      %mul3A_676 = vector.broadcast %mul3A_675 : f32 to vector<16xf32>
      %mul3A_677 = arith.mulf %mul3A_676, %add3A_651 : vector<16xf32>
      %mul3A_678 = arith.mulf %mul3A_677, %mul3A_674 : vector<16xf32>
      %mul3A_679 = arith.mulf %mul3A_678, %mul3A_674 : vector<16xf32>
      %sub3A_680 = arith.constant 1.500000e+00 : f32
      %sub3A_681 = vector.broadcast %sub3A_680 : f32 to vector<16xf32>
      %sub3A_682 = arith.subf %sub3A_681, %mul3A_679 : vector<16xf32>
      %mul3A_683 = arith.mulf %mul3A_674, %sub3A_682 : vector<16xf32>
      %mul3A_684 = arith.mulf %add3A_651, %mul3A_683 : vector<16xf32>
      %gt3A = arith.constant 0.000000e+00 : f32
      %gt3A_685 = vector.broadcast %gt3A : f32 to vector<16xf32>
      %gt3A_686 = arith.cmpf ogt, %add3A_651, %gt3A_685 : vector<16xf32>
      %jit3A = arith.constant 0.000000e+00 : f32
      %broadcast_in_dim3A = vector.broadcast %jit3A : f32 to vector<16xf32>
      %select_n3A = arith.select %gt3A_686, %mul3A_684, %broadcast_in_dim3A : vector<16xi1>, vector<16xf32>
      %add3A_687 = arith.constant 512 : i32
      %add3A_688 = arith.addi %add3A_687, %mul3A_566 : i32
      %swap3A = arith.index_cast %add3A_688 : i32 to index
      %swap3A_689 = tpu.vector_load %arg15[%swap3A] {strides = array<i32>} : memref<1024xf32, #tpu.memory_space<vmem>>, vector<16xf32>,
      tpu.vector_store %arg15[%swap3A], %select_n3A {strides = array<i32>} : memref<1024xf32, #tpu.memory_space<vmem>>, vector<16xf32>,
      %scan3A_690 = arith.constant 0 : i32
      scf.yield %scan3A_690 : i32
    }
    %scan3A_382 = arith.constant 8 : i32
    %dma_wait3A_383 = arith.constant 1 : i32
    %dma_wait3A_384 = arith.constant 0 : i32
    %dma_wait3A_385 = arith.constant 0 : i32
    %dma_wait3A_386 = tpu.memref_slice %arg11[%dma_wait3A_383, %dma_wait3A_384, %dma_wait3A_385] : memref<2x128x64xf32, #tpu.memory_space<vmem>> -> memref<1x128x64xf32, #tpu.memory_space<vmem>>
    %dma_wait3A_387 = tpu.memref_squeeze %dma_wait3A_386 : memref<1x128x64xf32, #tpu.memory_space<vmem>> -> memref<128x64xf32, #tpu.memory_space<vmem>>
    %dma_wait3A_388 = arith.constant 640 : i32
    %dma_wait3A_389 = tpu.memref_slice %arg8[%dma_wait3A_388] : memref<1024xi32, #tpu.memory_space<vmem>> -> memref<128xi32, #tpu.memory_space<vmem>>
    %dma_wait3A_390 = arith.constant 0 : i32
    %dma_wait3A_391 = arith.constant 0 : i32
    %dma_wait3A_392 = tpu.memref_slice %arg5[%dma_wait3A_390, %dma_wait3A_391] : memref<1000000x64xf32, #tpu.memory_space<hbm>> -> memref<1000000x64xf32, #tpu.memory_space<hbm>>
    tpu.wait_indirect_dma semaphore(%arg19 : memref<!tpu.dma_semaphore, #tpu.memory_space<semaphore_mem>>) src(%dma_wait3A_392 : memref<1000000x64xf32, #tpu.memory_space<hbm>>) dst(%dma_wait3A_387 : memref<128x64xf32, #tpu.memory_space<vmem>>)
    %dma_wait3A_393 = arith.constant 1 : i32
    %dma_wait3A_394 = arith.constant 0 : i32
    %dma_wait3A_395 = arith.constant 0 : i32
    %dma_wait3A_396 = tpu.memref_slice %arg12[%dma_wait3A_393, %dma_wait3A_394, %dma_wait3A_395] : memref<2x128x64xf32, #tpu.memory_space<vmem>> -> memref<1x128x64xf32, #tpu.memory_space<vmem>>
    %dma_wait3A_397 = tpu.memref_squeeze %dma_wait3A_396 : memref<1x128x64xf32, #tpu.memory_space<vmem>> -> memref<128x64xf32, #tpu.memory_space<vmem>>
    %dma_wait3A_398 = arith.constant 640 : i32
    %dma_wait3A_399 = tpu.memref_slice %arg10[%dma_wait3A_398] : memref<1024xi32, #tpu.memory_space<vmem>> -> memref<128xi32, #tpu.memory_space<vmem>>
    %dma_wait3A_400 = arith.constant 0 : i32
    %dma_wait3A_401 = arith.constant 0 : i32
    %dma_wait3A_402 = tpu.memref_slice %arg5[%dma_wait3A_400, %dma_wait3A_401] : memref<1000000x64xf32, #tpu.memory_space<hbm>> -> memref<1000000x64xf32, #tpu.memory_space<hbm>>
    tpu.wait_indirect_dma semaphore(%arg20 : memref<!tpu.dma_semaphore, #tpu.memory_space<semaphore_mem>>) src(%dma_wait3A_402 : memref<1000000x64xf32, #tpu.memory_space<hbm>>) dst(%dma_wait3A_397 : memref<128x64xf32, #tpu.memory_space<vmem>>)
    %dma_wait3A_403 = arith.constant 1 : i32
    %dma_wait3A_404 = arith.constant 0 : i32
    %dma_wait3A_405 = arith.constant 0 : i32
    %dma_wait3A_406 = tpu.memref_slice %arg13[%dma_wait3A_403, %dma_wait3A_404, %dma_wait3A_405] : memref<2x128x128xf32, #tpu.memory_space<vmem>> -> memref<1x128x128xf32, #tpu.memory_space<vmem>>
    %dma_wait3A_407 = tpu.memref_squeeze %dma_wait3A_406 : memref<1x128x128xf32, #tpu.memory_space<vmem>> -> memref<128x128xf32, #tpu.memory_space<vmem>>
    %dma_wait3A_408 = arith.constant 640 : i32
    %dma_wait3A_409 = tpu.memref_slice %arg9[%dma_wait3A_408] : memref<1024xi32, #tpu.memory_space<vmem>> -> memref<128xi32, #tpu.memory_space<vmem>>
    %dma_wait3A_410 = arith.constant 0 : i32
    %dma_wait3A_411 = arith.constant 0 : i32
    %dma_wait3A_412 = tpu.memref_slice %arg6[%dma_wait3A_410, %dma_wait3A_411] : memref<1000000x128xf32, #tpu.memory_space<hbm>> -> memref<1000000x128xf32, #tpu.memory_space<hbm>>
    tpu.wait_indirect_dma semaphore(%arg21 : memref<!tpu.dma_semaphore, #tpu.memory_space<semaphore_mem>>) src(%dma_wait3A_412 : memref<1000000x128xf32, #tpu.memory_space<hbm>>) dst(%dma_wait3A_407 : memref<128x128xf32, #tpu.memory_space<vmem>>)
    %dma_start3A_413 = arith.constant 0 : i32
    %dma_start3A_414 = arith.constant 0 : i32
    %dma_start3A_415 = arith.constant 0 : i32
    %dma_start3A_416 = tpu.memref_slice %arg11[%dma_start3A_413, %dma_start3A_414, %dma_start3A_415] : memref<2x128x64xf32, #tpu.memory_space<vmem>> -> memref<1x128x64xf32, #tpu.memory_space<vmem>>
    %dma_start3A_417 = tpu.memref_squeeze %dma_start3A_416 : memref<1x128x64xf32, #tpu.memory_space<vmem>> -> memref<128x64xf32, #tpu.memory_space<vmem>>
    %dma_start3A_418 = arith.constant 768 : i32
    %dma_start3A_419 = tpu.memref_slice %arg8[%dma_start3A_418] : memref<1024xi32, #tpu.memory_space<vmem>> -> memref<128xi32, #tpu.memory_space<vmem>>
    %dma_start3A_420 = arith.constant 0 : i32
    %dma_start3A_421 = arith.constant 0 : i32
    %dma_start3A_422 = tpu.memref_slice %arg5[%dma_start3A_420, %dma_start3A_421] : memref<1000000x64xf32, #tpu.memory_space<hbm>> -> memref<1000000x64xf32, #tpu.memory_space<hbm>>
    tpu.enqueue_indirect_dma source(%dma_start3A_422 : memref<1000000x64xf32, #tpu.memory_space<hbm>>) target(%dma_start3A_417 : memref<128x64xf32, #tpu.memory_space<vmem>>) offsets(%dma_start3A_419 : memref<128xi32, #tpu.memory_space<vmem>>) semaphore(%arg16 : memref<!tpu.dma_semaphore, #tpu.memory_space<semaphore_mem>>)
    %dma_start3A_423 = arith.constant 0 : i32
    %dma_start3A_424 = arith.constant 0 : i32
    %dma_start3A_425 = arith.constant 0 : i32
    %dma_start3A_426 = tpu.memref_slice %arg12[%dma_start3A_423, %dma_start3A_424, %dma_start3A_425] : memref<2x128x64xf32, #tpu.memory_space<vmem>> -> memref<1x128x64xf32, #tpu.memory_space<vmem>>
    %dma_start3A_427 = tpu.memref_squeeze %dma_start3A_426 : memref<1x128x64xf32, #tpu.memory_space<vmem>> -> memref<128x64xf32, #tpu.memory_space<vmem>>
    %dma_start3A_428 = arith.constant 768 : i32
    %dma_start3A_429 = tpu.memref_slice %arg10[%dma_start3A_428] : memref<1024xi32, #tpu.memory_space<vmem>> -> memref<128xi32, #tpu.memory_space<vmem>>
    %dma_start3A_430 = arith.constant 0 : i32
    %dma_start3A_431 = arith.constant 0 : i32
    %dma_start3A_432 = tpu.memref_slice %arg5[%dma_start3A_430, %dma_start3A_431] : memref<1000000x64xf32, #tpu.memory_space<hbm>> -> memref<1000000x64xf32, #tpu.memory_space<hbm>>
    tpu.enqueue_indirect_dma source(%dma_start3A_432 : memref<1000000x64xf32, #tpu.memory_space<hbm>>) target(%dma_start3A_427 : memref<128x64xf32, #tpu.memory_space<vmem>>) offsets(%dma_start3A_429 : memref<128xi32, #tpu.memory_space<vmem>>) semaphore(%arg17 : memref<!tpu.dma_semaphore, #tpu.memory_space<semaphore_mem>>)
    %dma_start3A_433 = arith.constant 0 : i32
    %dma_start3A_434 = arith.constant 0 : i32
    %dma_start3A_435 = arith.constant 0 : i32
    %dma_start3A_436 = tpu.memref_slice %arg13[%dma_start3A_433, %dma_start3A_434, %dma_start3A_435] : memref<2x128x128xf32, #tpu.memory_space<vmem>> -> memref<1x128x128xf32, #tpu.memory_space<vmem>>
    %dma_start3A_437 = tpu.memref_squeeze %dma_start3A_436 : memref<1x128x128xf32, #tpu.memory_space<vmem>> -> memref<128x128xf32, #tpu.memory_space<vmem>>
    %dma_start3A_438 = arith.constant 768 : i32
    %dma_start3A_439 = tpu.memref_slice %arg9[%dma_start3A_438] : memref<1024xi32, #tpu.memory_space<vmem>> -> memref<128xi32, #tpu.memory_space<vmem>>
    %dma_start3A_440 = arith.constant 0 : i32
    %dma_start3A_441 = arith.constant 0 : i32
    %dma_start3A_442 = tpu.memref_slice %arg6[%dma_start3A_440, %dma_start3A_441] : memref<1000000x128xf32, #tpu.memory_space<hbm>> -> memref<1000000x128xf32, #tpu.memory_space<hbm>>
    tpu.enqueue_indirect_dma source(%dma_start3A_442 : memref<1000000x128xf32, #tpu.memory_space<hbm>>) target(%dma_start3A_437 : memref<128x128xf32, #tpu.memory_space<vmem>>) offsets(%dma_start3A_439 : memref<128xi32, #tpu.memory_space<vmem>>) semaphore(%arg18 : memref<!tpu.dma_semaphore, #tpu.memory_space<semaphore_mem>>)
    %scan3A_443 = arith.constant 1 : i32
    %scan3A_444 = arith.constant 1 : i32
    %scan3A_445 = arith.constant 1 : i32
    %scan3A_446 = arith.constant 0 : i32
    %scan3A_447 = arith.constant 0 : i32
    %scan3A_448 = arith.constant 8 : i32
    %scan3A_449 = arith.addi %scan3A_447, %scan3A_448 : i32
    %scan3A_450 = arith.constant 1 : i32
    %scan3A_451 = scf.for %scan3A_563 = %scan3A_447 to %scan3A_449 step %scan3A_450 iter_args(%scan3A_564 = %scan3A_446) -> (i32)  : i32 {
      %mul3A_565 = arith.constant 16 : i32
      %mul3A_566 = arith.muli %scan3A_563, %mul3A_565 : i32
      %scan3A_567 = arith.constant 0 : i32
      %scan3A_568 = arith.constant 0 : i32
      %scan3A_569 = arith.constant 16 : i32
      %scan3A_570 = arith.addi %scan3A_568, %scan3A_569 : i32
      %scan3A_571 = arith.constant 1 : i32
      %scan3A_572 = scf.for %scan3A_691 = %scan3A_568 to %scan3A_570 step %scan3A_571 iter_args(%scan3A_692 = %scan3A_567) -> (i32)  : i32 {
        %add3A_693 = arith.addi %mul3A_566, %scan3A_691 : i32
        %get3A = arith.constant 0 : i32
        %get3A_694 = arith.constant 0 : i32
        %get3A_695 = tpu.memref_slice %arg11[%scan3A_443, %get3A, %get3A_694] : memref<2x128x64xf32, #tpu.memory_space<vmem>> -> memref<1x128x64xf32, #tpu.memory_space<vmem>>
        %get3A_696 = tpu.memref_squeeze %get3A_695 : memref<1x128x64xf32, #tpu.memory_space<vmem>> -> memref<128x64xf32, #tpu.memory_space<vmem>>
        %get3A_697 = arith.index_cast %add3A_693 : i32 to index
        %get3A_698 = arith.constant 0 : index
        %get3A_699 = tpu.vector_load %get3A_696[%get3A_697, %get3A_698] {strides = array<i32>} : memref<128x64xf32, #tpu.memory_space<vmem>>, vector<16xf32>,
        %get3A_700 = arith.constant 0 : i32
        %get3A_701 = arith.constant 0 : i32
        %get3A_702 = tpu.memref_slice %arg12[%scan3A_444, %get3A_700, %get3A_701] : memref<2x128x64xf32, #tpu.memory_space<vmem>> -> memref<1x128x64xf32, #tpu.memory_space<vmem>>
        %get3A_703 = tpu.memref_squeeze %get3A_702 : memref<1x128x64xf32, #tpu.memory_space<vmem>> -> memref<128x64xf32, #tpu.memory_space<vmem>>
        %get3A_704 = arith.index_cast %add3A_693 : i32 to index
        %get3A_705 = arith.constant 0 : index
        %get3A_706 = tpu.vector_load %get3A_703[%get3A_704, %get3A_705] {strides = array<i32>} : memref<128x64xf32, #tpu.memory_space<vmem>>, vector<16xf32>,
        %get3A_707 = arith.constant 0 : i32
        %get3A_708 = arith.constant 0 : i32
        %get3A_709 = tpu.memref_slice %arg13[%scan3A_445, %get3A_707, %get3A_708] : memref<2x128x128xf32, #tpu.memory_space<vmem>> -> memref<1x128x128xf32, #tpu.memory_space<vmem>>
        %get3A_710 = tpu.memref_squeeze %get3A_709 : memref<1x128x128xf32, #tpu.memory_space<vmem>> -> memref<128x128xf32, #tpu.memory_space<vmem>>
        %get3A_711 = arith.index_cast %add3A_693 : i32 to index
        %get3A_712 = arith.constant 0 : index
        %get3A_713 = tpu.vector_load %get3A_710[%get3A_711, %get3A_712] {strides = array<i32>} : memref<128x128xf32, #tpu.memory_space<vmem>>, vector<16xf32>,
        %get3A_714 = arith.constant 0 : i32
        %get3A_715 = arith.constant 0 : i32
        %get3A_716 = tpu.memref_slice %arg13[%scan3A_445, %get3A_714, %get3A_715] : memref<2x128x128xf32, #tpu.memory_space<vmem>> -> memref<1x128x128xf32, #tpu.memory_space<vmem>>
        %get3A_717 = tpu.memref_squeeze %get3A_716 : memref<1x128x128xf32, #tpu.memory_space<vmem>> -> memref<128x128xf32, #tpu.memory_space<vmem>>
        %get3A_718 = arith.index_cast %add3A_693 : i32 to index
        %get3A_719 = arith.constant 64 : index
        %get3A_720 = tpu.vector_load %get3A_717[%get3A_718, %get3A_719] {strides = array<i32>} : memref<128x128xf32, #tpu.memory_space<vmem>>, vector<16xf32>,
        %sub3A_721 = arith.subf %get3A_699, %get3A_706 : vector<16xf32>
        %add3A_722 = arith.addf %sub3A_721, %get3A_713 : vector<16xf32>
        %add3A_723 = arith.addf %add3A_722, %get3A_720 : vector<16xf32>
        %mul3A_724 = arith.mulf %add3A_723, %add3A_723 : vector<16xf32>
        %get3A_725 = arith.constant 0 : i32
        %get3A_726 = arith.constant 0 : i32
        %get3A_727 = tpu.memref_slice %arg11[%scan3A_443, %get3A_725, %get3A_726] : memref<2x128x64xf32, #tpu.memory_space<vmem>> -> memref<1x128x64xf32, #tpu.memory_space<vmem>>
        %get3A_728 = tpu.memref_squeeze %get3A_727 : memref<1x128x64xf32, #tpu.memory_space<vmem>> -> memref<128x64xf32, #tpu.memory_space<vmem>>
        %get3A_729 = arith.index_cast %add3A_693 : i32 to index
        %get3A_730 = arith.constant 16 : index
        %get3A_731 = tpu.vector_load %get3A_728[%get3A_729, %get3A_730] {strides = array<i32>} : memref<128x64xf32, #tpu.memory_space<vmem>>, vector<16xf32>,
        %get3A_732 = arith.constant 0 : i32
        %get3A_733 = arith.constant 0 : i32
        %get3A_734 = tpu.memref_slice %arg12[%scan3A_444, %get3A_732, %get3A_733] : memref<2x128x64xf32, #tpu.memory_space<vmem>> -> memref<1x128x64xf32, #tpu.memory_space<vmem>>
        %get3A_735 = tpu.memref_squeeze %get3A_734 : memref<1x128x64xf32, #tpu.memory_space<vmem>> -> memref<128x64xf32, #tpu.memory_space<vmem>>
        %get3A_736 = arith.index_cast %add3A_693 : i32 to index
        %get3A_737 = arith.constant 16 : index
        %get3A_738 = tpu.vector_load %get3A_735[%get3A_736, %get3A_737] {strides = array<i32>} : memref<128x64xf32, #tpu.memory_space<vmem>>, vector<16xf32>,
        %get3A_739 = arith.constant 0 : i32
        %get3A_740 = arith.constant 0 : i32
        %get3A_741 = tpu.memref_slice %arg13[%scan3A_445, %get3A_739, %get3A_740] : memref<2x128x128xf32, #tpu.memory_space<vmem>> -> memref<1x128x128xf32, #tpu.memory_space<vmem>>
        %get3A_742 = tpu.memref_squeeze %get3A_741 : memref<1x128x128xf32, #tpu.memory_space<vmem>> -> memref<128x128xf32, #tpu.memory_space<vmem>>
        %get3A_743 = arith.index_cast %add3A_693 : i32 to index
        %get3A_744 = arith.constant 16 : index
        %get3A_745 = tpu.vector_load %get3A_742[%get3A_743, %get3A_744] {strides = array<i32>} : memref<128x128xf32, #tpu.memory_space<vmem>>, vector<16xf32>,
        %get3A_746 = arith.constant 0 : i32
        %get3A_747 = arith.constant 0 : i32
        %get3A_748 = tpu.memref_slice %arg13[%scan3A_445, %get3A_746, %get3A_747] : memref<2x128x128xf32, #tpu.memory_space<vmem>> -> memref<1x128x128xf32, #tpu.memory_space<vmem>>
        %get3A_749 = tpu.memref_squeeze %get3A_748 : memref<1x128x128xf32, #tpu.memory_space<vmem>> -> memref<128x128xf32, #tpu.memory_space<vmem>>
        %get3A_750 = arith.index_cast %add3A_693 : i32 to index
        %get3A_751 = arith.constant 80 : index
        %get3A_752 = tpu.vector_load %get3A_749[%get3A_750, %get3A_751] {strides = array<i32>} : memref<128x128xf32, #tpu.memory_space<vmem>>, vector<16xf32>,
        %sub3A_753 = arith.subf %get3A_731, %get3A_738 : vector<16xf32>
        %add3A_754 = arith.addf %sub3A_753, %get3A_745 : vector<16xf32>
        %add3A_755 = arith.addf %add3A_754, %get3A_752 : vector<16xf32>
        %mul3A_756 = arith.mulf %add3A_755, %add3A_755 : vector<16xf32>
        %add3A_757 = arith.addf %mul3A_724, %mul3A_756 : vector<16xf32>
        %get3A_758 = arith.constant 0 : i32
        %get3A_759 = arith.constant 0 : i32
        %get3A_760 = tpu.memref_slice %arg11[%scan3A_443, %get3A_758, %get3A_759] : memref<2x128x64xf32, #tpu.memory_space<vmem>> -> memref<1x128x64xf32, #tpu.memory_space<vmem>>
        %get3A_761 = tpu.memref_squeeze %get3A_760 : memref<1x128x64xf32, #tpu.memory_space<vmem>> -> memref<128x64xf32, #tpu.memory_space<vmem>>
        %get3A_762 = arith.index_cast %add3A_693 : i32 to index
        %get3A_763 = arith.constant 32 : index
        %get3A_764 = tpu.vector_load %get3A_761[%get3A_762, %get3A_763] {strides = array<i32>} : memref<128x64xf32, #tpu.memory_space<vmem>>, vector<16xf32>,
        %get3A_765 = arith.constant 0 : i32
        %get3A_766 = arith.constant 0 : i32
        %get3A_767 = tpu.memref_slice %arg12[%scan3A_444, %get3A_765, %get3A_766] : memref<2x128x64xf32, #tpu.memory_space<vmem>> -> memref<1x128x64xf32, #tpu.memory_space<vmem>>
        %get3A_768 = tpu.memref_squeeze %get3A_767 : memref<1x128x64xf32, #tpu.memory_space<vmem>> -> memref<128x64xf32, #tpu.memory_space<vmem>>
        %get3A_769 = arith.index_cast %add3A_693 : i32 to index
        %get3A_770 = arith.constant 32 : index
        %get3A_771 = tpu.vector_load %get3A_768[%get3A_769, %get3A_770] {strides = array<i32>} : memref<128x64xf32, #tpu.memory_space<vmem>>, vector<16xf32>,
        %get3A_772 = arith.constant 0 : i32
        %get3A_773 = arith.constant 0 : i32
        %get3A_774 = tpu.memref_slice %arg13[%scan3A_445, %get3A_772, %get3A_773] : memref<2x128x128xf32, #tpu.memory_space<vmem>> -> memref<1x128x128xf32, #tpu.memory_space<vmem>>
        %get3A_775 = tpu.memref_squeeze %get3A_774 : memref<1x128x128xf32, #tpu.memory_space<vmem>> -> memref<128x128xf32, #tpu.memory_space<vmem>>
        %get3A_776 = arith.index_cast %add3A_693 : i32 to index
        %get3A_777 = arith.constant 32 : index
        %get3A_778 = tpu.vector_load %get3A_775[%get3A_776, %get3A_777] {strides = array<i32>} : memref<128x128xf32, #tpu.memory_space<vmem>>, vector<16xf32>,
        %get3A_779 = arith.constant 0 : i32
        %get3A_780 = arith.constant 0 : i32
        %get3A_781 = tpu.memref_slice %arg13[%scan3A_445, %get3A_779, %get3A_780] : memref<2x128x128xf32, #tpu.memory_space<vmem>> -> memref<1x128x128xf32, #tpu.memory_space<vmem>>
        %get3A_782 = tpu.memref_squeeze %get3A_781 : memref<1x128x128xf32, #tpu.memory_space<vmem>> -> memref<128x128xf32, #tpu.memory_space<vmem>>
        %get3A_783 = arith.index_cast %add3A_693 : i32 to index
        %get3A_784 = arith.constant 96 : index
        %get3A_785 = tpu.vector_load %get3A_782[%get3A_783, %get3A_784] {strides = array<i32>} : memref<128x128xf32, #tpu.memory_space<vmem>>, vector<16xf32>,
        %sub3A_786 = arith.subf %get3A_764, %get3A_771 : vector<16xf32>
        %add3A_787 = arith.addf %sub3A_786, %get3A_778 : vector<16xf32>
        %add3A_788 = arith.addf %add3A_787, %get3A_785 : vector<16xf32>
        %mul3A_789 = arith.mulf %add3A_788, %add3A_788 : vector<16xf32>
        %add3A_790 = arith.addf %add3A_757, %mul3A_789 : vector<16xf32>
        %get3A_791 = arith.constant 0 : i32
        %get3A_792 = arith.constant 0 : i32
        %get3A_793 = tpu.memref_slice %arg11[%scan3A_443, %get3A_791, %get3A_792] : memref<2x128x64xf32, #tpu.memory_space<vmem>> -> memref<1x128x64xf32, #tpu.memory_space<vmem>>
        %get3A_794 = tpu.memref_squeeze %get3A_793 : memref<1x128x64xf32, #tpu.memory_space<vmem>> -> memref<128x64xf32, #tpu.memory_space<vmem>>
        %get3A_795 = arith.index_cast %add3A_693 : i32 to index
        %get3A_796 = arith.constant 48 : index
        %get3A_797 = tpu.vector_load %get3A_794[%get3A_795, %get3A_796] {strides = array<i32>} : memref<128x64xf32, #tpu.memory_space<vmem>>, vector<16xf32>,
        %get3A_798 = arith.constant 0 : i32
        %get3A_799 = arith.constant 0 : i32
        %get3A_800 = tpu.memref_slice %arg12[%scan3A_444, %get3A_798, %get3A_799] : memref<2x128x64xf32, #tpu.memory_space<vmem>> -> memref<1x128x64xf32, #tpu.memory_space<vmem>>
        %get3A_801 = tpu.memref_squeeze %get3A_800 : memref<1x128x64xf32, #tpu.memory_space<vmem>> -> memref<128x64xf32, #tpu.memory_space<vmem>>
        %get3A_802 = arith.index_cast %add3A_693 : i32 to index
        %get3A_803 = arith.constant 48 : index
        %get3A_804 = tpu.vector_load %get3A_801[%get3A_802, %get3A_803] {strides = array<i32>} : memref<128x64xf32, #tpu.memory_space<vmem>>, vector<16xf32>,
        %get3A_805 = arith.constant 0 : i32
        %get3A_806 = arith.constant 0 : i32
        %get3A_807 = tpu.memref_slice %arg13[%scan3A_445, %get3A_805, %get3A_806] : memref<2x128x128xf32, #tpu.memory_space<vmem>> -> memref<1x128x128xf32, #tpu.memory_space<vmem>>
        %get3A_808 = tpu.memref_squeeze %get3A_807 : memref<1x128x128xf32, #tpu.memory_space<vmem>> -> memref<128x128xf32, #tpu.memory_space<vmem>>
        %get3A_809 = arith.index_cast %add3A_693 : i32 to index
        %get3A_810 = arith.constant 48 : index
        %get3A_811 = tpu.vector_load %get3A_808[%get3A_809, %get3A_810] {strides = array<i32>} : memref<128x128xf32, #tpu.memory_space<vmem>>, vector<16xf32>,
        %get3A_812 = arith.constant 0 : i32
        %get3A_813 = arith.constant 0 : i32
        %get3A_814 = tpu.memref_slice %arg13[%scan3A_445, %get3A_812, %get3A_813] : memref<2x128x128xf32, #tpu.memory_space<vmem>> -> memref<1x128x128xf32, #tpu.memory_space<vmem>>
        %get3A_815 = tpu.memref_squeeze %get3A_814 : memref<1x128x128xf32, #tpu.memory_space<vmem>> -> memref<128x128xf32, #tpu.memory_space<vmem>>
        %get3A_816 = arith.index_cast %add3A_693 : i32 to index
        %get3A_817 = arith.constant 112 : index
        %get3A_818 = tpu.vector_load %get3A_815[%get3A_816, %get3A_817] {strides = array<i32>} : memref<128x128xf32, #tpu.memory_space<vmem>>, vector<16xf32>,
        %sub3A_819 = arith.subf %get3A_797, %get3A_804 : vector<16xf32>
        %add3A_820 = arith.addf %sub3A_819, %get3A_811 : vector<16xf32>
        %add3A_821 = arith.addf %add3A_820, %get3A_818 : vector<16xf32>
        %mul3A_822 = arith.mulf %add3A_821, %add3A_821 : vector<16xf32>
        %add3A_823 = arith.addf %add3A_790, %mul3A_822 : vector<16xf32>
        %mul3A_824 = arith.constant 16 : i32
        %mul3A_825 = arith.muli %scan3A_691, %mul3A_824 : i32
        %swap3A_826 = arith.index_cast %mul3A_825 : i32 to index
        %swap3A_827 = tpu.vector_load %arg14[%swap3A_826] {strides = array<i32>} : memref<256xf32, #tpu.memory_space<vmem>>, vector<16xf32>,
        tpu.vector_store %arg14[%swap3A_826], %add3A_823 {strides = array<i32>} : memref<256xf32, #tpu.memory_space<vmem>>, vector<16xf32>,
        %scan3A_828 = arith.constant 0 : i32
        scf.yield %scan3A_828 : i32
      }
      %scan3A_573 = arith.constant 16 : i32
      %add3A_574 = arith.constant 0 : i32
      %add3A_575 = vector.broadcast %add3A_574 : i32 to vector<16xi32>
      %add3A_576 = arith.addi %mul3A_5, %add3A_575 : vector<16xi32>
      %gather3A = tpu.vector_load_idx %arg14[%add3A_576] : memref<256xf32, #tpu.memory_space<vmem>>[vector<16xi32>], vector<16xf32>,
      %add3A_577 = arith.constant 1 : i32
      %add3A_578 = vector.broadcast %add3A_577 : i32 to vector<16xi32>
      %add3A_579 = arith.addi %mul3A_5, %add3A_578 : vector<16xi32>
      %gather3A_580 = tpu.vector_load_idx %arg14[%add3A_579] : memref<256xf32, #tpu.memory_space<vmem>>[vector<16xi32>], vector<16xf32>,
      %add3A_581 = arith.addf %gather3A, %gather3A_580 : vector<16xf32>
      %add3A_582 = arith.constant 2 : i32
      %add3A_583 = vector.broadcast %add3A_582 : i32 to vector<16xi32>
      %add3A_584 = arith.addi %mul3A_5, %add3A_583 : vector<16xi32>
      %gather3A_585 = tpu.vector_load_idx %arg14[%add3A_584] : memref<256xf32, #tpu.memory_space<vmem>>[vector<16xi32>], vector<16xf32>,
      %add3A_586 = arith.addf %add3A_581, %gather3A_585 : vector<16xf32>
      %add3A_587 = arith.constant 3 : i32
      %add3A_588 = vector.broadcast %add3A_587 : i32 to vector<16xi32>
      %add3A_589 = arith.addi %mul3A_5, %add3A_588 : vector<16xi32>
      %gather3A_590 = tpu.vector_load_idx %arg14[%add3A_589] : memref<256xf32, #tpu.memory_space<vmem>>[vector<16xi32>], vector<16xf32>,
      %add3A_591 = arith.addf %add3A_586, %gather3A_590 : vector<16xf32>
      %add3A_592 = arith.constant 4 : i32
      %add3A_593 = vector.broadcast %add3A_592 : i32 to vector<16xi32>
      %add3A_594 = arith.addi %mul3A_5, %add3A_593 : vector<16xi32>
      %gather3A_595 = tpu.vector_load_idx %arg14[%add3A_594] : memref<256xf32, #tpu.memory_space<vmem>>[vector<16xi32>], vector<16xf32>,
      %add3A_596 = arith.addf %add3A_591, %gather3A_595 : vector<16xf32>
      %add3A_597 = arith.constant 5 : i32
      %add3A_598 = vector.broadcast %add3A_597 : i32 to vector<16xi32>
      %add3A_599 = arith.addi %mul3A_5, %add3A_598 : vector<16xi32>
      %gather3A_600 = tpu.vector_load_idx %arg14[%add3A_599] : memref<256xf32, #tpu.memory_space<vmem>>[vector<16xi32>], vector<16xf32>,
      %add3A_601 = arith.addf %add3A_596, %gather3A_600 : vector<16xf32>
      %add3A_602 = arith.constant 6 : i32
      %add3A_603 = vector.broadcast %add3A_602 : i32 to vector<16xi32>
      %add3A_604 = arith.addi %mul3A_5, %add3A_603 : vector<16xi32>
      %gather3A_605 = tpu.vector_load_idx %arg14[%add3A_604] : memref<256xf32, #tpu.memory_space<vmem>>[vector<16xi32>], vector<16xf32>,
      %add3A_606 = arith.addf %add3A_601, %gather3A_605 : vector<16xf32>
      %add3A_607 = arith.constant 7 : i32
      %add3A_608 = vector.broadcast %add3A_607 : i32 to vector<16xi32>
      %add3A_609 = arith.addi %mul3A_5, %add3A_608 : vector<16xi32>
      %gather3A_610 = tpu.vector_load_idx %arg14[%add3A_609] : memref<256xf32, #tpu.memory_space<vmem>>[vector<16xi32>], vector<16xf32>,
      %add3A_611 = arith.addf %add3A_606, %gather3A_610 : vector<16xf32>
      %add3A_612 = arith.constant 8 : i32
      %add3A_613 = vector.broadcast %add3A_612 : i32 to vector<16xi32>
      %add3A_614 = arith.addi %mul3A_5, %add3A_613 : vector<16xi32>
      %gather3A_615 = tpu.vector_load_idx %arg14[%add3A_614] : memref<256xf32, #tpu.memory_space<vmem>>[vector<16xi32>], vector<16xf32>,
      %add3A_616 = arith.addf %add3A_611, %gather3A_615 : vector<16xf32>
      %add3A_617 = arith.constant 9 : i32
      %add3A_618 = vector.broadcast %add3A_617 : i32 to vector<16xi32>
      %add3A_619 = arith.addi %mul3A_5, %add3A_618 : vector<16xi32>
      %gather3A_620 = tpu.vector_load_idx %arg14[%add3A_619] : memref<256xf32, #tpu.memory_space<vmem>>[vector<16xi32>], vector<16xf32>,
      %add3A_621 = arith.addf %add3A_616, %gather3A_620 : vector<16xf32>
      %add3A_622 = arith.constant 10 : i32
      %add3A_623 = vector.broadcast %add3A_622 : i32 to vector<16xi32>
      %add3A_624 = arith.addi %mul3A_5, %add3A_623 : vector<16xi32>
      %gather3A_625 = tpu.vector_load_idx %arg14[%add3A_624] : memref<256xf32, #tpu.memory_space<vmem>>[vector<16xi32>], vector<16xf32>,
      %add3A_626 = arith.addf %add3A_621, %gather3A_625 : vector<16xf32>
      %add3A_627 = arith.constant 11 : i32
      %add3A_628 = vector.broadcast %add3A_627 : i32 to vector<16xi32>
      %add3A_629 = arith.addi %mul3A_5, %add3A_628 : vector<16xi32>
      %gather3A_630 = tpu.vector_load_idx %arg14[%add3A_629] : memref<256xf32, #tpu.memory_space<vmem>>[vector<16xi32>], vector<16xf32>,
      %add3A_631 = arith.addf %add3A_626, %gather3A_630 : vector<16xf32>
      %add3A_632 = arith.constant 12 : i32
      %add3A_633 = vector.broadcast %add3A_632 : i32 to vector<16xi32>
      %add3A_634 = arith.addi %mul3A_5, %add3A_633 : vector<16xi32>
      %gather3A_635 = tpu.vector_load_idx %arg14[%add3A_634] : memref<256xf32, #tpu.memory_space<vmem>>[vector<16xi32>], vector<16xf32>,
      %add3A_636 = arith.addf %add3A_631, %gather3A_635 : vector<16xf32>
      %add3A_637 = arith.constant 13 : i32
      %add3A_638 = vector.broadcast %add3A_637 : i32 to vector<16xi32>
      %add3A_639 = arith.addi %mul3A_5, %add3A_638 : vector<16xi32>
      %gather3A_640 = tpu.vector_load_idx %arg14[%add3A_639] : memref<256xf32, #tpu.memory_space<vmem>>[vector<16xi32>], vector<16xf32>,
      %add3A_641 = arith.addf %add3A_636, %gather3A_640 : vector<16xf32>
      %add3A_642 = arith.constant 14 : i32
      %add3A_643 = vector.broadcast %add3A_642 : i32 to vector<16xi32>
      %add3A_644 = arith.addi %mul3A_5, %add3A_643 : vector<16xi32>
      %gather3A_645 = tpu.vector_load_idx %arg14[%add3A_644] : memref<256xf32, #tpu.memory_space<vmem>>[vector<16xi32>], vector<16xf32>,
      %add3A_646 = arith.addf %add3A_641, %gather3A_645 : vector<16xf32>
      %add3A_647 = arith.constant 15 : i32
      %add3A_648 = vector.broadcast %add3A_647 : i32 to vector<16xi32>
      %add3A_649 = arith.addi %mul3A_5, %add3A_648 : vector<16xi32>
      %gather3A_650 = tpu.vector_load_idx %arg14[%add3A_649] : memref<256xf32, #tpu.memory_space<vmem>>[vector<16xi32>], vector<16xf32>,
      %add3A_651 = arith.addf %add3A_646, %gather3A_650 : vector<16xf32>
      %bitcast_convert_type3A = tpu.bitcast %add3A_651 : vector<16xf32> -> vector<16xi32>
      %shift_right_arithmetic3A = arith.constant 1 : i32
      %shift_right_arithmetic3A_652 = vector.broadcast %shift_right_arithmetic3A : i32 to vector<16xi32>
      %shift_right_arithmetic3A_653 = arith.shrsi %bitcast_convert_type3A, %shift_right_arithmetic3A_652 : vector<16xi32>
      %sub3A = arith.constant 1597463007 : i32
      %sub3A_654 = vector.broadcast %sub3A : i32 to vector<16xi32>
      %sub3A_655 = arith.subi %sub3A_654, %shift_right_arithmetic3A_653 : vector<16xi32>
      %bitcast_convert_type3A_656 = tpu.bitcast %sub3A_655 : vector<16xi32> -> vector<16xf32>
      %mul3A_657 = arith.constant 5.000000e-01 : f32
      %mul3A_658 = vector.broadcast %mul3A_657 : f32 to vector<16xf32>
      %mul3A_659 = arith.mulf %mul3A_658, %add3A_651 : vector<16xf32>
      %mul3A_660 = arith.mulf %mul3A_659, %bitcast_convert_type3A_656 : vector<16xf32>
      %mul3A_661 = arith.mulf %mul3A_660, %bitcast_convert_type3A_656 : vector<16xf32>
      %sub3A_662 = arith.constant 1.500000e+00 : f32
      %sub3A_663 = vector.broadcast %sub3A_662 : f32 to vector<16xf32>
      %sub3A_664 = arith.subf %sub3A_663, %mul3A_661 : vector<16xf32>
      %mul3A_665 = arith.mulf %bitcast_convert_type3A_656, %sub3A_664 : vector<16xf32>
      %mul3A_666 = arith.constant 5.000000e-01 : f32
      %mul3A_667 = vector.broadcast %mul3A_666 : f32 to vector<16xf32>
      %mul3A_668 = arith.mulf %mul3A_667, %add3A_651 : vector<16xf32>
      %mul3A_669 = arith.mulf %mul3A_668, %mul3A_665 : vector<16xf32>
      %mul3A_670 = arith.mulf %mul3A_669, %mul3A_665 : vector<16xf32>
      %sub3A_671 = arith.constant 1.500000e+00 : f32
      %sub3A_672 = vector.broadcast %sub3A_671 : f32 to vector<16xf32>
      %sub3A_673 = arith.subf %sub3A_672, %mul3A_670 : vector<16xf32>
      %mul3A_674 = arith.mulf %mul3A_665, %sub3A_673 : vector<16xf32>
      %mul3A_675 = arith.constant 5.000000e-01 : f32
      %mul3A_676 = vector.broadcast %mul3A_675 : f32 to vector<16xf32>
      %mul3A_677 = arith.mulf %mul3A_676, %add3A_651 : vector<16xf32>
      %mul3A_678 = arith.mulf %mul3A_677, %mul3A_674 : vector<16xf32>
      %mul3A_679 = arith.mulf %mul3A_678, %mul3A_674 : vector<16xf32>
      %sub3A_680 = arith.constant 1.500000e+00 : f32
      %sub3A_681 = vector.broadcast %sub3A_680 : f32 to vector<16xf32>
      %sub3A_682 = arith.subf %sub3A_681, %mul3A_679 : vector<16xf32>
      %mul3A_683 = arith.mulf %mul3A_674, %sub3A_682 : vector<16xf32>
      %mul3A_684 = arith.mulf %add3A_651, %mul3A_683 : vector<16xf32>
      %gt3A = arith.constant 0.000000e+00 : f32
      %gt3A_685 = vector.broadcast %gt3A : f32 to vector<16xf32>
      %gt3A_686 = arith.cmpf ogt, %add3A_651, %gt3A_685 : vector<16xf32>
      %jit3A = arith.constant 0.000000e+00 : f32
      %broadcast_in_dim3A = vector.broadcast %jit3A : f32 to vector<16xf32>
      %select_n3A = arith.select %gt3A_686, %mul3A_684, %broadcast_in_dim3A : vector<16xi1>, vector<16xf32>
      %add3A_687 = arith.constant 640 : i32
      %add3A_688 = arith.addi %add3A_687, %mul3A_566 : i32
      %swap3A = arith.index_cast %add3A_688 : i32 to index
      %swap3A_689 = tpu.vector_load %arg15[%swap3A] {strides = array<i32>} : memref<1024xf32, #tpu.memory_space<vmem>>, vector<16xf32>,
      tpu.vector_store %arg15[%swap3A], %select_n3A {strides = array<i32>} : memref<1024xf32, #tpu.memory_space<vmem>>, vector<16xf32>,
      %scan3A_690 = arith.constant 0 : i32
      scf.yield %scan3A_690 : i32
    }
    %scan3A_452 = arith.constant 8 : i32
    %dma_wait3A_453 = arith.constant 0 : i32
    %dma_wait3A_454 = arith.constant 0 : i32
    %dma_wait3A_455 = arith.constant 0 : i32
    %dma_wait3A_456 = tpu.memref_slice %arg11[%dma_wait3A_453, %dma_wait3A_454, %dma_wait3A_455] : memref<2x128x64xf32, #tpu.memory_space<vmem>> -> memref<1x128x64xf32, #tpu.memory_space<vmem>>
    %dma_wait3A_457 = tpu.memref_squeeze %dma_wait3A_456 : memref<1x128x64xf32, #tpu.memory_space<vmem>> -> memref<128x64xf32, #tpu.memory_space<vmem>>
    %dma_wait3A_458 = arith.constant 768 : i32
    %dma_wait3A_459 = tpu.memref_slice %arg8[%dma_wait3A_458] : memref<1024xi32, #tpu.memory_space<vmem>> -> memref<128xi32, #tpu.memory_space<vmem>>
    %dma_wait3A_460 = arith.constant 0 : i32
    %dma_wait3A_461 = arith.constant 0 : i32
    %dma_wait3A_462 = tpu.memref_slice %arg5[%dma_wait3A_460, %dma_wait3A_461] : memref<1000000x64xf32, #tpu.memory_space<hbm>> -> memref<1000000x64xf32, #tpu.memory_space<hbm>>
    tpu.wait_indirect_dma semaphore(%arg16 : memref<!tpu.dma_semaphore, #tpu.memory_space<semaphore_mem>>) src(%dma_wait3A_462 : memref<1000000x64xf32, #tpu.memory_space<hbm>>) dst(%dma_wait3A_457 : memref<128x64xf32, #tpu.memory_space<vmem>>)
    %dma_wait3A_463 = arith.constant 0 : i32
    %dma_wait3A_464 = arith.constant 0 : i32
    %dma_wait3A_465 = arith.constant 0 : i32
    %dma_wait3A_466 = tpu.memref_slice %arg12[%dma_wait3A_463, %dma_wait3A_464, %dma_wait3A_465] : memref<2x128x64xf32, #tpu.memory_space<vmem>> -> memref<1x128x64xf32, #tpu.memory_space<vmem>>
    %dma_wait3A_467 = tpu.memref_squeeze %dma_wait3A_466 : memref<1x128x64xf32, #tpu.memory_space<vmem>> -> memref<128x64xf32, #tpu.memory_space<vmem>>
    %dma_wait3A_468 = arith.constant 768 : i32
    %dma_wait3A_469 = tpu.memref_slice %arg10[%dma_wait3A_468] : memref<1024xi32, #tpu.memory_space<vmem>> -> memref<128xi32, #tpu.memory_space<vmem>>
    %dma_wait3A_470 = arith.constant 0 : i32
    %dma_wait3A_471 = arith.constant 0 : i32
    %dma_wait3A_472 = tpu.memref_slice %arg5[%dma_wait3A_470, %dma_wait3A_471] : memref<1000000x64xf32, #tpu.memory_space<hbm>> -> memref<1000000x64xf32, #tpu.memory_space<hbm>>
    tpu.wait_indirect_dma semaphore(%arg17 : memref<!tpu.dma_semaphore, #tpu.memory_space<semaphore_mem>>) src(%dma_wait3A_472 : memref<1000000x64xf32, #tpu.memory_space<hbm>>) dst(%dma_wait3A_467 : memref<128x64xf32, #tpu.memory_space<vmem>>)
    %dma_wait3A_473 = arith.constant 0 : i32
    %dma_wait3A_474 = arith.constant 0 : i32
    %dma_wait3A_475 = arith.constant 0 : i32
    %dma_wait3A_476 = tpu.memref_slice %arg13[%dma_wait3A_473, %dma_wait3A_474, %dma_wait3A_475] : memref<2x128x128xf32, #tpu.memory_space<vmem>> -> memref<1x128x128xf32, #tpu.memory_space<vmem>>
    %dma_wait3A_477 = tpu.memref_squeeze %dma_wait3A_476 : memref<1x128x128xf32, #tpu.memory_space<vmem>> -> memref<128x128xf32, #tpu.memory_space<vmem>>
    %dma_wait3A_478 = arith.constant 768 : i32
    %dma_wait3A_479 = tpu.memref_slice %arg9[%dma_wait3A_478] : memref<1024xi32, #tpu.memory_space<vmem>> -> memref<128xi32, #tpu.memory_space<vmem>>
    %dma_wait3A_480 = arith.constant 0 : i32
    %dma_wait3A_481 = arith.constant 0 : i32
    %dma_wait3A_482 = tpu.memref_slice %arg6[%dma_wait3A_480, %dma_wait3A_481] : memref<1000000x128xf32, #tpu.memory_space<hbm>> -> memref<1000000x128xf32, #tpu.memory_space<hbm>>
    tpu.wait_indirect_dma semaphore(%arg18 : memref<!tpu.dma_semaphore, #tpu.memory_space<semaphore_mem>>) src(%dma_wait3A_482 : memref<1000000x128xf32, #tpu.memory_space<hbm>>) dst(%dma_wait3A_477 : memref<128x128xf32, #tpu.memory_space<vmem>>)
    %dma_start3A_483 = arith.constant 1 : i32
    %dma_start3A_484 = arith.constant 0 : i32
    %dma_start3A_485 = arith.constant 0 : i32
    %dma_start3A_486 = tpu.memref_slice %arg11[%dma_start3A_483, %dma_start3A_484, %dma_start3A_485] : memref<2x128x64xf32, #tpu.memory_space<vmem>> -> memref<1x128x64xf32, #tpu.memory_space<vmem>>
    %dma_start3A_487 = tpu.memref_squeeze %dma_start3A_486 : memref<1x128x64xf32, #tpu.memory_space<vmem>> -> memref<128x64xf32, #tpu.memory_space<vmem>>
    %dma_start3A_488 = arith.constant 896 : i32
    %dma_start3A_489 = tpu.memref_slice %arg8[%dma_start3A_488] : memref<1024xi32, #tpu.memory_space<vmem>> -> memref<128xi32, #tpu.memory_space<vmem>>
    %dma_start3A_490 = arith.constant 0 : i32
    %dma_start3A_491 = arith.constant 0 : i32
    %dma_start3A_492 = tpu.memref_slice %arg5[%dma_start3A_490, %dma_start3A_491] : memref<1000000x64xf32, #tpu.memory_space<hbm>> -> memref<1000000x64xf32, #tpu.memory_space<hbm>>
    tpu.enqueue_indirect_dma source(%dma_start3A_492 : memref<1000000x64xf32, #tpu.memory_space<hbm>>) target(%dma_start3A_487 : memref<128x64xf32, #tpu.memory_space<vmem>>) offsets(%dma_start3A_489 : memref<128xi32, #tpu.memory_space<vmem>>) semaphore(%arg19 : memref<!tpu.dma_semaphore, #tpu.memory_space<semaphore_mem>>)
    %dma_start3A_493 = arith.constant 1 : i32
    %dma_start3A_494 = arith.constant 0 : i32
    %dma_start3A_495 = arith.constant 0 : i32
    %dma_start3A_496 = tpu.memref_slice %arg12[%dma_start3A_493, %dma_start3A_494, %dma_start3A_495] : memref<2x128x64xf32, #tpu.memory_space<vmem>> -> memref<1x128x64xf32, #tpu.memory_space<vmem>>
    %dma_start3A_497 = tpu.memref_squeeze %dma_start3A_496 : memref<1x128x64xf32, #tpu.memory_space<vmem>> -> memref<128x64xf32, #tpu.memory_space<vmem>>
    %dma_start3A_498 = arith.constant 896 : i32
    %dma_start3A_499 = tpu.memref_slice %arg10[%dma_start3A_498] : memref<1024xi32, #tpu.memory_space<vmem>> -> memref<128xi32, #tpu.memory_space<vmem>>
    %dma_start3A_500 = arith.constant 0 : i32
    %dma_start3A_501 = arith.constant 0 : i32
    %dma_start3A_502 = tpu.memref_slice %arg5[%dma_start3A_500, %dma_start3A_501] : memref<1000000x64xf32, #tpu.memory_space<hbm>> -> memref<1000000x64xf32, #tpu.memory_space<hbm>>
    tpu.enqueue_indirect_dma source(%dma_start3A_502 : memref<1000000x64xf32, #tpu.memory_space<hbm>>) target(%dma_start3A_497 : memref<128x64xf32, #tpu.memory_space<vmem>>) offsets(%dma_start3A_499 : memref<128xi32, #tpu.memory_space<vmem>>) semaphore(%arg20 : memref<!tpu.dma_semaphore, #tpu.memory_space<semaphore_mem>>)
    %dma_start3A_503 = arith.constant 1 : i32
    %dma_start3A_504 = arith.constant 0 : i32
    %dma_start3A_505 = arith.constant 0 : i32
    %dma_start3A_506 = tpu.memref_slice %arg13[%dma_start3A_503, %dma_start3A_504, %dma_start3A_505] : memref<2x128x128xf32, #tpu.memory_space<vmem>> -> memref<1x128x128xf32, #tpu.memory_space<vmem>>
    %dma_start3A_507 = tpu.memref_squeeze %dma_start3A_506 : memref<1x128x128xf32, #tpu.memory_space<vmem>> -> memref<128x128xf32, #tpu.memory_space<vmem>>
    %dma_start3A_508 = arith.constant 896 : i32
    %dma_start3A_509 = tpu.memref_slice %arg9[%dma_start3A_508] : memref<1024xi32, #tpu.memory_space<vmem>> -> memref<128xi32, #tpu.memory_space<vmem>>
    %dma_start3A_510 = arith.constant 0 : i32
    %dma_start3A_511 = arith.constant 0 : i32
    %dma_start3A_512 = tpu.memref_slice %arg6[%dma_start3A_510, %dma_start3A_511] : memref<1000000x128xf32, #tpu.memory_space<hbm>> -> memref<1000000x128xf32, #tpu.memory_space<hbm>>
    tpu.enqueue_indirect_dma source(%dma_start3A_512 : memref<1000000x128xf32, #tpu.memory_space<hbm>>) target(%dma_start3A_507 : memref<128x128xf32, #tpu.memory_space<vmem>>) offsets(%dma_start3A_509 : memref<128xi32, #tpu.memory_space<vmem>>) semaphore(%arg21 : memref<!tpu.dma_semaphore, #tpu.memory_space<semaphore_mem>>)
    %scan3A_513 = arith.constant 0 : i32
    %scan3A_514 = arith.constant 0 : i32
    %scan3A_515 = arith.constant 0 : i32
    %scan3A_516 = arith.constant 0 : i32
    %scan3A_517 = arith.constant 0 : i32
    %scan3A_518 = arith.constant 8 : i32
    %scan3A_519 = arith.addi %scan3A_517, %scan3A_518 : i32
    %scan3A_520 = arith.constant 1 : i32
    %scan3A_521 = scf.for %scan3A_563 = %scan3A_517 to %scan3A_519 step %scan3A_520 iter_args(%scan3A_564 = %scan3A_516) -> (i32)  : i32 {
      %mul3A_565 = arith.constant 16 : i32
      %mul3A_566 = arith.muli %scan3A_563, %mul3A_565 : i32
      %scan3A_567 = arith.constant 0 : i32
      %scan3A_568 = arith.constant 0 : i32
      %scan3A_569 = arith.constant 16 : i32
      %scan3A_570 = arith.addi %scan3A_568, %scan3A_569 : i32
      %scan3A_571 = arith.constant 1 : i32
      %scan3A_572 = scf.for %scan3A_691 = %scan3A_568 to %scan3A_570 step %scan3A_571 iter_args(%scan3A_692 = %scan3A_567) -> (i32)  : i32 {
        %add3A_693 = arith.addi %mul3A_566, %scan3A_691 : i32
        %get3A = arith.constant 0 : i32
        %get3A_694 = arith.constant 0 : i32
        %get3A_695 = tpu.memref_slice %arg11[%scan3A_513, %get3A, %get3A_694] : memref<2x128x64xf32, #tpu.memory_space<vmem>> -> memref<1x128x64xf32, #tpu.memory_space<vmem>>
        %get3A_696 = tpu.memref_squeeze %get3A_695 : memref<1x128x64xf32, #tpu.memory_space<vmem>> -> memref<128x64xf32, #tpu.memory_space<vmem>>
        %get3A_697 = arith.index_cast %add3A_693 : i32 to index
        %get3A_698 = arith.constant 0 : index
        %get3A_699 = tpu.vector_load %get3A_696[%get3A_697, %get3A_698] {strides = array<i32>} : memref<128x64xf32, #tpu.memory_space<vmem>>, vector<16xf32>,
        %get3A_700 = arith.constant 0 : i32
        %get3A_701 = arith.constant 0 : i32
        %get3A_702 = tpu.memref_slice %arg12[%scan3A_514, %get3A_700, %get3A_701] : memref<2x128x64xf32, #tpu.memory_space<vmem>> -> memref<1x128x64xf32, #tpu.memory_space<vmem>>
        %get3A_703 = tpu.memref_squeeze %get3A_702 : memref<1x128x64xf32, #tpu.memory_space<vmem>> -> memref<128x64xf32, #tpu.memory_space<vmem>>
        %get3A_704 = arith.index_cast %add3A_693 : i32 to index
        %get3A_705 = arith.constant 0 : index
        %get3A_706 = tpu.vector_load %get3A_703[%get3A_704, %get3A_705] {strides = array<i32>} : memref<128x64xf32, #tpu.memory_space<vmem>>, vector<16xf32>,
        %get3A_707 = arith.constant 0 : i32
        %get3A_708 = arith.constant 0 : i32
        %get3A_709 = tpu.memref_slice %arg13[%scan3A_515, %get3A_707, %get3A_708] : memref<2x128x128xf32, #tpu.memory_space<vmem>> -> memref<1x128x128xf32, #tpu.memory_space<vmem>>
        %get3A_710 = tpu.memref_squeeze %get3A_709 : memref<1x128x128xf32, #tpu.memory_space<vmem>> -> memref<128x128xf32, #tpu.memory_space<vmem>>
        %get3A_711 = arith.index_cast %add3A_693 : i32 to index
        %get3A_712 = arith.constant 0 : index
        %get3A_713 = tpu.vector_load %get3A_710[%get3A_711, %get3A_712] {strides = array<i32>} : memref<128x128xf32, #tpu.memory_space<vmem>>, vector<16xf32>,
        %get3A_714 = arith.constant 0 : i32
        %get3A_715 = arith.constant 0 : i32
        %get3A_716 = tpu.memref_slice %arg13[%scan3A_515, %get3A_714, %get3A_715] : memref<2x128x128xf32, #tpu.memory_space<vmem>> -> memref<1x128x128xf32, #tpu.memory_space<vmem>>
        %get3A_717 = tpu.memref_squeeze %get3A_716 : memref<1x128x128xf32, #tpu.memory_space<vmem>> -> memref<128x128xf32, #tpu.memory_space<vmem>>
        %get3A_718 = arith.index_cast %add3A_693 : i32 to index
        %get3A_719 = arith.constant 64 : index
        %get3A_720 = tpu.vector_load %get3A_717[%get3A_718, %get3A_719] {strides = array<i32>} : memref<128x128xf32, #tpu.memory_space<vmem>>, vector<16xf32>,
        %sub3A_721 = arith.subf %get3A_699, %get3A_706 : vector<16xf32>
        %add3A_722 = arith.addf %sub3A_721, %get3A_713 : vector<16xf32>
        %add3A_723 = arith.addf %add3A_722, %get3A_720 : vector<16xf32>
        %mul3A_724 = arith.mulf %add3A_723, %add3A_723 : vector<16xf32>
        %get3A_725 = arith.constant 0 : i32
        %get3A_726 = arith.constant 0 : i32
        %get3A_727 = tpu.memref_slice %arg11[%scan3A_513, %get3A_725, %get3A_726] : memref<2x128x64xf32, #tpu.memory_space<vmem>> -> memref<1x128x64xf32, #tpu.memory_space<vmem>>
        %get3A_728 = tpu.memref_squeeze %get3A_727 : memref<1x128x64xf32, #tpu.memory_space<vmem>> -> memref<128x64xf32, #tpu.memory_space<vmem>>
        %get3A_729 = arith.index_cast %add3A_693 : i32 to index
        %get3A_730 = arith.constant 16 : index
        %get3A_731 = tpu.vector_load %get3A_728[%get3A_729, %get3A_730] {strides = array<i32>} : memref<128x64xf32, #tpu.memory_space<vmem>>, vector<16xf32>,
        %get3A_732 = arith.constant 0 : i32
        %get3A_733 = arith.constant 0 : i32
        %get3A_734 = tpu.memref_slice %arg12[%scan3A_514, %get3A_732, %get3A_733] : memref<2x128x64xf32, #tpu.memory_space<vmem>> -> memref<1x128x64xf32, #tpu.memory_space<vmem>>
        %get3A_735 = tpu.memref_squeeze %get3A_734 : memref<1x128x64xf32, #tpu.memory_space<vmem>> -> memref<128x64xf32, #tpu.memory_space<vmem>>
        %get3A_736 = arith.index_cast %add3A_693 : i32 to index
        %get3A_737 = arith.constant 16 : index
        %get3A_738 = tpu.vector_load %get3A_735[%get3A_736, %get3A_737] {strides = array<i32>} : memref<128x64xf32, #tpu.memory_space<vmem>>, vector<16xf32>,
        %get3A_739 = arith.constant 0 : i32
        %get3A_740 = arith.constant 0 : i32
        %get3A_741 = tpu.memref_slice %arg13[%scan3A_515, %get3A_739, %get3A_740] : memref<2x128x128xf32, #tpu.memory_space<vmem>> -> memref<1x128x128xf32, #tpu.memory_space<vmem>>
        %get3A_742 = tpu.memref_squeeze %get3A_741 : memref<1x128x128xf32, #tpu.memory_space<vmem>> -> memref<128x128xf32, #tpu.memory_space<vmem>>
        %get3A_743 = arith.index_cast %add3A_693 : i32 to index
        %get3A_744 = arith.constant 16 : index
        %get3A_745 = tpu.vector_load %get3A_742[%get3A_743, %get3A_744] {strides = array<i32>} : memref<128x128xf32, #tpu.memory_space<vmem>>, vector<16xf32>,
        %get3A_746 = arith.constant 0 : i32
        %get3A_747 = arith.constant 0 : i32
        %get3A_748 = tpu.memref_slice %arg13[%scan3A_515, %get3A_746, %get3A_747] : memref<2x128x128xf32, #tpu.memory_space<vmem>> -> memref<1x128x128xf32, #tpu.memory_space<vmem>>
        %get3A_749 = tpu.memref_squeeze %get3A_748 : memref<1x128x128xf32, #tpu.memory_space<vmem>> -> memref<128x128xf32, #tpu.memory_space<vmem>>
        %get3A_750 = arith.index_cast %add3A_693 : i32 to index
        %get3A_751 = arith.constant 80 : index
        %get3A_752 = tpu.vector_load %get3A_749[%get3A_750, %get3A_751] {strides = array<i32>} : memref<128x128xf32, #tpu.memory_space<vmem>>, vector<16xf32>,
        %sub3A_753 = arith.subf %get3A_731, %get3A_738 : vector<16xf32>
        %add3A_754 = arith.addf %sub3A_753, %get3A_745 : vector<16xf32>
        %add3A_755 = arith.addf %add3A_754, %get3A_752 : vector<16xf32>
        %mul3A_756 = arith.mulf %add3A_755, %add3A_755 : vector<16xf32>
        %add3A_757 = arith.addf %mul3A_724, %mul3A_756 : vector<16xf32>
        %get3A_758 = arith.constant 0 : i32
        %get3A_759 = arith.constant 0 : i32
        %get3A_760 = tpu.memref_slice %arg11[%scan3A_513, %get3A_758, %get3A_759] : memref<2x128x64xf32, #tpu.memory_space<vmem>> -> memref<1x128x64xf32, #tpu.memory_space<vmem>>
        %get3A_761 = tpu.memref_squeeze %get3A_760 : memref<1x128x64xf32, #tpu.memory_space<vmem>> -> memref<128x64xf32, #tpu.memory_space<vmem>>
        %get3A_762 = arith.index_cast %add3A_693 : i32 to index
        %get3A_763 = arith.constant 32 : index
        %get3A_764 = tpu.vector_load %get3A_761[%get3A_762, %get3A_763] {strides = array<i32>} : memref<128x64xf32, #tpu.memory_space<vmem>>, vector<16xf32>,
        %get3A_765 = arith.constant 0 : i32
        %get3A_766 = arith.constant 0 : i32
        %get3A_767 = tpu.memref_slice %arg12[%scan3A_514, %get3A_765, %get3A_766] : memref<2x128x64xf32, #tpu.memory_space<vmem>> -> memref<1x128x64xf32, #tpu.memory_space<vmem>>
        %get3A_768 = tpu.memref_squeeze %get3A_767 : memref<1x128x64xf32, #tpu.memory_space<vmem>> -> memref<128x64xf32, #tpu.memory_space<vmem>>
        %get3A_769 = arith.index_cast %add3A_693 : i32 to index
        %get3A_770 = arith.constant 32 : index
        %get3A_771 = tpu.vector_load %get3A_768[%get3A_769, %get3A_770] {strides = array<i32>} : memref<128x64xf32, #tpu.memory_space<vmem>>, vector<16xf32>,
        %get3A_772 = arith.constant 0 : i32
        %get3A_773 = arith.constant 0 : i32
        %get3A_774 = tpu.memref_slice %arg13[%scan3A_515, %get3A_772, %get3A_773] : memref<2x128x128xf32, #tpu.memory_space<vmem>> -> memref<1x128x128xf32, #tpu.memory_space<vmem>>
        %get3A_775 = tpu.memref_squeeze %get3A_774 : memref<1x128x128xf32, #tpu.memory_space<vmem>> -> memref<128x128xf32, #tpu.memory_space<vmem>>
        %get3A_776 = arith.index_cast %add3A_693 : i32 to index
        %get3A_777 = arith.constant 32 : index
        %get3A_778 = tpu.vector_load %get3A_775[%get3A_776, %get3A_777] {strides = array<i32>} : memref<128x128xf32, #tpu.memory_space<vmem>>, vector<16xf32>,
        %get3A_779 = arith.constant 0 : i32
        %get3A_780 = arith.constant 0 : i32
        %get3A_781 = tpu.memref_slice %arg13[%scan3A_515, %get3A_779, %get3A_780] : memref<2x128x128xf32, #tpu.memory_space<vmem>> -> memref<1x128x128xf32, #tpu.memory_space<vmem>>
        %get3A_782 = tpu.memref_squeeze %get3A_781 : memref<1x128x128xf32, #tpu.memory_space<vmem>> -> memref<128x128xf32, #tpu.memory_space<vmem>>
        %get3A_783 = arith.index_cast %add3A_693 : i32 to index
        %get3A_784 = arith.constant 96 : index
        %get3A_785 = tpu.vector_load %get3A_782[%get3A_783, %get3A_784] {strides = array<i32>} : memref<128x128xf32, #tpu.memory_space<vmem>>, vector<16xf32>,
        %sub3A_786 = arith.subf %get3A_764, %get3A_771 : vector<16xf32>
        %add3A_787 = arith.addf %sub3A_786, %get3A_778 : vector<16xf32>
        %add3A_788 = arith.addf %add3A_787, %get3A_785 : vector<16xf32>
        %mul3A_789 = arith.mulf %add3A_788, %add3A_788 : vector<16xf32>
        %add3A_790 = arith.addf %add3A_757, %mul3A_789 : vector<16xf32>
        %get3A_791 = arith.constant 0 : i32
        %get3A_792 = arith.constant 0 : i32
        %get3A_793 = tpu.memref_slice %arg11[%scan3A_513, %get3A_791, %get3A_792] : memref<2x128x64xf32, #tpu.memory_space<vmem>> -> memref<1x128x64xf32, #tpu.memory_space<vmem>>
        %get3A_794 = tpu.memref_squeeze %get3A_793 : memref<1x128x64xf32, #tpu.memory_space<vmem>> -> memref<128x64xf32, #tpu.memory_space<vmem>>
        %get3A_795 = arith.index_cast %add3A_693 : i32 to index
        %get3A_796 = arith.constant 48 : index
        %get3A_797 = tpu.vector_load %get3A_794[%get3A_795, %get3A_796] {strides = array<i32>} : memref<128x64xf32, #tpu.memory_space<vmem>>, vector<16xf32>,
        %get3A_798 = arith.constant 0 : i32
        %get3A_799 = arith.constant 0 : i32
        %get3A_800 = tpu.memref_slice %arg12[%scan3A_514, %get3A_798, %get3A_799] : memref<2x128x64xf32, #tpu.memory_space<vmem>> -> memref<1x128x64xf32, #tpu.memory_space<vmem>>
        %get3A_801 = tpu.memref_squeeze %get3A_800 : memref<1x128x64xf32, #tpu.memory_space<vmem>> -> memref<128x64xf32, #tpu.memory_space<vmem>>
        %get3A_802 = arith.index_cast %add3A_693 : i32 to index
        %get3A_803 = arith.constant 48 : index
        %get3A_804 = tpu.vector_load %get3A_801[%get3A_802, %get3A_803] {strides = array<i32>} : memref<128x64xf32, #tpu.memory_space<vmem>>, vector<16xf32>,
        %get3A_805 = arith.constant 0 : i32
        %get3A_806 = arith.constant 0 : i32
        %get3A_807 = tpu.memref_slice %arg13[%scan3A_515, %get3A_805, %get3A_806] : memref<2x128x128xf32, #tpu.memory_space<vmem>> -> memref<1x128x128xf32, #tpu.memory_space<vmem>>
        %get3A_808 = tpu.memref_squeeze %get3A_807 : memref<1x128x128xf32, #tpu.memory_space<vmem>> -> memref<128x128xf32, #tpu.memory_space<vmem>>
        %get3A_809 = arith.index_cast %add3A_693 : i32 to index
        %get3A_810 = arith.constant 48 : index
        %get3A_811 = tpu.vector_load %get3A_808[%get3A_809, %get3A_810] {strides = array<i32>} : memref<128x128xf32, #tpu.memory_space<vmem>>, vector<16xf32>,
        %get3A_812 = arith.constant 0 : i32
        %get3A_813 = arith.constant 0 : i32
        %get3A_814 = tpu.memref_slice %arg13[%scan3A_515, %get3A_812, %get3A_813] : memref<2x128x128xf32, #tpu.memory_space<vmem>> -> memref<1x128x128xf32, #tpu.memory_space<vmem>>
        %get3A_815 = tpu.memref_squeeze %get3A_814 : memref<1x128x128xf32, #tpu.memory_space<vmem>> -> memref<128x128xf32, #tpu.memory_space<vmem>>
        %get3A_816 = arith.index_cast %add3A_693 : i32 to index
        %get3A_817 = arith.constant 112 : index
        %get3A_818 = tpu.vector_load %get3A_815[%get3A_816, %get3A_817] {strides = array<i32>} : memref<128x128xf32, #tpu.memory_space<vmem>>, vector<16xf32>,
        %sub3A_819 = arith.subf %get3A_797, %get3A_804 : vector<16xf32>
        %add3A_820 = arith.addf %sub3A_819, %get3A_811 : vector<16xf32>
        %add3A_821 = arith.addf %add3A_820, %get3A_818 : vector<16xf32>
        %mul3A_822 = arith.mulf %add3A_821, %add3A_821 : vector<16xf32>
        %add3A_823 = arith.addf %add3A_790, %mul3A_822 : vector<16xf32>
        %mul3A_824 = arith.constant 16 : i32
        %mul3A_825 = arith.muli %scan3A_691, %mul3A_824 : i32
        %swap3A_826 = arith.index_cast %mul3A_825 : i32 to index
        %swap3A_827 = tpu.vector_load %arg14[%swap3A_826] {strides = array<i32>} : memref<256xf32, #tpu.memory_space<vmem>>, vector<16xf32>,
        tpu.vector_store %arg14[%swap3A_826], %add3A_823 {strides = array<i32>} : memref<256xf32, #tpu.memory_space<vmem>>, vector<16xf32>,
        %scan3A_828 = arith.constant 0 : i32
        scf.yield %scan3A_828 : i32
      }
      %scan3A_573 = arith.constant 16 : i32
      %add3A_574 = arith.constant 0 : i32
      %add3A_575 = vector.broadcast %add3A_574 : i32 to vector<16xi32>
      %add3A_576 = arith.addi %mul3A_5, %add3A_575 : vector<16xi32>
      %gather3A = tpu.vector_load_idx %arg14[%add3A_576] : memref<256xf32, #tpu.memory_space<vmem>>[vector<16xi32>], vector<16xf32>,
      %add3A_577 = arith.constant 1 : i32
      %add3A_578 = vector.broadcast %add3A_577 : i32 to vector<16xi32>
      %add3A_579 = arith.addi %mul3A_5, %add3A_578 : vector<16xi32>
      %gather3A_580 = tpu.vector_load_idx %arg14[%add3A_579] : memref<256xf32, #tpu.memory_space<vmem>>[vector<16xi32>], vector<16xf32>,
      %add3A_581 = arith.addf %gather3A, %gather3A_580 : vector<16xf32>
      %add3A_582 = arith.constant 2 : i32
      %add3A_583 = vector.broadcast %add3A_582 : i32 to vector<16xi32>
      %add3A_584 = arith.addi %mul3A_5, %add3A_583 : vector<16xi32>
      %gather3A_585 = tpu.vector_load_idx %arg14[%add3A_584] : memref<256xf32, #tpu.memory_space<vmem>>[vector<16xi32>], vector<16xf32>,
      %add3A_586 = arith.addf %add3A_581, %gather3A_585 : vector<16xf32>
      %add3A_587 = arith.constant 3 : i32
      %add3A_588 = vector.broadcast %add3A_587 : i32 to vector<16xi32>
      %add3A_589 = arith.addi %mul3A_5, %add3A_588 : vector<16xi32>
      %gather3A_590 = tpu.vector_load_idx %arg14[%add3A_589] : memref<256xf32, #tpu.memory_space<vmem>>[vector<16xi32>], vector<16xf32>,
      %add3A_591 = arith.addf %add3A_586, %gather3A_590 : vector<16xf32>
      %add3A_592 = arith.constant 4 : i32
      %add3A_593 = vector.broadcast %add3A_592 : i32 to vector<16xi32>
      %add3A_594 = arith.addi %mul3A_5, %add3A_593 : vector<16xi32>
      %gather3A_595 = tpu.vector_load_idx %arg14[%add3A_594] : memref<256xf32, #tpu.memory_space<vmem>>[vector<16xi32>], vector<16xf32>,
      %add3A_596 = arith.addf %add3A_591, %gather3A_595 : vector<16xf32>
      %add3A_597 = arith.constant 5 : i32
      %add3A_598 = vector.broadcast %add3A_597 : i32 to vector<16xi32>
      %add3A_599 = arith.addi %mul3A_5, %add3A_598 : vector<16xi32>
      %gather3A_600 = tpu.vector_load_idx %arg14[%add3A_599] : memref<256xf32, #tpu.memory_space<vmem>>[vector<16xi32>], vector<16xf32>,
      %add3A_601 = arith.addf %add3A_596, %gather3A_600 : vector<16xf32>
      %add3A_602 = arith.constant 6 : i32
      %add3A_603 = vector.broadcast %add3A_602 : i32 to vector<16xi32>
      %add3A_604 = arith.addi %mul3A_5, %add3A_603 : vector<16xi32>
      %gather3A_605 = tpu.vector_load_idx %arg14[%add3A_604] : memref<256xf32, #tpu.memory_space<vmem>>[vector<16xi32>], vector<16xf32>,
      %add3A_606 = arith.addf %add3A_601, %gather3A_605 : vector<16xf32>
      %add3A_607 = arith.constant 7 : i32
      %add3A_608 = vector.broadcast %add3A_607 : i32 to vector<16xi32>
      %add3A_609 = arith.addi %mul3A_5, %add3A_608 : vector<16xi32>
      %gather3A_610 = tpu.vector_load_idx %arg14[%add3A_609] : memref<256xf32, #tpu.memory_space<vmem>>[vector<16xi32>], vector<16xf32>,
      %add3A_611 = arith.addf %add3A_606, %gather3A_610 : vector<16xf32>
      %add3A_612 = arith.constant 8 : i32
      %add3A_613 = vector.broadcast %add3A_612 : i32 to vector<16xi32>
      %add3A_614 = arith.addi %mul3A_5, %add3A_613 : vector<16xi32>
      %gather3A_615 = tpu.vector_load_idx %arg14[%add3A_614] : memref<256xf32, #tpu.memory_space<vmem>>[vector<16xi32>], vector<16xf32>,
      %add3A_616 = arith.addf %add3A_611, %gather3A_615 : vector<16xf32>
      %add3A_617 = arith.constant 9 : i32
      %add3A_618 = vector.broadcast %add3A_617 : i32 to vector<16xi32>
      %add3A_619 = arith.addi %mul3A_5, %add3A_618 : vector<16xi32>
      %gather3A_620 = tpu.vector_load_idx %arg14[%add3A_619] : memref<256xf32, #tpu.memory_space<vmem>>[vector<16xi32>], vector<16xf32>,
      %add3A_621 = arith.addf %add3A_616, %gather3A_620 : vector<16xf32>
      %add3A_622 = arith.constant 10 : i32
      %add3A_623 = vector.broadcast %add3A_622 : i32 to vector<16xi32>
      %add3A_624 = arith.addi %mul3A_5, %add3A_623 : vector<16xi32>
      %gather3A_625 = tpu.vector_load_idx %arg14[%add3A_624] : memref<256xf32, #tpu.memory_space<vmem>>[vector<16xi32>], vector<16xf32>,
      %add3A_626 = arith.addf %add3A_621, %gather3A_625 : vector<16xf32>
      %add3A_627 = arith.constant 11 : i32
      %add3A_628 = vector.broadcast %add3A_627 : i32 to vector<16xi32>
      %add3A_629 = arith.addi %mul3A_5, %add3A_628 : vector<16xi32>
      %gather3A_630 = tpu.vector_load_idx %arg14[%add3A_629] : memref<256xf32, #tpu.memory_space<vmem>>[vector<16xi32>], vector<16xf32>,
      %add3A_631 = arith.addf %add3A_626, %gather3A_630 : vector<16xf32>
      %add3A_632 = arith.constant 12 : i32
      %add3A_633 = vector.broadcast %add3A_632 : i32 to vector<16xi32>
      %add3A_634 = arith.addi %mul3A_5, %add3A_633 : vector<16xi32>
      %gather3A_635 = tpu.vector_load_idx %arg14[%add3A_634] : memref<256xf32, #tpu.memory_space<vmem>>[vector<16xi32>], vector<16xf32>,
      %add3A_636 = arith.addf %add3A_631, %gather3A_635 : vector<16xf32>
      %add3A_637 = arith.constant 13 : i32
      %add3A_638 = vector.broadcast %add3A_637 : i32 to vector<16xi32>
      %add3A_639 = arith.addi %mul3A_5, %add3A_638 : vector<16xi32>
      %gather3A_640 = tpu.vector_load_idx %arg14[%add3A_639] : memref<256xf32, #tpu.memory_space<vmem>>[vector<16xi32>], vector<16xf32>,
      %add3A_641 = arith.addf %add3A_636, %gather3A_640 : vector<16xf32>
      %add3A_642 = arith.constant 14 : i32
      %add3A_643 = vector.broadcast %add3A_642 : i32 to vector<16xi32>
      %add3A_644 = arith.addi %mul3A_5, %add3A_643 : vector<16xi32>
      %gather3A_645 = tpu.vector_load_idx %arg14[%add3A_644] : memref<256xf32, #tpu.memory_space<vmem>>[vector<16xi32>], vector<16xf32>,
      %add3A_646 = arith.addf %add3A_641, %gather3A_645 : vector<16xf32>
      %add3A_647 = arith.constant 15 : i32
      %add3A_648 = vector.broadcast %add3A_647 : i32 to vector<16xi32>
      %add3A_649 = arith.addi %mul3A_5, %add3A_648 : vector<16xi32>
      %gather3A_650 = tpu.vector_load_idx %arg14[%add3A_649] : memref<256xf32, #tpu.memory_space<vmem>>[vector<16xi32>], vector<16xf32>,
      %add3A_651 = arith.addf %add3A_646, %gather3A_650 : vector<16xf32>
      %bitcast_convert_type3A = tpu.bitcast %add3A_651 : vector<16xf32> -> vector<16xi32>
      %shift_right_arithmetic3A = arith.constant 1 : i32
      %shift_right_arithmetic3A_652 = vector.broadcast %shift_right_arithmetic3A : i32 to vector<16xi32>
      %shift_right_arithmetic3A_653 = arith.shrsi %bitcast_convert_type3A, %shift_right_arithmetic3A_652 : vector<16xi32>
      %sub3A = arith.constant 1597463007 : i32
      %sub3A_654 = vector.broadcast %sub3A : i32 to vector<16xi32>
      %sub3A_655 = arith.subi %sub3A_654, %shift_right_arithmetic3A_653 : vector<16xi32>
      %bitcast_convert_type3A_656 = tpu.bitcast %sub3A_655 : vector<16xi32> -> vector<16xf32>
      %mul3A_657 = arith.constant 5.000000e-01 : f32
      %mul3A_658 = vector.broadcast %mul3A_657 : f32 to vector<16xf32>
      %mul3A_659 = arith.mulf %mul3A_658, %add3A_651 : vector<16xf32>
      %mul3A_660 = arith.mulf %mul3A_659, %bitcast_convert_type3A_656 : vector<16xf32>
      %mul3A_661 = arith.mulf %mul3A_660, %bitcast_convert_type3A_656 : vector<16xf32>
      %sub3A_662 = arith.constant 1.500000e+00 : f32
      %sub3A_663 = vector.broadcast %sub3A_662 : f32 to vector<16xf32>
      %sub3A_664 = arith.subf %sub3A_663, %mul3A_661 : vector<16xf32>
      %mul3A_665 = arith.mulf %bitcast_convert_type3A_656, %sub3A_664 : vector<16xf32>
      %mul3A_666 = arith.constant 5.000000e-01 : f32
      %mul3A_667 = vector.broadcast %mul3A_666 : f32 to vector<16xf32>
      %mul3A_668 = arith.mulf %mul3A_667, %add3A_651 : vector<16xf32>
      %mul3A_669 = arith.mulf %mul3A_668, %mul3A_665 : vector<16xf32>
      %mul3A_670 = arith.mulf %mul3A_669, %mul3A_665 : vector<16xf32>
      %sub3A_671 = arith.constant 1.500000e+00 : f32
      %sub3A_672 = vector.broadcast %sub3A_671 : f32 to vector<16xf32>
      %sub3A_673 = arith.subf %sub3A_672, %mul3A_670 : vector<16xf32>
      %mul3A_674 = arith.mulf %mul3A_665, %sub3A_673 : vector<16xf32>
      %mul3A_675 = arith.constant 5.000000e-01 : f32
      %mul3A_676 = vector.broadcast %mul3A_675 : f32 to vector<16xf32>
      %mul3A_677 = arith.mulf %mul3A_676, %add3A_651 : vector<16xf32>
      %mul3A_678 = arith.mulf %mul3A_677, %mul3A_674 : vector<16xf32>
      %mul3A_679 = arith.mulf %mul3A_678, %mul3A_674 : vector<16xf32>
      %sub3A_680 = arith.constant 1.500000e+00 : f32
      %sub3A_681 = vector.broadcast %sub3A_680 : f32 to vector<16xf32>
      %sub3A_682 = arith.subf %sub3A_681, %mul3A_679 : vector<16xf32>
      %mul3A_683 = arith.mulf %mul3A_674, %sub3A_682 : vector<16xf32>
      %mul3A_684 = arith.mulf %add3A_651, %mul3A_683 : vector<16xf32>
      %gt3A = arith.constant 0.000000e+00 : f32
      %gt3A_685 = vector.broadcast %gt3A : f32 to vector<16xf32>
      %gt3A_686 = arith.cmpf ogt, %add3A_651, %gt3A_685 : vector<16xf32>
      %jit3A = arith.constant 0.000000e+00 : f32
      %broadcast_in_dim3A = vector.broadcast %jit3A : f32 to vector<16xf32>
      %select_n3A = arith.select %gt3A_686, %mul3A_684, %broadcast_in_dim3A : vector<16xi1>, vector<16xf32>
      %add3A_687 = arith.constant 768 : i32
      %add3A_688 = arith.addi %add3A_687, %mul3A_566 : i32
      %swap3A = arith.index_cast %add3A_688 : i32 to index
      %swap3A_689 = tpu.vector_load %arg15[%swap3A] {strides = array<i32>} : memref<1024xf32, #tpu.memory_space<vmem>>, vector<16xf32>,
      tpu.vector_store %arg15[%swap3A], %select_n3A {strides = array<i32>} : memref<1024xf32, #tpu.memory_space<vmem>>, vector<16xf32>,
      %scan3A_690 = arith.constant 0 : i32
      scf.yield %scan3A_690 : i32
    }
    %scan3A_522 = arith.constant 8 : i32
    %dma_wait3A_523 = arith.constant 1 : i32
    %dma_wait3A_524 = arith.constant 0 : i32
    %dma_wait3A_525 = arith.constant 0 : i32
    %dma_wait3A_526 = tpu.memref_slice %arg11[%dma_wait3A_523, %dma_wait3A_524, %dma_wait3A_525] : memref<2x128x64xf32, #tpu.memory_space<vmem>> -> memref<1x128x64xf32, #tpu.memory_space<vmem>>
    %dma_wait3A_527 = tpu.memref_squeeze %dma_wait3A_526 : memref<1x128x64xf32, #tpu.memory_space<vmem>> -> memref<128x64xf32, #tpu.memory_space<vmem>>
    %dma_wait3A_528 = arith.constant 896 : i32
    %dma_wait3A_529 = tpu.memref_slice %arg8[%dma_wait3A_528] : memref<1024xi32, #tpu.memory_space<vmem>> -> memref<128xi32, #tpu.memory_space<vmem>>
    %dma_wait3A_530 = arith.constant 0 : i32
    %dma_wait3A_531 = arith.constant 0 : i32
    %dma_wait3A_532 = tpu.memref_slice %arg5[%dma_wait3A_530, %dma_wait3A_531] : memref<1000000x64xf32, #tpu.memory_space<hbm>> -> memref<1000000x64xf32, #tpu.memory_space<hbm>>
    tpu.wait_indirect_dma semaphore(%arg19 : memref<!tpu.dma_semaphore, #tpu.memory_space<semaphore_mem>>) src(%dma_wait3A_532 : memref<1000000x64xf32, #tpu.memory_space<hbm>>) dst(%dma_wait3A_527 : memref<128x64xf32, #tpu.memory_space<vmem>>)
    %dma_wait3A_533 = arith.constant 1 : i32
    %dma_wait3A_534 = arith.constant 0 : i32
    %dma_wait3A_535 = arith.constant 0 : i32
    %dma_wait3A_536 = tpu.memref_slice %arg12[%dma_wait3A_533, %dma_wait3A_534, %dma_wait3A_535] : memref<2x128x64xf32, #tpu.memory_space<vmem>> -> memref<1x128x64xf32, #tpu.memory_space<vmem>>
    %dma_wait3A_537 = tpu.memref_squeeze %dma_wait3A_536 : memref<1x128x64xf32, #tpu.memory_space<vmem>> -> memref<128x64xf32, #tpu.memory_space<vmem>>
    %dma_wait3A_538 = arith.constant 896 : i32
    %dma_wait3A_539 = tpu.memref_slice %arg10[%dma_wait3A_538] : memref<1024xi32, #tpu.memory_space<vmem>> -> memref<128xi32, #tpu.memory_space<vmem>>
    %dma_wait3A_540 = arith.constant 0 : i32
    %dma_wait3A_541 = arith.constant 0 : i32
    %dma_wait3A_542 = tpu.memref_slice %arg5[%dma_wait3A_540, %dma_wait3A_541] : memref<1000000x64xf32, #tpu.memory_space<hbm>> -> memref<1000000x64xf32, #tpu.memory_space<hbm>>
    tpu.wait_indirect_dma semaphore(%arg20 : memref<!tpu.dma_semaphore, #tpu.memory_space<semaphore_mem>>) src(%dma_wait3A_542 : memref<1000000x64xf32, #tpu.memory_space<hbm>>) dst(%dma_wait3A_537 : memref<128x64xf32, #tpu.memory_space<vmem>>)
    %dma_wait3A_543 = arith.constant 1 : i32
    %dma_wait3A_544 = arith.constant 0 : i32
    %dma_wait3A_545 = arith.constant 0 : i32
    %dma_wait3A_546 = tpu.memref_slice %arg13[%dma_wait3A_543, %dma_wait3A_544, %dma_wait3A_545] : memref<2x128x128xf32, #tpu.memory_space<vmem>> -> memref<1x128x128xf32, #tpu.memory_space<vmem>>
    %dma_wait3A_547 = tpu.memref_squeeze %dma_wait3A_546 : memref<1x128x128xf32, #tpu.memory_space<vmem>> -> memref<128x128xf32, #tpu.memory_space<vmem>>
    %dma_wait3A_548 = arith.constant 896 : i32
    %dma_wait3A_549 = tpu.memref_slice %arg9[%dma_wait3A_548] : memref<1024xi32, #tpu.memory_space<vmem>> -> memref<128xi32, #tpu.memory_space<vmem>>
    %dma_wait3A_550 = arith.constant 0 : i32
    %dma_wait3A_551 = arith.constant 0 : i32
    %dma_wait3A_552 = tpu.memref_slice %arg6[%dma_wait3A_550, %dma_wait3A_551] : memref<1000000x128xf32, #tpu.memory_space<hbm>> -> memref<1000000x128xf32, #tpu.memory_space<hbm>>
    tpu.wait_indirect_dma semaphore(%arg21 : memref<!tpu.dma_semaphore, #tpu.memory_space<semaphore_mem>>) src(%dma_wait3A_552 : memref<1000000x128xf32, #tpu.memory_space<hbm>>) dst(%dma_wait3A_547 : memref<128x128xf32, #tpu.memory_space<vmem>>)
    %scan3A_553 = arith.constant 1 : i32
    %scan3A_554 = arith.constant 1 : i32
    %scan3A_555 = arith.constant 1 : i32
    %scan3A_556 = arith.constant 0 : i32
    %scan3A_557 = arith.constant 0 : i32
    %scan3A_558 = arith.constant 8 : i32
    %scan3A_559 = arith.addi %scan3A_557, %scan3A_558 : i32
    %scan3A_560 = arith.constant 1 : i32
    %scan3A_561 = scf.for %scan3A_563 = %scan3A_557 to %scan3A_559 step %scan3A_560 iter_args(%scan3A_564 = %scan3A_556) -> (i32)  : i32 {
      %mul3A_565 = arith.constant 16 : i32
      %mul3A_566 = arith.muli %scan3A_563, %mul3A_565 : i32
      %scan3A_567 = arith.constant 0 : i32
      %scan3A_568 = arith.constant 0 : i32
      %scan3A_569 = arith.constant 16 : i32
      %scan3A_570 = arith.addi %scan3A_568, %scan3A_569 : i32
      %scan3A_571 = arith.constant 1 : i32
      %scan3A_572 = scf.for %scan3A_691 = %scan3A_568 to %scan3A_570 step %scan3A_571 iter_args(%scan3A_692 = %scan3A_567) -> (i32)  : i32 {
        %add3A_693 = arith.addi %mul3A_566, %scan3A_691 : i32
        %get3A = arith.constant 0 : i32
        %get3A_694 = arith.constant 0 : i32
        %get3A_695 = tpu.memref_slice %arg11[%scan3A_553, %get3A, %get3A_694] : memref<2x128x64xf32, #tpu.memory_space<vmem>> -> memref<1x128x64xf32, #tpu.memory_space<vmem>>
        %get3A_696 = tpu.memref_squeeze %get3A_695 : memref<1x128x64xf32, #tpu.memory_space<vmem>> -> memref<128x64xf32, #tpu.memory_space<vmem>>
        %get3A_697 = arith.index_cast %add3A_693 : i32 to index
        %get3A_698 = arith.constant 0 : index
        %get3A_699 = tpu.vector_load %get3A_696[%get3A_697, %get3A_698] {strides = array<i32>} : memref<128x64xf32, #tpu.memory_space<vmem>>, vector<16xf32>,
        %get3A_700 = arith.constant 0 : i32
        %get3A_701 = arith.constant 0 : i32
        %get3A_702 = tpu.memref_slice %arg12[%scan3A_554, %get3A_700, %get3A_701] : memref<2x128x64xf32, #tpu.memory_space<vmem>> -> memref<1x128x64xf32, #tpu.memory_space<vmem>>
        %get3A_703 = tpu.memref_squeeze %get3A_702 : memref<1x128x64xf32, #tpu.memory_space<vmem>> -> memref<128x64xf32, #tpu.memory_space<vmem>>
        %get3A_704 = arith.index_cast %add3A_693 : i32 to index
        %get3A_705 = arith.constant 0 : index
        %get3A_706 = tpu.vector_load %get3A_703[%get3A_704, %get3A_705] {strides = array<i32>} : memref<128x64xf32, #tpu.memory_space<vmem>>, vector<16xf32>,
        %get3A_707 = arith.constant 0 : i32
        %get3A_708 = arith.constant 0 : i32
        %get3A_709 = tpu.memref_slice %arg13[%scan3A_555, %get3A_707, %get3A_708] : memref<2x128x128xf32, #tpu.memory_space<vmem>> -> memref<1x128x128xf32, #tpu.memory_space<vmem>>
        %get3A_710 = tpu.memref_squeeze %get3A_709 : memref<1x128x128xf32, #tpu.memory_space<vmem>> -> memref<128x128xf32, #tpu.memory_space<vmem>>
        %get3A_711 = arith.index_cast %add3A_693 : i32 to index
        %get3A_712 = arith.constant 0 : index
        %get3A_713 = tpu.vector_load %get3A_710[%get3A_711, %get3A_712] {strides = array<i32>} : memref<128x128xf32, #tpu.memory_space<vmem>>, vector<16xf32>,
        %get3A_714 = arith.constant 0 : i32
        %get3A_715 = arith.constant 0 : i32
        %get3A_716 = tpu.memref_slice %arg13[%scan3A_555, %get3A_714, %get3A_715] : memref<2x128x128xf32, #tpu.memory_space<vmem>> -> memref<1x128x128xf32, #tpu.memory_space<vmem>>
        %get3A_717 = tpu.memref_squeeze %get3A_716 : memref<1x128x128xf32, #tpu.memory_space<vmem>> -> memref<128x128xf32, #tpu.memory_space<vmem>>
        %get3A_718 = arith.index_cast %add3A_693 : i32 to index
        %get3A_719 = arith.constant 64 : index
        %get3A_720 = tpu.vector_load %get3A_717[%get3A_718, %get3A_719] {strides = array<i32>} : memref<128x128xf32, #tpu.memory_space<vmem>>, vector<16xf32>,
        %sub3A_721 = arith.subf %get3A_699, %get3A_706 : vector<16xf32>
        %add3A_722 = arith.addf %sub3A_721, %get3A_713 : vector<16xf32>
        %add3A_723 = arith.addf %add3A_722, %get3A_720 : vector<16xf32>
        %mul3A_724 = arith.mulf %add3A_723, %add3A_723 : vector<16xf32>
        %get3A_725 = arith.constant 0 : i32
        %get3A_726 = arith.constant 0 : i32
        %get3A_727 = tpu.memref_slice %arg11[%scan3A_553, %get3A_725, %get3A_726] : memref<2x128x64xf32, #tpu.memory_space<vmem>> -> memref<1x128x64xf32, #tpu.memory_space<vmem>>
        %get3A_728 = tpu.memref_squeeze %get3A_727 : memref<1x128x64xf32, #tpu.memory_space<vmem>> -> memref<128x64xf32, #tpu.memory_space<vmem>>
        %get3A_729 = arith.index_cast %add3A_693 : i32 to index
        %get3A_730 = arith.constant 16 : index
        %get3A_731 = tpu.vector_load %get3A_728[%get3A_729, %get3A_730] {strides = array<i32>} : memref<128x64xf32, #tpu.memory_space<vmem>>, vector<16xf32>,
        %get3A_732 = arith.constant 0 : i32
        %get3A_733 = arith.constant 0 : i32
        %get3A_734 = tpu.memref_slice %arg12[%scan3A_554, %get3A_732, %get3A_733] : memref<2x128x64xf32, #tpu.memory_space<vmem>> -> memref<1x128x64xf32, #tpu.memory_space<vmem>>
        %get3A_735 = tpu.memref_squeeze %get3A_734 : memref<1x128x64xf32, #tpu.memory_space<vmem>> -> memref<128x64xf32, #tpu.memory_space<vmem>>
        %get3A_736 = arith.index_cast %add3A_693 : i32 to index
        %get3A_737 = arith.constant 16 : index
        %get3A_738 = tpu.vector_load %get3A_735[%get3A_736, %get3A_737] {strides = array<i32>} : memref<128x64xf32, #tpu.memory_space<vmem>>, vector<16xf32>,
        %get3A_739 = arith.constant 0 : i32
        %get3A_740 = arith.constant 0 : i32
        %get3A_741 = tpu.memref_slice %arg13[%scan3A_555, %get3A_739, %get3A_740] : memref<2x128x128xf32, #tpu.memory_space<vmem>> -> memref<1x128x128xf32, #tpu.memory_space<vmem>>
        %get3A_742 = tpu.memref_squeeze %get3A_741 : memref<1x128x128xf32, #tpu.memory_space<vmem>> -> memref<128x128xf32, #tpu.memory_space<vmem>>
        %get3A_743 = arith.index_cast %add3A_693 : i32 to index
        %get3A_744 = arith.constant 16 : index
        %get3A_745 = tpu.vector_load %get3A_742[%get3A_743, %get3A_744] {strides = array<i32>} : memref<128x128xf32, #tpu.memory_space<vmem>>, vector<16xf32>,
        %get3A_746 = arith.constant 0 : i32
        %get3A_747 = arith.constant 0 : i32
        %get3A_748 = tpu.memref_slice %arg13[%scan3A_555, %get3A_746, %get3A_747] : memref<2x128x128xf32, #tpu.memory_space<vmem>> -> memref<1x128x128xf32, #tpu.memory_space<vmem>>
        %get3A_749 = tpu.memref_squeeze %get3A_748 : memref<1x128x128xf32, #tpu.memory_space<vmem>> -> memref<128x128xf32, #tpu.memory_space<vmem>>
        %get3A_750 = arith.index_cast %add3A_693 : i32 to index
        %get3A_751 = arith.constant 80 : index
        %get3A_752 = tpu.vector_load %get3A_749[%get3A_750, %get3A_751] {strides = array<i32>} : memref<128x128xf32, #tpu.memory_space<vmem>>, vector<16xf32>,
        %sub3A_753 = arith.subf %get3A_731, %get3A_738 : vector<16xf32>
        %add3A_754 = arith.addf %sub3A_753, %get3A_745 : vector<16xf32>
        %add3A_755 = arith.addf %add3A_754, %get3A_752 : vector<16xf32>
        %mul3A_756 = arith.mulf %add3A_755, %add3A_755 : vector<16xf32>
        %add3A_757 = arith.addf %mul3A_724, %mul3A_756 : vector<16xf32>
        %get3A_758 = arith.constant 0 : i32
        %get3A_759 = arith.constant 0 : i32
        %get3A_760 = tpu.memref_slice %arg11[%scan3A_553, %get3A_758, %get3A_759] : memref<2x128x64xf32, #tpu.memory_space<vmem>> -> memref<1x128x64xf32, #tpu.memory_space<vmem>>
        %get3A_761 = tpu.memref_squeeze %get3A_760 : memref<1x128x64xf32, #tpu.memory_space<vmem>> -> memref<128x64xf32, #tpu.memory_space<vmem>>
        %get3A_762 = arith.index_cast %add3A_693 : i32 to index
        %get3A_763 = arith.constant 32 : index
        %get3A_764 = tpu.vector_load %get3A_761[%get3A_762, %get3A_763] {strides = array<i32>} : memref<128x64xf32, #tpu.memory_space<vmem>>, vector<16xf32>,
        %get3A_765 = arith.constant 0 : i32
        %get3A_766 = arith.constant 0 : i32
        %get3A_767 = tpu.memref_slice %arg12[%scan3A_554, %get3A_765, %get3A_766] : memref<2x128x64xf32, #tpu.memory_space<vmem>> -> memref<1x128x64xf32, #tpu.memory_space<vmem>>
        %get3A_768 = tpu.memref_squeeze %get3A_767 : memref<1x128x64xf32, #tpu.memory_space<vmem>> -> memref<128x64xf32, #tpu.memory_space<vmem>>
        %get3A_769 = arith.index_cast %add3A_693 : i32 to index
        %get3A_770 = arith.constant 32 : index
        %get3A_771 = tpu.vector_load %get3A_768[%get3A_769, %get3A_770] {strides = array<i32>} : memref<128x64xf32, #tpu.memory_space<vmem>>, vector<16xf32>,
        %get3A_772 = arith.constant 0 : i32
        %get3A_773 = arith.constant 0 : i32
        %get3A_774 = tpu.memref_slice %arg13[%scan3A_555, %get3A_772, %get3A_773] : memref<2x128x128xf32, #tpu.memory_space<vmem>> -> memref<1x128x128xf32, #tpu.memory_space<vmem>>
        %get3A_775 = tpu.memref_squeeze %get3A_774 : memref<1x128x128xf32, #tpu.memory_space<vmem>> -> memref<128x128xf32, #tpu.memory_space<vmem>>
        %get3A_776 = arith.index_cast %add3A_693 : i32 to index
        %get3A_777 = arith.constant 32 : index
        %get3A_778 = tpu.vector_load %get3A_775[%get3A_776, %get3A_777] {strides = array<i32>} : memref<128x128xf32, #tpu.memory_space<vmem>>, vector<16xf32>,
        %get3A_779 = arith.constant 0 : i32
        %get3A_780 = arith.constant 0 : i32
        %get3A_781 = tpu.memref_slice %arg13[%scan3A_555, %get3A_779, %get3A_780] : memref<2x128x128xf32, #tpu.memory_space<vmem>> -> memref<1x128x128xf32, #tpu.memory_space<vmem>>
        %get3A_782 = tpu.memref_squeeze %get3A_781 : memref<1x128x128xf32, #tpu.memory_space<vmem>> -> memref<128x128xf32, #tpu.memory_space<vmem>>
        %get3A_783 = arith.index_cast %add3A_693 : i32 to index
        %get3A_784 = arith.constant 96 : index
        %get3A_785 = tpu.vector_load %get3A_782[%get3A_783, %get3A_784] {strides = array<i32>} : memref<128x128xf32, #tpu.memory_space<vmem>>, vector<16xf32>,
        %sub3A_786 = arith.subf %get3A_764, %get3A_771 : vector<16xf32>
        %add3A_787 = arith.addf %sub3A_786, %get3A_778 : vector<16xf32>
        %add3A_788 = arith.addf %add3A_787, %get3A_785 : vector<16xf32>
        %mul3A_789 = arith.mulf %add3A_788, %add3A_788 : vector<16xf32>
        %add3A_790 = arith.addf %add3A_757, %mul3A_789 : vector<16xf32>
        %get3A_791 = arith.constant 0 : i32
        %get3A_792 = arith.constant 0 : i32
        %get3A_793 = tpu.memref_slice %arg11[%scan3A_553, %get3A_791, %get3A_792] : memref<2x128x64xf32, #tpu.memory_space<vmem>> -> memref<1x128x64xf32, #tpu.memory_space<vmem>>
        %get3A_794 = tpu.memref_squeeze %get3A_793 : memref<1x128x64xf32, #tpu.memory_space<vmem>> -> memref<128x64xf32, #tpu.memory_space<vmem>>
        %get3A_795 = arith.index_cast %add3A_693 : i32 to index
        %get3A_796 = arith.constant 48 : index
        %get3A_797 = tpu.vector_load %get3A_794[%get3A_795, %get3A_796] {strides = array<i32>} : memref<128x64xf32, #tpu.memory_space<vmem>>, vector<16xf32>,
        %get3A_798 = arith.constant 0 : i32
        %get3A_799 = arith.constant 0 : i32
        %get3A_800 = tpu.memref_slice %arg12[%scan3A_554, %get3A_798, %get3A_799] : memref<2x128x64xf32, #tpu.memory_space<vmem>> -> memref<1x128x64xf32, #tpu.memory_space<vmem>>
        %get3A_801 = tpu.memref_squeeze %get3A_800 : memref<1x128x64xf32, #tpu.memory_space<vmem>> -> memref<128x64xf32, #tpu.memory_space<vmem>>
        %get3A_802 = arith.index_cast %add3A_693 : i32 to index
        %get3A_803 = arith.constant 48 : index
        %get3A_804 = tpu.vector_load %get3A_801[%get3A_802, %get3A_803] {strides = array<i32>} : memref<128x64xf32, #tpu.memory_space<vmem>>, vector<16xf32>,
        %get3A_805 = arith.constant 0 : i32
        %get3A_806 = arith.constant 0 : i32
        %get3A_807 = tpu.memref_slice %arg13[%scan3A_555, %get3A_805, %get3A_806] : memref<2x128x128xf32, #tpu.memory_space<vmem>> -> memref<1x128x128xf32, #tpu.memory_space<vmem>>
        %get3A_808 = tpu.memref_squeeze %get3A_807 : memref<1x128x128xf32, #tpu.memory_space<vmem>> -> memref<128x128xf32, #tpu.memory_space<vmem>>
        %get3A_809 = arith.index_cast %add3A_693 : i32 to index
        %get3A_810 = arith.constant 48 : index
        %get3A_811 = tpu.vector_load %get3A_808[%get3A_809, %get3A_810] {strides = array<i32>} : memref<128x128xf32, #tpu.memory_space<vmem>>, vector<16xf32>,
        %get3A_812 = arith.constant 0 : i32
        %get3A_813 = arith.constant 0 : i32
        %get3A_814 = tpu.memref_slice %arg13[%scan3A_555, %get3A_812, %get3A_813] : memref<2x128x128xf32, #tpu.memory_space<vmem>> -> memref<1x128x128xf32, #tpu.memory_space<vmem>>
        %get3A_815 = tpu.memref_squeeze %get3A_814 : memref<1x128x128xf32, #tpu.memory_space<vmem>> -> memref<128x128xf32, #tpu.memory_space<vmem>>
        %get3A_816 = arith.index_cast %add3A_693 : i32 to index
        %get3A_817 = arith.constant 112 : index
        %get3A_818 = tpu.vector_load %get3A_815[%get3A_816, %get3A_817] {strides = array<i32>} : memref<128x128xf32, #tpu.memory_space<vmem>>, vector<16xf32>,
        %sub3A_819 = arith.subf %get3A_797, %get3A_804 : vector<16xf32>
        %add3A_820 = arith.addf %sub3A_819, %get3A_811 : vector<16xf32>
        %add3A_821 = arith.addf %add3A_820, %get3A_818 : vector<16xf32>
        %mul3A_822 = arith.mulf %add3A_821, %add3A_821 : vector<16xf32>
        %add3A_823 = arith.addf %add3A_790, %mul3A_822 : vector<16xf32>
        %mul3A_824 = arith.constant 16 : i32
        %mul3A_825 = arith.muli %scan3A_691, %mul3A_824 : i32
        %swap3A_826 = arith.index_cast %mul3A_825 : i32 to index
        %swap3A_827 = tpu.vector_load %arg14[%swap3A_826] {strides = array<i32>} : memref<256xf32, #tpu.memory_space<vmem>>, vector<16xf32>,
        tpu.vector_store %arg14[%swap3A_826], %add3A_823 {strides = array<i32>} : memref<256xf32, #tpu.memory_space<vmem>>, vector<16xf32>,
        %scan3A_828 = arith.constant 0 : i32
        scf.yield %scan3A_828 : i32
      }
      %scan3A_573 = arith.constant 16 : i32
      %add3A_574 = arith.constant 0 : i32
      %add3A_575 = vector.broadcast %add3A_574 : i32 to vector<16xi32>
      %add3A_576 = arith.addi %mul3A_5, %add3A_575 : vector<16xi32>
      %gather3A = tpu.vector_load_idx %arg14[%add3A_576] : memref<256xf32, #tpu.memory_space<vmem>>[vector<16xi32>], vector<16xf32>,
      %add3A_577 = arith.constant 1 : i32
      %add3A_578 = vector.broadcast %add3A_577 : i32 to vector<16xi32>
      %add3A_579 = arith.addi %mul3A_5, %add3A_578 : vector<16xi32>
      %gather3A_580 = tpu.vector_load_idx %arg14[%add3A_579] : memref<256xf32, #tpu.memory_space<vmem>>[vector<16xi32>], vector<16xf32>,
      %add3A_581 = arith.addf %gather3A, %gather3A_580 : vector<16xf32>
      %add3A_582 = arith.constant 2 : i32
      %add3A_583 = vector.broadcast %add3A_582 : i32 to vector<16xi32>
      %add3A_584 = arith.addi %mul3A_5, %add3A_583 : vector<16xi32>
      %gather3A_585 = tpu.vector_load_idx %arg14[%add3A_584] : memref<256xf32, #tpu.memory_space<vmem>>[vector<16xi32>], vector<16xf32>,
      %add3A_586 = arith.addf %add3A_581, %gather3A_585 : vector<16xf32>
      %add3A_587 = arith.constant 3 : i32
      %add3A_588 = vector.broadcast %add3A_587 : i32 to vector<16xi32>
      %add3A_589 = arith.addi %mul3A_5, %add3A_588 : vector<16xi32>
      %gather3A_590 = tpu.vector_load_idx %arg14[%add3A_589] : memref<256xf32, #tpu.memory_space<vmem>>[vector<16xi32>], vector<16xf32>,
      %add3A_591 = arith.addf %add3A_586, %gather3A_590 : vector<16xf32>
      %add3A_592 = arith.constant 4 : i32
      %add3A_593 = vector.broadcast %add3A_592 : i32 to vector<16xi32>
      %add3A_594 = arith.addi %mul3A_5, %add3A_593 : vector<16xi32>
      %gather3A_595 = tpu.vector_load_idx %arg14[%add3A_594] : memref<256xf32, #tpu.memory_space<vmem>>[vector<16xi32>], vector<16xf32>,
      %add3A_596 = arith.addf %add3A_591, %gather3A_595 : vector<16xf32>
      %add3A_597 = arith.constant 5 : i32
      %add3A_598 = vector.broadcast %add3A_597 : i32 to vector<16xi32>
      %add3A_599 = arith.addi %mul3A_5, %add3A_598 : vector<16xi32>
      %gather3A_600 = tpu.vector_load_idx %arg14[%add3A_599] : memref<256xf32, #tpu.memory_space<vmem>>[vector<16xi32>], vector<16xf32>,
      %add3A_601 = arith.addf %add3A_596, %gather3A_600 : vector<16xf32>
      %add3A_602 = arith.constant 6 : i32
      %add3A_603 = vector.broadcast %add3A_602 : i32 to vector<16xi32>
      %add3A_604 = arith.addi %mul3A_5, %add3A_603 : vector<16xi32>
      %gather3A_605 = tpu.vector_load_idx %arg14[%add3A_604] : memref<256xf32, #tpu.memory_space<vmem>>[vector<16xi32>], vector<16xf32>,
      %add3A_606 = arith.addf %add3A_601, %gather3A_605 : vector<16xf32>
      %add3A_607 = arith.constant 7 : i32
      %add3A_608 = vector.broadcast %add3A_607 : i32 to vector<16xi32>
      %add3A_609 = arith.addi %mul3A_5, %add3A_608 : vector<16xi32>
      %gather3A_610 = tpu.vector_load_idx %arg14[%add3A_609] : memref<256xf32, #tpu.memory_space<vmem>>[vector<16xi32>], vector<16xf32>,
      %add3A_611 = arith.addf %add3A_606, %gather3A_610 : vector<16xf32>
      %add3A_612 = arith.constant 8 : i32
      %add3A_613 = vector.broadcast %add3A_612 : i32 to vector<16xi32>
      %add3A_614 = arith.addi %mul3A_5, %add3A_613 : vector<16xi32>
      %gather3A_615 = tpu.vector_load_idx %arg14[%add3A_614] : memref<256xf32, #tpu.memory_space<vmem>>[vector<16xi32>], vector<16xf32>,
      %add3A_616 = arith.addf %add3A_611, %gather3A_615 : vector<16xf32>
      %add3A_617 = arith.constant 9 : i32
      %add3A_618 = vector.broadcast %add3A_617 : i32 to vector<16xi32>
      %add3A_619 = arith.addi %mul3A_5, %add3A_618 : vector<16xi32>
      %gather3A_620 = tpu.vector_load_idx %arg14[%add3A_619] : memref<256xf32, #tpu.memory_space<vmem>>[vector<16xi32>], vector<16xf32>,
      %add3A_621 = arith.addf %add3A_616, %gather3A_620 : vector<16xf32>
      %add3A_622 = arith.constant 10 : i32
      %add3A_623 = vector.broadcast %add3A_622 : i32 to vector<16xi32>
      %add3A_624 = arith.addi %mul3A_5, %add3A_623 : vector<16xi32>
      %gather3A_625 = tpu.vector_load_idx %arg14[%add3A_624] : memref<256xf32, #tpu.memory_space<vmem>>[vector<16xi32>], vector<16xf32>,
      %add3A_626 = arith.addf %add3A_621, %gather3A_625 : vector<16xf32>
      %add3A_627 = arith.constant 11 : i32
      %add3A_628 = vector.broadcast %add3A_627 : i32 to vector<16xi32>
      %add3A_629 = arith.addi %mul3A_5, %add3A_628 : vector<16xi32>
      %gather3A_630 = tpu.vector_load_idx %arg14[%add3A_629] : memref<256xf32, #tpu.memory_space<vmem>>[vector<16xi32>], vector<16xf32>,
      %add3A_631 = arith.addf %add3A_626, %gather3A_630 : vector<16xf32>
      %add3A_632 = arith.constant 12 : i32
      %add3A_633 = vector.broadcast %add3A_632 : i32 to vector<16xi32>
      %add3A_634 = arith.addi %mul3A_5, %add3A_633 : vector<16xi32>
      %gather3A_635 = tpu.vector_load_idx %arg14[%add3A_634] : memref<256xf32, #tpu.memory_space<vmem>>[vector<16xi32>], vector<16xf32>,
      %add3A_636 = arith.addf %add3A_631, %gather3A_635 : vector<16xf32>
      %add3A_637 = arith.constant 13 : i32
      %add3A_638 = vector.broadcast %add3A_637 : i32 to vector<16xi32>
      %add3A_639 = arith.addi %mul3A_5, %add3A_638 : vector<16xi32>
      %gather3A_640 = tpu.vector_load_idx %arg14[%add3A_639] : memref<256xf32, #tpu.memory_space<vmem>>[vector<16xi32>], vector<16xf32>,
      %add3A_641 = arith.addf %add3A_636, %gather3A_640 : vector<16xf32>
      %add3A_642 = arith.constant 14 : i32
      %add3A_643 = vector.broadcast %add3A_642 : i32 to vector<16xi32>
      %add3A_644 = arith.addi %mul3A_5, %add3A_643 : vector<16xi32>
      %gather3A_645 = tpu.vector_load_idx %arg14[%add3A_644] : memref<256xf32, #tpu.memory_space<vmem>>[vector<16xi32>], vector<16xf32>,
      %add3A_646 = arith.addf %add3A_641, %gather3A_645 : vector<16xf32>
      %add3A_647 = arith.constant 15 : i32
      %add3A_648 = vector.broadcast %add3A_647 : i32 to vector<16xi32>
      %add3A_649 = arith.addi %mul3A_5, %add3A_648 : vector<16xi32>
      %gather3A_650 = tpu.vector_load_idx %arg14[%add3A_649] : memref<256xf32, #tpu.memory_space<vmem>>[vector<16xi32>], vector<16xf32>,
      %add3A_651 = arith.addf %add3A_646, %gather3A_650 : vector<16xf32>
      %bitcast_convert_type3A = tpu.bitcast %add3A_651 : vector<16xf32> -> vector<16xi32>
      %shift_right_arithmetic3A = arith.constant 1 : i32
      %shift_right_arithmetic3A_652 = vector.broadcast %shift_right_arithmetic3A : i32 to vector<16xi32>
      %shift_right_arithmetic3A_653 = arith.shrsi %bitcast_convert_type3A, %shift_right_arithmetic3A_652 : vector<16xi32>
      %sub3A = arith.constant 1597463007 : i32
      %sub3A_654 = vector.broadcast %sub3A : i32 to vector<16xi32>
      %sub3A_655 = arith.subi %sub3A_654, %shift_right_arithmetic3A_653 : vector<16xi32>
      %bitcast_convert_type3A_656 = tpu.bitcast %sub3A_655 : vector<16xi32> -> vector<16xf32>
      %mul3A_657 = arith.constant 5.000000e-01 : f32
      %mul3A_658 = vector.broadcast %mul3A_657 : f32 to vector<16xf32>
      %mul3A_659 = arith.mulf %mul3A_658, %add3A_651 : vector<16xf32>
      %mul3A_660 = arith.mulf %mul3A_659, %bitcast_convert_type3A_656 : vector<16xf32>
      %mul3A_661 = arith.mulf %mul3A_660, %bitcast_convert_type3A_656 : vector<16xf32>
      %sub3A_662 = arith.constant 1.500000e+00 : f32
      %sub3A_663 = vector.broadcast %sub3A_662 : f32 to vector<16xf32>
      %sub3A_664 = arith.subf %sub3A_663, %mul3A_661 : vector<16xf32>
      %mul3A_665 = arith.mulf %bitcast_convert_type3A_656, %sub3A_664 : vector<16xf32>
      %mul3A_666 = arith.constant 5.000000e-01 : f32
      %mul3A_667 = vector.broadcast %mul3A_666 : f32 to vector<16xf32>
      %mul3A_668 = arith.mulf %mul3A_667, %add3A_651 : vector<16xf32>
      %mul3A_669 = arith.mulf %mul3A_668, %mul3A_665 : vector<16xf32>
      %mul3A_670 = arith.mulf %mul3A_669, %mul3A_665 : vector<16xf32>
      %sub3A_671 = arith.constant 1.500000e+00 : f32
      %sub3A_672 = vector.broadcast %sub3A_671 : f32 to vector<16xf32>
      %sub3A_673 = arith.subf %sub3A_672, %mul3A_670 : vector<16xf32>
      %mul3A_674 = arith.mulf %mul3A_665, %sub3A_673 : vector<16xf32>
      %mul3A_675 = arith.constant 5.000000e-01 : f32
      %mul3A_676 = vector.broadcast %mul3A_675 : f32 to vector<16xf32>
      %mul3A_677 = arith.mulf %mul3A_676, %add3A_651 : vector<16xf32>
      %mul3A_678 = arith.mulf %mul3A_677, %mul3A_674 : vector<16xf32>
      %mul3A_679 = arith.mulf %mul3A_678, %mul3A_674 : vector<16xf32>
      %sub3A_680 = arith.constant 1.500000e+00 : f32
      %sub3A_681 = vector.broadcast %sub3A_680 : f32 to vector<16xf32>
      %sub3A_682 = arith.subf %sub3A_681, %mul3A_679 : vector<16xf32>
      %mul3A_683 = arith.mulf %mul3A_674, %sub3A_682 : vector<16xf32>
      %mul3A_684 = arith.mulf %add3A_651, %mul3A_683 : vector<16xf32>
      %gt3A = arith.constant 0.000000e+00 : f32
      %gt3A_685 = vector.broadcast %gt3A : f32 to vector<16xf32>
      %gt3A_686 = arith.cmpf ogt, %add3A_651, %gt3A_685 : vector<16xf32>
      %jit3A = arith.constant 0.000000e+00 : f32
      %broadcast_in_dim3A = vector.broadcast %jit3A : f32 to vector<16xf32>
      %select_n3A = arith.select %gt3A_686, %mul3A_684, %broadcast_in_dim3A : vector<16xi1>, vector<16xf32>
      %add3A_687 = arith.constant 896 : i32
      %add3A_688 = arith.addi %add3A_687, %mul3A_566 : i32
      %swap3A = arith.index_cast %add3A_688 : i32 to index
      %swap3A_689 = tpu.vector_load %arg15[%swap3A] {strides = array<i32>} : memref<1024xf32, #tpu.memory_space<vmem>>, vector<16xf32>,
      tpu.vector_store %arg15[%swap3A], %select_n3A {strides = array<i32>} : memref<1024xf32, #tpu.memory_space<vmem>>, vector<16xf32>,
      %scan3A_690 = arith.constant 0 : i32
      scf.yield %scan3A_690 : i32
    }
    %scan3A_562 = arith.constant 8 : i32
    "tpu.region"() ({
      %run_scoped3A = tpu.sem_alloc : memref<!tpu.dma_semaphore, #tpu.memory_space<semaphore_mem>>
      %dma_start3A_563 = tpu.memref_slice %arg7[%multiple_of3A] : memref<32768xf32, #tpu.memory_space<hbm>> -> memref<1024xf32, #tpu.memory_space<hbm>>
      %dma_start3A_564 = tpu.memref_slice %arg7[%multiple_of3A] : memref<32768xf32, #tpu.memory_space<hbm>> -> memref<1024xf32, #tpu.memory_space<hbm>>
      tpu.enqueue_dma source(%arg15 : memref<1024xf32, #tpu.memory_space<vmem>>) target(%dma_start3A_564 : memref<1024xf32, #tpu.memory_space<hbm>>) target_semaphore(%run_scoped3A : memref<!tpu.dma_semaphore, #tpu.memory_space<semaphore_mem>>)
      %dma_wait3A_565 = tpu.memref_slice %arg7[%multiple_of3A] : memref<32768xf32, #tpu.memory_space<hbm>> -> memref<1024xf32, #tpu.memory_space<hbm>>
      %dma_wait3A_566 = tpu.memref_slice %arg7[%multiple_of3A] : memref<32768xf32, #tpu.memory_space<hbm>> -> memref<1024xf32, #tpu.memory_space<hbm>>
      tpu.wait_dma2 semaphore(%run_scoped3A : memref<!tpu.dma_semaphore, #tpu.memory_space<semaphore_mem>>) src(%arg15 : memref<1024xf32, #tpu.memory_space<vmem>>) dst(%dma_wait3A_566 : memref<1024xf32, #tpu.memory_space<hbm>>)
      tpu.yield
    }) : () -> ()
    return
  }
}

</mosaic_0001>

<sc_bundles>
// kernel: _transh_sc.3.cloned.1.call-start
scs
__scs_entry_jumppad:
0x0: {  	(pc) =	sbr.rel $0x88, $3  }
0x1: {  	(tag) =	ssettag $0x0;
	lr =	simm.s32 $0x1  }
0x2: {  	[smem:$0x3F9C] =	sst lr;
	_ =	strace $0xD0000000  }
0x3: {  	_ = 	snop  }
0x4: {  	_ = 	snop  }
0x5: {  	_ = 	snop  }
0x6: {  	_ = 	snop  }
0x7: {  	_ = 	snop  }
__scs_overlays_trampoline_lowered:
0x8: {  	[smem:$0x3FAB] =	sst s0  }
0x9: {  	[smem:$0x3FAC] =	sst s1  }
0xa: {  	[smem:$0x3FAD] =	sst s2  }
0xb: {  	[smem:$0x3FAE] =	sst s3  }
0xc: {  	[smem:$0x3FAF] =	sst s4  }
0xd: {  	[smem:$0x3FB0] =	sst s5  }
0xe: {  	[smem:$0x3FB1] =	sst s6  }
0xf: {  	[smem:$0x3FB2] =	sst s7  }
0x10: {  	[smem:$0x3FB3] =	sst s8  }
0x11: {  	[smem:$0x3FB4] =	sst s9;
	s0 =	simm.s32 @!p0 $0x0  }
0x12: {  	s1 =	sld [smem:$0x3F9A];
	s0 =	simm.s32 @p0 $0x1  }
0x13: {  	[smem:$0x3FB5] =	sst s0;
	s0 =	simm.s32 @!p1 $0x0  }
0x14: {  	s2 =	sld [smem:$0x3F99];
	s0 =	simm.s32 @p1 $0x1  }
0x15: {  	[smem:$0x3FB6] =	sst s0;
	s0 =	simm.s32 @!p2 $0x0  }
0x16: {  	s3 =	sld [smem:$0x3FDB];
	s0 =	simm.s32 @p2 $0x1  }
0x17: {  	s4 =	simm.s32 $0x1BF5;
	[smem:$0x3FB8] =	sst s0  }
0x18: {  	s0 =	sld [smem:$0x3F9B];
	_ =	swait.ge [sflag:s4], $0x0  }
0x19: {  	s7 =	sld [smem:$0x3F9C]  }
0x1a: {  	s8 =	sadd.s32 $0xFFFFE003, lr  }
0x1b: {  	s9 =	sadd.s32 $0xFFFFFEF7, lr;
	s5 =	simm.s32 $0xFFFFFFFF;
	p2 =	slt.u32 s8, $0xFFFFF086  }
0x1c: {  	p1 =	slt.u32 s9, $0xF7A;
	s5 =	simm.s32 @!p2 $0x0  }
0x1d: {  	s5 =	simm.s32 @p1 $0x1;
	p0 =	seq.s32 s7, s2  }
0x1e: {  	s7 =	smul.u32 @!p0 $0xF7A, s2;
	p2 =	seq.s32 @!p0 s5, $0x0  }
0x1f: {  	s9 =	smul.u32 $0xF7A, s1;
	s8 =	simm.s32 @!p0 $0x1BF5;
	p2 =	por !p2, p0  }
0x20: {  	[sflag:s8] =	ssyncset.s32 @!p0 $0xFFFFF086;
	s6 =	sadd.s32 @!p0 s3, s7;
	s7 =	simm.s32 @!p0 $0x108  }
0x21: {  	s3 =	sadd.s32 s3, s9;
	s6 =	sadd.s32 @!p0 $0x88, s6;
	s7 =	simm.s32 @p2 $0x1082  }
0x22: {  	[simem:s7], [sflag:s8] =	dma.local @!p0 [hbm:s6], $0xF7A  }
0x23: {  	s9 =	sor.u32 $0xD0000000, s2;
	s6 =	simm.s32 $0x108;
	_ =	swait.ge @!p0 [sflag:s8], $0x0  }
0x24: {  	s3 =	sadd.s32 $0x88, s3;
	s6 =	simm.s32 @!p1 $0x1082;
	[sflag:s4] =	ssyncset.s32 $0xFFFFF086  }
0x25: {  	[simem:s6], [sflag:s4] =	dma.local [hbm:s3], $0xF7A  }
0x26: {  	[smem:$0x3F9C] =	sst s1;
	(tag) =	ssettag s2;
	_ =	strace s9  }
0x27: {  	s1 =	sld [smem:$0x3FAC]  }
0x28: {  	s2 =	sld [smem:$0x3FAD]  }
0x29: {  	s4 =	sld [smem:$0x3FAF]  }
0x2a: {  	p0 =	seq.s32 s5, $0x0;
	s5 =	sld [smem:$0x3FB0]  }
0x2b: {  	s6 =	sld [smem:$0x3FB1]  }
0x2c: {  	s7 =	sld [smem:$0x3FB2]  }
0x2d: {  	s3 =	simm.s32 $0x108;
	s8 =	sld [smem:$0x3FB3]  }
0x2e: {  	s3 =	simm.s32 @!p0 $0x1082;
	s9 =	sld [smem:$0x3FB4]  }
0x2f: {  	lr =	sadd.s32 s0, s3;
	s0 =	sld [smem:$0x3FAB]  }
0x30: {  	s3 =	sld [smem:$0x3FAE]  }
0x31: {  	[smem:$0x3FB7] =	sst s10  }
0x32: {  	s10 =	sld [smem:$0x3FB5];
	_ =	sdelay $0x3  }
0x33: {  	p0 =	seq.s32 s10, $0x1;
	s10 =	sld [smem:$0x3FB7];
	_ =	sdelay $0x3  }
0x34: {  	[smem:$0x3FB7] =	sst s10  }
0x35: {  	s10 =	sld [smem:$0x3FB6];
	_ =	sdelay $0x3  }
0x36: {  	p1 =	seq.s32 s10, $0x1;
	s10 =	sld [smem:$0x3FB7];
	_ =	sdelay $0x3  }
0x37: {  	[smem:$0x3FB7] =	sst s10  }
0x38: {  	s10 =	sld [smem:$0x3FB8]  }
0x39: {  	_ = 	snop;
	(pc) =	sbr.ind lr, $3  }
0x3a: {  	_ = 	snop  }
0x3b: {  	_ = 	snop  }
0x3c: {  	p2 =	seq.s32 s10, $0x1;
	s10 =	sld [smem:$0x3FB7]  }
0x3d: {  	_ =	shalt  }
0x3e: {  	_ =	shalt  }
0x3f: {  	_ =	shalt  }
0x40: {  	_ =	shalt  }
0x41: {  	_ =	shalt  }
0x42: {  	_ =	shalt  }
0x43: {  	_ =	shalt  }
0x44: {  	_ =	shalt  }
0x45: {  	_ =	shalt  }
0x46: {  	_ =	shalt  }
0x47: {  	_ =	shalt  }
0x48: {  	_ =	shalt  }
0x49: {  	_ =	shalt  }
0x4a: {  	_ =	shalt  }
0x4b: {  	_ =	shalt  }
0x4c: {  	_ =	shalt  }
0x4d: {  	_ =	shalt  }
0x4e: {  	_ =	shalt  }
0x4f: {  	_ =	shalt  }
0x50: {  	_ =	shalt  }
0x51: {  	_ =	shalt  }
0x52: {  	_ =	shalt  }
0x53: {  	_ =	shalt  }
0x54: {  	_ =	shalt  }
0x55: {  	_ =	shalt  }
0x56: {  	_ =	shalt  }
0x57: {  	_ =	shalt  }
0x58: {  	_ =	shalt  }
0x59: {  	_ =	shalt  }
0x5a: {  	_ =	shalt  }
0x5b: {  	_ =	shalt  }
0x5c: {  	_ =	shalt  }
0x5d: {  	_ =	shalt  }
0x5e: {  	_ =	shalt  }
0x5f: {  	_ =	shalt  }
0x60: {  	_ =	shalt  }
0x61: {  	_ =	shalt  }
0x62: {  	_ =	shalt  }
0x63: {  	_ =	shalt  }
0x64: {  	_ =	shalt  }
0x65: {  	_ =	shalt  }
0x66: {  	_ =	shalt  }
0x67: {  	_ =	shalt  }
0x68: {  	_ =	shalt  }
0x69: {  	_ =	shalt  }
0x6a: {  	_ =	shalt  }
0x6b: {  	_ =	shalt  }
0x6c: {  	_ =	shalt  }
0x6d: {  	_ =	shalt  }
0x6e: {  	_ =	shalt  }
0x6f: {  	_ =	shalt  }
0x70: {  	_ =	shalt  }
0x71: {  	_ =	shalt  }
0x72: {  	_ =	shalt  }
0x73: {  	_ =	shalt  }
0x74: {  	_ =	shalt  }
0x75: {  	_ =	shalt  }
0x76: {  	_ =	shalt  }
0x77: {  	_ =	shalt  }
0x78: {  	_ =	shalt  }
0x79: {  	_ =	shalt  }
0x7a: {  	_ =	shalt  }
0x7b: {  	_ =	shalt  }
0x7c: {  	_ =	shalt  }
0x7d: {  	_ =	shalt  }
0x7e: {  	_ =	shalt  }
0x7f: {  	_ =	shalt  }
0x80: {  	_ =	shalt  }
0x81: {  	_ =	shalt  }
0x82: {  	_ =	shalt  }
0x83: {  	_ =	shalt  }
0x84: {  	_ =	shalt  }
0x85: {  	_ =	shalt  }
0x86: {  	_ =	shalt  }
0x87: {  	_ =	shalt  }
.Lfunc_end0:
.L_simem_size_0:
called_computation_lowered:
.L_overlay_start_0:
0x88: {  	s2 =	sld [smem:$0x3FD9]  }
0x89: {  	s3 =	sld [smem:$0x3FFE];
	_ =	sdelay $0x1  }
0x8a: {  	s1 =	srdreg.scid  }
0x8b: {  	s0 =	sand.u32 $0x1, s1  }
0x8c: {  	s17 =	sshll.u32 s0, $0xA;
	s2 =	sadd.s32 s3, s2  }
0x8d: {  	s2 =	sadd.s32 s2, s17  }
0x8e: {  	[smem:$0x3FC3] =	sst s2  }
0x8f: {  	_ = 	snop  }
0x90: {  	s2 =	sld [smem:$0x3FC9]  }
0x91: {  	s18 =	sld [smem:$0x3FC8]  }
0x92: {  	s4 =	sld [smem:$0x3FC7]  }
0x93: {  	s5 =	sld [smem:$0x3FC5]  }
0x94: {  	s6 =	sld [smem:$0x3FD0];
	(tm) =	ssettm $0x1  }
0x95: {  	s7 =	sld [smem:$0x3FFB];
	_ =	sdelay $0x3  }
0x96: {  	_ =	strace s7  }
0x97: {  	s7 =	sld [smem:$0x3FFC];
	_ =	sdelay $0x3  }
0x98: {  	_ =	strace s7  }
0x99: {  	s7 =	sld [smem:$0x3FFD];
	_ =	sdelay $0x3  }
0x9a: {  	_ =	strace s7  }
0x9b: {  	_ =	strace $0x8FFFFFFF  }
0x9c: {  	s19 =	sld [smem:$0x3FDB];
	_ =	sdelay $0x1  }
0x9d: {  	s8 =	simm.s32 $_scs_section_size  }
0x9e: {  	s9 =	simm.s32 $_size__tile_overlayer_lowered;
	s10 =	simm.s32 $_tile_overlayer_lowered  }
0x9f: {  	s22 =	simm.s32 $0x1BFF;
	s21 =	sshll.u32 s10, $0x1;
	s7 =	sadd.s32 s8, s19  }
0xa0: {  	s11 =	simm.s32 $0x0;
	s20 =	sshll.u32 s9, $0x1;
	s9 =	sadd.s32 s21, s7  }
0xa1: {  	[timem:s11], [sflag:s22] =	dma.local [hbm:s9], s20  }
0xa2: {  	_ =	swait.ge [sflag:s22], s20  }
0xa3: {  	s8 =	ssub.s32 $0x0, s20;
	[sflag:s22] =	ssyncset.done $0x0  }
0xa4: {  	[sflag:s22] =	ssyncadd.s32 s8;
	_ =	sdelay $0x1  }
0xa5: {  	s23 =	simm.s32 $0x1B8B  }
0xa6: {  	_ =	swait.ge [sflag:s23], $0x1  }
0xa7: {  	[sflag:s23] =	ssyncset.done $0x0  }
0xa8: {  	s25 =	simm.s32 $0x1B8E;
	s24 =	sld [smem:$0x3FFE];
	[sflag:s23] =	ssyncadd.s32 $0xFFFFFFFF  }
0xa9: {  	s26 =	simm.s32 $execute0_lowered;
	[smem:$0x3FD2] =	sst s25  }
0xaa: {  	s9 =	sshll.u32 s26, $0x1;
	_ =	strace $0x80000046;
	[dreg:$0x1] =	wrdreg $0xFFFFFFFF  }
0xab: {  	s28 =	simm.s32 $_size_execute0_lowered;
	s7 =	sadd.s32 s7, s9;
	[dreg:$0x0] =	wrdreg $0x0  }
0xac: {  	s9 =	sshll.u32 s28, $0x1;
	[dreg:$0x2] =	wrdreg s7  }
0xad: {  	[dreg:$0x3] =	wrdreg s9  }
0xae: {  	[dreg:$0x4] =	wrdreg $0xC0  }
0xaf: {  	_ =	task [dreg:s11], $0x5FFFF  }
0xb0: {  	[dreg:$0x1] =	wrdreg $0xFFFFFFFF  }
0xb1: {  	[dreg:$0x0] =	wrdreg $0x60  }
0xb2: {  	[dreg:$0x2] =	wrdreg s2  }
0xb3: {  	[dreg:$0x3] =	wrdreg s18  }
0xb4: {  	[dreg:$0x4] =	wrdreg s4  }
0xb5: {  	[dreg:$0x5] =	wrdreg s24  }
0xb6: {  	[dreg:$0x6] =	wrdreg s5  }
0xb7: {  	[dreg:$0x7] =	wrdreg s6  }
0xb8: {  	[dreg:$0x8] =	wrdreg $0x9  }
0xb9: {  	_ =	task.clear_ibuf [dreg:s11], $0x9FFFF;
	_ =	strace $0x90000046  }
0xba: {  	s29 =	simm.s32 $0x9;
	_ =	strace $0x80000048  }
0xbb: {  	_ =	swait.ge [sflag:s29], $0x1  }
0xbc: {  	[sflag:s29] =	ssyncadd.s32 $0xFFFFFFFF  }
0xbd: {  	_ =	strace $0x90000048  }
0xbe: {  	_ =	sfence  }
0xbf: {  	s30 =	sld [smem:$0x0];
	_ =	sdelay $0x2  }
0xc0: {  	s31 =	sshll.u32 s1, $0xD;
	s1 =	sshrl.u32 s1, $0x2  }
0xc1: {  	s3 =	sand.u32 $0x4000, s31;
	s1 =	sadd.s32 s1, s30  }
0xc2: {  	s0 =	sor.u32 s3, s0;
	s1 =	sshll.u32 s1, $0x11  }
0xc3: {  	s0 =	sor.u32 s1, s0  }
0xc4: {  	s0 =	sadd.s32 $0x8F2B, s0  }
0xc5: {  	[sflag:s0] =	ssyncadd.remote.s32 $0x1  }
0xc6: {  	_ =	sfence.sel $0xFFFF  }
0xc7: {  	[dreg:$0x0] =	wrdreg $0xFFFFFFFF;
	(pc) =	sbr.abs _section_cstart, $3  }
0xc8: {  	[dreg:$0x1] =	wrdreg $0xFFFFFFFF  }
0xc9: {  	_ =	task.clear_ibuf [dreg:s11], $0x2FFFF;
	_ =	strace $0x9FFFFFFF  }
0xca: {  	(tm) =	ssettm $0x7FFFFFFF  }
0xcb: {  	_ =	shalt  }
tec
execute0_lowered:
.L_overlay_start_1:
0x0: {  	(tag) =	ssettag $0x1  }
0x1: {  	s0 =	rddreg [dreg:$0x0]  }
0x2: {  	s2 =	rddreg [dreg:$0x1]  }
0x3: {  	s5 =	rddreg [dreg:$0x2]  }
0x4: {  	s4 =	rddreg [dreg:$0x3]  }
0x5: {  	s1 =	rddreg [dreg:$0x4]  }
0x6: {  	s6 =	rddreg [dreg:$0x5];
	s3 =	simm.s32 $0x0;
	s7 =	srdreg.scid  }
0x7: {  	s9 =	stileid.u32;
	s13 =	simm.s32 $0x80;
	s14 =	simm.s32 $0xC00  }
0x8: {  	s15 =	simm.s32 $0x4C00;
	s17 =	simm.s32 $0x1;
	s18 =	simm.s32 $0x2  }
0x9: {  	s19 =	simm.s32 $0x3;
	s20 =	simm.s32 $0x2C00;
	s22 =	simm.s32 $0x6C00  }
0xa: {  	s24 =	simm.s32 $0xCC00;
	v0 =	vlaneseq.u32;
	s25 =	simm.s32 $0x10C00;
	s26 =	simm.s32 $0x4  }
0xb: {  	s28 =	simm.s32 $0x5;
	s29 =	simm.s32 $0x6;
	s21 =	simm.s32 $0x0;
	v0 =	vmul.u32 $0x10, v0  }
0xc: {  	[smem:$0x7FF] =	sst s3;
	s7 =	sand.u32 $0x1, s7;
	s9 =	sshll.u32 s9, $0x8  }
0xd: {  	s4 =	sadd.s32 $0xF42800, s4;
	s8 =	ssub.s32 $0x2, s7;
	s7 =	sshll.u32 s7, $0x7;
	v1 =	vor.u32 $0x1, v0;
	v2 =	vor.u32 $0x2, v0;
	v3 =	vor.u32 $0x3, v0  }
0xe: {  	_ =	strace $0x80000047;
	s10 =	sshrl.u32 s8, $0x1;
	s9 =	sor.u32 s7, s9;
	v4 =	vor.u32 $0x4, v0;
	v5 =	vor.u32 $0x5, v0;
	v6 =	vor.u32 $0x6, v0  }
0xf: {  	v7 =	vor.u32 $0x7, v0;
	v8 =	vor.u32 $0x8, v0;
	v9 =	vor.u32 $0x9, v0;
	s10 =	ssub.s32 s8, s10;
	s0 =	sadd.s32 s0, s9;
	s31 =	sadd.s32 s2, s9  }
0x10: {  	v10 =	vor.u32 $0xA, v0;
	v11 =	vor.u32 $0xB, v0;
	v12 =	vor.u32 $0xC, v0;
	s7 =	sadd.s32 s5, s9;
	s8 =	sadd.s32 s6, s9;
	[dreg:$0x7] =	wrdreg s0  }
0x11: {  	v13 =	vor.u32 $0xD, v0;
	v14 =	vor.u32 $0xE, v0;
	v15 =	vor.u32 $0xF, v0;
	[dreg:$0x8] =	wrdreg s31;
	s9 =	smax.u32 s10, $0x1;
	s10 =	simm.s32 $0x7  }
.LBB2_1:
0x12: {  	s0 =	rddreg [dreg:$0x7]  }
0x13: {  	[tilespmem:s3], [sflag:$0x7] =	stream.linear.gather [hbm4b:s0+s3], $0x400, $0x38;
	[tilespmem:$0x11100] =	vst v63  }
0x14: {  	_ =	swait.ge [sflag:s10], $0x400  }
0x15: {  	[sflag:s10] =	ssyncset.done $0x0  }
0x16: {  	s2 =	simm.s32 $0x400;
	s6 =	rddreg [dreg:$0x8];
	[sflag:s10] =	ssyncadd.s32 $0xFFFFFC00  }
0x17: {  	[tilespmem:s2], [sflag:$0x7] =	stream.linear.gather [hbm4b:s6+s3], $0x400, $0x38;
	[tilespmem:$0x11100] =	vst v63  }
0x18: {  	_ =	swait.ge [sflag:s10], $0x400  }
0x19: {  	[sflag:s10] =	ssyncset.done $0x0  }
0x1a: {  	s11 =	simm.s32 $0x800;
	[sflag:s10] =	ssyncadd.s32 $0xFFFFFC00  }
0x1b: {  	[tilespmem:s11], [sflag:$0x7] =	stream.linear.gather [hbm4b:s7+s3], $0x400, $0x38;
	[tilespmem:$0x11100] =	vst v63  }
0x1c: {  	_ =	swait.ge [sflag:s10], $0x400  }
0x1d: {  	[sflag:s10] =	ssyncset.done $0x0  }
0x1e: {  	[sflag:s10] =	ssyncadd.s32 $0xFFFFFC00  }
0x1f: {  	[tilespmem:s14], [sflag:$0x1] =	stream.indirect.gather [hbm4b:s4+s13], $0x40, s3, s13, $0xb8;
	[tilespmem:$0x11100] =	vst v63  }
0x20: {  	_ = 	snop  }
0x21: {  	[tilespmem:s15], [sflag:$0x2] =	stream.indirect.gather [hbm4b:s4+s13], $0x40, s11, s13, $0xb8;
	[tilespmem:$0x11100] =	vst v63  }
0x22: {  	s12 =	simm.s32 $0x8C00  }
0x23: {  	[tilespmem:s12], [sflag:$0x3] =	stream.indirect.gather [hbm4b:s1+s13], $0x80, s2, s13, $0xb8;
	[tilespmem:$0x11100] =	vst v63  }
0x24: {  	_ =	swait.ge [sflag:s17], $0x2000  }
0x25: {  	[sflag:s17] =	ssyncset.done $0x0  }
0x26: {  	[sflag:s17] =	ssyncadd.s32 $0xFFFFE000  }
0x27: {  	_ =	swait.ge [sflag:s18], $0x2000  }
0x28: {  	[sflag:s18] =	ssyncset.done $0x0  }
0x29: {  	[sflag:s18] =	ssyncadd.s32 $0xFFFFE000  }
0x2a: {  	_ =	swait.ge [sflag:s19], $0x4000  }
0x2b: {  	[sflag:s19] =	ssyncset.done $0x0  }
0x2c: {  	[sflag:s19] =	ssyncadd.s32 $0xFFFFC000  }
0x2d: {  	[tilespmem:s20], [sflag:$0x4] =	stream.indirect.gather [hbm4b:s4+s13], $0x40, s13, s13, $0xb8;
	[tilespmem:$0x11100] =	vst v63  }
0x2e: {  	s16 =	simm.s32 $0x880  }
0x2f: {  	[tilespmem:s22], [sflag:$0x5] =	stream.indirect.gather [hbm4b:s4+s13], $0x40, s16, s13, $0xb8;
	[tilespmem:$0x11100] =	vst v63  }
0x30: {  	s23 =	simm.s32 $0x480;
	s30 =	simm.s32 $0xC30  }
0x31: {  	[tilespmem:s24], [sflag:$0x6] =	stream.indirect.gather [hbm4b:s1+s13], $0x80, s23, s13, $0xb8;
	[tilespmem:$0x11100] =	vst v63  }
0x32: {  	s31 =	simm.s32 $0x0;
	s0 =	simm.s32 $0x8C40;
	s23 =	simm.s32 $0x4C30  }
.LBB2_2:
0x33: {  	v17 =	vmov s30  }
0x34: {  	v16 =	vmov s23;
	v18 =	vld [tilespmem:s0+$0x0]  }
0x35: {  	v27 =	vld [tilespmem:s0+$0xFFFFFFC0]  }
0x36: {  	v28 =	vld [tilespmem:s0+$0xFFFFFFD0]  }
0x37: {  	s2 =	simm.s32 $0x0;
	v29 =	vld [tilespmem:s0+$0xFFFFFFE0]  }
0x38: {  	v21 =	vld.idx.msk [tilespmem:v17+s2+$0xFFFFFFF0 ss:$0x1], $0xffff  }
0x39: {  	v22 =	vld.idx.msk [tilespmem:v16+s2+$0xFFFFFFD0 ss:$0x1], $0xffff  }
0x3a: {  	v23 =	vld.idx.msk [tilespmem:v17+s2+$0xFFFFFFD0 ss:$0x1], $0xffff  }
0x3b: {  	v24 =	vld.idx.msk [tilespmem:v17+s2+$0xFFFFFFE0 ss:$0x1], $0xffff  }
0x3c: {  	v25 =	vld.idx.msk [tilespmem:v16+s2+$0xFFFFFFE0 ss:$0x1], $0xffff  }
0x3d: {  	v26 =	vld.idx.msk [tilespmem:v16+s2+$0xFFFFFFF0 ss:$0x1], $0xffff  }
0x3e: {  	v19 =	vld.idx.msk [tilespmem:v17+s2+$0x0 ss:$0x1], $0xffff  }
0x3f: {  	v20 =	vld.idx.msk [tilespmem:v16+s2+$0x0 ss:$0x1], $0xffff  }
0x40: {  	v30 =	vld [tilespmem:s0+$0x10]  }
0x41: {  	v22 =	vsub.f32 v23, v22;
	v23 =	vsub.f32 v24, v25;
	v24 =	vld [tilespmem:s0+$0xFFFFFFF0]  }
0x42: {  	v25 =	vld [tilespmem:s0+$0x20];
	v21 =	vsub.f32 v21, v26  }
0x43: {  	v22 =	vadd.f32 v27, v22;
	v23 =	vadd.f32 v28, v23  }
0x44: {  	v26 =	vld [tilespmem:s0+$0x30];
	v19 =	vsub.f32 v19, v20;
	v21 =	vadd.f32 v29, v21  }
0x45: {  	v18 =	vadd.f32 v18, v22;
	v20 =	vadd.f32 v30, v23  }
0x46: {  	v19 =	vadd.f32 v24, v19  }
0x47: {  	v21 =	vadd.f32 v25, v21;
	v18 =	vmul.f32 v18, v18;
	v20 =	vmul.f32 v20, v20;
	_ =	sdelay $0x1  }
0x48: {  	v19 =	vadd.f32 v26, v19;
	v18 =	vadd.f32 v20, v18;
	v20 =	vmul.f32 v21, v21;
	_ =	sdelay $0x1  }
0x49: {  	v19 =	vmul.f32 v19, v19;
	v18 =	vadd.f32 v20, v18;
	_ =	sdelay $0x1  }
0x4a: {  	v18 =	vadd.f32 v19, v18  }
0x4b: {  	s16 =	simm.s32 $0x10C00  }
0x4c: {  	s11 =	sadd.s32 $0x80, s0;
	[tilespmem:s16+$0x0] =	vst v18  }
0x4d: {  	s6 =	simm.s32 $0x40;
	v18 =	vld [tilespmem:s11+$0x0]  }
0x4e: {  	v19 =	vld.idx.msk [tilespmem:v17+s6+$0x0 ss:$0x1], $0xffff  }
0x4f: {  	v20 =	vld.idx.msk [tilespmem:v16+s6+$0x0 ss:$0x1], $0xffff  }
0x50: {  	v21 =	vld.idx.msk [tilespmem:v17+s6+$0xFFFFFFF0 ss:$0x1], $0xffff  }
0x51: {  	v22 =	vld.idx.msk [tilespmem:v16+s6+$0xFFFFFFD0 ss:$0x1], $0xffff  }
0x52: {  	v23 =	vld.idx.msk [tilespmem:v17+s6+$0xFFFFFFD0 ss:$0x1], $0xffff  }
0x53: {  	s5 =	simm.s32 $0x200;
	s2 =	sshll.u32 s31, $0x4;
	v24 =	vld.idx.msk [tilespmem:v17+s6+$0xFFFFFFE0 ss:$0x1], $0xffff  }
.LBB2_3:
0x54: {  	p0 =	sne.s32 s5, $0xF00;
	v25 =	vld.idx.msk [tilespmem:v16+s6+$0xFFFFFFE0 ss:$0x1], $0xffff  }
0x55: {  	v26 =	vld.idx.msk [tilespmem:v16+s6+$0xFFFFFFF0 ss:$0x1], $0xffff  }
0x56: {  	v27 =	vld [tilespmem:s11+$0xFFFFFFC0]  }
0x57: {  	v28 =	vld [tilespmem:s11+$0xFFFFFFD0]  }
0x58: {  	v29 =	vld [tilespmem:s11+$0xFFFFFFE0]  }
0x59: {  	v30 =	vld [tilespmem:s11+$0x10]  }
0x5a: {  	v22 =	vsub.f32 v23, v22;
	v23 =	vsub.f32 v24, v25;
	v24 =	vld [tilespmem:s11+$0xFFFFFFF0]  }
0x5b: {  	v21 =	vsub.f32 v21, v26;
	v25 =	vld [tilespmem:s11+$0x20]  }
0x5c: {  	v22 =	vadd.f32 v27, v22;
	v23 =	vadd.f32 v28, v23  }
0x5d: {  	v19 =	vsub.f32 v19, v20;
	v21 =	vadd.f32 v29, v21;
	v26 =	vld [tilespmem:s11+$0x30]  }
0x5e: {  	v18 =	vadd.f32 v18, v22;
	v20 =	vadd.f32 v30, v23  }
0x5f: {  	v19 =	vadd.f32 v24, v19  }
0x60: {  	v18 =	vmul.f32 v18, v18;
	v20 =	vmul.f32 v20, v20;
	v21 =	vadd.f32 v25, v21;
	_ =	sdelay $0x1  }
0x61: {  	v18 =	vadd.f32 v20, v18;
	v20 =	vmul.f32 v21, v21;
	v19 =	vadd.f32 v26, v19;
	_ =	sdelay $0x1  }
0x62: {  	v18 =	vadd.f32 v20, v18;
	v19 =	vmul.f32 v19, v19;
	_ =	sdelay $0x1  }
0x63: {  	v18 =	vadd.f32 v19, v18  }
0x64: {  	s16 =	sadd.s32 $0x10, s16  }
0x65: {  	s11 =	sadd.s32 $0x80, s11;
	[tilespmem:s16+$0x0] =	vst v18  }
0x66: {  	s6 =	sshra.s32 s5, $0x2;
	v18 =	vld [tilespmem:s11+$0x0]  }
0x67: {  	v19 =	vld.idx.msk [tilespmem:v17+s6+$0x0 ss:$0x1], $0xffff  }
.Ltmp0:
0x68: {  	v20 =	vld.idx.msk [tilespmem:v16+s6+$0x0 ss:$0x1], $0xffff;
	(pc) =	sbr.rel @p0 .LBB2_3-.Ltmp0, $4  }
0x69: {  	v21 =	vld.idx.msk [tilespmem:v17+s6+$0xFFFFFFF0 ss:$0x1], $0xffff  }
0x6a: {  	v22 =	vld.idx.msk [tilespmem:v16+s6+$0xFFFFFFD0 ss:$0x1], $0xffff  }
0x6b: {  	v23 =	vld.idx.msk [tilespmem:v17+s6+$0xFFFFFFD0 ss:$0x1], $0xffff  }
0x6c: {  	s5 =	sadd.s32 $0x100, s5;
	v24 =	vld.idx.msk [tilespmem:v17+s6+$0xFFFFFFE0 ss:$0x1], $0xffff  }
0x6d: {  	_ =	sdelay $0x3  }
0x6e: {  	v17 =	vld.idx.msk [tilespmem:v16+s6+$0xFFFFFFE0 ss:$0x1], $0xffff  }
0x6f: {  	v16 =	vld.idx.msk [tilespmem:v16+s6+$0xFFFFFFF0 ss:$0x1], $0xffff  }
0x70: {  	v25 =	vld [tilespmem:s11+$0xFFFFFFC0]  }
0x71: {  	v26 =	vld [tilespmem:s11+$0xFFFFFFD0]  }
0x72: {  	v27 =	vld [tilespmem:s11+$0xFFFFFFE0]  }
0x73: {  	v28 =	vld [tilespmem:s11+$0x10]  }
0x74: {  	v47 =	vld [tilespmem:s11+$0xFFFFFFF0];
	v22 =	vsub.f32 v23, v22;
	v17 =	vsub.f32 v24, v17  }
0x75: {  	v48 =	vld [tilespmem:s11+$0x20];
	v16 =	vsub.f32 v21, v16  }
0x76: {  	v49 =	vadd.f32 v25, v22;
	v17 =	vadd.f32 v26, v17  }
0x77: {  	v50 =	vld [tilespmem:s11+$0x30];
	v19 =	vsub.f32 v19, v20;
	v16 =	vadd.f32 v27, v16  }
0x78: {  	v18 =	vadd.f32 v18, v49;
	v17 =	vadd.f32 v28, v17  }
0x79: {  	v19 =	vadd.f32 v47, v19  }
0x7a: {  	v18 =	vmul.f32 v18, v18;
	v16 =	vadd.f32 v48, v16;
	v17 =	vmul.f32 v17, v17;
	_ =	sdelay $0x1  }
0x7b: {  	v51 =	vadd.f32 v50, v19;
	v16 =	vmul.f32 v16, v16;
	v17 =	vadd.f32 v17, v18;
	_ =	sdelay $0x1  }
0x7c: {  	v16 =	vadd.f32 v16, v17;
	v17 =	vmul.f32 v51, v51;
	_ =	sdelay $0x1  }
0x7d: {  	v16 =	vadd.f32 v17, v16  }
0x7e: {  	s5 =	sadd.s32 $0x10, s16  }
0x7f: {  	[tilespmem:s5+$0x0] =	vst v16  }
0x80: {  	v16 =	vld.idx.msk [tilespmem:v0+s25+$0x0], $0xffff  }
0x81: {  	v17 =	vld.idx.msk [tilespmem:v1+s25+$0x0], $0xffff;
	_ =	sdelay $0x1  }
0x82: {  	v52 =	vld.idx.msk [tilespmem:v2+s25+$0x0], $0xffff;
	_ =	sdelay $0x1  }
0x83: {  	v53 =	vld.idx.msk [tilespmem:v3+s25+$0x0], $0xffff  }
0x84: {  	v16 =	vadd.f32 v17, v16  }
0x85: {  	v17 =	vld.idx.msk [tilespmem:v4+s25+$0x0], $0xffff  }
0x86: {  	v16 =	vadd.f32 v52, v16  }
0x87: {  	v54 =	vld.idx.msk [tilespmem:v5+s25+$0x0], $0xffff  }
0x88: {  	v16 =	vadd.f32 v53, v16  }
0x89: {  	v55 =	vld.idx.msk [tilespmem:v6+s25+$0x0], $0xffff  }
0x8a: {  	v16 =	vadd.f32 v17, v16  }
0x8b: {  	v17 =	vld.idx.msk [tilespmem:v7+s25+$0x0], $0xffff  }
0x8c: {  	v16 =	vadd.f32 v54, v16  }
0x8d: {  	v56 =	vld.idx.msk [tilespmem:v8+s25+$0x0], $0xffff  }
0x8e: {  	v16 =	vadd.f32 v55, v16  }
0x8f: {  	v57 =	vld.idx.msk [tilespmem:v9+s25+$0x0], $0xffff  }
0x90: {  	v16 =	vadd.f32 v17, v16  }
0x91: {  	v17 =	vld.idx.msk [tilespmem:v10+s25+$0x0], $0xffff  }
0x92: {  	v16 =	vadd.f32 v56, v16  }
0x93: {  	v58 =	vld.idx.msk [tilespmem:v11+s25+$0x0], $0xffff  }
0x94: {  	v16 =	vadd.f32 v57, v16  }
0x95: {  	v59 =	vld.idx.msk [tilespmem:v12+s25+$0x0], $0xffff  }
0x96: {  	v16 =	vadd.f32 v17, v16  }
0x97: {  	v17 =	vld.idx.msk [tilespmem:v13+s25+$0x0], $0xffff  }
0x98: {  	v16 =	vadd.f32 v58, v16  }
0x99: {  	v60 =	vld.idx.msk [tilespmem:v14+s25+$0x0], $0xffff  }
0x9a: {  	v16 =	vadd.f32 v59, v16  }
0x9b: {  	v61 =	vld.idx.msk [tilespmem:v15+s25+$0x0], $0xffff  }
0x9c: {  	v16 =	vadd.f32 v17, v16;
	_ =	sdelay $0x1  }
0x9d: {  	v16 =	vadd.f32 v60, v16;
	_ =	sdelay $0x1  }
0x9e: {  	v16 =	vadd.f32 v61, v16;
	_ =	sdelay $0x1  }
0x9f: {  	v17 =	vshra.s32 v16, $0x1;
	v62 =	vmul.f32 $5.000000000e-01, v16  }
0xa0: {  	v17 =	vsub.s32 $0x5F3759DF, v17  }
0xa1: {  	v63 =	vmul.f32 v17, v62;
	_ =	sdelay $0x1  }
0xa2: {  	v19 =	vmul.f32 v17, v63;
	_ =	sdelay $0x1  }
0xa3: {  	v19 =	vsub.f32 $1.500000000e+00, v19;
	_ =	sdelay $0x1  }
0xa4: {  	v17 =	vmul.f32 v17, v19;
	_ =	sdelay $0x1  }
0xa5: {  	v19 =	vmul.f32 v17, v62;
	_ =	sdelay $0x1  }
0xa6: {  	v19 =	vmul.f32 v19, v17;
	_ =	sdelay $0x1  }
0xa7: {  	v19 =	vsub.f32 $1.500000000e+00, v19;
	_ =	sdelay $0x1  }
0xa8: {  	v17 =	vmul.f32 v19, v17;
	_ =	sdelay $0x1  }
0xa9: {  	v18 =	vmul.f32 v17, v62;
	_ =	sdelay $0x1  }
0xaa: {  	v18 =	vmul.f32 v18, v17;
	_ =	sdelay $0x1  }
0xab: {  	v18 =	vsub.f32 $1.500000000e+00, v18  }
0xac: {  	s31 =	sadd.s32 $0x1, s31  }
0xad: {  	p0 =	sne.s32 s31, $0x8;
	v17 =	vmul.f32 v18, v17  }
.Ltmp1:
0xae: {  	_ = 	snop;
	(pc) =	sbr.rel @p0 .LBB2_2-.Ltmp1, $4  }
0xaf: {  	v17 =	vmul.f32 v17, v16  }
0xb0: {  	vm0 =	vgt.f32 v16, $0.0e+00  }
0xb1: {  	v16 =	vnsel vm0, $0x0, v17  }
0xb2: {  	s23 =	sadd.s32 $0x400, s23;
	s30 =	sadd.s32 $0x400, s30;
	s0 =	sadd.s32 $0x800, s0;
	[tilespmem:s2+$0x10D00] =	vst v16  }
0xb3: {  	_ =	swait.ge [sflag:s26], $0x2000  }
0xb4: {  	[sflag:s26] =	ssyncset.done $0x0  }
0xb5: {  	[sflag:s26] =	ssyncadd.s32 $0xFFFFE000  }
0xb6: {  	_ =	swait.ge [sflag:s28], $0x2000  }
0xb7: {  	[sflag:s28] =	ssyncset.done $0x0  }
0xb8: {  	[sflag:s28] =	ssyncadd.s32 $0xFFFFE000  }
0xb9: {  	_ =	swait.ge [sflag:s29], $0x4000  }
0xba: {  	[sflag:s29] =	ssyncset.done $0x0  }
0xbb: {  	s0 =	simm.s32 $0x100;
	[sflag:s29] =	ssyncadd.s32 $0xFFFFC000  }
0xbc: {  	[tilespmem:s14], [sflag:$0x1] =	stream.indirect.gather [hbm4b:s4+s13], $0x40, s0, s13, $0xb8;
	[tilespmem:$0x11100] =	vst v63  }
0xbd: {  	s12 =	simm.s32 $0x900;
	s23 =	simm.s32 $0x8C00;
	s16 =	simm.s32 $0x500  }
0xbe: {  	[tilespmem:s15], [sflag:$0x2] =	stream.indirect.gather [hbm4b:s4+s13], $0x40, s12, s13, $0xb8;
	[tilespmem:$0x11100] =	vst v63  }
0xbf: {  	s30 =	simm.s32 $0x0;
	s31 =	simm.s32 $0x2C30;
	s0 =	simm.s32 $0x6C30  }
0xc0: {  	[tilespmem:s23], [sflag:$0x3] =	stream.indirect.gather [hbm4b:s1+s13], $0x80, s16, s13, $0xb8;
	[tilespmem:$0x11100] =	vst v63  }
.LBB2_6:
0xc1: {  	v21 =	vld [tilespmem:s31+$0xFFFFFFF0]  }
0xc2: {  	v22 =	vld [tilespmem:s0+$0xFFFFFFD0]  }
0xc3: {  	v23 =	vld [tilespmem:s31+$0xFFFFFFD0]  }
0xc4: {  	v16 =	vmov s23;
	v24 =	vld [tilespmem:s31+$0xFFFFFFE0]  }
0xc5: {  	v25 =	vld [tilespmem:s0+$0xFFFFFFE0]  }
0xc6: {  	v26 =	vld [tilespmem:s0+$0xFFFFFFF0]  }
0xc7: {  	v27 =	vld [tilespmem:s31+$0x0]  }
0xc8: {  	s2 =	simm.s32 $0x0;
	v28 =	vld [tilespmem:s0+$0x0]  }
0xc9: {  	v17 =	vld.idx.msk [tilespmem:v16+s2+$0x4040 ss:$0x1], $0xffff  }
0xca: {  	v19 =	vld.idx.msk [tilespmem:v16+s2+$0x4000 ss:$0x1], $0xffff  }
0xcb: {  	v20 =	vld.idx.msk [tilespmem:v16+s2+$0x4010 ss:$0x1], $0xffff  }
0xcc: {  	v18 =	vld.idx.msk [tilespmem:v16+s2+$0x4020 ss:$0x1], $0xffff  }
0xcd: {  	v29 =	vld.idx.msk [tilespmem:v16+s2+$0x4050 ss:$0x1], $0xffff  }
0xce: {  	v30 =	vld.idx.msk [tilespmem:v16+s2+$0x4030 ss:$0x1], $0xffff;
	v22 =	vsub.f32 v23, v22;
	v23 =	vsub.f32 v24, v25  }
0xcf: {  	v24 =	vld.idx.msk [tilespmem:v16+s2+$0x4060 ss:$0x1], $0xffff;
	v21 =	vsub.f32 v21, v26  }
0xd0: {  	v19 =	vadd.f32 v19, v22;
	v20 =	vadd.f32 v20, v23  }
0xd1: {  	v22 =	vld.idx.msk [tilespmem:v16+s2+$0x4070 ss:$0x1], $0xffff;
	v18 =	vadd.f32 v18, v21;
	v21 =	vsub.f32 v27, v28  }
0xd2: {  	v17 =	vadd.f32 v17, v19;
	v19 =	vadd.f32 v29, v20  }
0xd3: {  	v20 =	vadd.f32 v30, v21  }
0xd4: {  	v18 =	vadd.f32 v24, v18;
	v17 =	vmul.f32 v17, v17;
	v19 =	vmul.f32 v19, v19;
	_ =	sdelay $0x1  }
0xd5: {  	v18 =	vmul.f32 v18, v18;
	v17 =	vadd.f32 v19, v17;
	v19 =	vadd.f32 v22, v20;
	_ =	sdelay $0x1  }
0xd6: {  	v17 =	vadd.f32 v18, v17;
	v18 =	vmul.f32 v19, v19;
	_ =	sdelay $0x1  }
0xd7: {  	v17 =	vadd.f32 v18, v17  }
0xd8: {  	s16 =	simm.s32 $0x10C00  }
0xd9: {  	s6 =	simm.s32 $0x80;
	[tilespmem:s16+$0x0] =	vst v17  }
0xda: {  	v17 =	vld.idx.msk [tilespmem:v16+s6+$0x4040 ss:$0x1], $0xffff  }
0xdb: {  	v18 =	vld.idx.msk [tilespmem:v16+s6+$0x4050 ss:$0x1], $0xffff  }
0xdc: {  	v19 =	vld.idx.msk [tilespmem:v16+s6+$0x4020 ss:$0x1], $0xffff  }
0xdd: {  	v20 =	vld.idx.msk [tilespmem:v16+s6+$0x4000 ss:$0x1], $0xffff  }
0xde: {  	s11 =	sadd.s32 $0x40, s31;
	v21 =	vld.idx.msk [tilespmem:v16+s6+$0x4010 ss:$0x1], $0xffff  }
0xdf: {  	s12 =	sadd.s32 $0x40, s0;
	v22 =	vld [tilespmem:s11+$0xFFFFFFF0]  }
0xe0: {  	v23 =	vld [tilespmem:s12+$0xFFFFFFD0]  }
0xe1: {  	v24 =	vld [tilespmem:s11+$0xFFFFFFD0]  }
0xe2: {  	v25 =	vld [tilespmem:s11+$0xFFFFFFE0]  }
0xe3: {  	s5 =	simm.s32 $0x400;
	s2 =	sshll.u32 s30, $0x4;
	v26 =	vld [tilespmem:s12+$0xFFFFFFE0]  }
.LBB2_7:
0xe4: {  	p0 =	sne.s32 s5, $0x1E00;
	v27 =	vld [tilespmem:s12+$0xFFFFFFF0]  }
0xe5: {  	v28 =	vld [tilespmem:s11+$0x0]  }
0xe6: {  	v29 =	vld [tilespmem:s12+$0x0]  }
0xe7: {  	v30 =	vld.idx.msk [tilespmem:v16+s6+$0x4030 ss:$0x1], $0xffff  }
0xe8: {  	v23 =	vsub.f32 v24, v23;
	v24 =	vsub.f32 v25, v26;
	v25 =	vld.idx.msk [tilespmem:v16+s6+$0x4060 ss:$0x1], $0xffff  }
0xe9: {  	v22 =	vsub.f32 v22, v27  }
0xea: {  	v20 =	vadd.f32 v20, v23;
	v21 =	vadd.f32 v21, v24;
	v23 =	vld.idx.msk [tilespmem:v16+s6+$0x4070 ss:$0x1], $0xffff  }
0xeb: {  	v19 =	vadd.f32 v19, v22;
	v22 =	vsub.f32 v28, v29  }
0xec: {  	v17 =	vadd.f32 v17, v20;
	v18 =	vadd.f32 v18, v21  }
0xed: {  	v20 =	vadd.f32 v30, v22  }
0xee: {  	v17 =	vmul.f32 v17, v17;
	v19 =	vadd.f32 v25, v19;
	v18 =	vmul.f32 v18, v18;
	_ =	sdelay $0x1  }
0xef: {  	v17 =	vadd.f32 v18, v17;
	v18 =	vmul.f32 v19, v19;
	v19 =	vadd.f32 v23, v20;
	_ =	sdelay $0x1  }
0xf0: {  	v17 =	vadd.f32 v18, v17;
	v18 =	vmul.f32 v19, v19;
	_ =	sdelay $0x1  }
0xf1: {  	v17 =	vadd.f32 v18, v17  }
0xf2: {  	s16 =	sadd.s32 $0x10, s16  }
0xf3: {  	s6 =	sshra.s32 s5, $0x2;
	[tilespmem:s16+$0x0] =	vst v17  }
0xf4: {  	v17 =	vld.idx.msk [tilespmem:v16+s6+$0x4040 ss:$0x1], $0xffff  }
0xf5: {  	v18 =	vld.idx.msk [tilespmem:v16+s6+$0x4050 ss:$0x1], $0xffff  }
0xf6: {  	v19 =	vld.idx.msk [tilespmem:v16+s6+$0x4020 ss:$0x1], $0xffff  }
0xf7: {  	v20 =	vld.idx.msk [tilespmem:v16+s6+$0x4000 ss:$0x1], $0xffff  }
0xf8: {  	s11 =	sadd.s32 $0x40, s11;
	v21 =	vld.idx.msk [tilespmem:v16+s6+$0x4010 ss:$0x1], $0xffff  }
.Ltmp2:
0xf9: {  	s12 =	sadd.s32 $0x40, s12;
	v22 =	vld [tilespmem:s11+$0xFFFFFFF0];
	(pc) =	sbr.rel @p0 .LBB2_7-.Ltmp2, $4  }
0xfa: {  	v23 =	vld [tilespmem:s12+$0xFFFFFFD0]  }
0xfb: {  	v24 =	vld [tilespmem:s11+$0xFFFFFFD0]  }
0xfc: {  	v25 =	vld [tilespmem:s11+$0xFFFFFFE0]  }
0xfd: {  	s5 =	sadd.s32 $0x200, s5;
	v26 =	vld [tilespmem:s12+$0xFFFFFFE0]  }
0xfe: {  	v27 =	vld [tilespmem:s12+$0xFFFFFFF0]  }
0xff: {  	v28 =	vld [tilespmem:s11+$0x0]  }
0x100: {  	v29 =	vld [tilespmem:s12+$0x0]  }
0x101: {  	v23 =	vsub.f32 v24, v23  }
0x102: {  	v30 =	vld.idx.msk [tilespmem:v16+s6+$0x4030 ss:$0x1], $0xffff;
	v47 =	vsub.f32 v25, v26  }
0x103: {  	v48 =	vld.idx.msk [tilespmem:v16+s6+$0x4060 ss:$0x1], $0xffff;
	v20 =	vadd.f32 v20, v23  }
0x104: {  	v22 =	vsub.f32 v22, v27;
	v21 =	vadd.f32 v21, v47  }
0x105: {  	v16 =	vld.idx.msk [tilespmem:v16+s6+$0x4070 ss:$0x1], $0xffff;
	v49 =	vsub.f32 v28, v29;
	v17 =	vadd.f32 v17, v20  }
0x106: {  	v19 =	vadd.f32 v19, v22;
	v18 =	vadd.f32 v18, v21  }
0x107: {  	v50 =	vadd.f32 v30, v49  }
0x108: {  	v17 =	vmul.f32 v17, v17;
	v19 =	vadd.f32 v48, v19;
	v18 =	vmul.f32 v18, v18;
	_ =	sdelay $0x1  }
0x109: {  	v16 =	vadd.f32 v16, v50;
	v51 =	vmul.f32 v19, v19;
	v17 =	vadd.f32 v18, v17;
	_ =	sdelay $0x1  }
0x10a: {  	v16 =	vmul.f32 v16, v16;
	v17 =	vadd.f32 v51, v17;
	_ =	sdelay $0x1  }
0x10b: {  	v16 =	vadd.f32 v16, v17  }
0x10c: {  	s5 =	sadd.s32 $0x10, s16  }
0x10d: {  	[tilespmem:s5+$0x0] =	vst v16  }
0x10e: {  	v16 =	vld.idx.msk [tilespmem:v0+s25+$0x0], $0xffff  }
0x10f: {  	v17 =	vld.idx.msk [tilespmem:v1+s25+$0x0], $0xffff;
	_ =	sdelay $0x1  }
0x110: {  	v52 =	vld.idx.msk [tilespmem:v2+s25+$0x0], $0xffff;
	_ =	sdelay $0x1  }
0x111: {  	v53 =	vld.idx.msk [tilespmem:v3+s25+$0x0], $0xffff  }
0x112: {  	v16 =	vadd.f32 v17, v16  }
0x113: {  	v17 =	vld.idx.msk [tilespmem:v4+s25+$0x0], $0xffff  }
0x114: {  	v16 =	vadd.f32 v52, v16  }
0x115: {  	v54 =	vld.idx.msk [tilespmem:v5+s25+$0x0], $0xffff  }
0x116: {  	v16 =	vadd.f32 v53, v16  }
0x117: {  	v55 =	vld.idx.msk [tilespmem:v6+s25+$0x0], $0xffff  }
0x118: {  	v16 =	vadd.f32 v17, v16  }
0x119: {  	v17 =	vld.idx.msk [tilespmem:v7+s25+$0x0], $0xffff  }
0x11a: {  	v16 =	vadd.f32 v54, v16  }
0x11b: {  	v56 =	vld.idx.msk [tilespmem:v8+s25+$0x0], $0xffff  }
0x11c: {  	v16 =	vadd.f32 v55, v16  }
0x11d: {  	v57 =	vld.idx.msk [tilespmem:v9+s25+$0x0], $0xffff  }
0x11e: {  	v16 =	vadd.f32 v17, v16  }
0x11f: {  	v17 =	vld.idx.msk [tilespmem:v10+s25+$0x0], $0xffff  }
0x120: {  	v16 =	vadd.f32 v56, v16  }
0x121: {  	v58 =	vld.idx.msk [tilespmem:v11+s25+$0x0], $0xffff  }
0x122: {  	v16 =	vadd.f32 v57, v16  }
0x123: {  	v59 =	vld.idx.msk [tilespmem:v12+s25+$0x0], $0xffff  }
0x124: {  	v16 =	vadd.f32 v17, v16  }
0x125: {  	v17 =	vld.idx.msk [tilespmem:v13+s25+$0x0], $0xffff  }
0x126: {  	v16 =	vadd.f32 v58, v16  }
0x127: {  	v60 =	vld.idx.msk [tilespmem:v14+s25+$0x0], $0xffff  }
0x128: {  	v16 =	vadd.f32 v59, v16  }
0x129: {  	v61 =	vld.idx.msk [tilespmem:v15+s25+$0x0], $0xffff  }
0x12a: {  	v16 =	vadd.f32 v17, v16;
	_ =	sdelay $0x1  }
0x12b: {  	v16 =	vadd.f32 v60, v16;
	_ =	sdelay $0x1  }
0x12c: {  	v16 =	vadd.f32 v61, v16;
	_ =	sdelay $0x1  }
0x12d: {  	v17 =	vshra.s32 v16, $0x1;
	v62 =	vmul.f32 $5.000000000e-01, v16  }
0x12e: {  	v17 =	vsub.s32 $0x5F3759DF, v17  }
0x12f: {  	v63 =	vmul.f32 v17, v62;
	_ =	sdelay $0x1  }
0x130: {  	v19 =	vmul.f32 v17, v63;
	_ =	sdelay $0x1  }
0x131: {  	v19 =	vsub.f32 $1.500000000e+00, v19;
	_ =	sdelay $0x1  }
0x132: {  	v17 =	vmul.f32 v17, v19;
	_ =	sdelay $0x1  }
0x133: {  	v19 =	vmul.f32 v17, v62;
	_ =	sdelay $0x1  }
0x134: {  	v19 =	vmul.f32 v19, v17;
	_ =	sdelay $0x1  }
0x135: {  	v19 =	vsub.f32 $1.500000000e+00, v19;
	_ =	sdelay $0x1  }
0x136: {  	v17 =	vmul.f32 v19, v17;
	_ =	sdelay $0x1  }
0x137: {  	v18 =	vmul.f32 v17, v62;
	_ =	sdelay $0x1  }
0x138: {  	v18 =	vmul.f32 v18, v17;
	_ =	sdelay $0x1  }
0x139: {  	v18 =	vsub.f32 $1.500000000e+00, v18  }
0x13a: {  	s30 =	sadd.s32 $0x1, s30  }
0x13b: {  	p0 =	sne.s32 s30, $0x8;
	v17 =	vmul.f32 v18, v17  }
.Ltmp3:
0x13c: {  	_ = 	snop;
	(pc) =	sbr.rel @p0 .LBB2_6-.Ltmp3, $4  }
0x13d: {  	v17 =	vmul.f32 v17, v16  }
0x13e: {  	vm0 =	vgt.f32 v16, $0.0e+00  }
0x13f: {  	v16 =	vnsel vm0, $0x0, v17  }
0x140: {  	s23 =	sadd.s32 $0x800, s23;
	s31 =	sadd.s32 $0x400, s31;
	s0 =	sadd.s32 $0x400, s0;
	[tilespmem:s2+$0x10D80] =	vst v16  }
0x141: {  	_ =	swait.ge [sflag:s17], $0x2000  }
0x142: {  	[sflag:s17] =	ssyncset.done $0x0  }
0x143: {  	[sflag:s17] =	ssyncadd.s32 $0xFFFFE000  }
0x144: {  	_ =	swait.ge [sflag:s18], $0x2000  }
0x145: {  	[sflag:s18] =	ssyncset.done $0x0  }
0x146: {  	[sflag:s18] =	ssyncadd.s32 $0xFFFFE000  }
0x147: {  	_ =	swait.ge [sflag:s19], $0x4000  }
0x148: {  	[sflag:s19] =	ssyncset.done $0x0  }
0x149: {  	s0 =	simm.s32 $0x180;
	[sflag:s19] =	ssyncadd.s32 $0xFFFFC000  }
0x14a: {  	[tilespmem:s20], [sflag:$0x4] =	stream.indirect.gather [hbm4b:s4+s13], $0x40, s0, s13, $0xb8;
	[tilespmem:$0x11100] =	vst v63  }
0x14b: {  	s16 =	simm.s32 $0x980  }
0x14c: {  	[tilespmem:s22], [sflag:$0x5] =	stream.indirect.gather [hbm4b:s4+s13], $0x40, s16, s13, $0xb8;
	[tilespmem:$0x11100] =	vst v63  }
0x14d: {  	s23 =	simm.s32 $0x580;
	s30 =	simm.s32 $0xC30  }
0x14e: {  	[tilespmem:s24], [sflag:$0x6] =	stream.indirect.gather [hbm4b:s1+s13], $0x80, s23, s13, $0xb8;
	[tilespmem:$0x11100] =	vst v63  }
0x14f: {  	s31 =	simm.s32 $0x8C40;
	s0 =	simm.s32 $0x4C30;
	s23 =	simm.s32 $0x0  }
.LBB2_10:
0x150: {  	v17 =	vmov s30  }
0x151: {  	v16 =	vmov s0;
	v18 =	vld [tilespmem:s31+$0x0]  }
0x152: {  	v27 =	vld [tilespmem:s31+$0xFFFFFFC0]  }
0x153: {  	v28 =	vld [tilespmem:s31+$0xFFFFFFD0]  }
0x154: {  	s2 =	simm.s32 $0x0;
	v29 =	vld [tilespmem:s31+$0xFFFFFFE0]  }
0x155: {  	v21 =	vld.idx.msk [tilespmem:v17+s2+$0xFFFFFFF0 ss:$0x1], $0xffff  }
0x156: {  	v22 =	vld.idx.msk [tilespmem:v16+s2+$0xFFFFFFD0 ss:$0x1], $0xffff  }
0x157: {  	v23 =	vld.idx.msk [tilespmem:v17+s2+$0xFFFFFFD0 ss:$0x1], $0xffff  }
0x158: {  	v24 =	vld.idx.msk [tilespmem:v17+s2+$0xFFFFFFE0 ss:$0x1], $0xffff  }
0x159: {  	v25 =	vld.idx.msk [tilespmem:v16+s2+$0xFFFFFFE0 ss:$0x1], $0xffff  }
0x15a: {  	v26 =	vld.idx.msk [tilespmem:v16+s2+$0xFFFFFFF0 ss:$0x1], $0xffff  }
0x15b: {  	v19 =	vld.idx.msk [tilespmem:v17+s2+$0x0 ss:$0x1], $0xffff  }
0x15c: {  	v20 =	vld.idx.msk [tilespmem:v16+s2+$0x0 ss:$0x1], $0xffff  }
0x15d: {  	v30 =	vld [tilespmem:s31+$0x10]  }
0x15e: {  	v22 =	vsub.f32 v23, v22;
	v23 =	vsub.f32 v24, v25;
	v24 =	vld [tilespmem:s31+$0xFFFFFFF0]  }
0x15f: {  	v25 =	vld [tilespmem:s31+$0x20];
	v21 =	vsub.f32 v21, v26  }
0x160: {  	v22 =	vadd.f32 v27, v22;
	v23 =	vadd.f32 v28, v23  }
0x161: {  	v26 =	vld [tilespmem:s31+$0x30];
	v19 =	vsub.f32 v19, v20;
	v21 =	vadd.f32 v29, v21  }
0x162: {  	v18 =	vadd.f32 v18, v22;
	v20 =	vadd.f32 v30, v23  }
0x163: {  	v19 =	vadd.f32 v24, v19  }
0x164: {  	v21 =	vadd.f32 v25, v21;
	v18 =	vmul.f32 v18, v18;
	v20 =	vmul.f32 v20, v20;
	_ =	sdelay $0x1  }
0x165: {  	v19 =	vadd.f32 v26, v19;
	v18 =	vadd.f32 v20, v18;
	v20 =	vmul.f32 v21, v21;
	_ =	sdelay $0x1  }
0x166: {  	v19 =	vmul.f32 v19, v19;
	v18 =	vadd.f32 v20, v18;
	_ =	sdelay $0x1  }
0x167: {  	v18 =	vadd.f32 v19, v18  }
0x168: {  	s16 =	simm.s32 $0x10C00  }
0x169: {  	s11 =	sadd.s32 $0x80, s31;
	[tilespmem:s16+$0x0] =	vst v18  }
0x16a: {  	s6 =	simm.s32 $0x40;
	v18 =	vld [tilespmem:s11+$0x0]  }
0x16b: {  	v19 =	vld.idx.msk [tilespmem:v17+s6+$0x0 ss:$0x1], $0xffff  }
0x16c: {  	v20 =	vld.idx.msk [tilespmem:v16+s6+$0x0 ss:$0x1], $0xffff  }
0x16d: {  	v21 =	vld.idx.msk [tilespmem:v17+s6+$0xFFFFFFF0 ss:$0x1], $0xffff  }
0x16e: {  	v22 =	vld.idx.msk [tilespmem:v16+s6+$0xFFFFFFD0 ss:$0x1], $0xffff  }
0x16f: {  	v23 =	vld.idx.msk [tilespmem:v17+s6+$0xFFFFFFD0 ss:$0x1], $0xffff  }
0x170: {  	s5 =	simm.s32 $0x200;
	s2 =	sshll.u32 s23, $0x4;
	v24 =	vld.idx.msk [tilespmem:v17+s6+$0xFFFFFFE0 ss:$0x1], $0xffff  }
.LBB2_11:
0x171: {  	p0 =	sne.s32 s5, $0xF00;
	v25 =	vld.idx.msk [tilespmem:v16+s6+$0xFFFFFFE0 ss:$0x1], $0xffff  }
0x172: {  	v26 =	vld.idx.msk [tilespmem:v16+s6+$0xFFFFFFF0 ss:$0x1], $0xffff  }
0x173: {  	v27 =	vld [tilespmem:s11+$0xFFFFFFC0]  }
0x174: {  	v28 =	vld [tilespmem:s11+$0xFFFFFFD0]  }
0x175: {  	v29 =	vld [tilespmem:s11+$0xFFFFFFE0]  }
0x176: {  	v30 =	vld [tilespmem:s11+$0x10]  }
0x177: {  	v22 =	vsub.f32 v23, v22;
	v23 =	vsub.f32 v24, v25;
	v24 =	vld [tilespmem:s11+$0xFFFFFFF0]  }
0x178: {  	v21 =	vsub.f32 v21, v26;
	v25 =	vld [tilespmem:s11+$0x20]  }
0x179: {  	v22 =	vadd.f32 v27, v22;
	v23 =	vadd.f32 v28, v23  }
0x17a: {  	v19 =	vsub.f32 v19, v20;
	v21 =	vadd.f32 v29, v21;
	v26 =	vld [tilespmem:s11+$0x30]  }
0x17b: {  	v18 =	vadd.f32 v18, v22;
	v20 =	vadd.f32 v30, v23  }
0x17c: {  	v19 =	vadd.f32 v24, v19  }
0x17d: {  	v18 =	vmul.f32 v18, v18;
	v20 =	vmul.f32 v20, v20;
	v21 =	vadd.f32 v25, v21;
	_ =	sdelay $0x1  }
0x17e: {  	v18 =	vadd.f32 v20, v18;
	v20 =	vmul.f32 v21, v21;
	v19 =	vadd.f32 v26, v19;
	_ =	sdelay $0x1  }
0x17f: {  	v18 =	vadd.f32 v20, v18;
	v19 =	vmul.f32 v19, v19;
	_ =	sdelay $0x1  }
0x180: {  	v18 =	vadd.f32 v19, v18  }
0x181: {  	s16 =	sadd.s32 $0x10, s16  }
0x182: {  	s11 =	sadd.s32 $0x80, s11;
	[tilespmem:s16+$0x0] =	vst v18  }
0x183: {  	s6 =	sshra.s32 s5, $0x2;
	v18 =	vld [tilespmem:s11+$0x0]  }
0x184: {  	v19 =	vld.idx.msk [tilespmem:v17+s6+$0x0 ss:$0x1], $0xffff  }
.Ltmp4:
0x185: {  	v20 =	vld.idx.msk [tilespmem:v16+s6+$0x0 ss:$0x1], $0xffff;
	(pc) =	sbr.rel @p0 .LBB2_11-.Ltmp4, $4  }
0x186: {  	v21 =	vld.idx.msk [tilespmem:v17+s6+$0xFFFFFFF0 ss:$0x1], $0xffff  }
0x187: {  	v22 =	vld.idx.msk [tilespmem:v16+s6+$0xFFFFFFD0 ss:$0x1], $0xffff  }
0x188: {  	v23 =	vld.idx.msk [tilespmem:v17+s6+$0xFFFFFFD0 ss:$0x1], $0xffff  }
0x189: {  	s5 =	sadd.s32 $0x100, s5;
	v24 =	vld.idx.msk [tilespmem:v17+s6+$0xFFFFFFE0 ss:$0x1], $0xffff  }
0x18a: {  	_ =	sdelay $0x3  }
0x18b: {  	v17 =	vld.idx.msk [tilespmem:v16+s6+$0xFFFFFFE0 ss:$0x1], $0xffff  }
0x18c: {  	v16 =	vld.idx.msk [tilespmem:v16+s6+$0xFFFFFFF0 ss:$0x1], $0xffff  }
0x18d: {  	v25 =	vld [tilespmem:s11+$0xFFFFFFC0]  }
0x18e: {  	v26 =	vld [tilespmem:s11+$0xFFFFFFD0]  }
0x18f: {  	v27 =	vld [tilespmem:s11+$0xFFFFFFE0]  }
0x190: {  	v28 =	vld [tilespmem:s11+$0x10]  }
0x191: {  	v47 =	vld [tilespmem:s11+$0xFFFFFFF0];
	v22 =	vsub.f32 v23, v22;
	v17 =	vsub.f32 v24, v17  }
0x192: {  	v48 =	vld [tilespmem:s11+$0x20];
	v16 =	vsub.f32 v21, v16  }
0x193: {  	v49 =	vadd.f32 v25, v22;
	v17 =	vadd.f32 v26, v17  }
0x194: {  	v50 =	vld [tilespmem:s11+$0x30];
	v19 =	vsub.f32 v19, v20;
	v16 =	vadd.f32 v27, v16  }
0x195: {  	v18 =	vadd.f32 v18, v49;
	v17 =	vadd.f32 v28, v17  }
0x196: {  	v19 =	vadd.f32 v47, v19  }
0x197: {  	v18 =	vmul.f32 v18, v18;
	v16 =	vadd.f32 v48, v16;
	v17 =	vmul.f32 v17, v17;
	_ =	sdelay $0x1  }
0x198: {  	v51 =	vadd.f32 v50, v19;
	v16 =	vmul.f32 v16, v16;
	v17 =	vadd.f32 v17, v18;
	_ =	sdelay $0x1  }
0x199: {  	v16 =	vadd.f32 v16, v17;
	v17 =	vmul.f32 v51, v51;
	_ =	sdelay $0x1  }
0x19a: {  	v16 =	vadd.f32 v17, v16  }
0x19b: {  	s5 =	sadd.s32 $0x10, s16  }
0x19c: {  	[tilespmem:s5+$0x0] =	vst v16  }
0x19d: {  	v16 =	vld.idx.msk [tilespmem:v0+s25+$0x0], $0xffff  }
0x19e: {  	v17 =	vld.idx.msk [tilespmem:v1+s25+$0x0], $0xffff;
	_ =	sdelay $0x1  }
0x19f: {  	v52 =	vld.idx.msk [tilespmem:v2+s25+$0x0], $0xffff;
	_ =	sdelay $0x1  }
0x1a0: {  	v53 =	vld.idx.msk [tilespmem:v3+s25+$0x0], $0xffff  }
0x1a1: {  	v16 =	vadd.f32 v17, v16  }
0x1a2: {  	v17 =	vld.idx.msk [tilespmem:v4+s25+$0x0], $0xffff  }
0x1a3: {  	v16 =	vadd.f32 v52, v16  }
0x1a4: {  	v54 =	vld.idx.msk [tilespmem:v5+s25+$0x0], $0xffff  }
0x1a5: {  	v16 =	vadd.f32 v53, v16  }
0x1a6: {  	v55 =	vld.idx.msk [tilespmem:v6+s25+$0x0], $0xffff  }
0x1a7: {  	v16 =	vadd.f32 v17, v16  }
0x1a8: {  	v17 =	vld.idx.msk [tilespmem:v7+s25+$0x0], $0xffff  }
0x1a9: {  	v16 =	vadd.f32 v54, v16  }
0x1aa: {  	v56 =	vld.idx.msk [tilespmem:v8+s25+$0x0], $0xffff  }
0x1ab: {  	v16 =	vadd.f32 v55, v16  }
0x1ac: {  	v57 =	vld.idx.msk [tilespmem:v9+s25+$0x0], $0xffff  }
0x1ad: {  	v16 =	vadd.f32 v17, v16  }
0x1ae: {  	v17 =	vld.idx.msk [tilespmem:v10+s25+$0x0], $0xffff  }
0x1af: {  	v16 =	vadd.f32 v56, v16  }
0x1b0: {  	v58 =	vld.idx.msk [tilespmem:v11+s25+$0x0], $0xffff  }
0x1b1: {  	v16 =	vadd.f32 v57, v16  }
0x1b2: {  	v59 =	vld.idx.msk [tilespmem:v12+s25+$0x0], $0xffff  }
0x1b3: {  	v16 =	vadd.f32 v17, v16  }
0x1b4: {  	v17 =	vld.idx.msk [tilespmem:v13+s25+$0x0], $0xffff  }
0x1b5: {  	v16 =	vadd.f32 v58, v16  }
0x1b6: {  	v60 =	vld.idx.msk [tilespmem:v14+s25+$0x0], $0xffff  }
0x1b7: {  	v16 =	vadd.f32 v59, v16  }
0x1b8: {  	v61 =	vld.idx.msk [tilespmem:v15+s25+$0x0], $0xffff  }
0x1b9: {  	v16 =	vadd.f32 v17, v16;
	_ =	sdelay $0x1  }
0x1ba: {  	v16 =	vadd.f32 v60, v16;
	_ =	sdelay $0x1  }
0x1bb: {  	v16 =	vadd.f32 v61, v16;
	_ =	sdelay $0x1  }
0x1bc: {  	v17 =	vshra.s32 v16, $0x1;
	v62 =	vmul.f32 $5.000000000e-01, v16  }
0x1bd: {  	v17 =	vsub.s32 $0x5F3759DF, v17  }
0x1be: {  	v63 =	vmul.f32 v17, v62;
	_ =	sdelay $0x1  }
0x1bf: {  	v19 =	vmul.f32 v17, v63;
	_ =	sdelay $0x1  }
0x1c0: {  	v19 =	vsub.f32 $1.500000000e+00, v19;
	_ =	sdelay $0x1  }
0x1c1: {  	v17 =	vmul.f32 v17, v19;
	_ =	sdelay $0x1  }
0x1c2: {  	v19 =	vmul.f32 v17, v62;
	_ =	sdelay $0x1  }
0x1c3: {  	v19 =	vmul.f32 v19, v17;
	_ =	sdelay $0x1  }
0x1c4: {  	v19 =	vsub.f32 $1.500000000e+00, v19;
	_ =	sdelay $0x1  }
0x1c5: {  	v17 =	vmul.f32 v19, v17;
	_ =	sdelay $0x1  }
0x1c6: {  	v18 =	vmul.f32 v17, v62;
	_ =	sdelay $0x1  }
0x1c7: {  	v18 =	vmul.f32 v18, v17;
	_ =	sdelay $0x1  }
0x1c8: {  	v18 =	vsub.f32 $1.500000000e+00, v18  }
0x1c9: {  	s23 =	sadd.s32 $0x1, s23  }
0x1ca: {  	p0 =	sne.s32 s23, $0x8;
	v17 =	vmul.f32 v18, v17  }
.Ltmp5:
0x1cb: {  	_ = 	snop;
	(pc) =	sbr.rel @p0 .LBB2_10-.Ltmp5, $4  }
0x1cc: {  	v17 =	vmul.f32 v17, v16  }
0x1cd: {  	vm0 =	vgt.f32 v16, $0.0e+00  }
0x1ce: {  	v16 =	vnsel vm0, $0x0, v17  }
0x1cf: {  	s0 =	sadd.s32 $0x400, s0;
	s30 =	sadd.s32 $0x400, s30;
	s31 =	sadd.s32 $0x800, s31;
	[tilespmem:s2+$0x10E00] =	vst v16  }
0x1d0: {  	_ =	swait.ge [sflag:s26], $0x2000  }
0x1d1: {  	[sflag:s26] =	ssyncset.done $0x0  }
0x1d2: {  	[sflag:s26] =	ssyncadd.s32 $0xFFFFE000  }
0x1d3: {  	_ =	swait.ge [sflag:s28], $0x2000  }
0x1d4: {  	[sflag:s28] =	ssyncset.done $0x0  }
0x1d5: {  	[sflag:s28] =	ssyncadd.s32 $0xFFFFE000  }
0x1d6: {  	_ =	swait.ge [sflag:s29], $0x4000  }
0x1d7: {  	[sflag:s29] =	ssyncset.done $0x0  }
0x1d8: {  	s0 =	simm.s32 $0x200;
	[sflag:s29] =	ssyncadd.s32 $0xFFFFC000  }
0x1d9: {  	[tilespmem:s14], [sflag:$0x1] =	stream.indirect.gather [hbm4b:s4+s13], $0x40, s0, s13, $0xb8;
	[tilespmem:$0x11100] =	vst v63  }
0x1da: {  	s12 =	simm.s32 $0xA00;
	s23 =	simm.s32 $0x8C00;
	s16 =	simm.s32 $0x600  }
0x1db: {  	[tilespmem:s15], [sflag:$0x2] =	stream.indirect.gather [hbm4b:s4+s13], $0x40, s12, s13, $0xb8;
	[tilespmem:$0x11100] =	vst v63  }
0x1dc: {  	s30 =	simm.s32 $0x0;
	s31 =	simm.s32 $0x2C30;
	s0 =	simm.s32 $0x6C30  }
0x1dd: {  	[tilespmem:s23], [sflag:$0x3] =	stream.indirect.gather [hbm4b:s1+s13], $0x80, s16, s13, $0xb8;
	[tilespmem:$0x11100] =	vst v63  }
.LBB2_14:
0x1de: {  	v21 =	vld [tilespmem:s31+$0xFFFFFFF0]  }
0x1df: {  	v22 =	vld [tilespmem:s0+$0xFFFFFFD0]  }
0x1e0: {  	v23 =	vld [tilespmem:s31+$0xFFFFFFD0]  }
0x1e1: {  	v16 =	vmov s23;
	v24 =	vld [tilespmem:s31+$0xFFFFFFE0]  }
0x1e2: {  	v25 =	vld [tilespmem:s0+$0xFFFFFFE0]  }
0x1e3: {  	v26 =	vld [tilespmem:s0+$0xFFFFFFF0]  }
0x1e4: {  	v27 =	vld [tilespmem:s31+$0x0]  }
0x1e5: {  	s2 =	simm.s32 $0x0;
	v28 =	vld [tilespmem:s0+$0x0]  }
0x1e6: {  	v17 =	vld.idx.msk [tilespmem:v16+s2+$0x4040 ss:$0x1], $0xffff  }
0x1e7: {  	v19 =	vld.idx.msk [tilespmem:v16+s2+$0x4000 ss:$0x1], $0xffff  }
0x1e8: {  	v20 =	vld.idx.msk [tilespmem:v16+s2+$0x4010 ss:$0x1], $0xffff  }
0x1e9: {  	v18 =	vld.idx.msk [tilespmem:v16+s2+$0x4020 ss:$0x1], $0xffff  }
0x1ea: {  	v29 =	vld.idx.msk [tilespmem:v16+s2+$0x4050 ss:$0x1], $0xffff  }
0x1eb: {  	v30 =	vld.idx.msk [tilespmem:v16+s2+$0x4030 ss:$0x1], $0xffff;
	v22 =	vsub.f32 v23, v22;
	v23 =	vsub.f32 v24, v25  }
0x1ec: {  	v24 =	vld.idx.msk [tilespmem:v16+s2+$0x4060 ss:$0x1], $0xffff;
	v21 =	vsub.f32 v21, v26  }
0x1ed: {  	v19 =	vadd.f32 v19, v22;
	v20 =	vadd.f32 v20, v23  }
0x1ee: {  	v22 =	vld.idx.msk [tilespmem:v16+s2+$0x4070 ss:$0x1], $0xffff;
	v18 =	vadd.f32 v18, v21;
	v21 =	vsub.f32 v27, v28  }
0x1ef: {  	v17 =	vadd.f32 v17, v19;
	v19 =	vadd.f32 v29, v20  }
0x1f0: {  	v20 =	vadd.f32 v30, v21  }
0x1f1: {  	v18 =	vadd.f32 v24, v18;
	v17 =	vmul.f32 v17, v17;
	v19 =	vmul.f32 v19, v19;
	_ =	sdelay $0x1  }
0x1f2: {  	v18 =	vmul.f32 v18, v18;
	v17 =	vadd.f32 v19, v17;
	v19 =	vadd.f32 v22, v20;
	_ =	sdelay $0x1  }
0x1f3: {  	v17 =	vadd.f32 v18, v17;
	v18 =	vmul.f32 v19, v19;
	_ =	sdelay $0x1  }
0x1f4: {  	v17 =	vadd.f32 v18, v17  }
0x1f5: {  	s16 =	simm.s32 $0x10C00  }
0x1f6: {  	s6 =	simm.s32 $0x80;
	[tilespmem:s16+$0x0] =	vst v17  }
0x1f7: {  	v17 =	vld.idx.msk [tilespmem:v16+s6+$0x4040 ss:$0x1], $0xffff  }
0x1f8: {  	v18 =	vld.idx.msk [tilespmem:v16+s6+$0x4050 ss:$0x1], $0xffff  }
0x1f9: {  	v19 =	vld.idx.msk [tilespmem:v16+s6+$0x4020 ss:$0x1], $0xffff  }
0x1fa: {  	v20 =	vld.idx.msk [tilespmem:v16+s6+$0x4000 ss:$0x1], $0xffff  }
0x1fb: {  	s11 =	sadd.s32 $0x40, s31;
	v21 =	vld.idx.msk [tilespmem:v16+s6+$0x4010 ss:$0x1], $0xffff  }
0x1fc: {  	s12 =	sadd.s32 $0x40, s0;
	v22 =	vld [tilespmem:s11+$0xFFFFFFF0]  }
0x1fd: {  	v23 =	vld [tilespmem:s12+$0xFFFFFFD0]  }
0x1fe: {  	v24 =	vld [tilespmem:s11+$0xFFFFFFD0]  }
0x1ff: {  	v25 =	vld [tilespmem:s11+$0xFFFFFFE0]  }
0x200: {  	s5 =	simm.s32 $0x400;
	s2 =	sshll.u32 s30, $0x4;
	v26 =	vld [tilespmem:s12+$0xFFFFFFE0]  }
.LBB2_15:
0x201: {  	p0 =	sne.s32 s5, $0x1E00;
	v27 =	vld [tilespmem:s12+$0xFFFFFFF0]  }
0x202: {  	v28 =	vld [tilespmem:s11+$0x0]  }
0x203: {  	v29 =	vld [tilespmem:s12+$0x0]  }
0x204: {  	v30 =	vld.idx.msk [tilespmem:v16+s6+$0x4030 ss:$0x1], $0xffff  }
0x205: {  	v23 =	vsub.f32 v24, v23;
	v24 =	vsub.f32 v25, v26;
	v25 =	vld.idx.msk [tilespmem:v16+s6+$0x4060 ss:$0x1], $0xffff  }
0x206: {  	v22 =	vsub.f32 v22, v27  }
0x207: {  	v20 =	vadd.f32 v20, v23;
	v21 =	vadd.f32 v21, v24;
	v23 =	vld.idx.msk [tilespmem:v16+s6+$0x4070 ss:$0x1], $0xffff  }
0x208: {  	v19 =	vadd.f32 v19, v22;
	v22 =	vsub.f32 v28, v29  }
0x209: {  	v17 =	vadd.f32 v17, v20;
	v18 =	vadd.f32 v18, v21  }
0x20a: {  	v20 =	vadd.f32 v30, v22  }
0x20b: {  	v17 =	vmul.f32 v17, v17;
	v19 =	vadd.f32 v25, v19;
	v18 =	vmul.f32 v18, v18;
	_ =	sdelay $0x1  }
0x20c: {  	v17 =	vadd.f32 v18, v17;
	v18 =	vmul.f32 v19, v19;
	v19 =	vadd.f32 v23, v20;
	_ =	sdelay $0x1  }
0x20d: {  	v17 =	vadd.f32 v18, v17;
	v18 =	vmul.f32 v19, v19;
	_ =	sdelay $0x1  }
0x20e: {  	v17 =	vadd.f32 v18, v17  }
0x20f: {  	s16 =	sadd.s32 $0x10, s16  }
0x210: {  	s6 =	sshra.s32 s5, $0x2;
	[tilespmem:s16+$0x0] =	vst v17  }
0x211: {  	v17 =	vld.idx.msk [tilespmem:v16+s6+$0x4040 ss:$0x1], $0xffff  }
0x212: {  	v18 =	vld.idx.msk [tilespmem:v16+s6+$0x4050 ss:$0x1], $0xffff  }
0x213: {  	v19 =	vld.idx.msk [tilespmem:v16+s6+$0x4020 ss:$0x1], $0xffff  }
0x214: {  	v20 =	vld.idx.msk [tilespmem:v16+s6+$0x4000 ss:$0x1], $0xffff  }
0x215: {  	s11 =	sadd.s32 $0x40, s11;
	v21 =	vld.idx.msk [tilespmem:v16+s6+$0x4010 ss:$0x1], $0xffff  }
.Ltmp6:
0x216: {  	s12 =	sadd.s32 $0x40, s12;
	v22 =	vld [tilespmem:s11+$0xFFFFFFF0];
	(pc) =	sbr.rel @p0 .LBB2_15-.Ltmp6, $4  }
0x217: {  	v23 =	vld [tilespmem:s12+$0xFFFFFFD0]  }
0x218: {  	v24 =	vld [tilespmem:s11+$0xFFFFFFD0]  }
0x219: {  	v25 =	vld [tilespmem:s11+$0xFFFFFFE0]  }
0x21a: {  	s5 =	sadd.s32 $0x200, s5;
	v26 =	vld [tilespmem:s12+$0xFFFFFFE0]  }
0x21b: {  	v27 =	vld [tilespmem:s12+$0xFFFFFFF0]  }
0x21c: {  	v28 =	vld [tilespmem:s11+$0x0]  }
0x21d: {  	v29 =	vld [tilespmem:s12+$0x0]  }
0x21e: {  	v23 =	vsub.f32 v24, v23  }
0x21f: {  	v30 =	vld.idx.msk [tilespmem:v16+s6+$0x4030 ss:$0x1], $0xffff;
	v47 =	vsub.f32 v25, v26  }
0x220: {  	v48 =	vld.idx.msk [tilespmem:v16+s6+$0x4060 ss:$0x1], $0xffff;
	v20 =	vadd.f32 v20, v23  }
0x221: {  	v22 =	vsub.f32 v22, v27;
	v21 =	vadd.f32 v21, v47  }
0x222: {  	v16 =	vld.idx.msk [tilespmem:v16+s6+$0x4070 ss:$0x1], $0xffff;
	v49 =	vsub.f32 v28, v29;
	v17 =	vadd.f32 v17, v20  }
0x223: {  	v19 =	vadd.f32 v19, v22;
	v18 =	vadd.f32 v18, v21  }
0x224: {  	v50 =	vadd.f32 v30, v49  }
0x225: {  	v17 =	vmul.f32 v17, v17;
	v19 =	vadd.f32 v48, v19;
	v18 =	vmul.f32 v18, v18;
	_ =	sdelay $0x1  }
0x226: {  	v16 =	vadd.f32 v16, v50;
	v51 =	vmul.f32 v19, v19;
	v17 =	vadd.f32 v18, v17;
	_ =	sdelay $0x1  }
0x227: {  	v16 =	vmul.f32 v16, v16;
	v17 =	vadd.f32 v51, v17;
	_ =	sdelay $0x1  }
0x228: {  	v16 =	vadd.f32 v16, v17  }
0x229: {  	s5 =	sadd.s32 $0x10, s16  }
0x22a: {  	[tilespmem:s5+$0x0] =	vst v16  }
0x22b: {  	v16 =	vld.idx.msk [tilespmem:v0+s25+$0x0], $0xffff  }
0x22c: {  	v17 =	vld.idx.msk [tilespmem:v1+s25+$0x0], $0xffff;
	_ =	sdelay $0x1  }
0x22d: {  	v52 =	vld.idx.msk [tilespmem:v2+s25+$0x0], $0xffff;
	_ =	sdelay $0x1  }
0x22e: {  	v53 =	vld.idx.msk [tilespmem:v3+s25+$0x0], $0xffff  }
0x22f: {  	v16 =	vadd.f32 v17, v16  }
0x230: {  	v17 =	vld.idx.msk [tilespmem:v4+s25+$0x0], $0xffff  }
0x231: {  	v16 =	vadd.f32 v52, v16  }
0x232: {  	v54 =	vld.idx.msk [tilespmem:v5+s25+$0x0], $0xffff  }
0x233: {  	v16 =	vadd.f32 v53, v16  }
0x234: {  	v55 =	vld.idx.msk [tilespmem:v6+s25+$0x0], $0xffff  }
0x235: {  	v16 =	vadd.f32 v17, v16  }
0x236: {  	v17 =	vld.idx.msk [tilespmem:v7+s25+$0x0], $0xffff  }
0x237: {  	v16 =	vadd.f32 v54, v16  }
0x238: {  	v56 =	vld.idx.msk [tilespmem:v8+s25+$0x0], $0xffff  }
0x239: {  	v16 =	vadd.f32 v55, v16  }
0x23a: {  	v57 =	vld.idx.msk [tilespmem:v9+s25+$0x0], $0xffff  }
0x23b: {  	v16 =	vadd.f32 v17, v16  }
0x23c: {  	v17 =	vld.idx.msk [tilespmem:v10+s25+$0x0], $0xffff  }
0x23d: {  	v16 =	vadd.f32 v56, v16  }
0x23e: {  	v58 =	vld.idx.msk [tilespmem:v11+s25+$0x0], $0xffff  }
0x23f: {  	v16 =	vadd.f32 v57, v16  }
0x240: {  	v59 =	vld.idx.msk [tilespmem:v12+s25+$0x0], $0xffff  }
0x241: {  	v16 =	vadd.f32 v17, v16  }
0x242: {  	v17 =	vld.idx.msk [tilespmem:v13+s25+$0x0], $0xffff  }
0x243: {  	v16 =	vadd.f32 v58, v16  }
0x244: {  	v60 =	vld.idx.msk [tilespmem:v14+s25+$0x0], $0xffff  }
0x245: {  	v16 =	vadd.f32 v59, v16  }
0x246: {  	v61 =	vld.idx.msk [tilespmem:v15+s25+$0x0], $0xffff  }
0x247: {  	v16 =	vadd.f32 v17, v16;
	_ =	sdelay $0x1  }
0x248: {  	v16 =	vadd.f32 v60, v16;
	_ =	sdelay $0x1  }
0x249: {  	v16 =	vadd.f32 v61, v16;
	_ =	sdelay $0x1  }
0x24a: {  	v17 =	vshra.s32 v16, $0x1;
	v62 =	vmul.f32 $5.000000000e-01, v16  }
0x24b: {  	v17 =	vsub.s32 $0x5F3759DF, v17  }
0x24c: {  	v63 =	vmul.f32 v17, v62;
	_ =	sdelay $0x1  }
0x24d: {  	v19 =	vmul.f32 v17, v63;
	_ =	sdelay $0x1  }
0x24e: {  	v19 =	vsub.f32 $1.500000000e+00, v19;
	_ =	sdelay $0x1  }
0x24f: {  	v17 =	vmul.f32 v17, v19;
	_ =	sdelay $0x1  }
0x250: {  	v19 =	vmul.f32 v17, v62;
	_ =	sdelay $0x1  }
0x251: {  	v19 =	vmul.f32 v19, v17;
	_ =	sdelay $0x1  }
0x252: {  	v19 =	vsub.f32 $1.500000000e+00, v19;
	_ =	sdelay $0x1  }
0x253: {  	v17 =	vmul.f32 v19, v17;
	_ =	sdelay $0x1  }
0x254: {  	v18 =	vmul.f32 v17, v62;
	_ =	sdelay $0x1  }
0x255: {  	v18 =	vmul.f32 v18, v17;
	_ =	sdelay $0x1  }
0x256: {  	v18 =	vsub.f32 $1.500000000e+00, v18  }
0x257: {  	s30 =	sadd.s32 $0x1, s30  }
0x258: {  	p0 =	sne.s32 s30, $0x8;
	v17 =	vmul.f32 v18, v17  }
.Ltmp7:
0x259: {  	_ = 	snop;
	(pc) =	sbr.rel @p0 .LBB2_14-.Ltmp7, $4  }
0x25a: {  	v17 =	vmul.f32 v17, v16  }
0x25b: {  	vm0 =	vgt.f32 v16, $0.0e+00  }
0x25c: {  	v16 =	vnsel vm0, $0x0, v17  }
0x25d: {  	s23 =	sadd.s32 $0x800, s23;
	s31 =	sadd.s32 $0x400, s31;
	s0 =	sadd.s32 $0x400, s0;
	[tilespmem:s2+$0x10E80] =	vst v16  }
0x25e: {  	_ =	swait.ge [sflag:s17], $0x2000  }
0x25f: {  	[sflag:s17] =	ssyncset.done $0x0  }
0x260: {  	[sflag:s17] =	ssyncadd.s32 $0xFFFFE000  }
0x261: {  	_ =	swait.ge [sflag:s18], $0x2000  }
0x262: {  	[sflag:s18] =	ssyncset.done $0x0  }
0x263: {  	[sflag:s18] =	ssyncadd.s32 $0xFFFFE000  }
0x264: {  	_ =	swait.ge [sflag:s19], $0x4000  }
0x265: {  	[sflag:s19] =	ssyncset.done $0x0  }
0x266: {  	s0 =	simm.s32 $0x280;
	[sflag:s19] =	ssyncadd.s32 $0xFFFFC000  }
0x267: {  	[tilespmem:s20], [sflag:$0x4] =	stream.indirect.gather [hbm4b:s4+s13], $0x40, s0, s13, $0xb8;
	[tilespmem:$0x11100] =	vst v63  }
0x268: {  	s16 =	simm.s32 $0xA80  }
0x269: {  	[tilespmem:s22], [sflag:$0x5] =	stream.indirect.gather [hbm4b:s4+s13], $0x40, s16, s13, $0xb8;
	[tilespmem:$0x11100] =	vst v63  }
0x26a: {  	s23 =	simm.s32 $0x680;
	s30 =	simm.s32 $0xC30  }
0x26b: {  	[tilespmem:s24], [sflag:$0x6] =	stream.indirect.gather [hbm4b:s1+s13], $0x80, s23, s13, $0xb8;
	[tilespmem:$0x11100] =	vst v63  }
0x26c: {  	s31 =	simm.s32 $0x8C40;
	s0 =	simm.s32 $0x4C30;
	s23 =	simm.s32 $0x0  }
.LBB2_18:
0x26d: {  	v17 =	vmov s30  }
0x26e: {  	v16 =	vmov s0;
	v18 =	vld [tilespmem:s31+$0x0]  }
0x26f: {  	v27 =	vld [tilespmem:s31+$0xFFFFFFC0]  }
0x270: {  	v28 =	vld [tilespmem:s31+$0xFFFFFFD0]  }
0x271: {  	s2 =	simm.s32 $0x0;
	v29 =	vld [tilespmem:s31+$0xFFFFFFE0]  }
0x272: {  	v21 =	vld.idx.msk [tilespmem:v17+s2+$0xFFFFFFF0 ss:$0x1], $0xffff  }
0x273: {  	v22 =	vld.idx.msk [tilespmem:v16+s2+$0xFFFFFFD0 ss:$0x1], $0xffff  }
0x274: {  	v23 =	vld.idx.msk [tilespmem:v17+s2+$0xFFFFFFD0 ss:$0x1], $0xffff  }
0x275: {  	v24 =	vld.idx.msk [tilespmem:v17+s2+$0xFFFFFFE0 ss:$0x1], $0xffff  }
0x276: {  	v25 =	vld.idx.msk [tilespmem:v16+s2+$0xFFFFFFE0 ss:$0x1], $0xffff  }
0x277: {  	v26 =	vld.idx.msk [tilespmem:v16+s2+$0xFFFFFFF0 ss:$0x1], $0xffff  }
0x278: {  	v19 =	vld.idx.msk [tilespmem:v17+s2+$0x0 ss:$0x1], $0xffff  }
0x279: {  	v20 =	vld.idx.msk [tilespmem:v16+s2+$0x0 ss:$0x1], $0xffff  }
0x27a: {  	v30 =	vld [tilespmem:s31+$0x10]  }
0x27b: {  	v22 =	vsub.f32 v23, v22;
	v23 =	vsub.f32 v24, v25;
	v24 =	vld [tilespmem:s31+$0xFFFFFFF0]  }
0x27c: {  	v25 =	vld [tilespmem:s31+$0x20];
	v21 =	vsub.f32 v21, v26  }
0x27d: {  	v22 =	vadd.f32 v27, v22;
	v23 =	vadd.f32 v28, v23  }
0x27e: {  	v26 =	vld [tilespmem:s31+$0x30];
	v19 =	vsub.f32 v19, v20;
	v21 =	vadd.f32 v29, v21  }
0x27f: {  	v18 =	vadd.f32 v18, v22;
	v20 =	vadd.f32 v30, v23  }
0x280: {  	v19 =	vadd.f32 v24, v19  }
0x281: {  	v21 =	vadd.f32 v25, v21;
	v18 =	vmul.f32 v18, v18;
	v20 =	vmul.f32 v20, v20;
	_ =	sdelay $0x1  }
0x282: {  	v19 =	vadd.f32 v26, v19;
	v18 =	vadd.f32 v20, v18;
	v20 =	vmul.f32 v21, v21;
	_ =	sdelay $0x1  }
0x283: {  	v19 =	vmul.f32 v19, v19;
	v18 =	vadd.f32 v20, v18;
	_ =	sdelay $0x1  }
0x284: {  	v18 =	vadd.f32 v19, v18  }
0x285: {  	s16 =	simm.s32 $0x10C00  }
0x286: {  	s11 =	sadd.s32 $0x80, s31;
	[tilespmem:s16+$0x0] =	vst v18  }
0x287: {  	s6 =	simm.s32 $0x40;
	v18 =	vld [tilespmem:s11+$0x0]  }
0x288: {  	v19 =	vld.idx.msk [tilespmem:v17+s6+$0x0 ss:$0x1], $0xffff  }
0x289: {  	v20 =	vld.idx.msk [tilespmem:v16+s6+$0x0 ss:$0x1], $0xffff  }
0x28a: {  	v21 =	vld.idx.msk [tilespmem:v17+s6+$0xFFFFFFF0 ss:$0x1], $0xffff  }
0x28b: {  	v22 =	vld.idx.msk [tilespmem:v16+s6+$0xFFFFFFD0 ss:$0x1], $0xffff  }
0x28c: {  	v23 =	vld.idx.msk [tilespmem:v17+s6+$0xFFFFFFD0 ss:$0x1], $0xffff  }
0x28d: {  	s5 =	simm.s32 $0x200;
	s2 =	sshll.u32 s23, $0x4;
	v24 =	vld.idx.msk [tilespmem:v17+s6+$0xFFFFFFE0 ss:$0x1], $0xffff  }
.LBB2_19:
0x28e: {  	p0 =	sne.s32 s5, $0xF00;
	v25 =	vld.idx.msk [tilespmem:v16+s6+$0xFFFFFFE0 ss:$0x1], $0xffff  }
0x28f: {  	v26 =	vld.idx.msk [tilespmem:v16+s6+$0xFFFFFFF0 ss:$0x1], $0xffff  }
0x290: {  	v27 =	vld [tilespmem:s11+$0xFFFFFFC0]  }
0x291: {  	v28 =	vld [tilespmem:s11+$0xFFFFFFD0]  }
0x292: {  	v29 =	vld [tilespmem:s11+$0xFFFFFFE0]  }
0x293: {  	v30 =	vld [tilespmem:s11+$0x10]  }
0x294: {  	v22 =	vsub.f32 v23, v22;
	v23 =	vsub.f32 v24, v25;
	v24 =	vld [tilespmem:s11+$0xFFFFFFF0]  }
0x295: {  	v21 =	vsub.f32 v21, v26;
	v25 =	vld [tilespmem:s11+$0x20]  }
0x296: {  	v22 =	vadd.f32 v27, v22;
	v23 =	vadd.f32 v28, v23  }
0x297: {  	v19 =	vsub.f32 v19, v20;
	v21 =	vadd.f32 v29, v21;
	v26 =	vld [tilespmem:s11+$0x30]  }
0x298: {  	v18 =	vadd.f32 v18, v22;
	v20 =	vadd.f32 v30, v23  }
0x299: {  	v19 =	vadd.f32 v24, v19  }
0x29a: {  	v18 =	vmul.f32 v18, v18;
	v20 =	vmul.f32 v20, v20;
	v21 =	vadd.f32 v25, v21;
	_ =	sdelay $0x1  }
0x29b: {  	v18 =	vadd.f32 v20, v18;
	v20 =	vmul.f32 v21, v21;
	v19 =	vadd.f32 v26, v19;
	_ =	sdelay $0x1  }
0x29c: {  	v18 =	vadd.f32 v20, v18;
	v19 =	vmul.f32 v19, v19;
	_ =	sdelay $0x1  }
0x29d: {  	v18 =	vadd.f32 v19, v18  }
0x29e: {  	s16 =	sadd.s32 $0x10, s16  }
0x29f: {  	s11 =	sadd.s32 $0x80, s11;
	[tilespmem:s16+$0x0] =	vst v18  }
0x2a0: {  	s6 =	sshra.s32 s5, $0x2;
	v18 =	vld [tilespmem:s11+$0x0]  }
0x2a1: {  	v19 =	vld.idx.msk [tilespmem:v17+s6+$0x0 ss:$0x1], $0xffff  }
.Ltmp8:
0x2a2: {  	v20 =	vld.idx.msk [tilespmem:v16+s6+$0x0 ss:$0x1], $0xffff;
	(pc) =	sbr.rel @p0 .LBB2_19-.Ltmp8, $4  }
0x2a3: {  	v21 =	vld.idx.msk [tilespmem:v17+s6+$0xFFFFFFF0 ss:$0x1], $0xffff  }
0x2a4: {  	v22 =	vld.idx.msk [tilespmem:v16+s6+$0xFFFFFFD0 ss:$0x1], $0xffff  }
0x2a5: {  	v23 =	vld.idx.msk [tilespmem:v17+s6+$0xFFFFFFD0 ss:$0x1], $0xffff  }
0x2a6: {  	s5 =	sadd.s32 $0x100, s5;
	v24 =	vld.idx.msk [tilespmem:v17+s6+$0xFFFFFFE0 ss:$0x1], $0xffff  }
0x2a7: {  	_ =	sdelay $0x3  }
0x2a8: {  	v17 =	vld.idx.msk [tilespmem:v16+s6+$0xFFFFFFE0 ss:$0x1], $0xffff  }
0x2a9: {  	v16 =	vld.idx.msk [tilespmem:v16+s6+$0xFFFFFFF0 ss:$0x1], $0xffff  }
0x2aa: {  	v25 =	vld [tilespmem:s11+$0xFFFFFFC0]  }
0x2ab: {  	v26 =	vld [tilespmem:s11+$0xFFFFFFD0]  }
0x2ac: {  	v27 =	vld [tilespmem:s11+$0xFFFFFFE0]  }
0x2ad: {  	v28 =	vld [tilespmem:s11+$0x10]  }
0x2ae: {  	v47 =	vld [tilespmem:s11+$0xFFFFFFF0];
	v22 =	vsub.f32 v23, v22;
	v17 =	vsub.f32 v24, v17  }
0x2af: {  	v48 =	vld [tilespmem:s11+$0x20];
	v16 =	vsub.f32 v21, v16  }
0x2b0: {  	v49 =	vadd.f32 v25, v22;
	v17 =	vadd.f32 v26, v17  }
0x2b1: {  	v50 =	vld [tilespmem:s11+$0x30];
	v19 =	vsub.f32 v19, v20;
	v16 =	vadd.f32 v27, v16  }
0x2b2: {  	v18 =	vadd.f32 v18, v49;
	v17 =	vadd.f32 v28, v17  }
0x2b3: {  	v19 =	vadd.f32 v47, v19  }
0x2b4: {  	v18 =	vmul.f32 v18, v18;
	v16 =	vadd.f32 v48, v16;
	v17 =	vmul.f32 v17, v17;
	_ =	sdelay $0x1  }
0x2b5: {  	v51 =	vadd.f32 v50, v19;
	v16 =	vmul.f32 v16, v16;
	v17 =	vadd.f32 v17, v18;
	_ =	sdelay $0x1  }
0x2b6: {  	v16 =	vadd.f32 v16, v17;
	v17 =	vmul.f32 v51, v51;
	_ =	sdelay $0x1  }
0x2b7: {  	v16 =	vadd.f32 v17, v16  }
0x2b8: {  	s5 =	sadd.s32 $0x10, s16  }
0x2b9: {  	[tilespmem:s5+$0x0] =	vst v16  }
0x2ba: {  	v16 =	vld.idx.msk [tilespmem:v0+s25+$0x0], $0xffff  }
0x2bb: {  	v17 =	vld.idx.msk [tilespmem:v1+s25+$0x0], $0xffff;
	_ =	sdelay $0x1  }
0x2bc: {  	v52 =	vld.idx.msk [tilespmem:v2+s25+$0x0], $0xffff;
	_ =	sdelay $0x1  }
0x2bd: {  	v53 =	vld.idx.msk [tilespmem:v3+s25+$0x0], $0xffff  }
0x2be: {  	v16 =	vadd.f32 v17, v16  }
0x2bf: {  	v17 =	vld.idx.msk [tilespmem:v4+s25+$0x0], $0xffff  }
0x2c0: {  	v16 =	vadd.f32 v52, v16  }
0x2c1: {  	v54 =	vld.idx.msk [tilespmem:v5+s25+$0x0], $0xffff  }
0x2c2: {  	v16 =	vadd.f32 v53, v16  }
0x2c3: {  	v55 =	vld.idx.msk [tilespmem:v6+s25+$0x0], $0xffff  }
0x2c4: {  	v16 =	vadd.f32 v17, v16  }
0x2c5: {  	v17 =	vld.idx.msk [tilespmem:v7+s25+$0x0], $0xffff  }
0x2c6: {  	v16 =	vadd.f32 v54, v16  }
0x2c7: {  	v56 =	vld.idx.msk [tilespmem:v8+s25+$0x0], $0xffff  }
0x2c8: {  	v16 =	vadd.f32 v55, v16  }
0x2c9: {  	v57 =	vld.idx.msk [tilespmem:v9+s25+$0x0], $0xffff  }
0x2ca: {  	v16 =	vadd.f32 v17, v16  }
0x2cb: {  	v17 =	vld.idx.msk [tilespmem:v10+s25+$0x0], $0xffff  }
0x2cc: {  	v16 =	vadd.f32 v56, v16  }
0x2cd: {  	v58 =	vld.idx.msk [tilespmem:v11+s25+$0x0], $0xffff  }
0x2ce: {  	v16 =	vadd.f32 v57, v16  }
0x2cf: {  	v59 =	vld.idx.msk [tilespmem:v12+s25+$0x0], $0xffff  }
0x2d0: {  	v16 =	vadd.f32 v17, v16  }
0x2d1: {  	v17 =	vld.idx.msk [tilespmem:v13+s25+$0x0], $0xffff  }
0x2d2: {  	v16 =	vadd.f32 v58, v16  }
0x2d3: {  	v60 =	vld.idx.msk [tilespmem:v14+s25+$0x0], $0xffff  }
0x2d4: {  	v16 =	vadd.f32 v59, v16  }
0x2d5: {  	v61 =	vld.idx.msk [tilespmem:v15+s25+$0x0], $0xffff  }
0x2d6: {  	v16 =	vadd.f32 v17, v16;
	_ =	sdelay $0x1  }
0x2d7: {  	v16 =	vadd.f32 v60, v16;
	_ =	sdelay $0x1  }
0x2d8: {  	v16 =	vadd.f32 v61, v16;
	_ =	sdelay $0x1  }
0x2d9: {  	v17 =	vshra.s32 v16, $0x1;
	v62 =	vmul.f32 $5.000000000e-01, v16  }
0x2da: {  	v17 =	vsub.s32 $0x5F3759DF, v17  }
0x2db: {  	v63 =	vmul.f32 v17, v62;
	_ =	sdelay $0x1  }
0x2dc: {  	v19 =	vmul.f32 v17, v63;
	_ =	sdelay $0x1  }
0x2dd: {  	v19 =	vsub.f32 $1.500000000e+00, v19;
	_ =	sdelay $0x1  }
0x2de: {  	v17 =	vmul.f32 v17, v19;
	_ =	sdelay $0x1  }
0x2df: {  	v19 =	vmul.f32 v17, v62;
	_ =	sdelay $0x1  }
0x2e0: {  	v19 =	vmul.f32 v19, v17;
	_ =	sdelay $0x1  }
0x2e1: {  	v19 =	vsub.f32 $1.500000000e+00, v19;
	_ =	sdelay $0x1  }
0x2e2: {  	v17 =	vmul.f32 v19, v17;
	_ =	sdelay $0x1  }
0x2e3: {  	v18 =	vmul.f32 v17, v62;
	_ =	sdelay $0x1  }
0x2e4: {  	v18 =	vmul.f32 v18, v17;
	_ =	sdelay $0x1  }
0x2e5: {  	v18 =	vsub.f32 $1.500000000e+00, v18  }
0x2e6: {  	s23 =	sadd.s32 $0x1, s23  }
0x2e7: {  	p0 =	sne.s32 s23, $0x8;
	v17 =	vmul.f32 v18, v17  }
.Ltmp9:
0x2e8: {  	_ = 	snop;
	(pc) =	sbr.rel @p0 .LBB2_18-.Ltmp9, $4  }
0x2e9: {  	v17 =	vmul.f32 v17, v16  }
0x2ea: {  	vm0 =	vgt.f32 v16, $0.0e+00  }
0x2eb: {  	v16 =	vnsel vm0, $0x0, v17  }
0x2ec: {  	s0 =	sadd.s32 $0x400, s0;
	s30 =	sadd.s32 $0x400, s30;
	s31 =	sadd.s32 $0x800, s31;
	[tilespmem:s2+$0x10F00] =	vst v16  }
0x2ed: {  	_ =	swait.ge [sflag:s26], $0x2000  }
0x2ee: {  	[sflag:s26] =	ssyncset.done $0x0  }
0x2ef: {  	[sflag:s26] =	ssyncadd.s32 $0xFFFFE000  }
0x2f0: {  	_ =	swait.ge [sflag:s28], $0x2000  }
0x2f1: {  	[sflag:s28] =	ssyncset.done $0x0  }
0x2f2: {  	[sflag:s28] =	ssyncadd.s32 $0xFFFFE000  }
0x2f3: {  	_ =	swait.ge [sflag:s29], $0x4000  }
0x2f4: {  	[sflag:s29] =	ssyncset.done $0x0  }
0x2f5: {  	s0 =	simm.s32 $0x300;
	[sflag:s29] =	ssyncadd.s32 $0xFFFFC000  }
0x2f6: {  	[tilespmem:s14], [sflag:$0x1] =	stream.indirect.gather [hbm4b:s4+s13], $0x40, s0, s13, $0xb8;
	[tilespmem:$0x11100] =	vst v63  }
0x2f7: {  	s12 =	simm.s32 $0xB00;
	s23 =	simm.s32 $0x8C00;
	s16 =	simm.s32 $0x700  }
0x2f8: {  	[tilespmem:s15], [sflag:$0x2] =	stream.indirect.gather [hbm4b:s4+s13], $0x40, s12, s13, $0xb8;
	[tilespmem:$0x11100] =	vst v63  }
0x2f9: {  	s30 =	simm.s32 $0x0;
	s31 =	simm.s32 $0x2C30;
	s0 =	simm.s32 $0x6C30  }
0x2fa: {  	[tilespmem:s23], [sflag:$0x3] =	stream.indirect.gather [hbm4b:s1+s13], $0x80, s16, s13, $0xb8;
	[tilespmem:$0x11100] =	vst v63  }
.LBB2_22:
0x2fb: {  	v21 =	vld [tilespmem:s31+$0xFFFFFFF0]  }
0x2fc: {  	v22 =	vld [tilespmem:s0+$0xFFFFFFD0]  }
0x2fd: {  	v23 =	vld [tilespmem:s31+$0xFFFFFFD0]  }
0x2fe: {  	v16 =	vmov s23;
	v24 =	vld [tilespmem:s31+$0xFFFFFFE0]  }
0x2ff: {  	v25 =	vld [tilespmem:s0+$0xFFFFFFE0]  }
0x300: {  	v26 =	vld [tilespmem:s0+$0xFFFFFFF0]  }
0x301: {  	v27 =	vld [tilespmem:s31+$0x0]  }
0x302: {  	s2 =	simm.s32 $0x0;
	v28 =	vld [tilespmem:s0+$0x0]  }
0x303: {  	v17 =	vld.idx.msk [tilespmem:v16+s2+$0x4040 ss:$0x1], $0xffff  }
0x304: {  	v19 =	vld.idx.msk [tilespmem:v16+s2+$0x4000 ss:$0x1], $0xffff  }
0x305: {  	v20 =	vld.idx.msk [tilespmem:v16+s2+$0x4010 ss:$0x1], $0xffff  }
0x306: {  	v18 =	vld.idx.msk [tilespmem:v16+s2+$0x4020 ss:$0x1], $0xffff  }
0x307: {  	v29 =	vld.idx.msk [tilespmem:v16+s2+$0x4050 ss:$0x1], $0xffff  }
0x308: {  	v30 =	vld.idx.msk [tilespmem:v16+s2+$0x4030 ss:$0x1], $0xffff;
	v22 =	vsub.f32 v23, v22;
	v23 =	vsub.f32 v24, v25  }
0x309: {  	v24 =	vld.idx.msk [tilespmem:v16+s2+$0x4060 ss:$0x1], $0xffff;
	v21 =	vsub.f32 v21, v26  }
0x30a: {  	v19 =	vadd.f32 v19, v22;
	v20 =	vadd.f32 v20, v23  }
0x30b: {  	v22 =	vld.idx.msk [tilespmem:v16+s2+$0x4070 ss:$0x1], $0xffff;
	v18 =	vadd.f32 v18, v21;
	v21 =	vsub.f32 v27, v28  }
0x30c: {  	v17 =	vadd.f32 v17, v19;
	v19 =	vadd.f32 v29, v20  }
0x30d: {  	v20 =	vadd.f32 v30, v21  }
0x30e: {  	v18 =	vadd.f32 v24, v18;
	v17 =	vmul.f32 v17, v17;
	v19 =	vmul.f32 v19, v19;
	_ =	sdelay $0x1  }
0x30f: {  	v18 =	vmul.f32 v18, v18;
	v17 =	vadd.f32 v19, v17;
	v19 =	vadd.f32 v22, v20;
	_ =	sdelay $0x1  }
0x310: {  	v17 =	vadd.f32 v18, v17;
	v18 =	vmul.f32 v19, v19;
	_ =	sdelay $0x1  }
0x311: {  	v17 =	vadd.f32 v18, v17  }
0x312: {  	s16 =	simm.s32 $0x10C00  }
0x313: {  	s6 =	simm.s32 $0x80;
	[tilespmem:s16+$0x0] =	vst v17  }
0x314: {  	v17 =	vld.idx.msk [tilespmem:v16+s6+$0x4040 ss:$0x1], $0xffff  }
0x315: {  	v18 =	vld.idx.msk [tilespmem:v16+s6+$0x4050 ss:$0x1], $0xffff  }
0x316: {  	v19 =	vld.idx.msk [tilespmem:v16+s6+$0x4020 ss:$0x1], $0xffff  }
0x317: {  	v20 =	vld.idx.msk [tilespmem:v16+s6+$0x4000 ss:$0x1], $0xffff  }
0x318: {  	s11 =	sadd.s32 $0x40, s31;
	v21 =	vld.idx.msk [tilespmem:v16+s6+$0x4010 ss:$0x1], $0xffff  }
0x319: {  	s12 =	sadd.s32 $0x40, s0;
	v22 =	vld [tilespmem:s11+$0xFFFFFFF0]  }
0x31a: {  	v23 =	vld [tilespmem:s12+$0xFFFFFFD0]  }
0x31b: {  	v24 =	vld [tilespmem:s11+$0xFFFFFFD0]  }
0x31c: {  	v25 =	vld [tilespmem:s11+$0xFFFFFFE0]  }
0x31d: {  	s5 =	simm.s32 $0x400;
	s2 =	sshll.u32 s30, $0x4;
	v26 =	vld [tilespmem:s12+$0xFFFFFFE0]  }
.LBB2_23:
0x31e: {  	p0 =	sne.s32 s5, $0x1E00;
	v27 =	vld [tilespmem:s12+$0xFFFFFFF0]  }
0x31f: {  	v28 =	vld [tilespmem:s11+$0x0]  }
0x320: {  	v29 =	vld [tilespmem:s12+$0x0]  }
0x321: {  	v30 =	vld.idx.msk [tilespmem:v16+s6+$0x4030 ss:$0x1], $0xffff  }
0x322: {  	v23 =	vsub.f32 v24, v23;
	v24 =	vsub.f32 v25, v26;
	v25 =	vld.idx.msk [tilespmem:v16+s6+$0x4060 ss:$0x1], $0xffff  }
0x323: {  	v22 =	vsub.f32 v22, v27  }
0x324: {  	v20 =	vadd.f32 v20, v23;
	v21 =	vadd.f32 v21, v24;
	v23 =	vld.idx.msk [tilespmem:v16+s6+$0x4070 ss:$0x1], $0xffff  }
0x325: {  	v19 =	vadd.f32 v19, v22;
	v22 =	vsub.f32 v28, v29  }
0x326: {  	v17 =	vadd.f32 v17, v20;
	v18 =	vadd.f32 v18, v21  }
0x327: {  	v20 =	vadd.f32 v30, v22  }
0x328: {  	v17 =	vmul.f32 v17, v17;
	v19 =	vadd.f32 v25, v19;
	v18 =	vmul.f32 v18, v18;
	_ =	sdelay $0x1  }
0x329: {  	v17 =	vadd.f32 v18, v17;
	v18 =	vmul.f32 v19, v19;
	v19 =	vadd.f32 v23, v20;
	_ =	sdelay $0x1  }
0x32a: {  	v17 =	vadd.f32 v18, v17;
	v18 =	vmul.f32 v19, v19;
	_ =	sdelay $0x1  }
0x32b: {  	v17 =	vadd.f32 v18, v17  }
0x32c: {  	s16 =	sadd.s32 $0x10, s16  }
0x32d: {  	s6 =	sshra.s32 s5, $0x2;
	[tilespmem:s16+$0x0] =	vst v17  }
0x32e: {  	v17 =	vld.idx.msk [tilespmem:v16+s6+$0x4040 ss:$0x1], $0xffff  }
0x32f: {  	v18 =	vld.idx.msk [tilespmem:v16+s6+$0x4050 ss:$0x1], $0xffff  }
0x330: {  	v19 =	vld.idx.msk [tilespmem:v16+s6+$0x4020 ss:$0x1], $0xffff  }
0x331: {  	v20 =	vld.idx.msk [tilespmem:v16+s6+$0x4000 ss:$0x1], $0xffff  }
0x332: {  	s11 =	sadd.s32 $0x40, s11;
	v21 =	vld.idx.msk [tilespmem:v16+s6+$0x4010 ss:$0x1], $0xffff  }
.Ltmp10:
0x333: {  	s12 =	sadd.s32 $0x40, s12;
	v22 =	vld [tilespmem:s11+$0xFFFFFFF0];
	(pc) =	sbr.rel @p0 .LBB2_23-.Ltmp10, $4  }
0x334: {  	v23 =	vld [tilespmem:s12+$0xFFFFFFD0]  }
0x335: {  	v24 =	vld [tilespmem:s11+$0xFFFFFFD0]  }
0x336: {  	v25 =	vld [tilespmem:s11+$0xFFFFFFE0]  }
0x337: {  	s5 =	sadd.s32 $0x200, s5;
	v26 =	vld [tilespmem:s12+$0xFFFFFFE0]  }
0x338: {  	v27 =	vld [tilespmem:s12+$0xFFFFFFF0]  }
0x339: {  	v28 =	vld [tilespmem:s11+$0x0]  }
0x33a: {  	v29 =	vld [tilespmem:s12+$0x0]  }
0x33b: {  	v23 =	vsub.f32 v24, v23  }
0x33c: {  	v30 =	vld.idx.msk [tilespmem:v16+s6+$0x4030 ss:$0x1], $0xffff;
	v47 =	vsub.f32 v25, v26  }
0x33d: {  	v48 =	vld.idx.msk [tilespmem:v16+s6+$0x4060 ss:$0x1], $0xffff;
	v20 =	vadd.f32 v20, v23  }
0x33e: {  	v22 =	vsub.f32 v22, v27;
	v21 =	vadd.f32 v21, v47  }
0x33f: {  	v16 =	vld.idx.msk [tilespmem:v16+s6+$0x4070 ss:$0x1], $0xffff;
	v49 =	vsub.f32 v28, v29;
	v17 =	vadd.f32 v17, v20  }
0x340: {  	v19 =	vadd.f32 v19, v22;
	v18 =	vadd.f32 v18, v21  }
0x341: {  	v50 =	vadd.f32 v30, v49  }
0x342: {  	v17 =	vmul.f32 v17, v17;
	v19 =	vadd.f32 v48, v19;
	v18 =	vmul.f32 v18, v18;
	_ =	sdelay $0x1  }
0x343: {  	v16 =	vadd.f32 v16, v50;
	v51 =	vmul.f32 v19, v19;
	v17 =	vadd.f32 v18, v17;
	_ =	sdelay $0x1  }
0x344: {  	v16 =	vmul.f32 v16, v16;
	v17 =	vadd.f32 v51, v17;
	_ =	sdelay $0x1  }
0x345: {  	v16 =	vadd.f32 v16, v17  }
0x346: {  	s5 =	sadd.s32 $0x10, s16  }
0x347: {  	[tilespmem:s5+$0x0] =	vst v16  }
0x348: {  	v16 =	vld.idx.msk [tilespmem:v0+s25+$0x0], $0xffff  }
0x349: {  	v17 =	vld.idx.msk [tilespmem:v1+s25+$0x0], $0xffff;
	_ =	sdelay $0x1  }
0x34a: {  	v52 =	vld.idx.msk [tilespmem:v2+s25+$0x0], $0xffff;
	_ =	sdelay $0x1  }
0x34b: {  	v53 =	vld.idx.msk [tilespmem:v3+s25+$0x0], $0xffff  }
0x34c: {  	v16 =	vadd.f32 v17, v16  }
0x34d: {  	v17 =	vld.idx.msk [tilespmem:v4+s25+$0x0], $0xffff  }
0x34e: {  	v16 =	vadd.f32 v52, v16  }
0x34f: {  	v54 =	vld.idx.msk [tilespmem:v5+s25+$0x0], $0xffff  }
0x350: {  	v16 =	vadd.f32 v53, v16  }
0x351: {  	v55 =	vld.idx.msk [tilespmem:v6+s25+$0x0], $0xffff  }
0x352: {  	v16 =	vadd.f32 v17, v16  }
0x353: {  	v17 =	vld.idx.msk [tilespmem:v7+s25+$0x0], $0xffff  }
0x354: {  	v16 =	vadd.f32 v54, v16  }
0x355: {  	v56 =	vld.idx.msk [tilespmem:v8+s25+$0x0], $0xffff  }
0x356: {  	v16 =	vadd.f32 v55, v16  }
0x357: {  	v57 =	vld.idx.msk [tilespmem:v9+s25+$0x0], $0xffff  }
0x358: {  	v16 =	vadd.f32 v17, v16  }
0x359: {  	v17 =	vld.idx.msk [tilespmem:v10+s25+$0x0], $0xffff  }
0x35a: {  	v16 =	vadd.f32 v56, v16  }
0x35b: {  	v58 =	vld.idx.msk [tilespmem:v11+s25+$0x0], $0xffff  }
0x35c: {  	v16 =	vadd.f32 v57, v16  }
0x35d: {  	v59 =	vld.idx.msk [tilespmem:v12+s25+$0x0], $0xffff  }
0x35e: {  	v16 =	vadd.f32 v17, v16  }
0x35f: {  	v17 =	vld.idx.msk [tilespmem:v13+s25+$0x0], $0xffff  }
0x360: {  	v16 =	vadd.f32 v58, v16  }
0x361: {  	v60 =	vld.idx.msk [tilespmem:v14+s25+$0x0], $0xffff  }
0x362: {  	v16 =	vadd.f32 v59, v16  }
0x363: {  	v61 =	vld.idx.msk [tilespmem:v15+s25+$0x0], $0xffff  }
0x364: {  	v16 =	vadd.f32 v17, v16;
	_ =	sdelay $0x1  }
0x365: {  	v16 =	vadd.f32 v60, v16;
	_ =	sdelay $0x1  }
0x366: {  	v16 =	vadd.f32 v61, v16;
	_ =	sdelay $0x1  }
0x367: {  	v17 =	vshra.s32 v16, $0x1;
	v62 =	vmul.f32 $5.000000000e-01, v16  }
0x368: {  	v17 =	vsub.s32 $0x5F3759DF, v17  }
0x369: {  	v63 =	vmul.f32 v17, v62;
	_ =	sdelay $0x1  }
0x36a: {  	v19 =	vmul.f32 v17, v63;
	_ =	sdelay $0x1  }
0x36b: {  	v19 =	vsub.f32 $1.500000000e+00, v19;
	_ =	sdelay $0x1  }
0x36c: {  	v17 =	vmul.f32 v17, v19;
	_ =	sdelay $0x1  }
0x36d: {  	v19 =	vmul.f32 v17, v62;
	_ =	sdelay $0x1  }
0x36e: {  	v19 =	vmul.f32 v19, v17;
	_ =	sdelay $0x1  }
0x36f: {  	v19 =	vsub.f32 $1.500000000e+00, v19;
	_ =	sdelay $0x1  }
0x370: {  	v17 =	vmul.f32 v19, v17;
	_ =	sdelay $0x1  }
0x371: {  	v18 =	vmul.f32 v17, v62;
	_ =	sdelay $0x1  }
0x372: {  	v18 =	vmul.f32 v18, v17;
	_ =	sdelay $0x1  }
0x373: {  	v18 =	vsub.f32 $1.500000000e+00, v18  }
0x374: {  	s30 =	sadd.s32 $0x1, s30  }
0x375: {  	p0 =	sne.s32 s30, $0x8;
	v17 =	vmul.f32 v18, v17  }
.Ltmp11:
0x376: {  	_ = 	snop;
	(pc) =	sbr.rel @p0 .LBB2_22-.Ltmp11, $4  }
0x377: {  	v17 =	vmul.f32 v17, v16  }
0x378: {  	vm0 =	vgt.f32 v16, $0.0e+00  }
0x379: {  	v16 =	vnsel vm0, $0x0, v17  }
0x37a: {  	s23 =	sadd.s32 $0x800, s23;
	s31 =	sadd.s32 $0x400, s31;
	s0 =	sadd.s32 $0x400, s0;
	[tilespmem:s2+$0x10F80] =	vst v16  }
0x37b: {  	_ =	swait.ge [sflag:s17], $0x2000  }
0x37c: {  	[sflag:s17] =	ssyncset.done $0x0  }
0x37d: {  	[sflag:s17] =	ssyncadd.s32 $0xFFFFE000  }
0x37e: {  	_ =	swait.ge [sflag:s18], $0x2000  }
0x37f: {  	[sflag:s18] =	ssyncset.done $0x0  }
0x380: {  	[sflag:s18] =	ssyncadd.s32 $0xFFFFE000  }
0x381: {  	_ =	swait.ge [sflag:s19], $0x4000  }
0x382: {  	[sflag:s19] =	ssyncset.done $0x0  }
0x383: {  	s0 =	simm.s32 $0x380;
	[sflag:s19] =	ssyncadd.s32 $0xFFFFC000  }
0x384: {  	[tilespmem:s20], [sflag:$0x4] =	stream.indirect.gather [hbm4b:s4+s13], $0x40, s0, s13, $0xb8;
	[tilespmem:$0x11100] =	vst v63  }
0x385: {  	s16 =	simm.s32 $0xB80  }
0x386: {  	[tilespmem:s22], [sflag:$0x5] =	stream.indirect.gather [hbm4b:s4+s13], $0x40, s16, s13, $0xb8;
	[tilespmem:$0x11100] =	vst v63  }
0x387: {  	s23 =	simm.s32 $0x780;
	s30 =	simm.s32 $0xC30  }
0x388: {  	[tilespmem:s24], [sflag:$0x6] =	stream.indirect.gather [hbm4b:s1+s13], $0x80, s23, s13, $0xb8;
	[tilespmem:$0x11100] =	vst v63  }
0x389: {  	s31 =	simm.s32 $0x8C40;
	s0 =	simm.s32 $0x4C30;
	s23 =	simm.s32 $0x0  }
.LBB2_26:
0x38a: {  	v17 =	vmov s30  }
0x38b: {  	v16 =	vmov s0;
	v18 =	vld [tilespmem:s31+$0x0]  }
0x38c: {  	v27 =	vld [tilespmem:s31+$0xFFFFFFC0]  }
0x38d: {  	v28 =	vld [tilespmem:s31+$0xFFFFFFD0]  }
0x38e: {  	s2 =	simm.s32 $0x0;
	v29 =	vld [tilespmem:s31+$0xFFFFFFE0]  }
0x38f: {  	v21 =	vld.idx.msk [tilespmem:v17+s2+$0xFFFFFFF0 ss:$0x1], $0xffff  }
0x390: {  	v22 =	vld.idx.msk [tilespmem:v16+s2+$0xFFFFFFD0 ss:$0x1], $0xffff  }
0x391: {  	v23 =	vld.idx.msk [tilespmem:v17+s2+$0xFFFFFFD0 ss:$0x1], $0xffff  }
0x392: {  	v24 =	vld.idx.msk [tilespmem:v17+s2+$0xFFFFFFE0 ss:$0x1], $0xffff  }
0x393: {  	v25 =	vld.idx.msk [tilespmem:v16+s2+$0xFFFFFFE0 ss:$0x1], $0xffff  }
0x394: {  	v26 =	vld.idx.msk [tilespmem:v16+s2+$0xFFFFFFF0 ss:$0x1], $0xffff  }
0x395: {  	v19 =	vld.idx.msk [tilespmem:v17+s2+$0x0 ss:$0x1], $0xffff  }
0x396: {  	v20 =	vld.idx.msk [tilespmem:v16+s2+$0x0 ss:$0x1], $0xffff  }
0x397: {  	v30 =	vld [tilespmem:s31+$0x10]  }
0x398: {  	v22 =	vsub.f32 v23, v22;
	v23 =	vsub.f32 v24, v25;
	v24 =	vld [tilespmem:s31+$0xFFFFFFF0]  }
0x399: {  	v25 =	vld [tilespmem:s31+$0x20];
	v21 =	vsub.f32 v21, v26  }
0x39a: {  	v22 =	vadd.f32 v27, v22;
	v23 =	vadd.f32 v28, v23  }
0x39b: {  	v26 =	vld [tilespmem:s31+$0x30];
	v19 =	vsub.f32 v19, v20;
	v21 =	vadd.f32 v29, v21  }
0x39c: {  	v18 =	vadd.f32 v18, v22;
	v20 =	vadd.f32 v30, v23  }
0x39d: {  	v19 =	vadd.f32 v24, v19  }
0x39e: {  	v21 =	vadd.f32 v25, v21;
	v18 =	vmul.f32 v18, v18;
	v20 =	vmul.f32 v20, v20;
	_ =	sdelay $0x1  }
0x39f: {  	v19 =	vadd.f32 v26, v19;
	v18 =	vadd.f32 v20, v18;
	v20 =	vmul.f32 v21, v21;
	_ =	sdelay $0x1  }
0x3a0: {  	v19 =	vmul.f32 v19, v19;
	v18 =	vadd.f32 v20, v18;
	_ =	sdelay $0x1  }
0x3a1: {  	v18 =	vadd.f32 v19, v18  }
0x3a2: {  	s16 =	simm.s32 $0x10C00  }
0x3a3: {  	s11 =	sadd.s32 $0x80, s31;
	[tilespmem:s16+$0x0] =	vst v18  }
0x3a4: {  	s6 =	simm.s32 $0x40;
	v18 =	vld [tilespmem:s11+$0x0]  }
0x3a5: {  	v19 =	vld.idx.msk [tilespmem:v17+s6+$0x0 ss:$0x1], $0xffff  }
0x3a6: {  	v20 =	vld.idx.msk [tilespmem:v16+s6+$0x0 ss:$0x1], $0xffff  }
0x3a7: {  	v21 =	vld.idx.msk [tilespmem:v17+s6+$0xFFFFFFF0 ss:$0x1], $0xffff  }
0x3a8: {  	v22 =	vld.idx.msk [tilespmem:v16+s6+$0xFFFFFFD0 ss:$0x1], $0xffff  }
0x3a9: {  	v23 =	vld.idx.msk [tilespmem:v17+s6+$0xFFFFFFD0 ss:$0x1], $0xffff  }
0x3aa: {  	s5 =	simm.s32 $0x200;
	s2 =	sshll.u32 s23, $0x4;
	v24 =	vld.idx.msk [tilespmem:v17+s6+$0xFFFFFFE0 ss:$0x1], $0xffff  }
.LBB2_27:
0x3ab: {  	p0 =	sne.s32 s5, $0xF00;
	v25 =	vld.idx.msk [tilespmem:v16+s6+$0xFFFFFFE0 ss:$0x1], $0xffff  }
0x3ac: {  	v26 =	vld.idx.msk [tilespmem:v16+s6+$0xFFFFFFF0 ss:$0x1], $0xffff  }
0x3ad: {  	v27 =	vld [tilespmem:s11+$0xFFFFFFC0]  }
0x3ae: {  	v28 =	vld [tilespmem:s11+$0xFFFFFFD0]  }
0x3af: {  	v29 =	vld [tilespmem:s11+$0xFFFFFFE0]  }
0x3b0: {  	v30 =	vld [tilespmem:s11+$0x10]  }
0x3b1: {  	v22 =	vsub.f32 v23, v22;
	v23 =	vsub.f32 v24, v25;
	v24 =	vld [tilespmem:s11+$0xFFFFFFF0]  }
0x3b2: {  	v21 =	vsub.f32 v21, v26;
	v25 =	vld [tilespmem:s11+$0x20]  }
0x3b3: {  	v22 =	vadd.f32 v27, v22;
	v23 =	vadd.f32 v28, v23  }
0x3b4: {  	v19 =	vsub.f32 v19, v20;
	v21 =	vadd.f32 v29, v21;
	v26 =	vld [tilespmem:s11+$0x30]  }
0x3b5: {  	v18 =	vadd.f32 v18, v22;
	v20 =	vadd.f32 v30, v23  }
0x3b6: {  	v19 =	vadd.f32 v24, v19  }
0x3b7: {  	v18 =	vmul.f32 v18, v18;
	v20 =	vmul.f32 v20, v20;
	v21 =	vadd.f32 v25, v21;
	_ =	sdelay $0x1  }
0x3b8: {  	v18 =	vadd.f32 v20, v18;
	v20 =	vmul.f32 v21, v21;
	v19 =	vadd.f32 v26, v19;
	_ =	sdelay $0x1  }
0x3b9: {  	v18 =	vadd.f32 v20, v18;
	v19 =	vmul.f32 v19, v19;
	_ =	sdelay $0x1  }
0x3ba: {  	v18 =	vadd.f32 v19, v18  }
0x3bb: {  	s16 =	sadd.s32 $0x10, s16  }
0x3bc: {  	s11 =	sadd.s32 $0x80, s11;
	[tilespmem:s16+$0x0] =	vst v18  }
0x3bd: {  	s6 =	sshra.s32 s5, $0x2;
	v18 =	vld [tilespmem:s11+$0x0]  }
0x3be: {  	v19 =	vld.idx.msk [tilespmem:v17+s6+$0x0 ss:$0x1], $0xffff  }
.Ltmp12:
0x3bf: {  	v20 =	vld.idx.msk [tilespmem:v16+s6+$0x0 ss:$0x1], $0xffff;
	(pc) =	sbr.rel @p0 .LBB2_27-.Ltmp12, $4  }
0x3c0: {  	v21 =	vld.idx.msk [tilespmem:v17+s6+$0xFFFFFFF0 ss:$0x1], $0xffff  }
0x3c1: {  	v22 =	vld.idx.msk [tilespmem:v16+s6+$0xFFFFFFD0 ss:$0x1], $0xffff  }
0x3c2: {  	v23 =	vld.idx.msk [tilespmem:v17+s6+$0xFFFFFFD0 ss:$0x1], $0xffff  }
0x3c3: {  	s5 =	sadd.s32 $0x100, s5;
	v24 =	vld.idx.msk [tilespmem:v17+s6+$0xFFFFFFE0 ss:$0x1], $0xffff  }
0x3c4: {  	_ =	sdelay $0x3  }
0x3c5: {  	v17 =	vld.idx.msk [tilespmem:v16+s6+$0xFFFFFFE0 ss:$0x1], $0xffff  }
0x3c6: {  	v16 =	vld.idx.msk [tilespmem:v16+s6+$0xFFFFFFF0 ss:$0x1], $0xffff  }
0x3c7: {  	v25 =	vld [tilespmem:s11+$0xFFFFFFC0]  }
0x3c8: {  	v26 =	vld [tilespmem:s11+$0xFFFFFFD0]  }
0x3c9: {  	v27 =	vld [tilespmem:s11+$0xFFFFFFE0]  }
0x3ca: {  	v28 =	vld [tilespmem:s11+$0x10]  }
0x3cb: {  	v47 =	vld [tilespmem:s11+$0xFFFFFFF0];
	v22 =	vsub.f32 v23, v22;
	v17 =	vsub.f32 v24, v17  }
0x3cc: {  	v48 =	vld [tilespmem:s11+$0x20];
	v16 =	vsub.f32 v21, v16  }
0x3cd: {  	v49 =	vadd.f32 v25, v22;
	v17 =	vadd.f32 v26, v17  }
0x3ce: {  	v50 =	vld [tilespmem:s11+$0x30];
	v19 =	vsub.f32 v19, v20;
	v16 =	vadd.f32 v27, v16  }
0x3cf: {  	v18 =	vadd.f32 v18, v49;
	v17 =	vadd.f32 v28, v17  }
0x3d0: {  	v19 =	vadd.f32 v47, v19  }
0x3d1: {  	v18 =	vmul.f32 v18, v18;
	v16 =	vadd.f32 v48, v16;
	v17 =	vmul.f32 v17, v17;
	_ =	sdelay $0x1  }
0x3d2: {  	v51 =	vadd.f32 v50, v19;
	v16 =	vmul.f32 v16, v16;
	v17 =	vadd.f32 v17, v18;
	_ =	sdelay $0x1  }
0x3d3: {  	v16 =	vadd.f32 v16, v17;
	v17 =	vmul.f32 v51, v51;
	_ =	sdelay $0x1  }
0x3d4: {  	v16 =	vadd.f32 v17, v16  }
0x3d5: {  	s5 =	sadd.s32 $0x10, s16  }
0x3d6: {  	[tilespmem:s5+$0x0] =	vst v16  }
0x3d7: {  	v16 =	vld.idx.msk [tilespmem:v0+s25+$0x0], $0xffff  }
0x3d8: {  	v17 =	vld.idx.msk [tilespmem:v1+s25+$0x0], $0xffff;
	_ =	sdelay $0x1  }
0x3d9: {  	v52 =	vld.idx.msk [tilespmem:v2+s25+$0x0], $0xffff;
	_ =	sdelay $0x1  }
0x3da: {  	v53 =	vld.idx.msk [tilespmem:v3+s25+$0x0], $0xffff  }
0x3db: {  	v16 =	vadd.f32 v17, v16  }
0x3dc: {  	v17 =	vld.idx.msk [tilespmem:v4+s25+$0x0], $0xffff  }
0x3dd: {  	v16 =	vadd.f32 v52, v16  }
0x3de: {  	v54 =	vld.idx.msk [tilespmem:v5+s25+$0x0], $0xffff  }
0x3df: {  	v16 =	vadd.f32 v53, v16  }
0x3e0: {  	v55 =	vld.idx.msk [tilespmem:v6+s25+$0x0], $0xffff  }
0x3e1: {  	v16 =	vadd.f32 v17, v16  }
0x3e2: {  	v17 =	vld.idx.msk [tilespmem:v7+s25+$0x0], $0xffff  }
0x3e3: {  	v16 =	vadd.f32 v54, v16  }
0x3e4: {  	v56 =	vld.idx.msk [tilespmem:v8+s25+$0x0], $0xffff  }
0x3e5: {  	v16 =	vadd.f32 v55, v16  }
0x3e6: {  	v57 =	vld.idx.msk [tilespmem:v9+s25+$0x0], $0xffff  }
0x3e7: {  	v16 =	vadd.f32 v17, v16  }
0x3e8: {  	v17 =	vld.idx.msk [tilespmem:v10+s25+$0x0], $0xffff  }
0x3e9: {  	v16 =	vadd.f32 v56, v16  }
0x3ea: {  	v58 =	vld.idx.msk [tilespmem:v11+s25+$0x0], $0xffff  }
0x3eb: {  	v16 =	vadd.f32 v57, v16  }
0x3ec: {  	v59 =	vld.idx.msk [tilespmem:v12+s25+$0x0], $0xffff  }
0x3ed: {  	v16 =	vadd.f32 v17, v16  }
0x3ee: {  	v17 =	vld.idx.msk [tilespmem:v13+s25+$0x0], $0xffff  }
0x3ef: {  	v16 =	vadd.f32 v58, v16  }
0x3f0: {  	v60 =	vld.idx.msk [tilespmem:v14+s25+$0x0], $0xffff  }
0x3f1: {  	v16 =	vadd.f32 v59, v16  }
0x3f2: {  	v61 =	vld.idx.msk [tilespmem:v15+s25+$0x0], $0xffff  }
0x3f3: {  	v16 =	vadd.f32 v17, v16;
	_ =	sdelay $0x1  }
0x3f4: {  	v16 =	vadd.f32 v60, v16;
	_ =	sdelay $0x1  }
0x3f5: {  	v16 =	vadd.f32 v61, v16;
	_ =	sdelay $0x1  }
0x3f6: {  	v17 =	vshra.s32 v16, $0x1;
	v62 =	vmul.f32 $5.000000000e-01, v16  }
0x3f7: {  	v17 =	vsub.s32 $0x5F3759DF, v17  }
0x3f8: {  	v63 =	vmul.f32 v17, v62;
	_ =	sdelay $0x1  }
0x3f9: {  	v19 =	vmul.f32 v17, v63;
	_ =	sdelay $0x1  }
0x3fa: {  	v19 =	vsub.f32 $1.500000000e+00, v19;
	_ =	sdelay $0x1  }
0x3fb: {  	v17 =	vmul.f32 v17, v19;
	_ =	sdelay $0x1  }
0x3fc: {  	v19 =	vmul.f32 v17, v62;
	_ =	sdelay $0x1  }
0x3fd: {  	v19 =	vmul.f32 v19, v17;
	_ =	sdelay $0x1  }
0x3fe: {  	v19 =	vsub.f32 $1.500000000e+00, v19;
	_ =	sdelay $0x1  }
0x3ff: {  	v17 =	vmul.f32 v19, v17;
	_ =	sdelay $0x1  }
0x400: {  	v18 =	vmul.f32 v17, v62;
	_ =	sdelay $0x1  }
0x401: {  	v18 =	vmul.f32 v18, v17;
	_ =	sdelay $0x1  }
0x402: {  	v18 =	vsub.f32 $1.500000000e+00, v18  }
0x403: {  	s23 =	sadd.s32 $0x1, s23  }
0x404: {  	p0 =	sne.s32 s23, $0x8;
	v17 =	vmul.f32 v18, v17  }
.Ltmp13:
0x405: {  	_ = 	snop;
	(pc) =	sbr.rel @p0 .LBB2_26-.Ltmp13, $4  }
0x406: {  	v17 =	vmul.f32 v17, v16  }
0x407: {  	vm0 =	vgt.f32 v16, $0.0e+00  }
0x408: {  	v16 =	vnsel vm0, $0x0, v17  }
0x409: {  	s0 =	sadd.s32 $0x400, s0;
	s30 =	sadd.s32 $0x400, s30;
	s31 =	sadd.s32 $0x800, s31;
	[tilespmem:s2+$0x11000] =	vst v16  }
0x40a: {  	_ =	swait.ge [sflag:s26], $0x2000  }
0x40b: {  	[sflag:s26] =	ssyncset.done $0x0  }
0x40c: {  	[sflag:s26] =	ssyncadd.s32 $0xFFFFE000  }
0x40d: {  	_ =	swait.ge [sflag:s28], $0x2000  }
0x40e: {  	[sflag:s28] =	ssyncset.done $0x0  }
0x40f: {  	[sflag:s28] =	ssyncadd.s32 $0xFFFFE000  }
0x410: {  	_ =	swait.ge [sflag:s29], $0x4000  }
0x411: {  	s23 =	simm.s32 $0x0;
	s30 =	simm.s32 $0x8C00;
	[sflag:s29] =	ssyncset.done $0x0  }
0x412: {  	s31 =	simm.s32 $0x2C30;
	s0 =	simm.s32 $0x6C30;
	[sflag:s29] =	ssyncadd.s32 $0xFFFFC000  }
.LBB2_30:
0x413: {  	v21 =	vld [tilespmem:s31+$0xFFFFFFF0]  }
0x414: {  	v22 =	vld [tilespmem:s0+$0xFFFFFFD0]  }
0x415: {  	v23 =	vld [tilespmem:s31+$0xFFFFFFD0]  }
0x416: {  	v16 =	vmov s30;
	v24 =	vld [tilespmem:s31+$0xFFFFFFE0]  }
0x417: {  	v25 =	vld [tilespmem:s0+$0xFFFFFFE0]  }
0x418: {  	v26 =	vld [tilespmem:s0+$0xFFFFFFF0]  }
0x419: {  	v27 =	vld [tilespmem:s31+$0x0]  }
0x41a: {  	s2 =	simm.s32 $0x0;
	v28 =	vld [tilespmem:s0+$0x0]  }
0x41b: {  	v17 =	vld.idx.msk [tilespmem:v16+s2+$0x4040 ss:$0x1], $0xffff  }
0x41c: {  	v19 =	vld.idx.msk [tilespmem:v16+s2+$0x4000 ss:$0x1], $0xffff  }
0x41d: {  	v20 =	vld.idx.msk [tilespmem:v16+s2+$0x4010 ss:$0x1], $0xffff  }
0x41e: {  	v18 =	vld.idx.msk [tilespmem:v16+s2+$0x4020 ss:$0x1], $0xffff  }
0x41f: {  	v29 =	vld.idx.msk [tilespmem:v16+s2+$0x4050 ss:$0x1], $0xffff  }
0x420: {  	v30 =	vld.idx.msk [tilespmem:v16+s2+$0x4030 ss:$0x1], $0xffff;
	v22 =	vsub.f32 v23, v22;
	v23 =	vsub.f32 v24, v25  }
0x421: {  	v24 =	vld.idx.msk [tilespmem:v16+s2+$0x4060 ss:$0x1], $0xffff;
	v21 =	vsub.f32 v21, v26  }
0x422: {  	v19 =	vadd.f32 v19, v22;
	v20 =	vadd.f32 v20, v23  }
0x423: {  	v22 =	vld.idx.msk [tilespmem:v16+s2+$0x4070 ss:$0x1], $0xffff;
	v18 =	vadd.f32 v18, v21;
	v21 =	vsub.f32 v27, v28  }
0x424: {  	v17 =	vadd.f32 v17, v19;
	v19 =	vadd.f32 v29, v20  }
0x425: {  	v20 =	vadd.f32 v30, v21  }
0x426: {  	v18 =	vadd.f32 v24, v18;
	v17 =	vmul.f32 v17, v17;
	v19 =	vmul.f32 v19, v19;
	_ =	sdelay $0x1  }
0x427: {  	v18 =	vmul.f32 v18, v18;
	v17 =	vadd.f32 v19, v17;
	v19 =	vadd.f32 v22, v20;
	_ =	sdelay $0x1  }
0x428: {  	v17 =	vadd.f32 v18, v17;
	v18 =	vmul.f32 v19, v19;
	_ =	sdelay $0x1  }
0x429: {  	v17 =	vadd.f32 v18, v17  }
0x42a: {  	s16 =	simm.s32 $0x10C00  }
0x42b: {  	s6 =	simm.s32 $0x80;
	[tilespmem:s16+$0x0] =	vst v17  }
0x42c: {  	v17 =	vld.idx.msk [tilespmem:v16+s6+$0x4040 ss:$0x1], $0xffff  }
0x42d: {  	v18 =	vld.idx.msk [tilespmem:v16+s6+$0x4050 ss:$0x1], $0xffff  }
0x42e: {  	v19 =	vld.idx.msk [tilespmem:v16+s6+$0x4020 ss:$0x1], $0xffff  }
0x42f: {  	v20 =	vld.idx.msk [tilespmem:v16+s6+$0x4000 ss:$0x1], $0xffff  }
0x430: {  	s11 =	sadd.s32 $0x40, s31;
	v21 =	vld.idx.msk [tilespmem:v16+s6+$0x4010 ss:$0x1], $0xffff  }
0x431: {  	s12 =	sadd.s32 $0x40, s0;
	v22 =	vld [tilespmem:s11+$0xFFFFFFF0]  }
0x432: {  	v23 =	vld [tilespmem:s12+$0xFFFFFFD0]  }
0x433: {  	v24 =	vld [tilespmem:s11+$0xFFFFFFD0]  }
0x434: {  	v25 =	vld [tilespmem:s11+$0xFFFFFFE0]  }
0x435: {  	s5 =	simm.s32 $0x400;
	s2 =	sshll.u32 s23, $0x4;
	v26 =	vld [tilespmem:s12+$0xFFFFFFE0]  }
.LBB2_31:
0x436: {  	p0 =	sne.s32 s5, $0x1E00;
	v27 =	vld [tilespmem:s12+$0xFFFFFFF0]  }
0x437: {  	v28 =	vld [tilespmem:s11+$0x0]  }
0x438: {  	v29 =	vld [tilespmem:s12+$0x0]  }
0x439: {  	v30 =	vld.idx.msk [tilespmem:v16+s6+$0x4030 ss:$0x1], $0xffff  }
0x43a: {  	v23 =	vsub.f32 v24, v23;
	v24 =	vsub.f32 v25, v26;
	v25 =	vld.idx.msk [tilespmem:v16+s6+$0x4060 ss:$0x1], $0xffff  }
0x43b: {  	v22 =	vsub.f32 v22, v27  }
0x43c: {  	v20 =	vadd.f32 v20, v23;
	v21 =	vadd.f32 v21, v24;
	v23 =	vld.idx.msk [tilespmem:v16+s6+$0x4070 ss:$0x1], $0xffff  }
0x43d: {  	v19 =	vadd.f32 v19, v22;
	v22 =	vsub.f32 v28, v29  }
0x43e: {  	v17 =	vadd.f32 v17, v20;
	v18 =	vadd.f32 v18, v21  }
0x43f: {  	v20 =	vadd.f32 v30, v22  }
0x440: {  	v17 =	vmul.f32 v17, v17;
	v19 =	vadd.f32 v25, v19;
	v18 =	vmul.f32 v18, v18;
	_ =	sdelay $0x1  }
0x441: {  	v17 =	vadd.f32 v18, v17;
	v18 =	vmul.f32 v19, v19;
	v19 =	vadd.f32 v23, v20;
	_ =	sdelay $0x1  }
0x442: {  	v17 =	vadd.f32 v18, v17;
	v18 =	vmul.f32 v19, v19;
	_ =	sdelay $0x1  }
0x443: {  	v17 =	vadd.f32 v18, v17  }
0x444: {  	s16 =	sadd.s32 $0x10, s16  }
0x445: {  	s6 =	sshra.s32 s5, $0x2;
	[tilespmem:s16+$0x0] =	vst v17  }
0x446: {  	v17 =	vld.idx.msk [tilespmem:v16+s6+$0x4040 ss:$0x1], $0xffff  }
0x447: {  	v18 =	vld.idx.msk [tilespmem:v16+s6+$0x4050 ss:$0x1], $0xffff  }
0x448: {  	v19 =	vld.idx.msk [tilespmem:v16+s6+$0x4020 ss:$0x1], $0xffff  }
0x449: {  	v20 =	vld.idx.msk [tilespmem:v16+s6+$0x4000 ss:$0x1], $0xffff  }
0x44a: {  	s11 =	sadd.s32 $0x40, s11;
	v21 =	vld.idx.msk [tilespmem:v16+s6+$0x4010 ss:$0x1], $0xffff  }
.Ltmp14:
0x44b: {  	s12 =	sadd.s32 $0x40, s12;
	v22 =	vld [tilespmem:s11+$0xFFFFFFF0];
	(pc) =	sbr.rel @p0 .LBB2_31-.Ltmp14, $4  }
0x44c: {  	v23 =	vld [tilespmem:s12+$0xFFFFFFD0]  }
0x44d: {  	v24 =	vld [tilespmem:s11+$0xFFFFFFD0]  }
0x44e: {  	v25 =	vld [tilespmem:s11+$0xFFFFFFE0]  }
0x44f: {  	s5 =	sadd.s32 $0x200, s5;
	v26 =	vld [tilespmem:s12+$0xFFFFFFE0]  }
0x450: {  	v27 =	vld [tilespmem:s12+$0xFFFFFFF0]  }
0x451: {  	v28 =	vld [tilespmem:s11+$0x0]  }
0x452: {  	v29 =	vld [tilespmem:s12+$0x0]  }
0x453: {  	v23 =	vsub.f32 v24, v23  }
0x454: {  	v30 =	vld.idx.msk [tilespmem:v16+s6+$0x4030 ss:$0x1], $0xffff;
	v47 =	vsub.f32 v25, v26  }
0x455: {  	v48 =	vld.idx.msk [tilespmem:v16+s6+$0x4060 ss:$0x1], $0xffff;
	v20 =	vadd.f32 v20, v23  }
0x456: {  	v22 =	vsub.f32 v22, v27;
	v21 =	vadd.f32 v21, v47  }
0x457: {  	v16 =	vld.idx.msk [tilespmem:v16+s6+$0x4070 ss:$0x1], $0xffff;
	v49 =	vsub.f32 v28, v29;
	v17 =	vadd.f32 v17, v20  }
0x458: {  	v19 =	vadd.f32 v19, v22;
	v18 =	vadd.f32 v18, v21  }
0x459: {  	v50 =	vadd.f32 v30, v49  }
0x45a: {  	v17 =	vmul.f32 v17, v17;
	v19 =	vadd.f32 v48, v19;
	v18 =	vmul.f32 v18, v18;
	_ =	sdelay $0x1  }
0x45b: {  	v16 =	vadd.f32 v16, v50;
	v51 =	vmul.f32 v19, v19;
	v17 =	vadd.f32 v18, v17;
	_ =	sdelay $0x1  }
0x45c: {  	v16 =	vmul.f32 v16, v16;
	v17 =	vadd.f32 v51, v17;
	_ =	sdelay $0x1  }
0x45d: {  	v16 =	vadd.f32 v16, v17  }
0x45e: {  	s5 =	sadd.s32 $0x10, s16  }
0x45f: {  	[tilespmem:s5+$0x0] =	vst v16  }
0x460: {  	v16 =	vld.idx.msk [tilespmem:v0+s25+$0x0], $0xffff  }
0x461: {  	v17 =	vld.idx.msk [tilespmem:v1+s25+$0x0], $0xffff;
	_ =	sdelay $0x1  }
0x462: {  	v52 =	vld.idx.msk [tilespmem:v2+s25+$0x0], $0xffff;
	_ =	sdelay $0x1  }
0x463: {  	v53 =	vld.idx.msk [tilespmem:v3+s25+$0x0], $0xffff  }
0x464: {  	v16 =	vadd.f32 v17, v16  }
0x465: {  	v17 =	vld.idx.msk [tilespmem:v4+s25+$0x0], $0xffff  }
0x466: {  	v16 =	vadd.f32 v52, v16  }
0x467: {  	v54 =	vld.idx.msk [tilespmem:v5+s25+$0x0], $0xffff  }
0x468: {  	v16 =	vadd.f32 v53, v16  }
0x469: {  	v55 =	vld.idx.msk [tilespmem:v6+s25+$0x0], $0xffff  }
0x46a: {  	v16 =	vadd.f32 v17, v16  }
0x46b: {  	v17 =	vld.idx.msk [tilespmem:v7+s25+$0x0], $0xffff  }
0x46c: {  	v16 =	vadd.f32 v54, v16  }
0x46d: {  	v56 =	vld.idx.msk [tilespmem:v8+s25+$0x0], $0xffff  }
0x46e: {  	v16 =	vadd.f32 v55, v16  }
0x46f: {  	v57 =	vld.idx.msk [tilespmem:v9+s25+$0x0], $0xffff  }
0x470: {  	v16 =	vadd.f32 v17, v16  }
0x471: {  	v17 =	vld.idx.msk [tilespmem:v10+s25+$0x0], $0xffff  }
0x472: {  	v16 =	vadd.f32 v56, v16  }
0x473: {  	v58 =	vld.idx.msk [tilespmem:v11+s25+$0x0], $0xffff  }
0x474: {  	v16 =	vadd.f32 v57, v16  }
0x475: {  	v59 =	vld.idx.msk [tilespmem:v12+s25+$0x0], $0xffff  }
0x476: {  	v16 =	vadd.f32 v17, v16  }
0x477: {  	v17 =	vld.idx.msk [tilespmem:v13+s25+$0x0], $0xffff  }
0x478: {  	v16 =	vadd.f32 v58, v16  }
0x479: {  	v60 =	vld.idx.msk [tilespmem:v14+s25+$0x0], $0xffff  }
0x47a: {  	v16 =	vadd.f32 v59, v16  }
0x47b: {  	v61 =	vld.idx.msk [tilespmem:v15+s25+$0x0], $0xffff  }
0x47c: {  	v16 =	vadd.f32 v17, v16;
	_ =	sdelay $0x1  }
0x47d: {  	v16 =	vadd.f32 v60, v16;
	_ =	sdelay $0x1  }
0x47e: {  	v16 =	vadd.f32 v61, v16;
	_ =	sdelay $0x1  }
0x47f: {  	v17 =	vshra.s32 v16, $0x1;
	v62 =	vmul.f32 $5.000000000e-01, v16  }
0x480: {  	v17 =	vsub.s32 $0x5F3759DF, v17  }
0x481: {  	v63 =	vmul.f32 v17, v62;
	_ =	sdelay $0x1  }
0x482: {  	v19 =	vmul.f32 v17, v63;
	_ =	sdelay $0x1  }
0x483: {  	v19 =	vsub.f32 $1.500000000e+00, v19;
	_ =	sdelay $0x1  }
0x484: {  	v17 =	vmul.f32 v17, v19;
	_ =	sdelay $0x1  }
0x485: {  	v19 =	vmul.f32 v17, v62;
	_ =	sdelay $0x1  }
0x486: {  	v19 =	vmul.f32 v19, v17;
	_ =	sdelay $0x1  }
0x487: {  	v19 =	vsub.f32 $1.500000000e+00, v19;
	_ =	sdelay $0x1  }
0x488: {  	v17 =	vmul.f32 v19, v17;
	_ =	sdelay $0x1  }
0x489: {  	v18 =	vmul.f32 v17, v62;
	_ =	sdelay $0x1  }
0x48a: {  	v18 =	vmul.f32 v18, v17;
	_ =	sdelay $0x1  }
0x48b: {  	v18 =	vsub.f32 $1.500000000e+00, v18  }
0x48c: {  	s23 =	sadd.s32 $0x1, s23  }
0x48d: {  	p0 =	sne.s32 s23, $0x8;
	v17 =	vmul.f32 v18, v17  }
.Ltmp15:
0x48e: {  	_ = 	snop;
	(pc) =	sbr.rel @p0 .LBB2_30-.Ltmp15, $4  }
0x48f: {  	v17 =	vmul.f32 v17, v16  }
0x490: {  	vm0 =	vgt.f32 v16, $0.0e+00  }
0x491: {  	v16 =	vnsel vm0, $0x0, v17  }
0x492: {  	s30 =	sadd.s32 $0x800, s30;
	s31 =	sadd.s32 $0x400, s31;
	s0 =	sadd.s32 $0x400, s0;
	[tilespmem:s2+$0x11080] =	vst v16  }
0x493: {  	s21 =	sadd.s32 $0x1, s21  }
0x494: {  	p0 =	sne.s32 s21, s9  }
.Ltmp16:
0x495: {  	s0 =	simm.s32 $0x10D00;
	(pc) =	sbr.rel @p0 .LBB2_1-.Ltmp16, $4  }
0x496: {  	[hbm4b:s8+s3] =	stream.linear.scatter [tilespmem:s0], [sflag:$0x7], $0x400, $0x38;
	[tilespmem:$0x11100] =	vst v63  }
0x497: {  	_ =	swait.ge [sflag:s10], $0x400  }
0x498: {  	[sflag:s10] =	ssyncset.done $0x0  }
0x499: {  	[sflag:s10] =	ssyncadd.s32 $0xFFFFFC00  }
0x49a: {  	_ =	sfence.sel $0x180000  }
0x49b: {  	[bflag:$0x0] =	sbarrier.arrive $0xFFFF  }
0x49c: {  	_ =	strace $0x90000047  }
0x49d: {  	s0 =	stileid.u32;
	[bflag:$0x2] =	sbarrier.arrive $0xFFFF  }
0x49e: {  	p0 =	sne.s32 s0, $0x0;
	s0 =	rddreg [dreg:$0x6]  }
0x49f: {  	s0 =	sadd.s32 @!p0 $0x100000, s0  }
0x4a0: {  	[sflag:s0] =	ssyncadd.tile.s32 @!p0 $0x1;
	_ =	shalt  }
.Lfunc_end2:
_tile_overlayer_lowered:
.L_overlay_start_2:
0x4a1: {  	(tag) =	ssettag $0x2  }
0x4a2: {  	s0 =	rddreg [dreg:$0x0];
	s2 =	stileid.u32  }
0x4a3: {  	s1 =	rddreg [dreg:$0x1];
	p0 =	sne.s32 s2, $0x0  }
0x4a4: {  	s3 =	rddreg [dreg:$0x2];
	[bflag:$0x3] =	sbarrier.arrive $0xFFFF;
	s2 =	simm.s32 @!p0 $0x1C07  }
0x4a5: {  	[timem:s3], [sflag:s2] =	dma.local @!p0 [hbm:s0], s1  }
0x4a6: {  	s0 =	simm.s32 @!p0 $0x7  }
0x4a7: {  	_ =	swait.ge @!p0 [sflag:s0], s1  }
0x4a8: {  	s1 =	ssub.s32 @!p0 $0x0, s1;
	[sflag:s0] =	ssyncset.done @!p0 $0x0  }
0x4a9: {  	[sflag:s0] =	ssyncadd.s32 @!p0 s1  }
0x4aa: {  	[bflag:$0x3] =	sbarrier.arrive $0xFFFF  }
0x4ab: {  	_ =	shalt  }

</sc_bundles>
